<compile_context>
chip_gen: v7x
topology: tpu7x:2x2x1
jax: 0.10.2.dev20260603
libtpu: 0.0.44.dev20260713+nightly
codegen_flags: <defaults>
</compile_context>

<pallas_src>
import jax
import jax.numpy as jnp
from jax import lax
from jax.experimental import pallas as pl
from jax.experimental.pallas import tpu as pltpu
from jax.experimental.pallas import tpu_sc as plsc

N = 1_000_000
B = 4096
K = 64
F = 64
L = 16
NC = 2
NS = 16
NW = NC * NS
BW = B // NW
CB = 2
CI = CB * K
NCH = BW // CB
GP = CI // L
JB = F // L


def _rsqrt(x):
    xi = plsc.bitcast(x, jnp.int32)
    xi = jnp.int32(0x5F3759DF) - (xi >> 1)
    r = plsc.bitcast(xi, jnp.float32)
    for _ in range(3):
        r = r * (1.5 - 0.5 * x * r * r)
    return r


def _sc_body(feat_hbm, y_hbm, idx_hbm, upd_hbm, bank_hbm, out_hbm,
             marker, nfsh, y_v, bv_v, u_v, fbuf, nfstage, st, rs_v,
             ix_all, f_all, m_v, rbuf, rfix, obuf, gsem, msem, osem):
    c = lax.axis_index("c")
    s = lax.axis_index("s")
    wid = s * NC + c
    iota = lax.iota(jnp.int32, L)

    pltpu.sync_copy(y_hbm, y_v)
    pltpu.sync_copy(upd_hbm, u_v)
    pltpu.sync_copy(idx_hbm.at[pl.ds(wid * BW * K, BW * K)], ix_all)
    pltpu.sync_copy(feat_hbm.at[pl.ds(wid * BW, BW)], f_all)

    def nf_group(g, carry):
        b0 = s * (B // NS) + g * L
        pltpu.sync_copy(feat_hbm.at[pl.ds(b0, L)], fbuf)
        for i in range(L):
            acc = None
            for j in range(JB):
                v = fbuf[i, pl.ds(j * L, L)]
                acc = v * v if acc is None else acc + v * v
            plsc.store_scatter(st.at[0], [iota * 17 + i], acc)
        nrm2 = st[0, pl.ds(0, L)]
        for l in range(1, L):
            nrm2 = nrm2 + st[0, pl.ds(l * 17, L)]
        rs_v[...] = _rsqrt(nrm2)
        for i in range(L):
            sc = plsc.load_gather(rs_v, [jnp.full((L,), i, jnp.int32)])
            for j in range(JB):
                nfstage[i, pl.ds(j * L, L)] = fbuf[i, pl.ds(j * L, L)] * sc
        pltpu.sync_copy(nfstage, nfsh.at[pl.ds(b0, L)])
        return carry

    lax.fori_loop(0, (B // NS) // L, nf_group, 0)

    @pl.when(s == 0)
    def _scatter_marker():
        def bv_fill(g, carry):
            bv_v[pl.ds(g * L, L)] = iota + g * L
            return carry
        lax.fori_loop(0, B // L, bv_fill, 0)
        pltpu.sync_copy(bv_v, marker.at[y_v])

    plsc.subcore_barrier()

    u = u_v[...]

    def issue(ci):
        p = lax.rem(ci, 2)
        ixs = ix_all.at[pl.ds(ci * CI, CI)]
        pltpu.async_copy(bank_hbm.at[ixs], rbuf.at[p], gsem.at[p])
        pltpu.async_copy(marker.at[ixs], m_v.at[p], msem.at[p])

    issue(0)

    def chunk(ci, carry):
        p = lax.rem(ci, 2)
        b0 = wid * BW + ci * CB
        e0 = b0 * K

        @pl.when(ci + 1 < NCH)
        def _issue_next():
            issue(ci + 1)

        ixs = ix_all.at[pl.ds(ci * CI, CI)]
        pltpu.make_async_copy(bank_hbm.at[ixs], rbuf.at[p],
                              gsem.at[p]).wait()
        pltpu.make_async_copy(marker.at[ixs], m_v.at[p],
                              msem.at[p]).wait()

        @pl.when(ci >= 2)
        def _drain_out():
            pltpu.make_async_copy(obuf.at[p], out_hbm.at[pl.ds(e0, CI)],
                                  osem.at[p]).wait()

        def pairg(h, hcarry):
            for q in range(2):
                g = h * 2 + q
                boff = g // (K // L)
                rb = g * L
                fb = [f_all[ci * CB + boff, pl.ds(j * L, L)]
                      for j in range(JB)]

                def dots(rows):
                    for i in range(L):
                        acc = None
                        for j in range(JB):
                            v = rows[i, pl.ds(j * L, L)] * fb[j]
                            acc = v if acc is None else acc + v
                        plsc.store_scatter(st.at[q], [iota * 17 + i], acc)
                    tot = st[q, pl.ds(0, L)]
                    for l in range(1, L):
                        tot = tot + st[q, pl.ds(l * 17, L)]
                    return tot

                base = dots(rbuf.at[p, pl.ds(rb, L)])
                m = m_v[p, pl.ds(rb, L)]
                r = ix_all[pl.ds(ci * CI + rb, L)]
                mc = jnp.clip(m, 0, B - 1)
                yv = plsc.load_gather(y_v, [mc])
                valid = (m >= 0) & (m < B) & (yv == r) & (u != 0)
                obuf[p, pl.ds(rb, L)] = base
                nv = jnp.sum(valid.astype(jnp.int32))

                @pl.when(nv > 0)
                def _fix():
                    pltpu.sync_copy(nfsh.at[mc], rfix)
                    fix = dots(rfix)
                    obuf[p, pl.ds(rb, L)] = jnp.where(valid, fix, base)

            return hcarry

        lax.fori_loop(0, GP // 2, pairg, 0)
        pltpu.async_copy(obuf.at[p], out_hbm.at[pl.ds(e0, CI)], osem.at[p])
        return carry

    lax.fori_loop(0, NCH, chunk, 0)

    for q in (NCH - 2, NCH - 1):
        pq = q % 2
        eq = (wid * BW + q * CB) * K
        pltpu.make_async_copy(obuf.at[pq], out_hbm.at[pl.ds(eq, CI)],
                              osem.at[pq]).wait()


@jax.jit
def kernel(feature, y, idx, update, memory_bank):
    mesh = plsc.VectorSubcoreMesh(core_axis_name="c", subcore_axis_name="s")
    run = pl.kernel(
        _sc_body,
        out_type=jax.ShapeDtypeStruct((B * K,), jnp.float32),
        mesh=mesh,
        compiler_params=pltpu.CompilerParams(needs_layout_passes=False,
                                              use_tc_tiling_on_sc=False),
        scratch_types=[
            pltpu.VMEM_SHARED((N,), jnp.int32),
            pltpu.VMEM_SHARED((B, F), jnp.float32),
            pltpu.VMEM((B,), jnp.int32),
            pltpu.VMEM((B,), jnp.int32),
            pltpu.VMEM((L,), jnp.int32),
            pltpu.VMEM((L, F), jnp.float32),
            pltpu.VMEM((L, F), jnp.float32),
            pltpu.VMEM((2, L * 17), jnp.float32),
            pltpu.VMEM((L,), jnp.float32),
            pltpu.VMEM((BW * K,), jnp.int32),
            pltpu.VMEM((BW, F), jnp.float32),
            pltpu.VMEM((2, CI), jnp.int32),
            pltpu.VMEM((2, CI, F), jnp.float32),
            pltpu.VMEM((L, F), jnp.float32),
            pltpu.VMEM((2, CI), jnp.float32),
            pltpu.SemaphoreType.DMA((2,)),
            pltpu.SemaphoreType.DMA((2,)),
            pltpu.SemaphoreType.DMA((2,)),
        ],
    )
    upd_vec = jnp.full((L,), update, jnp.int32)
    out = run(feature, y, idx.reshape(-1), upd_vec, memory_bank)
    return out.reshape(B, K, 1)

# --- scband reference (transcript-rebuilt; emitter-appended) ---
"""Pipeline reference for scband-simple-memory-42391327212121 (READ-ONLY COPY).

The authoritative reference and input builder live on the scoring server;
editing this copy changes nothing except your own understanding.
"""

import jax, jax.numpy as jnp
import numpy as np

N_DATA = 1000000
FEAT = 64
B = 4096
K = 64


def setup_inputs(seed: int = 0) -> dict:
    key = jax.random.key(seed)
    k1, k2, k3, k4 = jax.random.split(key, 4)
    feature = jax.random.normal(k1, (B, FEAT), dtype=jnp.float32)
    y = jax.random.randint(k2, (B,), 0, N_DATA, dtype=jnp.int32)
    idx = jax.random.randint(k3, (B, K), 0, N_DATA, dtype=jnp.int32)
    stdv = 1.0 / np.sqrt(FEAT / 3.0)
    bank = jax.random.uniform(k4, (N_DATA, FEAT), dtype=jnp.float32) * (2.0 * stdv) - stdv
    mem_norm = jnp.sqrt(jnp.sum(bank ** 2, axis=1, keepdims=True))
    bank = bank / mem_norm
    return {"feature": feature, "y": y, "idx": idx, "update": 1, "memory_bank": bank}


def reference(feature, y, idx, update, memory_bank):
    batch_size = feature.shape[0]
    input_size = feature.shape[1]
    bank = memory_bank
    # memory_change_num == 0 -> epoch 0 -> momentum forced to 0
    momentum = 0.0
    weight_mem = jnp.take(bank, y.reshape(-1), axis=0)
    weight_mem = weight_mem * momentum + feature * (1.0 - momentum)
    mem_norm = jnp.sqrt(jnp.sum(weight_mem ** 2, axis=1, keepdims=True))
    updated_weight = weight_mem / mem_norm
    updated_bank = bank.at[y.reshape(-1)].set(updated_weight)
    bank = jnp.where(update != 0, updated_bank, bank)
    weight = jnp.take(bank, idx.reshape(-1), axis=0)
    weight = weight.reshape(batch_size, -1, input_size)
    output = jnp.matmul(weight, feature[:, :, None])
    return output

if __name__ == "__main__":
    import jax
    _d = setup_inputs()
    print(jax.jit(kernel)(*tuple(_d.values())))

</pallas_src>

<mosaic_0001>
#map = affine_map<(d0, d1) -> (0, 0)>
#map1 = affine_map<(d0, d1) -> (0)>
module attributes {stable_mosaic.version = 14 : i64} {
  func.func @_sc_body(%arg0: i32, %arg1: i32, %arg2: memref<4096x64xf32, #tpu.memory_space<hbm>>, %arg3: memref<4096xi32, #tpu.memory_space<hbm>>, %arg4: memref<262144xi32, #tpu.memory_space<hbm>>, %arg5: memref<16xi32, #tpu.memory_space<hbm>>, %arg6: memref<1000000x64xf32, #tpu.memory_space<hbm>>, %arg7: memref<262144xf32, #tpu.memory_space<hbm>>, %arg8: memref<1000000xi32, #tpu.memory_space<vmem_shared>>, %arg9: memref<4096x64xf32, #tpu.memory_space<vmem_shared>>, %arg10: memref<4096xi32, #tpu.memory_space<vmem>>, %arg11: memref<4096xi32, #tpu.memory_space<vmem>>, %arg12: memref<16xi32, #tpu.memory_space<vmem>>, %arg13: memref<16x64xf32, #tpu.memory_space<vmem>>, %arg14: memref<16x64xf32, #tpu.memory_space<vmem>>, %arg15: memref<2x272xf32, #tpu.memory_space<vmem>>, %arg16: memref<16xf32, #tpu.memory_space<vmem>>, %arg17: memref<8192xi32, #tpu.memory_space<vmem>>, %arg18: memref<128x64xf32, #tpu.memory_space<vmem>>, %arg19: memref<2x128xi32, #tpu.memory_space<vmem>>, %arg20: memref<2x128x64xf32, #tpu.memory_space<vmem>>, %arg21: memref<16x64xf32, #tpu.memory_space<vmem>>, %arg22: memref<2x128xf32, #tpu.memory_space<vmem>>, %arg23: memref<2x!tpu.dma_semaphore, #tpu.memory_space<semaphore_mem>>, %arg24: memref<2x!tpu.dma_semaphore, #tpu.memory_space<semaphore_mem>>, %arg25: memref<2x!tpu.dma_semaphore, #tpu.memory_space<semaphore_mem>>) attributes {dimension_semantics = [#tpu.dimension_semantics<core_parallel>, #tpu.dimension_semantics<subcore_parallel>], iteration_bounds = array<i64: 2, 16>, scalar_prefetch = 0 : i64, scratch_operands = 18 : i64, tpu.core_type = #tpu.core_type<sc_vector_subcore>, window_params = [{transform_indices = #map}, {transform_indices = #map1}, {transform_indices = #map1}, {transform_indices = #map1}, {transform_indices = #map}, {transform_indices = #map1}]} {
    %mul3A = arith.constant 2 : i32
    %mul3A_0 = arith.muli %arg1, %mul3A : i32
    %add3A = arith.addi %mul3A_0, %arg0 : i32
    %iota3A = tpu.iota {dimensions = array<i32: 0>} : vector<16xi32>
    "tpu.region"() ({
      %run_scoped3A = tpu.sem_alloc : memref<!tpu.dma_semaphore, #tpu.memory_space<semaphore_mem>>
      tpu.enqueue_dma source(%arg3 : memref<4096xi32, #tpu.memory_space<hbm>>) target(%arg10 : memref<4096xi32, #tpu.memory_space<vmem>>) target_semaphore(%run_scoped3A : memref<!tpu.dma_semaphore, #tpu.memory_space<semaphore_mem>>)
      tpu.wait_dma2 semaphore(%run_scoped3A : memref<!tpu.dma_semaphore, #tpu.memory_space<semaphore_mem>>) src(%arg3 : memref<4096xi32, #tpu.memory_space<hbm>>) dst(%arg10 : memref<4096xi32, #tpu.memory_space<vmem>>)
      tpu.yield
    }) : () -> ()
    "tpu.region"() ({
      %run_scoped3A = tpu.sem_alloc : memref<!tpu.dma_semaphore, #tpu.memory_space<semaphore_mem>>
      tpu.enqueue_dma source(%arg5 : memref<16xi32, #tpu.memory_space<hbm>>) target(%arg12 : memref<16xi32, #tpu.memory_space<vmem>>) target_semaphore(%run_scoped3A : memref<!tpu.dma_semaphore, #tpu.memory_space<semaphore_mem>>)
      tpu.wait_dma2 semaphore(%run_scoped3A : memref<!tpu.dma_semaphore, #tpu.memory_space<semaphore_mem>>) src(%arg5 : memref<16xi32, #tpu.memory_space<hbm>>) dst(%arg12 : memref<16xi32, #tpu.memory_space<vmem>>)
      tpu.yield
    }) : () -> ()
    %mul3A_1 = arith.constant 128 : i32
    %mul3A_2 = arith.muli %add3A, %mul3A_1 : i32
    %mul3A_3 = arith.constant 64 : i32
    %mul3A_4 = arith.muli %mul3A_2, %mul3A_3 : i32
    "tpu.region"() ({
      %run_scoped3A = tpu.sem_alloc : memref<!tpu.dma_semaphore, #tpu.memory_space<semaphore_mem>>
      %dma_start3A_77 = tpu.memref_slice %arg4[%mul3A_4] : memref<262144xi32, #tpu.memory_space<hbm>> -> memref<8192xi32, #tpu.memory_space<hbm>>
      %dma_start3A_78 = tpu.memref_slice %arg4[%mul3A_4] : memref<262144xi32, #tpu.memory_space<hbm>> -> memref<8192xi32, #tpu.memory_space<hbm>>
      tpu.enqueue_dma source(%dma_start3A_78 : memref<8192xi32, #tpu.memory_space<hbm>>) target(%arg17 : memref<8192xi32, #tpu.memory_space<vmem>>) target_semaphore(%run_scoped3A : memref<!tpu.dma_semaphore, #tpu.memory_space<semaphore_mem>>)
      %dma_wait3A_79 = tpu.memref_slice %arg4[%mul3A_4] : memref<262144xi32, #tpu.memory_space<hbm>> -> memref<8192xi32, #tpu.memory_space<hbm>>
      %dma_wait3A_80 = tpu.memref_slice %arg4[%mul3A_4] : memref<262144xi32, #tpu.memory_space<hbm>> -> memref<8192xi32, #tpu.memory_space<hbm>>
      tpu.wait_dma2 semaphore(%run_scoped3A : memref<!tpu.dma_semaphore, #tpu.memory_space<semaphore_mem>>) src(%dma_wait3A_80 : memref<8192xi32, #tpu.memory_space<hbm>>) dst(%arg17 : memref<8192xi32, #tpu.memory_space<vmem>>)
      tpu.yield
    }) : () -> ()
    %mul3A_5 = arith.constant 128 : i32
    %mul3A_6 = arith.muli %add3A, %mul3A_5 : i32
    "tpu.region"() ({
      %run_scoped3A = tpu.sem_alloc : memref<!tpu.dma_semaphore, #tpu.memory_space<semaphore_mem>>
      %dma_start3A_77 = arith.constant 0 : i32
      %dma_start3A_78 = tpu.memref_slice %arg2[%mul3A_6, %dma_start3A_77] : memref<4096x64xf32, #tpu.memory_space<hbm>> -> memref<128x64xf32, #tpu.memory_space<hbm>>
      %dma_start3A_79 = arith.constant 0 : i32
      %dma_start3A_80 = tpu.memref_slice %arg2[%mul3A_6, %dma_start3A_79] : memref<4096x64xf32, #tpu.memory_space<hbm>> -> memref<128x64xf32, #tpu.memory_space<hbm>>
      tpu.enqueue_dma source(%dma_start3A_80 : memref<128x64xf32, #tpu.memory_space<hbm>>) target(%arg18 : memref<128x64xf32, #tpu.memory_space<vmem>>) target_semaphore(%run_scoped3A : memref<!tpu.dma_semaphore, #tpu.memory_space<semaphore_mem>>)
      %dma_wait3A_81 = arith.constant 0 : i32
      %dma_wait3A_82 = tpu.memref_slice %arg2[%mul3A_6, %dma_wait3A_81] : memref<4096x64xf32, #tpu.memory_space<hbm>> -> memref<128x64xf32, #tpu.memory_space<hbm>>
      %dma_wait3A_83 = arith.constant 0 : i32
      %dma_wait3A_84 = tpu.memref_slice %arg2[%mul3A_6, %dma_wait3A_83] : memref<4096x64xf32, #tpu.memory_space<hbm>> -> memref<128x64xf32, #tpu.memory_space<hbm>>
      tpu.wait_dma2 semaphore(%run_scoped3A : memref<!tpu.dma_semaphore, #tpu.memory_space<semaphore_mem>>) src(%dma_wait3A_84 : memref<128x64xf32, #tpu.memory_space<hbm>>) dst(%arg18 : memref<128x64xf32, #tpu.memory_space<vmem>>)
      tpu.yield
    }) : () -> ()
    %scan3A = arith.constant 0 : i32
    %scan3A_7 = arith.constant 0 : i32
    %scan3A_8 = arith.constant 16 : i32
    %scan3A_9 = arith.addi %scan3A_7, %scan3A_8 : i32
    %scan3A_10 = arith.constant 1 : i32
    scf.for %scan3A_77 = %scan3A_7 to %scan3A_9 step %scan3A_10  : i32 {
      %mul3A_78 = arith.constant 256 : i32
      %mul3A_79 = arith.muli %arg1, %mul3A_78 : i32
      %mul3A_80 = arith.constant 16 : i32
      %mul3A_81 = arith.muli %scan3A_77, %mul3A_80 : i32
      %add3A_82 = arith.addi %mul3A_79, %mul3A_81 : i32
      "tpu.region"() ({
        %run_scoped3A = tpu.sem_alloc : memref<!tpu.dma_semaphore, #tpu.memory_space<semaphore_mem>>
        %dma_start3A_1344 = arith.constant 0 : i32
        %dma_start3A_1345 = tpu.memref_slice %arg2[%add3A_82, %dma_start3A_1344] : memref<4096x64xf32, #tpu.memory_space<hbm>> -> memref<16x64xf32, #tpu.memory_space<hbm>>
        %dma_start3A_1346 = arith.constant 0 : i32
        %dma_start3A_1347 = tpu.memref_slice %arg2[%add3A_82, %dma_start3A_1346] : memref<4096x64xf32, #tpu.memory_space<hbm>> -> memref<16x64xf32, #tpu.memory_space<hbm>>
        tpu.enqueue_dma source(%dma_start3A_1347 : memref<16x64xf32, #tpu.memory_space<hbm>>) target(%arg13 : memref<16x64xf32, #tpu.memory_space<vmem>>) target_semaphore(%run_scoped3A : memref<!tpu.dma_semaphore, #tpu.memory_space<semaphore_mem>>)
        %dma_wait3A_1348 = arith.constant 0 : i32
        %dma_wait3A_1349 = tpu.memref_slice %arg2[%add3A_82, %dma_wait3A_1348] : memref<4096x64xf32, #tpu.memory_space<hbm>> -> memref<16x64xf32, #tpu.memory_space<hbm>>
        %dma_wait3A_1350 = arith.constant 0 : i32
        %dma_wait3A_1351 = tpu.memref_slice %arg2[%add3A_82, %dma_wait3A_1350] : memref<4096x64xf32, #tpu.memory_space<hbm>> -> memref<16x64xf32, #tpu.memory_space<hbm>>
        tpu.wait_dma2 semaphore(%run_scoped3A : memref<!tpu.dma_semaphore, #tpu.memory_space<semaphore_mem>>) src(%dma_wait3A_1351 : memref<16x64xf32, #tpu.memory_space<hbm>>) dst(%arg13 : memref<16x64xf32, #tpu.memory_space<vmem>>)
        tpu.yield
      }) : () -> ()
      %get3A_83 = arith.constant 0 : i32
      %get3A_84 = arith.index_cast %get3A_83 : i32 to index
      %get3A_85 = arith.constant 0 : index
      %get3A_86 = tpu.vector_load %arg13[%get3A_84, %get3A_85] {strides = array<i32>} : memref<16x64xf32, #tpu.memory_space<vmem>>, vector<16xf32>,
      %mul3A_87 = arith.mulf %get3A_86, %get3A_86 : vector<16xf32>
      %get3A_88 = arith.constant 0 : i32
      %get3A_89 = arith.index_cast %get3A_88 : i32 to index
      %get3A_90 = arith.constant 16 : index
      %get3A_91 = tpu.vector_load %arg13[%get3A_89, %get3A_90] {strides = array<i32>} : memref<16x64xf32, #tpu.memory_space<vmem>>, vector<16xf32>,
      %mul3A_92 = arith.mulf %get3A_91, %get3A_91 : vector<16xf32>
      %add3A_93 = arith.addf %mul3A_87, %mul3A_92 : vector<16xf32>
      %get3A_94 = arith.constant 0 : i32
      %get3A_95 = arith.index_cast %get3A_94 : i32 to index
      %get3A_96 = arith.constant 32 : index
      %get3A_97 = tpu.vector_load %arg13[%get3A_95, %get3A_96] {strides = array<i32>} : memref<16x64xf32, #tpu.memory_space<vmem>>, vector<16xf32>,
      %mul3A_98 = arith.mulf %get3A_97, %get3A_97 : vector<16xf32>
      %add3A_99 = arith.addf %add3A_93, %mul3A_98 : vector<16xf32>
      %get3A_100 = arith.constant 0 : i32
      %get3A_101 = arith.index_cast %get3A_100 : i32 to index
      %get3A_102 = arith.constant 48 : index
      %get3A_103 = tpu.vector_load %arg13[%get3A_101, %get3A_102] {strides = array<i32>} : memref<16x64xf32, #tpu.memory_space<vmem>>, vector<16xf32>,
      %mul3A_104 = arith.mulf %get3A_103, %get3A_103 : vector<16xf32>
      %add3A_105 = arith.addf %add3A_99, %mul3A_104 : vector<16xf32>
      %mul3A_106 = arith.constant 17 : i32
      %mul3A_107 = vector.broadcast %mul3A_106 : i32 to vector<16xi32>
      %mul3A_108 = arith.muli %iota3A, %mul3A_107 : vector<16xi32>
      %add3A_109 = arith.constant 0 : i32
      %add3A_110 = vector.broadcast %add3A_109 : i32 to vector<16xi32>
      %add3A_111 = arith.addi %mul3A_108, %add3A_110 : vector<16xi32>
      %scatter3A = arith.constant 0 : i32
      %scatter3A_112 = arith.constant 0 : i32
      %scatter3A_113 = tpu.memref_slice %arg15[%scatter3A, %scatter3A_112] : memref<2x272xf32, #tpu.memory_space<vmem>> -> memref<1x272xf32, #tpu.memory_space<vmem>>
      %scatter3A_114 = tpu.memref_squeeze %scatter3A_113 : memref<1x272xf32, #tpu.memory_space<vmem>> -> memref<272xf32, #tpu.memory_space<vmem>>
      tpu.vector_store_idx %scatter3A_114[%add3A_111], %add3A_105 : memref<272xf32, #tpu.memory_space<vmem>>[vector<16xi32>], vector<16xf32>,
      %get3A_115 = arith.constant 1 : i32
      %get3A_116 = arith.index_cast %get3A_115 : i32 to index
      %get3A_117 = arith.constant 0 : index
      %get3A_118 = tpu.vector_load %arg13[%get3A_116, %get3A_117] {strides = array<i32>} : memref<16x64xf32, #tpu.memory_space<vmem>>, vector<16xf32>,
      %mul3A_119 = arith.mulf %get3A_118, %get3A_118 : vector<16xf32>
      %get3A_120 = arith.constant 1 : i32
      %get3A_121 = arith.index_cast %get3A_120 : i32 to index
      %get3A_122 = arith.constant 16 : index
      %get3A_123 = tpu.vector_load %arg13[%get3A_121, %get3A_122] {strides = array<i32>} : memref<16x64xf32, #tpu.memory_space<vmem>>, vector<16xf32>,
      %mul3A_124 = arith.mulf %get3A_123, %get3A_123 : vector<16xf32>
      %add3A_125 = arith.addf %mul3A_119, %mul3A_124 : vector<16xf32>
      %get3A_126 = arith.constant 1 : i32
      %get3A_127 = arith.index_cast %get3A_126 : i32 to index
      %get3A_128 = arith.constant 32 : index
      %get3A_129 = tpu.vector_load %arg13[%get3A_127, %get3A_128] {strides = array<i32>} : memref<16x64xf32, #tpu.memory_space<vmem>>, vector<16xf32>,
      %mul3A_130 = arith.mulf %get3A_129, %get3A_129 : vector<16xf32>
      %add3A_131 = arith.addf %add3A_125, %mul3A_130 : vector<16xf32>
      %get3A_132 = arith.constant 1 : i32
      %get3A_133 = arith.index_cast %get3A_132 : i32 to index
      %get3A_134 = arith.constant 48 : index
      %get3A_135 = tpu.vector_load %arg13[%get3A_133, %get3A_134] {strides = array<i32>} : memref<16x64xf32, #tpu.memory_space<vmem>>, vector<16xf32>,
      %mul3A_136 = arith.mulf %get3A_135, %get3A_135 : vector<16xf32>
      %add3A_137 = arith.addf %add3A_131, %mul3A_136 : vector<16xf32>
      %mul3A_138 = arith.constant 17 : i32
      %mul3A_139 = vector.broadcast %mul3A_138 : i32 to vector<16xi32>
      %mul3A_140 = arith.muli %iota3A, %mul3A_139 : vector<16xi32>
      %add3A_141 = arith.constant 1 : i32
      %add3A_142 = vector.broadcast %add3A_141 : i32 to vector<16xi32>
      %add3A_143 = arith.addi %mul3A_140, %add3A_142 : vector<16xi32>
      %scatter3A_144 = arith.constant 0 : i32
      %scatter3A_145 = arith.constant 0 : i32
      %scatter3A_146 = tpu.memref_slice %arg15[%scatter3A_144, %scatter3A_145] : memref<2x272xf32, #tpu.memory_space<vmem>> -> memref<1x272xf32, #tpu.memory_space<vmem>>
      %scatter3A_147 = tpu.memref_squeeze %scatter3A_146 : memref<1x272xf32, #tpu.memory_space<vmem>> -> memref<272xf32, #tpu.memory_space<vmem>>
      tpu.vector_store_idx %scatter3A_147[%add3A_143], %add3A_137 : memref<272xf32, #tpu.memory_space<vmem>>[vector<16xi32>], vector<16xf32>,
      %get3A_148 = arith.constant 2 : i32
      %get3A_149 = arith.index_cast %get3A_148 : i32 to index
      %get3A_150 = arith.constant 0 : index
      %get3A_151 = tpu.vector_load %arg13[%get3A_149, %get3A_150] {strides = array<i32>} : memref<16x64xf32, #tpu.memory_space<vmem>>, vector<16xf32>,
      %mul3A_152 = arith.mulf %get3A_151, %get3A_151 : vector<16xf32>
      %get3A_153 = arith.constant 2 : i32
      %get3A_154 = arith.index_cast %get3A_153 : i32 to index
      %get3A_155 = arith.constant 16 : index
      %get3A_156 = tpu.vector_load %arg13[%get3A_154, %get3A_155] {strides = array<i32>} : memref<16x64xf32, #tpu.memory_space<vmem>>, vector<16xf32>,
      %mul3A_157 = arith.mulf %get3A_156, %get3A_156 : vector<16xf32>
      %add3A_158 = arith.addf %mul3A_152, %mul3A_157 : vector<16xf32>
      %get3A_159 = arith.constant 2 : i32
      %get3A_160 = arith.index_cast %get3A_159 : i32 to index
      %get3A_161 = arith.constant 32 : index
      %get3A_162 = tpu.vector_load %arg13[%get3A_160, %get3A_161] {strides = array<i32>} : memref<16x64xf32, #tpu.memory_space<vmem>>, vector<16xf32>,
      %mul3A_163 = arith.mulf %get3A_162, %get3A_162 : vector<16xf32>
      %add3A_164 = arith.addf %add3A_158, %mul3A_163 : vector<16xf32>
      %get3A_165 = arith.constant 2 : i32
      %get3A_166 = arith.index_cast %get3A_165 : i32 to index
      %get3A_167 = arith.constant 48 : index
      %get3A_168 = tpu.vector_load %arg13[%get3A_166, %get3A_167] {strides = array<i32>} : memref<16x64xf32, #tpu.memory_space<vmem>>, vector<16xf32>,
      %mul3A_169 = arith.mulf %get3A_168, %get3A_168 : vector<16xf32>
      %add3A_170 = arith.addf %add3A_164, %mul3A_169 : vector<16xf32>
      %mul3A_171 = arith.constant 17 : i32
      %mul3A_172 = vector.broadcast %mul3A_171 : i32 to vector<16xi32>
      %mul3A_173 = arith.muli %iota3A, %mul3A_172 : vector<16xi32>
      %add3A_174 = arith.constant 2 : i32
      %add3A_175 = vector.broadcast %add3A_174 : i32 to vector<16xi32>
      %add3A_176 = arith.addi %mul3A_173, %add3A_175 : vector<16xi32>
      %scatter3A_177 = arith.constant 0 : i32
      %scatter3A_178 = arith.constant 0 : i32
      %scatter3A_179 = tpu.memref_slice %arg15[%scatter3A_177, %scatter3A_178] : memref<2x272xf32, #tpu.memory_space<vmem>> -> memref<1x272xf32, #tpu.memory_space<vmem>>
      %scatter3A_180 = tpu.memref_squeeze %scatter3A_179 : memref<1x272xf32, #tpu.memory_space<vmem>> -> memref<272xf32, #tpu.memory_space<vmem>>
      tpu.vector_store_idx %scatter3A_180[%add3A_176], %add3A_170 : memref<272xf32, #tpu.memory_space<vmem>>[vector<16xi32>], vector<16xf32>,
      %get3A_181 = arith.constant 3 : i32
      %get3A_182 = arith.index_cast %get3A_181 : i32 to index
      %get3A_183 = arith.constant 0 : index
      %get3A_184 = tpu.vector_load %arg13[%get3A_182, %get3A_183] {strides = array<i32>} : memref<16x64xf32, #tpu.memory_space<vmem>>, vector<16xf32>,
      %mul3A_185 = arith.mulf %get3A_184, %get3A_184 : vector<16xf32>
      %get3A_186 = arith.constant 3 : i32
      %get3A_187 = arith.index_cast %get3A_186 : i32 to index
      %get3A_188 = arith.constant 16 : index
      %get3A_189 = tpu.vector_load %arg13[%get3A_187, %get3A_188] {strides = array<i32>} : memref<16x64xf32, #tpu.memory_space<vmem>>, vector<16xf32>,
      %mul3A_190 = arith.mulf %get3A_189, %get3A_189 : vector<16xf32>
      %add3A_191 = arith.addf %mul3A_185, %mul3A_190 : vector<16xf32>
      %get3A_192 = arith.constant 3 : i32
      %get3A_193 = arith.index_cast %get3A_192 : i32 to index
      %get3A_194 = arith.constant 32 : index
      %get3A_195 = tpu.vector_load %arg13[%get3A_193, %get3A_194] {strides = array<i32>} : memref<16x64xf32, #tpu.memory_space<vmem>>, vector<16xf32>,
      %mul3A_196 = arith.mulf %get3A_195, %get3A_195 : vector<16xf32>
      %add3A_197 = arith.addf %add3A_191, %mul3A_196 : vector<16xf32>
      %get3A_198 = arith.constant 3 : i32
      %get3A_199 = arith.index_cast %get3A_198 : i32 to index
      %get3A_200 = arith.constant 48 : index
      %get3A_201 = tpu.vector_load %arg13[%get3A_199, %get3A_200] {strides = array<i32>} : memref<16x64xf32, #tpu.memory_space<vmem>>, vector<16xf32>,
      %mul3A_202 = arith.mulf %get3A_201, %get3A_201 : vector<16xf32>
      %add3A_203 = arith.addf %add3A_197, %mul3A_202 : vector<16xf32>
      %mul3A_204 = arith.constant 17 : i32
      %mul3A_205 = vector.broadcast %mul3A_204 : i32 to vector<16xi32>
      %mul3A_206 = arith.muli %iota3A, %mul3A_205 : vector<16xi32>
      %add3A_207 = arith.constant 3 : i32
      %add3A_208 = vector.broadcast %add3A_207 : i32 to vector<16xi32>
      %add3A_209 = arith.addi %mul3A_206, %add3A_208 : vector<16xi32>
      %scatter3A_210 = arith.constant 0 : i32
      %scatter3A_211 = arith.constant 0 : i32
      %scatter3A_212 = tpu.memref_slice %arg15[%scatter3A_210, %scatter3A_211] : memref<2x272xf32, #tpu.memory_space<vmem>> -> memref<1x272xf32, #tpu.memory_space<vmem>>
      %scatter3A_213 = tpu.memref_squeeze %scatter3A_212 : memref<1x272xf32, #tpu.memory_space<vmem>> -> memref<272xf32, #tpu.memory_space<vmem>>
      tpu.vector_store_idx %scatter3A_213[%add3A_209], %add3A_203 : memref<272xf32, #tpu.memory_space<vmem>>[vector<16xi32>], vector<16xf32>,
      %get3A_214 = arith.constant 4 : i32
      %get3A_215 = arith.index_cast %get3A_214 : i32 to index
      %get3A_216 = arith.constant 0 : index
      %get3A_217 = tpu.vector_load %arg13[%get3A_215, %get3A_216] {strides = array<i32>} : memref<16x64xf32, #tpu.memory_space<vmem>>, vector<16xf32>,
      %mul3A_218 = arith.mulf %get3A_217, %get3A_217 : vector<16xf32>
      %get3A_219 = arith.constant 4 : i32
      %get3A_220 = arith.index_cast %get3A_219 : i32 to index
      %get3A_221 = arith.constant 16 : index
      %get3A_222 = tpu.vector_load %arg13[%get3A_220, %get3A_221] {strides = array<i32>} : memref<16x64xf32, #tpu.memory_space<vmem>>, vector<16xf32>,
      %mul3A_223 = arith.mulf %get3A_222, %get3A_222 : vector<16xf32>
      %add3A_224 = arith.addf %mul3A_218, %mul3A_223 : vector<16xf32>
      %get3A_225 = arith.constant 4 : i32
      %get3A_226 = arith.index_cast %get3A_225 : i32 to index
      %get3A_227 = arith.constant 32 : index
      %get3A_228 = tpu.vector_load %arg13[%get3A_226, %get3A_227] {strides = array<i32>} : memref<16x64xf32, #tpu.memory_space<vmem>>, vector<16xf32>,
      %mul3A_229 = arith.mulf %get3A_228, %get3A_228 : vector<16xf32>
      %add3A_230 = arith.addf %add3A_224, %mul3A_229 : vector<16xf32>
      %get3A_231 = arith.constant 4 : i32
      %get3A_232 = arith.index_cast %get3A_231 : i32 to index
      %get3A_233 = arith.constant 48 : index
      %get3A_234 = tpu.vector_load %arg13[%get3A_232, %get3A_233] {strides = array<i32>} : memref<16x64xf32, #tpu.memory_space<vmem>>, vector<16xf32>,
      %mul3A_235 = arith.mulf %get3A_234, %get3A_234 : vector<16xf32>
      %add3A_236 = arith.addf %add3A_230, %mul3A_235 : vector<16xf32>
      %mul3A_237 = arith.constant 17 : i32
      %mul3A_238 = vector.broadcast %mul3A_237 : i32 to vector<16xi32>
      %mul3A_239 = arith.muli %iota3A, %mul3A_238 : vector<16xi32>
      %add3A_240 = arith.constant 4 : i32
      %add3A_241 = vector.broadcast %add3A_240 : i32 to vector<16xi32>
      %add3A_242 = arith.addi %mul3A_239, %add3A_241 : vector<16xi32>
      %scatter3A_243 = arith.constant 0 : i32
      %scatter3A_244 = arith.constant 0 : i32
      %scatter3A_245 = tpu.memref_slice %arg15[%scatter3A_243, %scatter3A_244] : memref<2x272xf32, #tpu.memory_space<vmem>> -> memref<1x272xf32, #tpu.memory_space<vmem>>
      %scatter3A_246 = tpu.memref_squeeze %scatter3A_245 : memref<1x272xf32, #tpu.memory_space<vmem>> -> memref<272xf32, #tpu.memory_space<vmem>>
      tpu.vector_store_idx %scatter3A_246[%add3A_242], %add3A_236 : memref<272xf32, #tpu.memory_space<vmem>>[vector<16xi32>], vector<16xf32>,
      %get3A_247 = arith.constant 5 : i32
      %get3A_248 = arith.index_cast %get3A_247 : i32 to index
      %get3A_249 = arith.constant 0 : index
      %get3A_250 = tpu.vector_load %arg13[%get3A_248, %get3A_249] {strides = array<i32>} : memref<16x64xf32, #tpu.memory_space<vmem>>, vector<16xf32>,
      %mul3A_251 = arith.mulf %get3A_250, %get3A_250 : vector<16xf32>
      %get3A_252 = arith.constant 5 : i32
      %get3A_253 = arith.index_cast %get3A_252 : i32 to index
      %get3A_254 = arith.constant 16 : index
      %get3A_255 = tpu.vector_load %arg13[%get3A_253, %get3A_254] {strides = array<i32>} : memref<16x64xf32, #tpu.memory_space<vmem>>, vector<16xf32>,
      %mul3A_256 = arith.mulf %get3A_255, %get3A_255 : vector<16xf32>
      %add3A_257 = arith.addf %mul3A_251, %mul3A_256 : vector<16xf32>
      %get3A_258 = arith.constant 5 : i32
      %get3A_259 = arith.index_cast %get3A_258 : i32 to index
      %get3A_260 = arith.constant 32 : index
      %get3A_261 = tpu.vector_load %arg13[%get3A_259, %get3A_260] {strides = array<i32>} : memref<16x64xf32, #tpu.memory_space<vmem>>, vector<16xf32>,
      %mul3A_262 = arith.mulf %get3A_261, %get3A_261 : vector<16xf32>
      %add3A_263 = arith.addf %add3A_257, %mul3A_262 : vector<16xf32>
      %get3A_264 = arith.constant 5 : i32
      %get3A_265 = arith.index_cast %get3A_264 : i32 to index
      %get3A_266 = arith.constant 48 : index
      %get3A_267 = tpu.vector_load %arg13[%get3A_265, %get3A_266] {strides = array<i32>} : memref<16x64xf32, #tpu.memory_space<vmem>>, vector<16xf32>,
      %mul3A_268 = arith.mulf %get3A_267, %get3A_267 : vector<16xf32>
      %add3A_269 = arith.addf %add3A_263, %mul3A_268 : vector<16xf32>
      %mul3A_270 = arith.constant 17 : i32
      %mul3A_271 = vector.broadcast %mul3A_270 : i32 to vector<16xi32>
      %mul3A_272 = arith.muli %iota3A, %mul3A_271 : vector<16xi32>
      %add3A_273 = arith.constant 5 : i32
      %add3A_274 = vector.broadcast %add3A_273 : i32 to vector<16xi32>
      %add3A_275 = arith.addi %mul3A_272, %add3A_274 : vector<16xi32>
      %scatter3A_276 = arith.constant 0 : i32
      %scatter3A_277 = arith.constant 0 : i32
      %scatter3A_278 = tpu.memref_slice %arg15[%scatter3A_276, %scatter3A_277] : memref<2x272xf32, #tpu.memory_space<vmem>> -> memref<1x272xf32, #tpu.memory_space<vmem>>
      %scatter3A_279 = tpu.memref_squeeze %scatter3A_278 : memref<1x272xf32, #tpu.memory_space<vmem>> -> memref<272xf32, #tpu.memory_space<vmem>>
      tpu.vector_store_idx %scatter3A_279[%add3A_275], %add3A_269 : memref<272xf32, #tpu.memory_space<vmem>>[vector<16xi32>], vector<16xf32>,
      %get3A_280 = arith.constant 6 : i32
      %get3A_281 = arith.index_cast %get3A_280 : i32 to index
      %get3A_282 = arith.constant 0 : index
      %get3A_283 = tpu.vector_load %arg13[%get3A_281, %get3A_282] {strides = array<i32>} : memref<16x64xf32, #tpu.memory_space<vmem>>, vector<16xf32>,
      %mul3A_284 = arith.mulf %get3A_283, %get3A_283 : vector<16xf32>
      %get3A_285 = arith.constant 6 : i32
      %get3A_286 = arith.index_cast %get3A_285 : i32 to index
      %get3A_287 = arith.constant 16 : index
      %get3A_288 = tpu.vector_load %arg13[%get3A_286, %get3A_287] {strides = array<i32>} : memref<16x64xf32, #tpu.memory_space<vmem>>, vector<16xf32>,
      %mul3A_289 = arith.mulf %get3A_288, %get3A_288 : vector<16xf32>
      %add3A_290 = arith.addf %mul3A_284, %mul3A_289 : vector<16xf32>
      %get3A_291 = arith.constant 6 : i32
      %get3A_292 = arith.index_cast %get3A_291 : i32 to index
      %get3A_293 = arith.constant 32 : index
      %get3A_294 = tpu.vector_load %arg13[%get3A_292, %get3A_293] {strides = array<i32>} : memref<16x64xf32, #tpu.memory_space<vmem>>, vector<16xf32>,
      %mul3A_295 = arith.mulf %get3A_294, %get3A_294 : vector<16xf32>
      %add3A_296 = arith.addf %add3A_290, %mul3A_295 : vector<16xf32>
      %get3A_297 = arith.constant 6 : i32
      %get3A_298 = arith.index_cast %get3A_297 : i32 to index
      %get3A_299 = arith.constant 48 : index
      %get3A_300 = tpu.vector_load %arg13[%get3A_298, %get3A_299] {strides = array<i32>} : memref<16x64xf32, #tpu.memory_space<vmem>>, vector<16xf32>,
      %mul3A_301 = arith.mulf %get3A_300, %get3A_300 : vector<16xf32>
      %add3A_302 = arith.addf %add3A_296, %mul3A_301 : vector<16xf32>
      %mul3A_303 = arith.constant 17 : i32
      %mul3A_304 = vector.broadcast %mul3A_303 : i32 to vector<16xi32>
      %mul3A_305 = arith.muli %iota3A, %mul3A_304 : vector<16xi32>
      %add3A_306 = arith.constant 6 : i32
      %add3A_307 = vector.broadcast %add3A_306 : i32 to vector<16xi32>
      %add3A_308 = arith.addi %mul3A_305, %add3A_307 : vector<16xi32>
      %scatter3A_309 = arith.constant 0 : i32
      %scatter3A_310 = arith.constant 0 : i32
      %scatter3A_311 = tpu.memref_slice %arg15[%scatter3A_309, %scatter3A_310] : memref<2x272xf32, #tpu.memory_space<vmem>> -> memref<1x272xf32, #tpu.memory_space<vmem>>
      %scatter3A_312 = tpu.memref_squeeze %scatter3A_311 : memref<1x272xf32, #tpu.memory_space<vmem>> -> memref<272xf32, #tpu.memory_space<vmem>>
      tpu.vector_store_idx %scatter3A_312[%add3A_308], %add3A_302 : memref<272xf32, #tpu.memory_space<vmem>>[vector<16xi32>], vector<16xf32>,
      %get3A_313 = arith.constant 7 : i32
      %get3A_314 = arith.index_cast %get3A_313 : i32 to index
      %get3A_315 = arith.constant 0 : index
      %get3A_316 = tpu.vector_load %arg13[%get3A_314, %get3A_315] {strides = array<i32>} : memref<16x64xf32, #tpu.memory_space<vmem>>, vector<16xf32>,
      %mul3A_317 = arith.mulf %get3A_316, %get3A_316 : vector<16xf32>
      %get3A_318 = arith.constant 7 : i32
      %get3A_319 = arith.index_cast %get3A_318 : i32 to index
      %get3A_320 = arith.constant 16 : index
      %get3A_321 = tpu.vector_load %arg13[%get3A_319, %get3A_320] {strides = array<i32>} : memref<16x64xf32, #tpu.memory_space<vmem>>, vector<16xf32>,
      %mul3A_322 = arith.mulf %get3A_321, %get3A_321 : vector<16xf32>
      %add3A_323 = arith.addf %mul3A_317, %mul3A_322 : vector<16xf32>
      %get3A_324 = arith.constant 7 : i32
      %get3A_325 = arith.index_cast %get3A_324 : i32 to index
      %get3A_326 = arith.constant 32 : index
      %get3A_327 = tpu.vector_load %arg13[%get3A_325, %get3A_326] {strides = array<i32>} : memref<16x64xf32, #tpu.memory_space<vmem>>, vector<16xf32>,
      %mul3A_328 = arith.mulf %get3A_327, %get3A_327 : vector<16xf32>
      %add3A_329 = arith.addf %add3A_323, %mul3A_328 : vector<16xf32>
      %get3A_330 = arith.constant 7 : i32
      %get3A_331 = arith.index_cast %get3A_330 : i32 to index
      %get3A_332 = arith.constant 48 : index
      %get3A_333 = tpu.vector_load %arg13[%get3A_331, %get3A_332] {strides = array<i32>} : memref<16x64xf32, #tpu.memory_space<vmem>>, vector<16xf32>,
      %mul3A_334 = arith.mulf %get3A_333, %get3A_333 : vector<16xf32>
      %add3A_335 = arith.addf %add3A_329, %mul3A_334 : vector<16xf32>
      %mul3A_336 = arith.constant 17 : i32
      %mul3A_337 = vector.broadcast %mul3A_336 : i32 to vector<16xi32>
      %mul3A_338 = arith.muli %iota3A, %mul3A_337 : vector<16xi32>
      %add3A_339 = arith.constant 7 : i32
      %add3A_340 = vector.broadcast %add3A_339 : i32 to vector<16xi32>
      %add3A_341 = arith.addi %mul3A_338, %add3A_340 : vector<16xi32>
      %scatter3A_342 = arith.constant 0 : i32
      %scatter3A_343 = arith.constant 0 : i32
      %scatter3A_344 = tpu.memref_slice %arg15[%scatter3A_342, %scatter3A_343] : memref<2x272xf32, #tpu.memory_space<vmem>> -> memref<1x272xf32, #tpu.memory_space<vmem>>
      %scatter3A_345 = tpu.memref_squeeze %scatter3A_344 : memref<1x272xf32, #tpu.memory_space<vmem>> -> memref<272xf32, #tpu.memory_space<vmem>>
      tpu.vector_store_idx %scatter3A_345[%add3A_341], %add3A_335 : memref<272xf32, #tpu.memory_space<vmem>>[vector<16xi32>], vector<16xf32>,
      %get3A_346 = arith.constant 8 : i32
      %get3A_347 = arith.index_cast %get3A_346 : i32 to index
      %get3A_348 = arith.constant 0 : index
      %get3A_349 = tpu.vector_load %arg13[%get3A_347, %get3A_348] {strides = array<i32>} : memref<16x64xf32, #tpu.memory_space<vmem>>, vector<16xf32>,
      %mul3A_350 = arith.mulf %get3A_349, %get3A_349 : vector<16xf32>
      %get3A_351 = arith.constant 8 : i32
      %get3A_352 = arith.index_cast %get3A_351 : i32 to index
      %get3A_353 = arith.constant 16 : index
      %get3A_354 = tpu.vector_load %arg13[%get3A_352, %get3A_353] {strides = array<i32>} : memref<16x64xf32, #tpu.memory_space<vmem>>, vector<16xf32>,
      %mul3A_355 = arith.mulf %get3A_354, %get3A_354 : vector<16xf32>
      %add3A_356 = arith.addf %mul3A_350, %mul3A_355 : vector<16xf32>
      %get3A_357 = arith.constant 8 : i32
      %get3A_358 = arith.index_cast %get3A_357 : i32 to index
      %get3A_359 = arith.constant 32 : index
      %get3A_360 = tpu.vector_load %arg13[%get3A_358, %get3A_359] {strides = array<i32>} : memref<16x64xf32, #tpu.memory_space<vmem>>, vector<16xf32>,
      %mul3A_361 = arith.mulf %get3A_360, %get3A_360 : vector<16xf32>
      %add3A_362 = arith.addf %add3A_356, %mul3A_361 : vector<16xf32>
      %get3A_363 = arith.constant 8 : i32
      %get3A_364 = arith.index_cast %get3A_363 : i32 to index
      %get3A_365 = arith.constant 48 : index
      %get3A_366 = tpu.vector_load %arg13[%get3A_364, %get3A_365] {strides = array<i32>} : memref<16x64xf32, #tpu.memory_space<vmem>>, vector<16xf32>,
      %mul3A_367 = arith.mulf %get3A_366, %get3A_366 : vector<16xf32>
      %add3A_368 = arith.addf %add3A_362, %mul3A_367 : vector<16xf32>
      %mul3A_369 = arith.constant 17 : i32
      %mul3A_370 = vector.broadcast %mul3A_369 : i32 to vector<16xi32>
      %mul3A_371 = arith.muli %iota3A, %mul3A_370 : vector<16xi32>
      %add3A_372 = arith.constant 8 : i32
      %add3A_373 = vector.broadcast %add3A_372 : i32 to vector<16xi32>
      %add3A_374 = arith.addi %mul3A_371, %add3A_373 : vector<16xi32>
      %scatter3A_375 = arith.constant 0 : i32
      %scatter3A_376 = arith.constant 0 : i32
      %scatter3A_377 = tpu.memref_slice %arg15[%scatter3A_375, %scatter3A_376] : memref<2x272xf32, #tpu.memory_space<vmem>> -> memref<1x272xf32, #tpu.memory_space<vmem>>
      %scatter3A_378 = tpu.memref_squeeze %scatter3A_377 : memref<1x272xf32, #tpu.memory_space<vmem>> -> memref<272xf32, #tpu.memory_space<vmem>>
      tpu.vector_store_idx %scatter3A_378[%add3A_374], %add3A_368 : memref<272xf32, #tpu.memory_space<vmem>>[vector<16xi32>], vector<16xf32>,
      %get3A_379 = arith.constant 9 : i32
      %get3A_380 = arith.index_cast %get3A_379 : i32 to index
      %get3A_381 = arith.constant 0 : index
      %get3A_382 = tpu.vector_load %arg13[%get3A_380, %get3A_381] {strides = array<i32>} : memref<16x64xf32, #tpu.memory_space<vmem>>, vector<16xf32>,
      %mul3A_383 = arith.mulf %get3A_382, %get3A_382 : vector<16xf32>
      %get3A_384 = arith.constant 9 : i32
      %get3A_385 = arith.index_cast %get3A_384 : i32 to index
      %get3A_386 = arith.constant 16 : index
      %get3A_387 = tpu.vector_load %arg13[%get3A_385, %get3A_386] {strides = array<i32>} : memref<16x64xf32, #tpu.memory_space<vmem>>, vector<16xf32>,
      %mul3A_388 = arith.mulf %get3A_387, %get3A_387 : vector<16xf32>
      %add3A_389 = arith.addf %mul3A_383, %mul3A_388 : vector<16xf32>
      %get3A_390 = arith.constant 9 : i32
      %get3A_391 = arith.index_cast %get3A_390 : i32 to index
      %get3A_392 = arith.constant 32 : index
      %get3A_393 = tpu.vector_load %arg13[%get3A_391, %get3A_392] {strides = array<i32>} : memref<16x64xf32, #tpu.memory_space<vmem>>, vector<16xf32>,
      %mul3A_394 = arith.mulf %get3A_393, %get3A_393 : vector<16xf32>
      %add3A_395 = arith.addf %add3A_389, %mul3A_394 : vector<16xf32>
      %get3A_396 = arith.constant 9 : i32
      %get3A_397 = arith.index_cast %get3A_396 : i32 to index
      %get3A_398 = arith.constant 48 : index
      %get3A_399 = tpu.vector_load %arg13[%get3A_397, %get3A_398] {strides = array<i32>} : memref<16x64xf32, #tpu.memory_space<vmem>>, vector<16xf32>,
      %mul3A_400 = arith.mulf %get3A_399, %get3A_399 : vector<16xf32>
      %add3A_401 = arith.addf %add3A_395, %mul3A_400 : vector<16xf32>
      %mul3A_402 = arith.constant 17 : i32
      %mul3A_403 = vector.broadcast %mul3A_402 : i32 to vector<16xi32>
      %mul3A_404 = arith.muli %iota3A, %mul3A_403 : vector<16xi32>
      %add3A_405 = arith.constant 9 : i32
      %add3A_406 = vector.broadcast %add3A_405 : i32 to vector<16xi32>
      %add3A_407 = arith.addi %mul3A_404, %add3A_406 : vector<16xi32>
      %scatter3A_408 = arith.constant 0 : i32
      %scatter3A_409 = arith.constant 0 : i32
      %scatter3A_410 = tpu.memref_slice %arg15[%scatter3A_408, %scatter3A_409] : memref<2x272xf32, #tpu.memory_space<vmem>> -> memref<1x272xf32, #tpu.memory_space<vmem>>
      %scatter3A_411 = tpu.memref_squeeze %scatter3A_410 : memref<1x272xf32, #tpu.memory_space<vmem>> -> memref<272xf32, #tpu.memory_space<vmem>>
      tpu.vector_store_idx %scatter3A_411[%add3A_407], %add3A_401 : memref<272xf32, #tpu.memory_space<vmem>>[vector<16xi32>], vector<16xf32>,
      %get3A_412 = arith.constant 10 : i32
      %get3A_413 = arith.index_cast %get3A_412 : i32 to index
      %get3A_414 = arith.constant 0 : index
      %get3A_415 = tpu.vector_load %arg13[%get3A_413, %get3A_414] {strides = array<i32>} : memref<16x64xf32, #tpu.memory_space<vmem>>, vector<16xf32>,
      %mul3A_416 = arith.mulf %get3A_415, %get3A_415 : vector<16xf32>
      %get3A_417 = arith.constant 10 : i32
      %get3A_418 = arith.index_cast %get3A_417 : i32 to index
      %get3A_419 = arith.constant 16 : index
      %get3A_420 = tpu.vector_load %arg13[%get3A_418, %get3A_419] {strides = array<i32>} : memref<16x64xf32, #tpu.memory_space<vmem>>, vector<16xf32>,
      %mul3A_421 = arith.mulf %get3A_420, %get3A_420 : vector<16xf32>
      %add3A_422 = arith.addf %mul3A_416, %mul3A_421 : vector<16xf32>
      %get3A_423 = arith.constant 10 : i32
      %get3A_424 = arith.index_cast %get3A_423 : i32 to index
      %get3A_425 = arith.constant 32 : index
      %get3A_426 = tpu.vector_load %arg13[%get3A_424, %get3A_425] {strides = array<i32>} : memref<16x64xf32, #tpu.memory_space<vmem>>, vector<16xf32>,
      %mul3A_427 = arith.mulf %get3A_426, %get3A_426 : vector<16xf32>
      %add3A_428 = arith.addf %add3A_422, %mul3A_427 : vector<16xf32>
      %get3A_429 = arith.constant 10 : i32
      %get3A_430 = arith.index_cast %get3A_429 : i32 to index
      %get3A_431 = arith.constant 48 : index
      %get3A_432 = tpu.vector_load %arg13[%get3A_430, %get3A_431] {strides = array<i32>} : memref<16x64xf32, #tpu.memory_space<vmem>>, vector<16xf32>,
      %mul3A_433 = arith.mulf %get3A_432, %get3A_432 : vector<16xf32>
      %add3A_434 = arith.addf %add3A_428, %mul3A_433 : vector<16xf32>
      %mul3A_435 = arith.constant 17 : i32
      %mul3A_436 = vector.broadcast %mul3A_435 : i32 to vector<16xi32>
      %mul3A_437 = arith.muli %iota3A, %mul3A_436 : vector<16xi32>
      %add3A_438 = arith.constant 10 : i32
      %add3A_439 = vector.broadcast %add3A_438 : i32 to vector<16xi32>
      %add3A_440 = arith.addi %mul3A_437, %add3A_439 : vector<16xi32>
      %scatter3A_441 = arith.constant 0 : i32
      %scatter3A_442 = arith.constant 0 : i32
      %scatter3A_443 = tpu.memref_slice %arg15[%scatter3A_441, %scatter3A_442] : memref<2x272xf32, #tpu.memory_space<vmem>> -> memref<1x272xf32, #tpu.memory_space<vmem>>
      %scatter3A_444 = tpu.memref_squeeze %scatter3A_443 : memref<1x272xf32, #tpu.memory_space<vmem>> -> memref<272xf32, #tpu.memory_space<vmem>>
      tpu.vector_store_idx %scatter3A_444[%add3A_440], %add3A_434 : memref<272xf32, #tpu.memory_space<vmem>>[vector<16xi32>], vector<16xf32>,
      %get3A_445 = arith.constant 11 : i32
      %get3A_446 = arith.index_cast %get3A_445 : i32 to index
      %get3A_447 = arith.constant 0 : index
      %get3A_448 = tpu.vector_load %arg13[%get3A_446, %get3A_447] {strides = array<i32>} : memref<16x64xf32, #tpu.memory_space<vmem>>, vector<16xf32>,
      %mul3A_449 = arith.mulf %get3A_448, %get3A_448 : vector<16xf32>
      %get3A_450 = arith.constant 11 : i32
      %get3A_451 = arith.index_cast %get3A_450 : i32 to index
      %get3A_452 = arith.constant 16 : index
      %get3A_453 = tpu.vector_load %arg13[%get3A_451, %get3A_452] {strides = array<i32>} : memref<16x64xf32, #tpu.memory_space<vmem>>, vector<16xf32>,
      %mul3A_454 = arith.mulf %get3A_453, %get3A_453 : vector<16xf32>
      %add3A_455 = arith.addf %mul3A_449, %mul3A_454 : vector<16xf32>
      %get3A_456 = arith.constant 11 : i32
      %get3A_457 = arith.index_cast %get3A_456 : i32 to index
      %get3A_458 = arith.constant 32 : index
      %get3A_459 = tpu.vector_load %arg13[%get3A_457, %get3A_458] {strides = array<i32>} : memref<16x64xf32, #tpu.memory_space<vmem>>, vector<16xf32>,
      %mul3A_460 = arith.mulf %get3A_459, %get3A_459 : vector<16xf32>
      %add3A_461 = arith.addf %add3A_455, %mul3A_460 : vector<16xf32>
      %get3A_462 = arith.constant 11 : i32
      %get3A_463 = arith.index_cast %get3A_462 : i32 to index
      %get3A_464 = arith.constant 48 : index
      %get3A_465 = tpu.vector_load %arg13[%get3A_463, %get3A_464] {strides = array<i32>} : memref<16x64xf32, #tpu.memory_space<vmem>>, vector<16xf32>,
      %mul3A_466 = arith.mulf %get3A_465, %get3A_465 : vector<16xf32>
      %add3A_467 = arith.addf %add3A_461, %mul3A_466 : vector<16xf32>
      %mul3A_468 = arith.constant 17 : i32
      %mul3A_469 = vector.broadcast %mul3A_468 : i32 to vector<16xi32>
      %mul3A_470 = arith.muli %iota3A, %mul3A_469 : vector<16xi32>
      %add3A_471 = arith.constant 11 : i32
      %add3A_472 = vector.broadcast %add3A_471 : i32 to vector<16xi32>
      %add3A_473 = arith.addi %mul3A_470, %add3A_472 : vector<16xi32>
      %scatter3A_474 = arith.constant 0 : i32
      %scatter3A_475 = arith.constant 0 : i32
      %scatter3A_476 = tpu.memref_slice %arg15[%scatter3A_474, %scatter3A_475] : memref<2x272xf32, #tpu.memory_space<vmem>> -> memref<1x272xf32, #tpu.memory_space<vmem>>
      %scatter3A_477 = tpu.memref_squeeze %scatter3A_476 : memref<1x272xf32, #tpu.memory_space<vmem>> -> memref<272xf32, #tpu.memory_space<vmem>>
      tpu.vector_store_idx %scatter3A_477[%add3A_473], %add3A_467 : memref<272xf32, #tpu.memory_space<vmem>>[vector<16xi32>], vector<16xf32>,
      %get3A_478 = arith.constant 12 : i32
      %get3A_479 = arith.index_cast %get3A_478 : i32 to index
      %get3A_480 = arith.constant 0 : index
      %get3A_481 = tpu.vector_load %arg13[%get3A_479, %get3A_480] {strides = array<i32>} : memref<16x64xf32, #tpu.memory_space<vmem>>, vector<16xf32>,
      %mul3A_482 = arith.mulf %get3A_481, %get3A_481 : vector<16xf32>
      %get3A_483 = arith.constant 12 : i32
      %get3A_484 = arith.index_cast %get3A_483 : i32 to index
      %get3A_485 = arith.constant 16 : index
      %get3A_486 = tpu.vector_load %arg13[%get3A_484, %get3A_485] {strides = array<i32>} : memref<16x64xf32, #tpu.memory_space<vmem>>, vector<16xf32>,
      %mul3A_487 = arith.mulf %get3A_486, %get3A_486 : vector<16xf32>
      %add3A_488 = arith.addf %mul3A_482, %mul3A_487 : vector<16xf32>
      %get3A_489 = arith.constant 12 : i32
      %get3A_490 = arith.index_cast %get3A_489 : i32 to index
      %get3A_491 = arith.constant 32 : index
      %get3A_492 = tpu.vector_load %arg13[%get3A_490, %get3A_491] {strides = array<i32>} : memref<16x64xf32, #tpu.memory_space<vmem>>, vector<16xf32>,
      %mul3A_493 = arith.mulf %get3A_492, %get3A_492 : vector<16xf32>
      %add3A_494 = arith.addf %add3A_488, %mul3A_493 : vector<16xf32>
      %get3A_495 = arith.constant 12 : i32
      %get3A_496 = arith.index_cast %get3A_495 : i32 to index
      %get3A_497 = arith.constant 48 : index
      %get3A_498 = tpu.vector_load %arg13[%get3A_496, %get3A_497] {strides = array<i32>} : memref<16x64xf32, #tpu.memory_space<vmem>>, vector<16xf32>,
      %mul3A_499 = arith.mulf %get3A_498, %get3A_498 : vector<16xf32>
      %add3A_500 = arith.addf %add3A_494, %mul3A_499 : vector<16xf32>
      %mul3A_501 = arith.constant 17 : i32
      %mul3A_502 = vector.broadcast %mul3A_501 : i32 to vector<16xi32>
      %mul3A_503 = arith.muli %iota3A, %mul3A_502 : vector<16xi32>
      %add3A_504 = arith.constant 12 : i32
      %add3A_505 = vector.broadcast %add3A_504 : i32 to vector<16xi32>
      %add3A_506 = arith.addi %mul3A_503, %add3A_505 : vector<16xi32>
      %scatter3A_507 = arith.constant 0 : i32
      %scatter3A_508 = arith.constant 0 : i32
      %scatter3A_509 = tpu.memref_slice %arg15[%scatter3A_507, %scatter3A_508] : memref<2x272xf32, #tpu.memory_space<vmem>> -> memref<1x272xf32, #tpu.memory_space<vmem>>
      %scatter3A_510 = tpu.memref_squeeze %scatter3A_509 : memref<1x272xf32, #tpu.memory_space<vmem>> -> memref<272xf32, #tpu.memory_space<vmem>>
      tpu.vector_store_idx %scatter3A_510[%add3A_506], %add3A_500 : memref<272xf32, #tpu.memory_space<vmem>>[vector<16xi32>], vector<16xf32>,
      %get3A_511 = arith.constant 13 : i32
      %get3A_512 = arith.index_cast %get3A_511 : i32 to index
      %get3A_513 = arith.constant 0 : index
      %get3A_514 = tpu.vector_load %arg13[%get3A_512, %get3A_513] {strides = array<i32>} : memref<16x64xf32, #tpu.memory_space<vmem>>, vector<16xf32>,
      %mul3A_515 = arith.mulf %get3A_514, %get3A_514 : vector<16xf32>
      %get3A_516 = arith.constant 13 : i32
      %get3A_517 = arith.index_cast %get3A_516 : i32 to index
      %get3A_518 = arith.constant 16 : index
      %get3A_519 = tpu.vector_load %arg13[%get3A_517, %get3A_518] {strides = array<i32>} : memref<16x64xf32, #tpu.memory_space<vmem>>, vector<16xf32>,
      %mul3A_520 = arith.mulf %get3A_519, %get3A_519 : vector<16xf32>
      %add3A_521 = arith.addf %mul3A_515, %mul3A_520 : vector<16xf32>
      %get3A_522 = arith.constant 13 : i32
      %get3A_523 = arith.index_cast %get3A_522 : i32 to index
      %get3A_524 = arith.constant 32 : index
      %get3A_525 = tpu.vector_load %arg13[%get3A_523, %get3A_524] {strides = array<i32>} : memref<16x64xf32, #tpu.memory_space<vmem>>, vector<16xf32>,
      %mul3A_526 = arith.mulf %get3A_525, %get3A_525 : vector<16xf32>
      %add3A_527 = arith.addf %add3A_521, %mul3A_526 : vector<16xf32>
      %get3A_528 = arith.constant 13 : i32
      %get3A_529 = arith.index_cast %get3A_528 : i32 to index
      %get3A_530 = arith.constant 48 : index
      %get3A_531 = tpu.vector_load %arg13[%get3A_529, %get3A_530] {strides = array<i32>} : memref<16x64xf32, #tpu.memory_space<vmem>>, vector<16xf32>,
      %mul3A_532 = arith.mulf %get3A_531, %get3A_531 : vector<16xf32>
      %add3A_533 = arith.addf %add3A_527, %mul3A_532 : vector<16xf32>
      %mul3A_534 = arith.constant 17 : i32
      %mul3A_535 = vector.broadcast %mul3A_534 : i32 to vector<16xi32>
      %mul3A_536 = arith.muli %iota3A, %mul3A_535 : vector<16xi32>
      %add3A_537 = arith.constant 13 : i32
      %add3A_538 = vector.broadcast %add3A_537 : i32 to vector<16xi32>
      %add3A_539 = arith.addi %mul3A_536, %add3A_538 : vector<16xi32>
      %scatter3A_540 = arith.constant 0 : i32
      %scatter3A_541 = arith.constant 0 : i32
      %scatter3A_542 = tpu.memref_slice %arg15[%scatter3A_540, %scatter3A_541] : memref<2x272xf32, #tpu.memory_space<vmem>> -> memref<1x272xf32, #tpu.memory_space<vmem>>
      %scatter3A_543 = tpu.memref_squeeze %scatter3A_542 : memref<1x272xf32, #tpu.memory_space<vmem>> -> memref<272xf32, #tpu.memory_space<vmem>>
      tpu.vector_store_idx %scatter3A_543[%add3A_539], %add3A_533 : memref<272xf32, #tpu.memory_space<vmem>>[vector<16xi32>], vector<16xf32>,
      %get3A_544 = arith.constant 14 : i32
      %get3A_545 = arith.index_cast %get3A_544 : i32 to index
      %get3A_546 = arith.constant 0 : index
      %get3A_547 = tpu.vector_load %arg13[%get3A_545, %get3A_546] {strides = array<i32>} : memref<16x64xf32, #tpu.memory_space<vmem>>, vector<16xf32>,
      %mul3A_548 = arith.mulf %get3A_547, %get3A_547 : vector<16xf32>
      %get3A_549 = arith.constant 14 : i32
      %get3A_550 = arith.index_cast %get3A_549 : i32 to index
      %get3A_551 = arith.constant 16 : index
      %get3A_552 = tpu.vector_load %arg13[%get3A_550, %get3A_551] {strides = array<i32>} : memref<16x64xf32, #tpu.memory_space<vmem>>, vector<16xf32>,
      %mul3A_553 = arith.mulf %get3A_552, %get3A_552 : vector<16xf32>
      %add3A_554 = arith.addf %mul3A_548, %mul3A_553 : vector<16xf32>
      %get3A_555 = arith.constant 14 : i32
      %get3A_556 = arith.index_cast %get3A_555 : i32 to index
      %get3A_557 = arith.constant 32 : index
      %get3A_558 = tpu.vector_load %arg13[%get3A_556, %get3A_557] {strides = array<i32>} : memref<16x64xf32, #tpu.memory_space<vmem>>, vector<16xf32>,
      %mul3A_559 = arith.mulf %get3A_558, %get3A_558 : vector<16xf32>
      %add3A_560 = arith.addf %add3A_554, %mul3A_559 : vector<16xf32>
      %get3A_561 = arith.constant 14 : i32
      %get3A_562 = arith.index_cast %get3A_561 : i32 to index
      %get3A_563 = arith.constant 48 : index
      %get3A_564 = tpu.vector_load %arg13[%get3A_562, %get3A_563] {strides = array<i32>} : memref<16x64xf32, #tpu.memory_space<vmem>>, vector<16xf32>,
      %mul3A_565 = arith.mulf %get3A_564, %get3A_564 : vector<16xf32>
      %add3A_566 = arith.addf %add3A_560, %mul3A_565 : vector<16xf32>
      %mul3A_567 = arith.constant 17 : i32
      %mul3A_568 = vector.broadcast %mul3A_567 : i32 to vector<16xi32>
      %mul3A_569 = arith.muli %iota3A, %mul3A_568 : vector<16xi32>
      %add3A_570 = arith.constant 14 : i32
      %add3A_571 = vector.broadcast %add3A_570 : i32 to vector<16xi32>
      %add3A_572 = arith.addi %mul3A_569, %add3A_571 : vector<16xi32>
      %scatter3A_573 = arith.constant 0 : i32
      %scatter3A_574 = arith.constant 0 : i32
      %scatter3A_575 = tpu.memref_slice %arg15[%scatter3A_573, %scatter3A_574] : memref<2x272xf32, #tpu.memory_space<vmem>> -> memref<1x272xf32, #tpu.memory_space<vmem>>
      %scatter3A_576 = tpu.memref_squeeze %scatter3A_575 : memref<1x272xf32, #tpu.memory_space<vmem>> -> memref<272xf32, #tpu.memory_space<vmem>>
      tpu.vector_store_idx %scatter3A_576[%add3A_572], %add3A_566 : memref<272xf32, #tpu.memory_space<vmem>>[vector<16xi32>], vector<16xf32>,
      %get3A_577 = arith.constant 15 : i32
      %get3A_578 = arith.index_cast %get3A_577 : i32 to index
      %get3A_579 = arith.constant 0 : index
      %get3A_580 = tpu.vector_load %arg13[%get3A_578, %get3A_579] {strides = array<i32>} : memref<16x64xf32, #tpu.memory_space<vmem>>, vector<16xf32>,
      %mul3A_581 = arith.mulf %get3A_580, %get3A_580 : vector<16xf32>
      %get3A_582 = arith.constant 15 : i32
      %get3A_583 = arith.index_cast %get3A_582 : i32 to index
      %get3A_584 = arith.constant 16 : index
      %get3A_585 = tpu.vector_load %arg13[%get3A_583, %get3A_584] {strides = array<i32>} : memref<16x64xf32, #tpu.memory_space<vmem>>, vector<16xf32>,
      %mul3A_586 = arith.mulf %get3A_585, %get3A_585 : vector<16xf32>
      %add3A_587 = arith.addf %mul3A_581, %mul3A_586 : vector<16xf32>
      %get3A_588 = arith.constant 15 : i32
      %get3A_589 = arith.index_cast %get3A_588 : i32 to index
      %get3A_590 = arith.constant 32 : index
      %get3A_591 = tpu.vector_load %arg13[%get3A_589, %get3A_590] {strides = array<i32>} : memref<16x64xf32, #tpu.memory_space<vmem>>, vector<16xf32>,
      %mul3A_592 = arith.mulf %get3A_591, %get3A_591 : vector<16xf32>
      %add3A_593 = arith.addf %add3A_587, %mul3A_592 : vector<16xf32>
      %get3A_594 = arith.constant 15 : i32
      %get3A_595 = arith.index_cast %get3A_594 : i32 to index
      %get3A_596 = arith.constant 48 : index
      %get3A_597 = tpu.vector_load %arg13[%get3A_595, %get3A_596] {strides = array<i32>} : memref<16x64xf32, #tpu.memory_space<vmem>>, vector<16xf32>,
      %mul3A_598 = arith.mulf %get3A_597, %get3A_597 : vector<16xf32>
      %add3A_599 = arith.addf %add3A_593, %mul3A_598 : vector<16xf32>
      %mul3A_600 = arith.constant 17 : i32
      %mul3A_601 = vector.broadcast %mul3A_600 : i32 to vector<16xi32>
      %mul3A_602 = arith.muli %iota3A, %mul3A_601 : vector<16xi32>
      %add3A_603 = arith.constant 15 : i32
      %add3A_604 = vector.broadcast %add3A_603 : i32 to vector<16xi32>
      %add3A_605 = arith.addi %mul3A_602, %add3A_604 : vector<16xi32>
      %scatter3A_606 = arith.constant 0 : i32
      %scatter3A_607 = arith.constant 0 : i32
      %scatter3A_608 = tpu.memref_slice %arg15[%scatter3A_606, %scatter3A_607] : memref<2x272xf32, #tpu.memory_space<vmem>> -> memref<1x272xf32, #tpu.memory_space<vmem>>
      %scatter3A_609 = tpu.memref_squeeze %scatter3A_608 : memref<1x272xf32, #tpu.memory_space<vmem>> -> memref<272xf32, #tpu.memory_space<vmem>>
      tpu.vector_store_idx %scatter3A_609[%add3A_605], %add3A_599 : memref<272xf32, #tpu.memory_space<vmem>>[vector<16xi32>], vector<16xf32>,
      %get3A_610 = arith.constant 0 : i32
      %get3A_611 = arith.index_cast %get3A_610 : i32 to index
      %get3A_612 = arith.constant 0 : index
      %get3A_613 = tpu.vector_load %arg15[%get3A_611, %get3A_612] {strides = array<i32>} : memref<2x272xf32, #tpu.memory_space<vmem>>, vector<16xf32>,
      %get3A_614 = arith.constant 0 : i32
      %get3A_615 = arith.index_cast %get3A_614 : i32 to index
      %get3A_616 = arith.constant 17 : index
      %get3A_617 = tpu.vector_load %arg15[%get3A_615, %get3A_616] {strides = array<i32>} : memref<2x272xf32, #tpu.memory_space<vmem>>, vector<16xf32>,
      %add3A_618 = arith.addf %get3A_613, %get3A_617 : vector<16xf32>
      %get3A_619 = arith.constant 0 : i32
      %get3A_620 = arith.index_cast %get3A_619 : i32 to index
      %get3A_621 = arith.constant 34 : index
      %get3A_622 = tpu.vector_load %arg15[%get3A_620, %get3A_621] {strides = array<i32>} : memref<2x272xf32, #tpu.memory_space<vmem>>, vector<16xf32>,
      %add3A_623 = arith.addf %add3A_618, %get3A_622 : vector<16xf32>
      %get3A_624 = arith.constant 0 : i32
      %get3A_625 = arith.index_cast %get3A_624 : i32 to index
      %get3A_626 = arith.constant 51 : index
      %get3A_627 = tpu.vector_load %arg15[%get3A_625, %get3A_626] {strides = array<i32>} : memref<2x272xf32, #tpu.memory_space<vmem>>, vector<16xf32>,
      %add3A_628 = arith.addf %add3A_623, %get3A_627 : vector<16xf32>
      %get3A_629 = arith.constant 0 : i32
      %get3A_630 = arith.index_cast %get3A_629 : i32 to index
      %get3A_631 = arith.constant 68 : index
      %get3A_632 = tpu.vector_load %arg15[%get3A_630, %get3A_631] {strides = array<i32>} : memref<2x272xf32, #tpu.memory_space<vmem>>, vector<16xf32>,
      %add3A_633 = arith.addf %add3A_628, %get3A_632 : vector<16xf32>
      %get3A_634 = arith.constant 0 : i32
      %get3A_635 = arith.index_cast %get3A_634 : i32 to index
      %get3A_636 = arith.constant 85 : index
      %get3A_637 = tpu.vector_load %arg15[%get3A_635, %get3A_636] {strides = array<i32>} : memref<2x272xf32, #tpu.memory_space<vmem>>, vector<16xf32>,
      %add3A_638 = arith.addf %add3A_633, %get3A_637 : vector<16xf32>
      %get3A_639 = arith.constant 0 : i32
      %get3A_640 = arith.index_cast %get3A_639 : i32 to index
      %get3A_641 = arith.constant 102 : index
      %get3A_642 = tpu.vector_load %arg15[%get3A_640, %get3A_641] {strides = array<i32>} : memref<2x272xf32, #tpu.memory_space<vmem>>, vector<16xf32>,
      %add3A_643 = arith.addf %add3A_638, %get3A_642 : vector<16xf32>
      %get3A_644 = arith.constant 0 : i32
      %get3A_645 = arith.index_cast %get3A_644 : i32 to index
      %get3A_646 = arith.constant 119 : index
      %get3A_647 = tpu.vector_load %arg15[%get3A_645, %get3A_646] {strides = array<i32>} : memref<2x272xf32, #tpu.memory_space<vmem>>, vector<16xf32>,
      %add3A_648 = arith.addf %add3A_643, %get3A_647 : vector<16xf32>
      %get3A_649 = arith.constant 0 : i32
      %get3A_650 = arith.index_cast %get3A_649 : i32 to index
      %get3A_651 = arith.constant 136 : index
      %get3A_652 = tpu.vector_load %arg15[%get3A_650, %get3A_651] {strides = array<i32>} : memref<2x272xf32, #tpu.memory_space<vmem>>, vector<16xf32>,
      %add3A_653 = arith.addf %add3A_648, %get3A_652 : vector<16xf32>
      %get3A_654 = arith.constant 0 : i32
      %get3A_655 = arith.index_cast %get3A_654 : i32 to index
      %get3A_656 = arith.constant 153 : index
      %get3A_657 = tpu.vector_load %arg15[%get3A_655, %get3A_656] {strides = array<i32>} : memref<2x272xf32, #tpu.memory_space<vmem>>, vector<16xf32>,
      %add3A_658 = arith.addf %add3A_653, %get3A_657 : vector<16xf32>
      %get3A_659 = arith.constant 0 : i32
      %get3A_660 = arith.index_cast %get3A_659 : i32 to index
      %get3A_661 = arith.constant 170 : index
      %get3A_662 = tpu.vector_load %arg15[%get3A_660, %get3A_661] {strides = array<i32>} : memref<2x272xf32, #tpu.memory_space<vmem>>, vector<16xf32>,
      %add3A_663 = arith.addf %add3A_658, %get3A_662 : vector<16xf32>
      %get3A_664 = arith.constant 0 : i32
      %get3A_665 = arith.index_cast %get3A_664 : i32 to index
      %get3A_666 = arith.constant 187 : index
      %get3A_667 = tpu.vector_load %arg15[%get3A_665, %get3A_666] {strides = array<i32>} : memref<2x272xf32, #tpu.memory_space<vmem>>, vector<16xf32>,
      %add3A_668 = arith.addf %add3A_663, %get3A_667 : vector<16xf32>
      %get3A_669 = arith.constant 0 : i32
      %get3A_670 = arith.index_cast %get3A_669 : i32 to index
      %get3A_671 = arith.constant 204 : index
      %get3A_672 = tpu.vector_load %arg15[%get3A_670, %get3A_671] {strides = array<i32>} : memref<2x272xf32, #tpu.memory_space<vmem>>, vector<16xf32>,
      %add3A_673 = arith.addf %add3A_668, %get3A_672 : vector<16xf32>
      %get3A_674 = arith.constant 0 : i32
      %get3A_675 = arith.index_cast %get3A_674 : i32 to index
      %get3A_676 = arith.constant 221 : index
      %get3A_677 = tpu.vector_load %arg15[%get3A_675, %get3A_676] {strides = array<i32>} : memref<2x272xf32, #tpu.memory_space<vmem>>, vector<16xf32>,
      %add3A_678 = arith.addf %add3A_673, %get3A_677 : vector<16xf32>
      %get3A_679 = arith.constant 0 : i32
      %get3A_680 = arith.index_cast %get3A_679 : i32 to index
      %get3A_681 = arith.constant 238 : index
      %get3A_682 = tpu.vector_load %arg15[%get3A_680, %get3A_681] {strides = array<i32>} : memref<2x272xf32, #tpu.memory_space<vmem>>, vector<16xf32>,
      %add3A_683 = arith.addf %add3A_678, %get3A_682 : vector<16xf32>
      %get3A_684 = arith.constant 0 : i32
      %get3A_685 = arith.index_cast %get3A_684 : i32 to index
      %get3A_686 = arith.constant 255 : index
      %get3A_687 = tpu.vector_load %arg15[%get3A_685, %get3A_686] {strides = array<i32>} : memref<2x272xf32, #tpu.memory_space<vmem>>, vector<16xf32>,
      %add3A_688 = arith.addf %add3A_683, %get3A_687 : vector<16xf32>
      %bitcast3A = vector.bitcast %add3A_688 : vector<16xf32> to vector<16xi32>
      %shift_right_arithmetic3A = arith.constant 1 : i32
      %shift_right_arithmetic3A_689 = vector.broadcast %shift_right_arithmetic3A : i32 to vector<16xi32>
      %shift_right_arithmetic3A_690 = arith.shrsi %bitcast3A, %shift_right_arithmetic3A_689 : vector<16xi32>
      %sub3A = arith.constant 1597463007 : i32
      %sub3A_691 = vector.broadcast %sub3A : i32 to vector<16xi32>
      %sub3A_692 = arith.subi %sub3A_691, %shift_right_arithmetic3A_690 : vector<16xi32>
      %bitcast3A_693 = vector.bitcast %sub3A_692 : vector<16xi32> to vector<16xf32>
      %mul3A_694 = arith.constant 5.000000e-01 : f32
      %mul3A_695 = vector.broadcast %mul3A_694 : f32 to vector<16xf32>
      %mul3A_696 = arith.mulf %mul3A_695, %add3A_688 : vector<16xf32>
      %mul3A_697 = arith.mulf %mul3A_696, %bitcast3A_693 : vector<16xf32>
      %mul3A_698 = arith.mulf %mul3A_697, %bitcast3A_693 : vector<16xf32>
      %sub3A_699 = arith.constant 1.500000e+00 : f32
      %sub3A_700 = vector.broadcast %sub3A_699 : f32 to vector<16xf32>
      %sub3A_701 = arith.subf %sub3A_700, %mul3A_698 : vector<16xf32>
      %mul3A_702 = arith.mulf %bitcast3A_693, %sub3A_701 : vector<16xf32>
      %mul3A_703 = arith.constant 5.000000e-01 : f32
      %mul3A_704 = vector.broadcast %mul3A_703 : f32 to vector<16xf32>
      %mul3A_705 = arith.mulf %mul3A_704, %add3A_688 : vector<16xf32>
      %mul3A_706 = arith.mulf %mul3A_705, %mul3A_702 : vector<16xf32>
      %mul3A_707 = arith.mulf %mul3A_706, %mul3A_702 : vector<16xf32>
      %sub3A_708 = arith.constant 1.500000e+00 : f32
      %sub3A_709 = vector.broadcast %sub3A_708 : f32 to vector<16xf32>
      %sub3A_710 = arith.subf %sub3A_709, %mul3A_707 : vector<16xf32>
      %mul3A_711 = arith.mulf %mul3A_702, %sub3A_710 : vector<16xf32>
      %mul3A_712 = arith.constant 5.000000e-01 : f32
      %mul3A_713 = vector.broadcast %mul3A_712 : f32 to vector<16xf32>
      %mul3A_714 = arith.mulf %mul3A_713, %add3A_688 : vector<16xf32>
      %mul3A_715 = arith.mulf %mul3A_714, %mul3A_711 : vector<16xf32>
      %mul3A_716 = arith.mulf %mul3A_715, %mul3A_711 : vector<16xf32>
      %sub3A_717 = arith.constant 1.500000e+00 : f32
      %sub3A_718 = vector.broadcast %sub3A_717 : f32 to vector<16xf32>
      %sub3A_719 = arith.subf %sub3A_718, %mul3A_716 : vector<16xf32>
      %mul3A_720 = arith.mulf %mul3A_711, %sub3A_719 : vector<16xf32>
      %swap3A = arith.constant 0 : index
      %swap3A_721 = tpu.vector_load %arg16[%swap3A] {strides = array<i32>} : memref<16xf32, #tpu.memory_space<vmem>>, vector<16xf32>,
      tpu.vector_store %arg16[%swap3A], %mul3A_720 {strides = array<i32>} : memref<16xf32, #tpu.memory_space<vmem>>, vector<16xf32>,
      %broadcast_in_dim3A = arith.constant 0 : i32
      %broadcast_in_dim3A_722 = vector.broadcast %broadcast_in_dim3A : i32 to vector<16xi32>
      %gather3A = tpu.vector_load_idx %arg16[%broadcast_in_dim3A_722] : memref<16xf32, #tpu.memory_space<vmem>>[vector<16xi32>], vector<16xf32>,
      %get3A_723 = arith.constant 0 : i32
      %get3A_724 = arith.index_cast %get3A_723 : i32 to index
      %get3A_725 = arith.constant 0 : index
      %get3A_726 = tpu.vector_load %arg13[%get3A_724, %get3A_725] {strides = array<i32>} : memref<16x64xf32, #tpu.memory_space<vmem>>, vector<16xf32>,
      %mul3A_727 = arith.mulf %get3A_726, %gather3A : vector<16xf32>
      %swap3A_728 = arith.constant 0 : i32
      %swap3A_729 = arith.index_cast %swap3A_728 : i32 to index
      %swap3A_730 = arith.constant 0 : index
      %swap3A_731 = tpu.vector_load %arg14[%swap3A_729, %swap3A_730] {strides = array<i32>} : memref<16x64xf32, #tpu.memory_space<vmem>>, vector<16xf32>,
      tpu.vector_store %arg14[%swap3A_729, %swap3A_730], %mul3A_727 {strides = array<i32>} : memref<16x64xf32, #tpu.memory_space<vmem>>, vector<16xf32>,
      %get3A_732 = arith.constant 0 : i32
      %get3A_733 = arith.index_cast %get3A_732 : i32 to index
      %get3A_734 = arith.constant 16 : index
      %get3A_735 = tpu.vector_load %arg13[%get3A_733, %get3A_734] {strides = array<i32>} : memref<16x64xf32, #tpu.memory_space<vmem>>, vector<16xf32>,
      %mul3A_736 = arith.mulf %get3A_735, %gather3A : vector<16xf32>
      %swap3A_737 = arith.constant 0 : i32
      %swap3A_738 = arith.index_cast %swap3A_737 : i32 to index
      %swap3A_739 = arith.constant 16 : index
      %swap3A_740 = tpu.vector_load %arg14[%swap3A_738, %swap3A_739] {strides = array<i32>} : memref<16x64xf32, #tpu.memory_space<vmem>>, vector<16xf32>,
      tpu.vector_store %arg14[%swap3A_738, %swap3A_739], %mul3A_736 {strides = array<i32>} : memref<16x64xf32, #tpu.memory_space<vmem>>, vector<16xf32>,
      %get3A_741 = arith.constant 0 : i32
      %get3A_742 = arith.index_cast %get3A_741 : i32 to index
      %get3A_743 = arith.constant 32 : index
      %get3A_744 = tpu.vector_load %arg13[%get3A_742, %get3A_743] {strides = array<i32>} : memref<16x64xf32, #tpu.memory_space<vmem>>, vector<16xf32>,
      %mul3A_745 = arith.mulf %get3A_744, %gather3A : vector<16xf32>
      %swap3A_746 = arith.constant 0 : i32
      %swap3A_747 = arith.index_cast %swap3A_746 : i32 to index
      %swap3A_748 = arith.constant 32 : index
      %swap3A_749 = tpu.vector_load %arg14[%swap3A_747, %swap3A_748] {strides = array<i32>} : memref<16x64xf32, #tpu.memory_space<vmem>>, vector<16xf32>,
      tpu.vector_store %arg14[%swap3A_747, %swap3A_748], %mul3A_745 {strides = array<i32>} : memref<16x64xf32, #tpu.memory_space<vmem>>, vector<16xf32>,
      %get3A_750 = arith.constant 0 : i32
      %get3A_751 = arith.index_cast %get3A_750 : i32 to index
      %get3A_752 = arith.constant 48 : index
      %get3A_753 = tpu.vector_load %arg13[%get3A_751, %get3A_752] {strides = array<i32>} : memref<16x64xf32, #tpu.memory_space<vmem>>, vector<16xf32>,
      %mul3A_754 = arith.mulf %get3A_753, %gather3A : vector<16xf32>
      %swap3A_755 = arith.constant 0 : i32
      %swap3A_756 = arith.index_cast %swap3A_755 : i32 to index
      %swap3A_757 = arith.constant 48 : index
      %swap3A_758 = tpu.vector_load %arg14[%swap3A_756, %swap3A_757] {strides = array<i32>} : memref<16x64xf32, #tpu.memory_space<vmem>>, vector<16xf32>,
      tpu.vector_store %arg14[%swap3A_756, %swap3A_757], %mul3A_754 {strides = array<i32>} : memref<16x64xf32, #tpu.memory_space<vmem>>, vector<16xf32>,
      %broadcast_in_dim3A_759 = arith.constant 1 : i32
      %broadcast_in_dim3A_760 = vector.broadcast %broadcast_in_dim3A_759 : i32 to vector<16xi32>
      %gather3A_761 = tpu.vector_load_idx %arg16[%broadcast_in_dim3A_760] : memref<16xf32, #tpu.memory_space<vmem>>[vector<16xi32>], vector<16xf32>,
      %get3A_762 = arith.constant 1 : i32
      %get3A_763 = arith.index_cast %get3A_762 : i32 to index
      %get3A_764 = arith.constant 0 : index
      %get3A_765 = tpu.vector_load %arg13[%get3A_763, %get3A_764] {strides = array<i32>} : memref<16x64xf32, #tpu.memory_space<vmem>>, vector<16xf32>,
      %mul3A_766 = arith.mulf %get3A_765, %gather3A_761 : vector<16xf32>
      %swap3A_767 = arith.constant 1 : i32
      %swap3A_768 = arith.index_cast %swap3A_767 : i32 to index
      %swap3A_769 = arith.constant 0 : index
      %swap3A_770 = tpu.vector_load %arg14[%swap3A_768, %swap3A_769] {strides = array<i32>} : memref<16x64xf32, #tpu.memory_space<vmem>>, vector<16xf32>,
      tpu.vector_store %arg14[%swap3A_768, %swap3A_769], %mul3A_766 {strides = array<i32>} : memref<16x64xf32, #tpu.memory_space<vmem>>, vector<16xf32>,
      %get3A_771 = arith.constant 1 : i32
      %get3A_772 = arith.index_cast %get3A_771 : i32 to index
      %get3A_773 = arith.constant 16 : index
      %get3A_774 = tpu.vector_load %arg13[%get3A_772, %get3A_773] {strides = array<i32>} : memref<16x64xf32, #tpu.memory_space<vmem>>, vector<16xf32>,
      %mul3A_775 = arith.mulf %get3A_774, %gather3A_761 : vector<16xf32>
      %swap3A_776 = arith.constant 1 : i32
      %swap3A_777 = arith.index_cast %swap3A_776 : i32 to index
      %swap3A_778 = arith.constant 16 : index
      %swap3A_779 = tpu.vector_load %arg14[%swap3A_777, %swap3A_778] {strides = array<i32>} : memref<16x64xf32, #tpu.memory_space<vmem>>, vector<16xf32>,
      tpu.vector_store %arg14[%swap3A_777, %swap3A_778], %mul3A_775 {strides = array<i32>} : memref<16x64xf32, #tpu.memory_space<vmem>>, vector<16xf32>,
      %get3A_780 = arith.constant 1 : i32
      %get3A_781 = arith.index_cast %get3A_780 : i32 to index
      %get3A_782 = arith.constant 32 : index
      %get3A_783 = tpu.vector_load %arg13[%get3A_781, %get3A_782] {strides = array<i32>} : memref<16x64xf32, #tpu.memory_space<vmem>>, vector<16xf32>,
      %mul3A_784 = arith.mulf %get3A_783, %gather3A_761 : vector<16xf32>
      %swap3A_785 = arith.constant 1 : i32
      %swap3A_786 = arith.index_cast %swap3A_785 : i32 to index
      %swap3A_787 = arith.constant 32 : index
      %swap3A_788 = tpu.vector_load %arg14[%swap3A_786, %swap3A_787] {strides = array<i32>} : memref<16x64xf32, #tpu.memory_space<vmem>>, vector<16xf32>,
      tpu.vector_store %arg14[%swap3A_786, %swap3A_787], %mul3A_784 {strides = array<i32>} : memref<16x64xf32, #tpu.memory_space<vmem>>, vector<16xf32>,
      %get3A_789 = arith.constant 1 : i32
      %get3A_790 = arith.index_cast %get3A_789 : i32 to index
      %get3A_791 = arith.constant 48 : index
      %get3A_792 = tpu.vector_load %arg13[%get3A_790, %get3A_791] {strides = array<i32>} : memref<16x64xf32, #tpu.memory_space<vmem>>, vector<16xf32>,
      %mul3A_793 = arith.mulf %get3A_792, %gather3A_761 : vector<16xf32>
      %swap3A_794 = arith.constant 1 : i32
      %swap3A_795 = arith.index_cast %swap3A_794 : i32 to index
      %swap3A_796 = arith.constant 48 : index
      %swap3A_797 = tpu.vector_load %arg14[%swap3A_795, %swap3A_796] {strides = array<i32>} : memref<16x64xf32, #tpu.memory_space<vmem>>, vector<16xf32>,
      tpu.vector_store %arg14[%swap3A_795, %swap3A_796], %mul3A_793 {strides = array<i32>} : memref<16x64xf32, #tpu.memory_space<vmem>>, vector<16xf32>,
      %broadcast_in_dim3A_798 = arith.constant 2 : i32
      %broadcast_in_dim3A_799 = vector.broadcast %broadcast_in_dim3A_798 : i32 to vector<16xi32>
      %gather3A_800 = tpu.vector_load_idx %arg16[%broadcast_in_dim3A_799] : memref<16xf32, #tpu.memory_space<vmem>>[vector<16xi32>], vector<16xf32>,
      %get3A_801 = arith.constant 2 : i32
      %get3A_802 = arith.index_cast %get3A_801 : i32 to index
      %get3A_803 = arith.constant 0 : index
      %get3A_804 = tpu.vector_load %arg13[%get3A_802, %get3A_803] {strides = array<i32>} : memref<16x64xf32, #tpu.memory_space<vmem>>, vector<16xf32>,
      %mul3A_805 = arith.mulf %get3A_804, %gather3A_800 : vector<16xf32>
      %swap3A_806 = arith.constant 2 : i32
      %swap3A_807 = arith.index_cast %swap3A_806 : i32 to index
      %swap3A_808 = arith.constant 0 : index
      %swap3A_809 = tpu.vector_load %arg14[%swap3A_807, %swap3A_808] {strides = array<i32>} : memref<16x64xf32, #tpu.memory_space<vmem>>, vector<16xf32>,
      tpu.vector_store %arg14[%swap3A_807, %swap3A_808], %mul3A_805 {strides = array<i32>} : memref<16x64xf32, #tpu.memory_space<vmem>>, vector<16xf32>,
      %get3A_810 = arith.constant 2 : i32
      %get3A_811 = arith.index_cast %get3A_810 : i32 to index
      %get3A_812 = arith.constant 16 : index
      %get3A_813 = tpu.vector_load %arg13[%get3A_811, %get3A_812] {strides = array<i32>} : memref<16x64xf32, #tpu.memory_space<vmem>>, vector<16xf32>,
      %mul3A_814 = arith.mulf %get3A_813, %gather3A_800 : vector<16xf32>
      %swap3A_815 = arith.constant 2 : i32
      %swap3A_816 = arith.index_cast %swap3A_815 : i32 to index
      %swap3A_817 = arith.constant 16 : index
      %swap3A_818 = tpu.vector_load %arg14[%swap3A_816, %swap3A_817] {strides = array<i32>} : memref<16x64xf32, #tpu.memory_space<vmem>>, vector<16xf32>,
      tpu.vector_store %arg14[%swap3A_816, %swap3A_817], %mul3A_814 {strides = array<i32>} : memref<16x64xf32, #tpu.memory_space<vmem>>, vector<16xf32>,
      %get3A_819 = arith.constant 2 : i32
      %get3A_820 = arith.index_cast %get3A_819 : i32 to index
      %get3A_821 = arith.constant 32 : index
      %get3A_822 = tpu.vector_load %arg13[%get3A_820, %get3A_821] {strides = array<i32>} : memref<16x64xf32, #tpu.memory_space<vmem>>, vector<16xf32>,
      %mul3A_823 = arith.mulf %get3A_822, %gather3A_800 : vector<16xf32>
      %swap3A_824 = arith.constant 2 : i32
      %swap3A_825 = arith.index_cast %swap3A_824 : i32 to index
      %swap3A_826 = arith.constant 32 : index
      %swap3A_827 = tpu.vector_load %arg14[%swap3A_825, %swap3A_826] {strides = array<i32>} : memref<16x64xf32, #tpu.memory_space<vmem>>, vector<16xf32>,
      tpu.vector_store %arg14[%swap3A_825, %swap3A_826], %mul3A_823 {strides = array<i32>} : memref<16x64xf32, #tpu.memory_space<vmem>>, vector<16xf32>,
      %get3A_828 = arith.constant 2 : i32
      %get3A_829 = arith.index_cast %get3A_828 : i32 to index
      %get3A_830 = arith.constant 48 : index
      %get3A_831 = tpu.vector_load %arg13[%get3A_829, %get3A_830] {strides = array<i32>} : memref<16x64xf32, #tpu.memory_space<vmem>>, vector<16xf32>,
      %mul3A_832 = arith.mulf %get3A_831, %gather3A_800 : vector<16xf32>
      %swap3A_833 = arith.constant 2 : i32
      %swap3A_834 = arith.index_cast %swap3A_833 : i32 to index
      %swap3A_835 = arith.constant 48 : index
      %swap3A_836 = tpu.vector_load %arg14[%swap3A_834, %swap3A_835] {strides = array<i32>} : memref<16x64xf32, #tpu.memory_space<vmem>>, vector<16xf32>,
      tpu.vector_store %arg14[%swap3A_834, %swap3A_835], %mul3A_832 {strides = array<i32>} : memref<16x64xf32, #tpu.memory_space<vmem>>, vector<16xf32>,
      %broadcast_in_dim3A_837 = arith.constant 3 : i32
      %broadcast_in_dim3A_838 = vector.broadcast %broadcast_in_dim3A_837 : i32 to vector<16xi32>
      %gather3A_839 = tpu.vector_load_idx %arg16[%broadcast_in_dim3A_838] : memref<16xf32, #tpu.memory_space<vmem>>[vector<16xi32>], vector<16xf32>,
      %get3A_840 = arith.constant 3 : i32
      %get3A_841 = arith.index_cast %get3A_840 : i32 to index
      %get3A_842 = arith.constant 0 : index
      %get3A_843 = tpu.vector_load %arg13[%get3A_841, %get3A_842] {strides = array<i32>} : memref<16x64xf32, #tpu.memory_space<vmem>>, vector<16xf32>,
      %mul3A_844 = arith.mulf %get3A_843, %gather3A_839 : vector<16xf32>
      %swap3A_845 = arith.constant 3 : i32
      %swap3A_846 = arith.index_cast %swap3A_845 : i32 to index
      %swap3A_847 = arith.constant 0 : index
      %swap3A_848 = tpu.vector_load %arg14[%swap3A_846, %swap3A_847] {strides = array<i32>} : memref<16x64xf32, #tpu.memory_space<vmem>>, vector<16xf32>,
      tpu.vector_store %arg14[%swap3A_846, %swap3A_847], %mul3A_844 {strides = array<i32>} : memref<16x64xf32, #tpu.memory_space<vmem>>, vector<16xf32>,
      %get3A_849 = arith.constant 3 : i32
      %get3A_850 = arith.index_cast %get3A_849 : i32 to index
      %get3A_851 = arith.constant 16 : index
      %get3A_852 = tpu.vector_load %arg13[%get3A_850, %get3A_851] {strides = array<i32>} : memref<16x64xf32, #tpu.memory_space<vmem>>, vector<16xf32>,
      %mul3A_853 = arith.mulf %get3A_852, %gather3A_839 : vector<16xf32>
      %swap3A_854 = arith.constant 3 : i32
      %swap3A_855 = arith.index_cast %swap3A_854 : i32 to index
      %swap3A_856 = arith.constant 16 : index
      %swap3A_857 = tpu.vector_load %arg14[%swap3A_855, %swap3A_856] {strides = array<i32>} : memref<16x64xf32, #tpu.memory_space<vmem>>, vector<16xf32>,
      tpu.vector_store %arg14[%swap3A_855, %swap3A_856], %mul3A_853 {strides = array<i32>} : memref<16x64xf32, #tpu.memory_space<vmem>>, vector<16xf32>,
      %get3A_858 = arith.constant 3 : i32
      %get3A_859 = arith.index_cast %get3A_858 : i32 to index
      %get3A_860 = arith.constant 32 : index
      %get3A_861 = tpu.vector_load %arg13[%get3A_859, %get3A_860] {strides = array<i32>} : memref<16x64xf32, #tpu.memory_space<vmem>>, vector<16xf32>,
      %mul3A_862 = arith.mulf %get3A_861, %gather3A_839 : vector<16xf32>
      %swap3A_863 = arith.constant 3 : i32
      %swap3A_864 = arith.index_cast %swap3A_863 : i32 to index
      %swap3A_865 = arith.constant 32 : index
      %swap3A_866 = tpu.vector_load %arg14[%swap3A_864, %swap3A_865] {strides = array<i32>} : memref<16x64xf32, #tpu.memory_space<vmem>>, vector<16xf32>,
      tpu.vector_store %arg14[%swap3A_864, %swap3A_865], %mul3A_862 {strides = array<i32>} : memref<16x64xf32, #tpu.memory_space<vmem>>, vector<16xf32>,
      %get3A_867 = arith.constant 3 : i32
      %get3A_868 = arith.index_cast %get3A_867 : i32 to index
      %get3A_869 = arith.constant 48 : index
      %get3A_870 = tpu.vector_load %arg13[%get3A_868, %get3A_869] {strides = array<i32>} : memref<16x64xf32, #tpu.memory_space<vmem>>, vector<16xf32>,
      %mul3A_871 = arith.mulf %get3A_870, %gather3A_839 : vector<16xf32>
      %swap3A_872 = arith.constant 3 : i32
      %swap3A_873 = arith.index_cast %swap3A_872 : i32 to index
      %swap3A_874 = arith.constant 48 : index
      %swap3A_875 = tpu.vector_load %arg14[%swap3A_873, %swap3A_874] {strides = array<i32>} : memref<16x64xf32, #tpu.memory_space<vmem>>, vector<16xf32>,
      tpu.vector_store %arg14[%swap3A_873, %swap3A_874], %mul3A_871 {strides = array<i32>} : memref<16x64xf32, #tpu.memory_space<vmem>>, vector<16xf32>,
      %broadcast_in_dim3A_876 = arith.constant 4 : i32
      %broadcast_in_dim3A_877 = vector.broadcast %broadcast_in_dim3A_876 : i32 to vector<16xi32>
      %gather3A_878 = tpu.vector_load_idx %arg16[%broadcast_in_dim3A_877] : memref<16xf32, #tpu.memory_space<vmem>>[vector<16xi32>], vector<16xf32>,
      %get3A_879 = arith.constant 4 : i32
      %get3A_880 = arith.index_cast %get3A_879 : i32 to index
      %get3A_881 = arith.constant 0 : index
      %get3A_882 = tpu.vector_load %arg13[%get3A_880, %get3A_881] {strides = array<i32>} : memref<16x64xf32, #tpu.memory_space<vmem>>, vector<16xf32>,
      %mul3A_883 = arith.mulf %get3A_882, %gather3A_878 : vector<16xf32>
      %swap3A_884 = arith.constant 4 : i32
      %swap3A_885 = arith.index_cast %swap3A_884 : i32 to index
      %swap3A_886 = arith.constant 0 : index
      %swap3A_887 = tpu.vector_load %arg14[%swap3A_885, %swap3A_886] {strides = array<i32>} : memref<16x64xf32, #tpu.memory_space<vmem>>, vector<16xf32>,
      tpu.vector_store %arg14[%swap3A_885, %swap3A_886], %mul3A_883 {strides = array<i32>} : memref<16x64xf32, #tpu.memory_space<vmem>>, vector<16xf32>,
      %get3A_888 = arith.constant 4 : i32
      %get3A_889 = arith.index_cast %get3A_888 : i32 to index
      %get3A_890 = arith.constant 16 : index
      %get3A_891 = tpu.vector_load %arg13[%get3A_889, %get3A_890] {strides = array<i32>} : memref<16x64xf32, #tpu.memory_space<vmem>>, vector<16xf32>,
      %mul3A_892 = arith.mulf %get3A_891, %gather3A_878 : vector<16xf32>
      %swap3A_893 = arith.constant 4 : i32
      %swap3A_894 = arith.index_cast %swap3A_893 : i32 to index
      %swap3A_895 = arith.constant 16 : index
      %swap3A_896 = tpu.vector_load %arg14[%swap3A_894, %swap3A_895] {strides = array<i32>} : memref<16x64xf32, #tpu.memory_space<vmem>>, vector<16xf32>,
      tpu.vector_store %arg14[%swap3A_894, %swap3A_895], %mul3A_892 {strides = array<i32>} : memref<16x64xf32, #tpu.memory_space<vmem>>, vector<16xf32>,
      %get3A_897 = arith.constant 4 : i32
      %get3A_898 = arith.index_cast %get3A_897 : i32 to index
      %get3A_899 = arith.constant 32 : index
      %get3A_900 = tpu.vector_load %arg13[%get3A_898, %get3A_899] {strides = array<i32>} : memref<16x64xf32, #tpu.memory_space<vmem>>, vector<16xf32>,
      %mul3A_901 = arith.mulf %get3A_900, %gather3A_878 : vector<16xf32>
      %swap3A_902 = arith.constant 4 : i32
      %swap3A_903 = arith.index_cast %swap3A_902 : i32 to index
      %swap3A_904 = arith.constant 32 : index
      %swap3A_905 = tpu.vector_load %arg14[%swap3A_903, %swap3A_904] {strides = array<i32>} : memref<16x64xf32, #tpu.memory_space<vmem>>, vector<16xf32>,
      tpu.vector_store %arg14[%swap3A_903, %swap3A_904], %mul3A_901 {strides = array<i32>} : memref<16x64xf32, #tpu.memory_space<vmem>>, vector<16xf32>,
      %get3A_906 = arith.constant 4 : i32
      %get3A_907 = arith.index_cast %get3A_906 : i32 to index
      %get3A_908 = arith.constant 48 : index
      %get3A_909 = tpu.vector_load %arg13[%get3A_907, %get3A_908] {strides = array<i32>} : memref<16x64xf32, #tpu.memory_space<vmem>>, vector<16xf32>,
      %mul3A_910 = arith.mulf %get3A_909, %gather3A_878 : vector<16xf32>
      %swap3A_911 = arith.constant 4 : i32
      %swap3A_912 = arith.index_cast %swap3A_911 : i32 to index
      %swap3A_913 = arith.constant 48 : index
      %swap3A_914 = tpu.vector_load %arg14[%swap3A_912, %swap3A_913] {strides = array<i32>} : memref<16x64xf32, #tpu.memory_space<vmem>>, vector<16xf32>,
      tpu.vector_store %arg14[%swap3A_912, %swap3A_913], %mul3A_910 {strides = array<i32>} : memref<16x64xf32, #tpu.memory_space<vmem>>, vector<16xf32>,
      %broadcast_in_dim3A_915 = arith.constant 5 : i32
      %broadcast_in_dim3A_916 = vector.broadcast %broadcast_in_dim3A_915 : i32 to vector<16xi32>
      %gather3A_917 = tpu.vector_load_idx %arg16[%broadcast_in_dim3A_916] : memref<16xf32, #tpu.memory_space<vmem>>[vector<16xi32>], vector<16xf32>,
      %get3A_918 = arith.constant 5 : i32
      %get3A_919 = arith.index_cast %get3A_918 : i32 to index
      %get3A_920 = arith.constant 0 : index
      %get3A_921 = tpu.vector_load %arg13[%get3A_919, %get3A_920] {strides = array<i32>} : memref<16x64xf32, #tpu.memory_space<vmem>>, vector<16xf32>,
      %mul3A_922 = arith.mulf %get3A_921, %gather3A_917 : vector<16xf32>
      %swap3A_923 = arith.constant 5 : i32
      %swap3A_924 = arith.index_cast %swap3A_923 : i32 to index
      %swap3A_925 = arith.constant 0 : index
      %swap3A_926 = tpu.vector_load %arg14[%swap3A_924, %swap3A_925] {strides = array<i32>} : memref<16x64xf32, #tpu.memory_space<vmem>>, vector<16xf32>,
      tpu.vector_store %arg14[%swap3A_924, %swap3A_925], %mul3A_922 {strides = array<i32>} : memref<16x64xf32, #tpu.memory_space<vmem>>, vector<16xf32>,
      %get3A_927 = arith.constant 5 : i32
      %get3A_928 = arith.index_cast %get3A_927 : i32 to index
      %get3A_929 = arith.constant 16 : index
      %get3A_930 = tpu.vector_load %arg13[%get3A_928, %get3A_929] {strides = array<i32>} : memref<16x64xf32, #tpu.memory_space<vmem>>, vector<16xf32>,
      %mul3A_931 = arith.mulf %get3A_930, %gather3A_917 : vector<16xf32>
      %swap3A_932 = arith.constant 5 : i32
      %swap3A_933 = arith.index_cast %swap3A_932 : i32 to index
      %swap3A_934 = arith.constant 16 : index
      %swap3A_935 = tpu.vector_load %arg14[%swap3A_933, %swap3A_934] {strides = array<i32>} : memref<16x64xf32, #tpu.memory_space<vmem>>, vector<16xf32>,
      tpu.vector_store %arg14[%swap3A_933, %swap3A_934], %mul3A_931 {strides = array<i32>} : memref<16x64xf32, #tpu.memory_space<vmem>>, vector<16xf32>,
      %get3A_936 = arith.constant 5 : i32
      %get3A_937 = arith.index_cast %get3A_936 : i32 to index
      %get3A_938 = arith.constant 32 : index
      %get3A_939 = tpu.vector_load %arg13[%get3A_937, %get3A_938] {strides = array<i32>} : memref<16x64xf32, #tpu.memory_space<vmem>>, vector<16xf32>,
      %mul3A_940 = arith.mulf %get3A_939, %gather3A_917 : vector<16xf32>
      %swap3A_941 = arith.constant 5 : i32
      %swap3A_942 = arith.index_cast %swap3A_941 : i32 to index
      %swap3A_943 = arith.constant 32 : index
      %swap3A_944 = tpu.vector_load %arg14[%swap3A_942, %swap3A_943] {strides = array<i32>} : memref<16x64xf32, #tpu.memory_space<vmem>>, vector<16xf32>,
      tpu.vector_store %arg14[%swap3A_942, %swap3A_943], %mul3A_940 {strides = array<i32>} : memref<16x64xf32, #tpu.memory_space<vmem>>, vector<16xf32>,
      %get3A_945 = arith.constant 5 : i32
      %get3A_946 = arith.index_cast %get3A_945 : i32 to index
      %get3A_947 = arith.constant 48 : index
      %get3A_948 = tpu.vector_load %arg13[%get3A_946, %get3A_947] {strides = array<i32>} : memref<16x64xf32, #tpu.memory_space<vmem>>, vector<16xf32>,
      %mul3A_949 = arith.mulf %get3A_948, %gather3A_917 : vector<16xf32>
      %swap3A_950 = arith.constant 5 : i32
      %swap3A_951 = arith.index_cast %swap3A_950 : i32 to index
      %swap3A_952 = arith.constant 48 : index
      %swap3A_953 = tpu.vector_load %arg14[%swap3A_951, %swap3A_952] {strides = array<i32>} : memref<16x64xf32, #tpu.memory_space<vmem>>, vector<16xf32>,
      tpu.vector_store %arg14[%swap3A_951, %swap3A_952], %mul3A_949 {strides = array<i32>} : memref<16x64xf32, #tpu.memory_space<vmem>>, vector<16xf32>,
      %broadcast_in_dim3A_954 = arith.constant 6 : i32
      %broadcast_in_dim3A_955 = vector.broadcast %broadcast_in_dim3A_954 : i32 to vector<16xi32>
      %gather3A_956 = tpu.vector_load_idx %arg16[%broadcast_in_dim3A_955] : memref<16xf32, #tpu.memory_space<vmem>>[vector<16xi32>], vector<16xf32>,
      %get3A_957 = arith.constant 6 : i32
      %get3A_958 = arith.index_cast %get3A_957 : i32 to index
      %get3A_959 = arith.constant 0 : index
      %get3A_960 = tpu.vector_load %arg13[%get3A_958, %get3A_959] {strides = array<i32>} : memref<16x64xf32, #tpu.memory_space<vmem>>, vector<16xf32>,
      %mul3A_961 = arith.mulf %get3A_960, %gather3A_956 : vector<16xf32>
      %swap3A_962 = arith.constant 6 : i32
      %swap3A_963 = arith.index_cast %swap3A_962 : i32 to index
      %swap3A_964 = arith.constant 0 : index
      %swap3A_965 = tpu.vector_load %arg14[%swap3A_963, %swap3A_964] {strides = array<i32>} : memref<16x64xf32, #tpu.memory_space<vmem>>, vector<16xf32>,
      tpu.vector_store %arg14[%swap3A_963, %swap3A_964], %mul3A_961 {strides = array<i32>} : memref<16x64xf32, #tpu.memory_space<vmem>>, vector<16xf32>,
      %get3A_966 = arith.constant 6 : i32
      %get3A_967 = arith.index_cast %get3A_966 : i32 to index
      %get3A_968 = arith.constant 16 : index
      %get3A_969 = tpu.vector_load %arg13[%get3A_967, %get3A_968] {strides = array<i32>} : memref<16x64xf32, #tpu.memory_space<vmem>>, vector<16xf32>,
      %mul3A_970 = arith.mulf %get3A_969, %gather3A_956 : vector<16xf32>
      %swap3A_971 = arith.constant 6 : i32
      %swap3A_972 = arith.index_cast %swap3A_971 : i32 to index
      %swap3A_973 = arith.constant 16 : index
      %swap3A_974 = tpu.vector_load %arg14[%swap3A_972, %swap3A_973] {strides = array<i32>} : memref<16x64xf32, #tpu.memory_space<vmem>>, vector<16xf32>,
      tpu.vector_store %arg14[%swap3A_972, %swap3A_973], %mul3A_970 {strides = array<i32>} : memref<16x64xf32, #tpu.memory_space<vmem>>, vector<16xf32>,
      %get3A_975 = arith.constant 6 : i32
      %get3A_976 = arith.index_cast %get3A_975 : i32 to index
      %get3A_977 = arith.constant 32 : index
      %get3A_978 = tpu.vector_load %arg13[%get3A_976, %get3A_977] {strides = array<i32>} : memref<16x64xf32, #tpu.memory_space<vmem>>, vector<16xf32>,
      %mul3A_979 = arith.mulf %get3A_978, %gather3A_956 : vector<16xf32>
      %swap3A_980 = arith.constant 6 : i32
      %swap3A_981 = arith.index_cast %swap3A_980 : i32 to index
      %swap3A_982 = arith.constant 32 : index
      %swap3A_983 = tpu.vector_load %arg14[%swap3A_981, %swap3A_982] {strides = array<i32>} : memref<16x64xf32, #tpu.memory_space<vmem>>, vector<16xf32>,
      tpu.vector_store %arg14[%swap3A_981, %swap3A_982], %mul3A_979 {strides = array<i32>} : memref<16x64xf32, #tpu.memory_space<vmem>>, vector<16xf32>,
      %get3A_984 = arith.constant 6 : i32
      %get3A_985 = arith.index_cast %get3A_984 : i32 to index
      %get3A_986 = arith.constant 48 : index
      %get3A_987 = tpu.vector_load %arg13[%get3A_985, %get3A_986] {strides = array<i32>} : memref<16x64xf32, #tpu.memory_space<vmem>>, vector<16xf32>,
      %mul3A_988 = arith.mulf %get3A_987, %gather3A_956 : vector<16xf32>
      %swap3A_989 = arith.constant 6 : i32
      %swap3A_990 = arith.index_cast %swap3A_989 : i32 to index
      %swap3A_991 = arith.constant 48 : index
      %swap3A_992 = tpu.vector_load %arg14[%swap3A_990, %swap3A_991] {strides = array<i32>} : memref<16x64xf32, #tpu.memory_space<vmem>>, vector<16xf32>,
      tpu.vector_store %arg14[%swap3A_990, %swap3A_991], %mul3A_988 {strides = array<i32>} : memref<16x64xf32, #tpu.memory_space<vmem>>, vector<16xf32>,
      %broadcast_in_dim3A_993 = arith.constant 7 : i32
      %broadcast_in_dim3A_994 = vector.broadcast %broadcast_in_dim3A_993 : i32 to vector<16xi32>
      %gather3A_995 = tpu.vector_load_idx %arg16[%broadcast_in_dim3A_994] : memref<16xf32, #tpu.memory_space<vmem>>[vector<16xi32>], vector<16xf32>,
      %get3A_996 = arith.constant 7 : i32
      %get3A_997 = arith.index_cast %get3A_996 : i32 to index
      %get3A_998 = arith.constant 0 : index
      %get3A_999 = tpu.vector_load %arg13[%get3A_997, %get3A_998] {strides = array<i32>} : memref<16x64xf32, #tpu.memory_space<vmem>>, vector<16xf32>,
      %mul3A_1000 = arith.mulf %get3A_999, %gather3A_995 : vector<16xf32>
      %swap3A_1001 = arith.constant 7 : i32
      %swap3A_1002 = arith.index_cast %swap3A_1001 : i32 to index
      %swap3A_1003 = arith.constant 0 : index
      %swap3A_1004 = tpu.vector_load %arg14[%swap3A_1002, %swap3A_1003] {strides = array<i32>} : memref<16x64xf32, #tpu.memory_space<vmem>>, vector<16xf32>,
      tpu.vector_store %arg14[%swap3A_1002, %swap3A_1003], %mul3A_1000 {strides = array<i32>} : memref<16x64xf32, #tpu.memory_space<vmem>>, vector<16xf32>,
      %get3A_1005 = arith.constant 7 : i32
      %get3A_1006 = arith.index_cast %get3A_1005 : i32 to index
      %get3A_1007 = arith.constant 16 : index
      %get3A_1008 = tpu.vector_load %arg13[%get3A_1006, %get3A_1007] {strides = array<i32>} : memref<16x64xf32, #tpu.memory_space<vmem>>, vector<16xf32>,
      %mul3A_1009 = arith.mulf %get3A_1008, %gather3A_995 : vector<16xf32>
      %swap3A_1010 = arith.constant 7 : i32
      %swap3A_1011 = arith.index_cast %swap3A_1010 : i32 to index
      %swap3A_1012 = arith.constant 16 : index
      %swap3A_1013 = tpu.vector_load %arg14[%swap3A_1011, %swap3A_1012] {strides = array<i32>} : memref<16x64xf32, #tpu.memory_space<vmem>>, vector<16xf32>,
      tpu.vector_store %arg14[%swap3A_1011, %swap3A_1012], %mul3A_1009 {strides = array<i32>} : memref<16x64xf32, #tpu.memory_space<vmem>>, vector<16xf32>,
      %get3A_1014 = arith.constant 7 : i32
      %get3A_1015 = arith.index_cast %get3A_1014 : i32 to index
      %get3A_1016 = arith.constant 32 : index
      %get3A_1017 = tpu.vector_load %arg13[%get3A_1015, %get3A_1016] {strides = array<i32>} : memref<16x64xf32, #tpu.memory_space<vmem>>, vector<16xf32>,
      %mul3A_1018 = arith.mulf %get3A_1017, %gather3A_995 : vector<16xf32>
      %swap3A_1019 = arith.constant 7 : i32
      %swap3A_1020 = arith.index_cast %swap3A_1019 : i32 to index
      %swap3A_1021 = arith.constant 32 : index
      %swap3A_1022 = tpu.vector_load %arg14[%swap3A_1020, %swap3A_1021] {strides = array<i32>} : memref<16x64xf32, #tpu.memory_space<vmem>>, vector<16xf32>,
      tpu.vector_store %arg14[%swap3A_1020, %swap3A_1021], %mul3A_1018 {strides = array<i32>} : memref<16x64xf32, #tpu.memory_space<vmem>>, vector<16xf32>,
      %get3A_1023 = arith.constant 7 : i32
      %get3A_1024 = arith.index_cast %get3A_1023 : i32 to index
      %get3A_1025 = arith.constant 48 : index
      %get3A_1026 = tpu.vector_load %arg13[%get3A_1024, %get3A_1025] {strides = array<i32>} : memref<16x64xf32, #tpu.memory_space<vmem>>, vector<16xf32>,
      %mul3A_1027 = arith.mulf %get3A_1026, %gather3A_995 : vector<16xf32>
      %swap3A_1028 = arith.constant 7 : i32
      %swap3A_1029 = arith.index_cast %swap3A_1028 : i32 to index
      %swap3A_1030 = arith.constant 48 : index
      %swap3A_1031 = tpu.vector_load %arg14[%swap3A_1029, %swap3A_1030] {strides = array<i32>} : memref<16x64xf32, #tpu.memory_space<vmem>>, vector<16xf32>,
      tpu.vector_store %arg14[%swap3A_1029, %swap3A_1030], %mul3A_1027 {strides = array<i32>} : memref<16x64xf32, #tpu.memory_space<vmem>>, vector<16xf32>,
      %broadcast_in_dim3A_1032 = arith.constant 8 : i32
      %broadcast_in_dim3A_1033 = vector.broadcast %broadcast_in_dim3A_1032 : i32 to vector<16xi32>
      %gather3A_1034 = tpu.vector_load_idx %arg16[%broadcast_in_dim3A_1033] : memref<16xf32, #tpu.memory_space<vmem>>[vector<16xi32>], vector<16xf32>,
      %get3A_1035 = arith.constant 8 : i32
      %get3A_1036 = arith.index_cast %get3A_1035 : i32 to index
      %get3A_1037 = arith.constant 0 : index
      %get3A_1038 = tpu.vector_load %arg13[%get3A_1036, %get3A_1037] {strides = array<i32>} : memref<16x64xf32, #tpu.memory_space<vmem>>, vector<16xf32>,
      %mul3A_1039 = arith.mulf %get3A_1038, %gather3A_1034 : vector<16xf32>
      %swap3A_1040 = arith.constant 8 : i32
      %swap3A_1041 = arith.index_cast %swap3A_1040 : i32 to index
      %swap3A_1042 = arith.constant 0 : index
      %swap3A_1043 = tpu.vector_load %arg14[%swap3A_1041, %swap3A_1042] {strides = array<i32>} : memref<16x64xf32, #tpu.memory_space<vmem>>, vector<16xf32>,
      tpu.vector_store %arg14[%swap3A_1041, %swap3A_1042], %mul3A_1039 {strides = array<i32>} : memref<16x64xf32, #tpu.memory_space<vmem>>, vector<16xf32>,
      %get3A_1044 = arith.constant 8 : i32
      %get3A_1045 = arith.index_cast %get3A_1044 : i32 to index
      %get3A_1046 = arith.constant 16 : index
      %get3A_1047 = tpu.vector_load %arg13[%get3A_1045, %get3A_1046] {strides = array<i32>} : memref<16x64xf32, #tpu.memory_space<vmem>>, vector<16xf32>,
      %mul3A_1048 = arith.mulf %get3A_1047, %gather3A_1034 : vector<16xf32>
      %swap3A_1049 = arith.constant 8 : i32
      %swap3A_1050 = arith.index_cast %swap3A_1049 : i32 to index
      %swap3A_1051 = arith.constant 16 : index
      %swap3A_1052 = tpu.vector_load %arg14[%swap3A_1050, %swap3A_1051] {strides = array<i32>} : memref<16x64xf32, #tpu.memory_space<vmem>>, vector<16xf32>,
      tpu.vector_store %arg14[%swap3A_1050, %swap3A_1051], %mul3A_1048 {strides = array<i32>} : memref<16x64xf32, #tpu.memory_space<vmem>>, vector<16xf32>,
      %get3A_1053 = arith.constant 8 : i32
      %get3A_1054 = arith.index_cast %get3A_1053 : i32 to index
      %get3A_1055 = arith.constant 32 : index
      %get3A_1056 = tpu.vector_load %arg13[%get3A_1054, %get3A_1055] {strides = array<i32>} : memref<16x64xf32, #tpu.memory_space<vmem>>, vector<16xf32>,
      %mul3A_1057 = arith.mulf %get3A_1056, %gather3A_1034 : vector<16xf32>
      %swap3A_1058 = arith.constant 8 : i32
      %swap3A_1059 = arith.index_cast %swap3A_1058 : i32 to index
      %swap3A_1060 = arith.constant 32 : index
      %swap3A_1061 = tpu.vector_load %arg14[%swap3A_1059, %swap3A_1060] {strides = array<i32>} : memref<16x64xf32, #tpu.memory_space<vmem>>, vector<16xf32>,
      tpu.vector_store %arg14[%swap3A_1059, %swap3A_1060], %mul3A_1057 {strides = array<i32>} : memref<16x64xf32, #tpu.memory_space<vmem>>, vector<16xf32>,
      %get3A_1062 = arith.constant 8 : i32
      %get3A_1063 = arith.index_cast %get3A_1062 : i32 to index
      %get3A_1064 = arith.constant 48 : index
      %get3A_1065 = tpu.vector_load %arg13[%get3A_1063, %get3A_1064] {strides = array<i32>} : memref<16x64xf32, #tpu.memory_space<vmem>>, vector<16xf32>,
      %mul3A_1066 = arith.mulf %get3A_1065, %gather3A_1034 : vector<16xf32>
      %swap3A_1067 = arith.constant 8 : i32
      %swap3A_1068 = arith.index_cast %swap3A_1067 : i32 to index
      %swap3A_1069 = arith.constant 48 : index
      %swap3A_1070 = tpu.vector_load %arg14[%swap3A_1068, %swap3A_1069] {strides = array<i32>} : memref<16x64xf32, #tpu.memory_space<vmem>>, vector<16xf32>,
      tpu.vector_store %arg14[%swap3A_1068, %swap3A_1069], %mul3A_1066 {strides = array<i32>} : memref<16x64xf32, #tpu.memory_space<vmem>>, vector<16xf32>,
      %broadcast_in_dim3A_1071 = arith.constant 9 : i32
      %broadcast_in_dim3A_1072 = vector.broadcast %broadcast_in_dim3A_1071 : i32 to vector<16xi32>
      %gather3A_1073 = tpu.vector_load_idx %arg16[%broadcast_in_dim3A_1072] : memref<16xf32, #tpu.memory_space<vmem>>[vector<16xi32>], vector<16xf32>,
      %get3A_1074 = arith.constant 9 : i32
      %get3A_1075 = arith.index_cast %get3A_1074 : i32 to index
      %get3A_1076 = arith.constant 0 : index
      %get3A_1077 = tpu.vector_load %arg13[%get3A_1075, %get3A_1076] {strides = array<i32>} : memref<16x64xf32, #tpu.memory_space<vmem>>, vector<16xf32>,
      %mul3A_1078 = arith.mulf %get3A_1077, %gather3A_1073 : vector<16xf32>
      %swap3A_1079 = arith.constant 9 : i32
      %swap3A_1080 = arith.index_cast %swap3A_1079 : i32 to index
      %swap3A_1081 = arith.constant 0 : index
      %swap3A_1082 = tpu.vector_load %arg14[%swap3A_1080, %swap3A_1081] {strides = array<i32>} : memref<16x64xf32, #tpu.memory_space<vmem>>, vector<16xf32>,
      tpu.vector_store %arg14[%swap3A_1080, %swap3A_1081], %mul3A_1078 {strides = array<i32>} : memref<16x64xf32, #tpu.memory_space<vmem>>, vector<16xf32>,
      %get3A_1083 = arith.constant 9 : i32
      %get3A_1084 = arith.index_cast %get3A_1083 : i32 to index
      %get3A_1085 = arith.constant 16 : index
      %get3A_1086 = tpu.vector_load %arg13[%get3A_1084, %get3A_1085] {strides = array<i32>} : memref<16x64xf32, #tpu.memory_space<vmem>>, vector<16xf32>,
      %mul3A_1087 = arith.mulf %get3A_1086, %gather3A_1073 : vector<16xf32>
      %swap3A_1088 = arith.constant 9 : i32
      %swap3A_1089 = arith.index_cast %swap3A_1088 : i32 to index
      %swap3A_1090 = arith.constant 16 : index
      %swap3A_1091 = tpu.vector_load %arg14[%swap3A_1089, %swap3A_1090] {strides = array<i32>} : memref<16x64xf32, #tpu.memory_space<vmem>>, vector<16xf32>,
      tpu.vector_store %arg14[%swap3A_1089, %swap3A_1090], %mul3A_1087 {strides = array<i32>} : memref<16x64xf32, #tpu.memory_space<vmem>>, vector<16xf32>,
      %get3A_1092 = arith.constant 9 : i32
      %get3A_1093 = arith.index_cast %get3A_1092 : i32 to index
      %get3A_1094 = arith.constant 32 : index
      %get3A_1095 = tpu.vector_load %arg13[%get3A_1093, %get3A_1094] {strides = array<i32>} : memref<16x64xf32, #tpu.memory_space<vmem>>, vector<16xf32>,
      %mul3A_1096 = arith.mulf %get3A_1095, %gather3A_1073 : vector<16xf32>
      %swap3A_1097 = arith.constant 9 : i32
      %swap3A_1098 = arith.index_cast %swap3A_1097 : i32 to index
      %swap3A_1099 = arith.constant 32 : index
      %swap3A_1100 = tpu.vector_load %arg14[%swap3A_1098, %swap3A_1099] {strides = array<i32>} : memref<16x64xf32, #tpu.memory_space<vmem>>, vector<16xf32>,
      tpu.vector_store %arg14[%swap3A_1098, %swap3A_1099], %mul3A_1096 {strides = array<i32>} : memref<16x64xf32, #tpu.memory_space<vmem>>, vector<16xf32>,
      %get3A_1101 = arith.constant 9 : i32
      %get3A_1102 = arith.index_cast %get3A_1101 : i32 to index
      %get3A_1103 = arith.constant 48 : index
      %get3A_1104 = tpu.vector_load %arg13[%get3A_1102, %get3A_1103] {strides = array<i32>} : memref<16x64xf32, #tpu.memory_space<vmem>>, vector<16xf32>,
      %mul3A_1105 = arith.mulf %get3A_1104, %gather3A_1073 : vector<16xf32>
      %swap3A_1106 = arith.constant 9 : i32
      %swap3A_1107 = arith.index_cast %swap3A_1106 : i32 to index
      %swap3A_1108 = arith.constant 48 : index
      %swap3A_1109 = tpu.vector_load %arg14[%swap3A_1107, %swap3A_1108] {strides = array<i32>} : memref<16x64xf32, #tpu.memory_space<vmem>>, vector<16xf32>,
      tpu.vector_store %arg14[%swap3A_1107, %swap3A_1108], %mul3A_1105 {strides = array<i32>} : memref<16x64xf32, #tpu.memory_space<vmem>>, vector<16xf32>,
      %broadcast_in_dim3A_1110 = arith.constant 10 : i32
      %broadcast_in_dim3A_1111 = vector.broadcast %broadcast_in_dim3A_1110 : i32 to vector<16xi32>
      %gather3A_1112 = tpu.vector_load_idx %arg16[%broadcast_in_dim3A_1111] : memref<16xf32, #tpu.memory_space<vmem>>[vector<16xi32>], vector<16xf32>,
      %get3A_1113 = arith.constant 10 : i32
      %get3A_1114 = arith.index_cast %get3A_1113 : i32 to index
      %get3A_1115 = arith.constant 0 : index
      %get3A_1116 = tpu.vector_load %arg13[%get3A_1114, %get3A_1115] {strides = array<i32>} : memref<16x64xf32, #tpu.memory_space<vmem>>, vector<16xf32>,
      %mul3A_1117 = arith.mulf %get3A_1116, %gather3A_1112 : vector<16xf32>
      %swap3A_1118 = arith.constant 10 : i32
      %swap3A_1119 = arith.index_cast %swap3A_1118 : i32 to index
      %swap3A_1120 = arith.constant 0 : index
      %swap3A_1121 = tpu.vector_load %arg14[%swap3A_1119, %swap3A_1120] {strides = array<i32>} : memref<16x64xf32, #tpu.memory_space<vmem>>, vector<16xf32>,
      tpu.vector_store %arg14[%swap3A_1119, %swap3A_1120], %mul3A_1117 {strides = array<i32>} : memref<16x64xf32, #tpu.memory_space<vmem>>, vector<16xf32>,
      %get3A_1122 = arith.constant 10 : i32
      %get3A_1123 = arith.index_cast %get3A_1122 : i32 to index
      %get3A_1124 = arith.constant 16 : index
      %get3A_1125 = tpu.vector_load %arg13[%get3A_1123, %get3A_1124] {strides = array<i32>} : memref<16x64xf32, #tpu.memory_space<vmem>>, vector<16xf32>,
      %mul3A_1126 = arith.mulf %get3A_1125, %gather3A_1112 : vector<16xf32>
      %swap3A_1127 = arith.constant 10 : i32
      %swap3A_1128 = arith.index_cast %swap3A_1127 : i32 to index
      %swap3A_1129 = arith.constant 16 : index
      %swap3A_1130 = tpu.vector_load %arg14[%swap3A_1128, %swap3A_1129] {strides = array<i32>} : memref<16x64xf32, #tpu.memory_space<vmem>>, vector<16xf32>,
      tpu.vector_store %arg14[%swap3A_1128, %swap3A_1129], %mul3A_1126 {strides = array<i32>} : memref<16x64xf32, #tpu.memory_space<vmem>>, vector<16xf32>,
      %get3A_1131 = arith.constant 10 : i32
      %get3A_1132 = arith.index_cast %get3A_1131 : i32 to index
      %get3A_1133 = arith.constant 32 : index
      %get3A_1134 = tpu.vector_load %arg13[%get3A_1132, %get3A_1133] {strides = array<i32>} : memref<16x64xf32, #tpu.memory_space<vmem>>, vector<16xf32>,
      %mul3A_1135 = arith.mulf %get3A_1134, %gather3A_1112 : vector<16xf32>
      %swap3A_1136 = arith.constant 10 : i32
      %swap3A_1137 = arith.index_cast %swap3A_1136 : i32 to index
      %swap3A_1138 = arith.constant 32 : index
      %swap3A_1139 = tpu.vector_load %arg14[%swap3A_1137, %swap3A_1138] {strides = array<i32>} : memref<16x64xf32, #tpu.memory_space<vmem>>, vector<16xf32>,
      tpu.vector_store %arg14[%swap3A_1137, %swap3A_1138], %mul3A_1135 {strides = array<i32>} : memref<16x64xf32, #tpu.memory_space<vmem>>, vector<16xf32>,
      %get3A_1140 = arith.constant 10 : i32
      %get3A_1141 = arith.index_cast %get3A_1140 : i32 to index
      %get3A_1142 = arith.constant 48 : index
      %get3A_1143 = tpu.vector_load %arg13[%get3A_1141, %get3A_1142] {strides = array<i32>} : memref<16x64xf32, #tpu.memory_space<vmem>>, vector<16xf32>,
      %mul3A_1144 = arith.mulf %get3A_1143, %gather3A_1112 : vector<16xf32>
      %swap3A_1145 = arith.constant 10 : i32
      %swap3A_1146 = arith.index_cast %swap3A_1145 : i32 to index
      %swap3A_1147 = arith.constant 48 : index
      %swap3A_1148 = tpu.vector_load %arg14[%swap3A_1146, %swap3A_1147] {strides = array<i32>} : memref<16x64xf32, #tpu.memory_space<vmem>>, vector<16xf32>,
      tpu.vector_store %arg14[%swap3A_1146, %swap3A_1147], %mul3A_1144 {strides = array<i32>} : memref<16x64xf32, #tpu.memory_space<vmem>>, vector<16xf32>,
      %broadcast_in_dim3A_1149 = arith.constant 11 : i32
      %broadcast_in_dim3A_1150 = vector.broadcast %broadcast_in_dim3A_1149 : i32 to vector<16xi32>
      %gather3A_1151 = tpu.vector_load_idx %arg16[%broadcast_in_dim3A_1150] : memref<16xf32, #tpu.memory_space<vmem>>[vector<16xi32>], vector<16xf32>,
      %get3A_1152 = arith.constant 11 : i32
      %get3A_1153 = arith.index_cast %get3A_1152 : i32 to index
      %get3A_1154 = arith.constant 0 : index
      %get3A_1155 = tpu.vector_load %arg13[%get3A_1153, %get3A_1154] {strides = array<i32>} : memref<16x64xf32, #tpu.memory_space<vmem>>, vector<16xf32>,
      %mul3A_1156 = arith.mulf %get3A_1155, %gather3A_1151 : vector<16xf32>
      %swap3A_1157 = arith.constant 11 : i32
      %swap3A_1158 = arith.index_cast %swap3A_1157 : i32 to index
      %swap3A_1159 = arith.constant 0 : index
      %swap3A_1160 = tpu.vector_load %arg14[%swap3A_1158, %swap3A_1159] {strides = array<i32>} : memref<16x64xf32, #tpu.memory_space<vmem>>, vector<16xf32>,
      tpu.vector_store %arg14[%swap3A_1158, %swap3A_1159], %mul3A_1156 {strides = array<i32>} : memref<16x64xf32, #tpu.memory_space<vmem>>, vector<16xf32>,
      %get3A_1161 = arith.constant 11 : i32
      %get3A_1162 = arith.index_cast %get3A_1161 : i32 to index
      %get3A_1163 = arith.constant 16 : index
      %get3A_1164 = tpu.vector_load %arg13[%get3A_1162, %get3A_1163] {strides = array<i32>} : memref<16x64xf32, #tpu.memory_space<vmem>>, vector<16xf32>,
      %mul3A_1165 = arith.mulf %get3A_1164, %gather3A_1151 : vector<16xf32>
      %swap3A_1166 = arith.constant 11 : i32
      %swap3A_1167 = arith.index_cast %swap3A_1166 : i32 to index
      %swap3A_1168 = arith.constant 16 : index
      %swap3A_1169 = tpu.vector_load %arg14[%swap3A_1167, %swap3A_1168] {strides = array<i32>} : memref<16x64xf32, #tpu.memory_space<vmem>>, vector<16xf32>,
      tpu.vector_store %arg14[%swap3A_1167, %swap3A_1168], %mul3A_1165 {strides = array<i32>} : memref<16x64xf32, #tpu.memory_space<vmem>>, vector<16xf32>,
      %get3A_1170 = arith.constant 11 : i32
      %get3A_1171 = arith.index_cast %get3A_1170 : i32 to index
      %get3A_1172 = arith.constant 32 : index
      %get3A_1173 = tpu.vector_load %arg13[%get3A_1171, %get3A_1172] {strides = array<i32>} : memref<16x64xf32, #tpu.memory_space<vmem>>, vector<16xf32>,
      %mul3A_1174 = arith.mulf %get3A_1173, %gather3A_1151 : vector<16xf32>
      %swap3A_1175 = arith.constant 11 : i32
      %swap3A_1176 = arith.index_cast %swap3A_1175 : i32 to index
      %swap3A_1177 = arith.constant 32 : index
      %swap3A_1178 = tpu.vector_load %arg14[%swap3A_1176, %swap3A_1177] {strides = array<i32>} : memref<16x64xf32, #tpu.memory_space<vmem>>, vector<16xf32>,
      tpu.vector_store %arg14[%swap3A_1176, %swap3A_1177], %mul3A_1174 {strides = array<i32>} : memref<16x64xf32, #tpu.memory_space<vmem>>, vector<16xf32>,
      %get3A_1179 = arith.constant 11 : i32
      %get3A_1180 = arith.index_cast %get3A_1179 : i32 to index
      %get3A_1181 = arith.constant 48 : index
      %get3A_1182 = tpu.vector_load %arg13[%get3A_1180, %get3A_1181] {strides = array<i32>} : memref<16x64xf32, #tpu.memory_space<vmem>>, vector<16xf32>,
      %mul3A_1183 = arith.mulf %get3A_1182, %gather3A_1151 : vector<16xf32>
      %swap3A_1184 = arith.constant 11 : i32
      %swap3A_1185 = arith.index_cast %swap3A_1184 : i32 to index
      %swap3A_1186 = arith.constant 48 : index
      %swap3A_1187 = tpu.vector_load %arg14[%swap3A_1185, %swap3A_1186] {strides = array<i32>} : memref<16x64xf32, #tpu.memory_space<vmem>>, vector<16xf32>,
      tpu.vector_store %arg14[%swap3A_1185, %swap3A_1186], %mul3A_1183 {strides = array<i32>} : memref<16x64xf32, #tpu.memory_space<vmem>>, vector<16xf32>,
      %broadcast_in_dim3A_1188 = arith.constant 12 : i32
      %broadcast_in_dim3A_1189 = vector.broadcast %broadcast_in_dim3A_1188 : i32 to vector<16xi32>
      %gather3A_1190 = tpu.vector_load_idx %arg16[%broadcast_in_dim3A_1189] : memref<16xf32, #tpu.memory_space<vmem>>[vector<16xi32>], vector<16xf32>,
      %get3A_1191 = arith.constant 12 : i32
      %get3A_1192 = arith.index_cast %get3A_1191 : i32 to index
      %get3A_1193 = arith.constant 0 : index
      %get3A_1194 = tpu.vector_load %arg13[%get3A_1192, %get3A_1193] {strides = array<i32>} : memref<16x64xf32, #tpu.memory_space<vmem>>, vector<16xf32>,
      %mul3A_1195 = arith.mulf %get3A_1194, %gather3A_1190 : vector<16xf32>
      %swap3A_1196 = arith.constant 12 : i32
      %swap3A_1197 = arith.index_cast %swap3A_1196 : i32 to index
      %swap3A_1198 = arith.constant 0 : index
      %swap3A_1199 = tpu.vector_load %arg14[%swap3A_1197, %swap3A_1198] {strides = array<i32>} : memref<16x64xf32, #tpu.memory_space<vmem>>, vector<16xf32>,
      tpu.vector_store %arg14[%swap3A_1197, %swap3A_1198], %mul3A_1195 {strides = array<i32>} : memref<16x64xf32, #tpu.memory_space<vmem>>, vector<16xf32>,
      %get3A_1200 = arith.constant 12 : i32
      %get3A_1201 = arith.index_cast %get3A_1200 : i32 to index
      %get3A_1202 = arith.constant 16 : index
      %get3A_1203 = tpu.vector_load %arg13[%get3A_1201, %get3A_1202] {strides = array<i32>} : memref<16x64xf32, #tpu.memory_space<vmem>>, vector<16xf32>,
      %mul3A_1204 = arith.mulf %get3A_1203, %gather3A_1190 : vector<16xf32>
      %swap3A_1205 = arith.constant 12 : i32
      %swap3A_1206 = arith.index_cast %swap3A_1205 : i32 to index
      %swap3A_1207 = arith.constant 16 : index
      %swap3A_1208 = tpu.vector_load %arg14[%swap3A_1206, %swap3A_1207] {strides = array<i32>} : memref<16x64xf32, #tpu.memory_space<vmem>>, vector<16xf32>,
      tpu.vector_store %arg14[%swap3A_1206, %swap3A_1207], %mul3A_1204 {strides = array<i32>} : memref<16x64xf32, #tpu.memory_space<vmem>>, vector<16xf32>,
      %get3A_1209 = arith.constant 12 : i32
      %get3A_1210 = arith.index_cast %get3A_1209 : i32 to index
      %get3A_1211 = arith.constant 32 : index
      %get3A_1212 = tpu.vector_load %arg13[%get3A_1210, %get3A_1211] {strides = array<i32>} : memref<16x64xf32, #tpu.memory_space<vmem>>, vector<16xf32>,
      %mul3A_1213 = arith.mulf %get3A_1212, %gather3A_1190 : vector<16xf32>
      %swap3A_1214 = arith.constant 12 : i32
      %swap3A_1215 = arith.index_cast %swap3A_1214 : i32 to index
      %swap3A_1216 = arith.constant 32 : index
      %swap3A_1217 = tpu.vector_load %arg14[%swap3A_1215, %swap3A_1216] {strides = array<i32>} : memref<16x64xf32, #tpu.memory_space<vmem>>, vector<16xf32>,
      tpu.vector_store %arg14[%swap3A_1215, %swap3A_1216], %mul3A_1213 {strides = array<i32>} : memref<16x64xf32, #tpu.memory_space<vmem>>, vector<16xf32>,
      %get3A_1218 = arith.constant 12 : i32
      %get3A_1219 = arith.index_cast %get3A_1218 : i32 to index
      %get3A_1220 = arith.constant 48 : index
      %get3A_1221 = tpu.vector_load %arg13[%get3A_1219, %get3A_1220] {strides = array<i32>} : memref<16x64xf32, #tpu.memory_space<vmem>>, vector<16xf32>,
      %mul3A_1222 = arith.mulf %get3A_1221, %gather3A_1190 : vector<16xf32>
      %swap3A_1223 = arith.constant 12 : i32
      %swap3A_1224 = arith.index_cast %swap3A_1223 : i32 to index
      %swap3A_1225 = arith.constant 48 : index
      %swap3A_1226 = tpu.vector_load %arg14[%swap3A_1224, %swap3A_1225] {strides = array<i32>} : memref<16x64xf32, #tpu.memory_space<vmem>>, vector<16xf32>,
      tpu.vector_store %arg14[%swap3A_1224, %swap3A_1225], %mul3A_1222 {strides = array<i32>} : memref<16x64xf32, #tpu.memory_space<vmem>>, vector<16xf32>,
      %broadcast_in_dim3A_1227 = arith.constant 13 : i32
      %broadcast_in_dim3A_1228 = vector.broadcast %broadcast_in_dim3A_1227 : i32 to vector<16xi32>
      %gather3A_1229 = tpu.vector_load_idx %arg16[%broadcast_in_dim3A_1228] : memref<16xf32, #tpu.memory_space<vmem>>[vector<16xi32>], vector<16xf32>,
      %get3A_1230 = arith.constant 13 : i32
      %get3A_1231 = arith.index_cast %get3A_1230 : i32 to index
      %get3A_1232 = arith.constant 0 : index
      %get3A_1233 = tpu.vector_load %arg13[%get3A_1231, %get3A_1232] {strides = array<i32>} : memref<16x64xf32, #tpu.memory_space<vmem>>, vector<16xf32>,
      %mul3A_1234 = arith.mulf %get3A_1233, %gather3A_1229 : vector<16xf32>
      %swap3A_1235 = arith.constant 13 : i32
      %swap3A_1236 = arith.index_cast %swap3A_1235 : i32 to index
      %swap3A_1237 = arith.constant 0 : index
      %swap3A_1238 = tpu.vector_load %arg14[%swap3A_1236, %swap3A_1237] {strides = array<i32>} : memref<16x64xf32, #tpu.memory_space<vmem>>, vector<16xf32>,
      tpu.vector_store %arg14[%swap3A_1236, %swap3A_1237], %mul3A_1234 {strides = array<i32>} : memref<16x64xf32, #tpu.memory_space<vmem>>, vector<16xf32>,
      %get3A_1239 = arith.constant 13 : i32
      %get3A_1240 = arith.index_cast %get3A_1239 : i32 to index
      %get3A_1241 = arith.constant 16 : index
      %get3A_1242 = tpu.vector_load %arg13[%get3A_1240, %get3A_1241] {strides = array<i32>} : memref<16x64xf32, #tpu.memory_space<vmem>>, vector<16xf32>,
      %mul3A_1243 = arith.mulf %get3A_1242, %gather3A_1229 : vector<16xf32>
      %swap3A_1244 = arith.constant 13 : i32
      %swap3A_1245 = arith.index_cast %swap3A_1244 : i32 to index
      %swap3A_1246 = arith.constant 16 : index
      %swap3A_1247 = tpu.vector_load %arg14[%swap3A_1245, %swap3A_1246] {strides = array<i32>} : memref<16x64xf32, #tpu.memory_space<vmem>>, vector<16xf32>,
      tpu.vector_store %arg14[%swap3A_1245, %swap3A_1246], %mul3A_1243 {strides = array<i32>} : memref<16x64xf32, #tpu.memory_space<vmem>>, vector<16xf32>,
      %get3A_1248 = arith.constant 13 : i32
      %get3A_1249 = arith.index_cast %get3A_1248 : i32 to index
      %get3A_1250 = arith.constant 32 : index
      %get3A_1251 = tpu.vector_load %arg13[%get3A_1249, %get3A_1250] {strides = array<i32>} : memref<16x64xf32, #tpu.memory_space<vmem>>, vector<16xf32>,
      %mul3A_1252 = arith.mulf %get3A_1251, %gather3A_1229 : vector<16xf32>
      %swap3A_1253 = arith.constant 13 : i32
      %swap3A_1254 = arith.index_cast %swap3A_1253 : i32 to index
      %swap3A_1255 = arith.constant 32 : index
      %swap3A_1256 = tpu.vector_load %arg14[%swap3A_1254, %swap3A_1255] {strides = array<i32>} : memref<16x64xf32, #tpu.memory_space<vmem>>, vector<16xf32>,
      tpu.vector_store %arg14[%swap3A_1254, %swap3A_1255], %mul3A_1252 {strides = array<i32>} : memref<16x64xf32, #tpu.memory_space<vmem>>, vector<16xf32>,
      %get3A_1257 = arith.constant 13 : i32
      %get3A_1258 = arith.index_cast %get3A_1257 : i32 to index
      %get3A_1259 = arith.constant 48 : index
      %get3A_1260 = tpu.vector_load %arg13[%get3A_1258, %get3A_1259] {strides = array<i32>} : memref<16x64xf32, #tpu.memory_space<vmem>>, vector<16xf32>,
      %mul3A_1261 = arith.mulf %get3A_1260, %gather3A_1229 : vector<16xf32>
      %swap3A_1262 = arith.constant 13 : i32
      %swap3A_1263 = arith.index_cast %swap3A_1262 : i32 to index
      %swap3A_1264 = arith.constant 48 : index
      %swap3A_1265 = tpu.vector_load %arg14[%swap3A_1263, %swap3A_1264] {strides = array<i32>} : memref<16x64xf32, #tpu.memory_space<vmem>>, vector<16xf32>,
      tpu.vector_store %arg14[%swap3A_1263, %swap3A_1264], %mul3A_1261 {strides = array<i32>} : memref<16x64xf32, #tpu.memory_space<vmem>>, vector<16xf32>,
      %broadcast_in_dim3A_1266 = arith.constant 14 : i32
      %broadcast_in_dim3A_1267 = vector.broadcast %broadcast_in_dim3A_1266 : i32 to vector<16xi32>
      %gather3A_1268 = tpu.vector_load_idx %arg16[%broadcast_in_dim3A_1267] : memref<16xf32, #tpu.memory_space<vmem>>[vector<16xi32>], vector<16xf32>,
      %get3A_1269 = arith.constant 14 : i32
      %get3A_1270 = arith.index_cast %get3A_1269 : i32 to index
      %get3A_1271 = arith.constant 0 : index
      %get3A_1272 = tpu.vector_load %arg13[%get3A_1270, %get3A_1271] {strides = array<i32>} : memref<16x64xf32, #tpu.memory_space<vmem>>, vector<16xf32>,
      %mul3A_1273 = arith.mulf %get3A_1272, %gather3A_1268 : vector<16xf32>
      %swap3A_1274 = arith.constant 14 : i32
      %swap3A_1275 = arith.index_cast %swap3A_1274 : i32 to index
      %swap3A_1276 = arith.constant 0 : index
      %swap3A_1277 = tpu.vector_load %arg14[%swap3A_1275, %swap3A_1276] {strides = array<i32>} : memref<16x64xf32, #tpu.memory_space<vmem>>, vector<16xf32>,
      tpu.vector_store %arg14[%swap3A_1275, %swap3A_1276], %mul3A_1273 {strides = array<i32>} : memref<16x64xf32, #tpu.memory_space<vmem>>, vector<16xf32>,
      %get3A_1278 = arith.constant 14 : i32
      %get3A_1279 = arith.index_cast %get3A_1278 : i32 to index
      %get3A_1280 = arith.constant 16 : index
      %get3A_1281 = tpu.vector_load %arg13[%get3A_1279, %get3A_1280] {strides = array<i32>} : memref<16x64xf32, #tpu.memory_space<vmem>>, vector<16xf32>,
      %mul3A_1282 = arith.mulf %get3A_1281, %gather3A_1268 : vector<16xf32>
      %swap3A_1283 = arith.constant 14 : i32
      %swap3A_1284 = arith.index_cast %swap3A_1283 : i32 to index
      %swap3A_1285 = arith.constant 16 : index
      %swap3A_1286 = tpu.vector_load %arg14[%swap3A_1284, %swap3A_1285] {strides = array<i32>} : memref<16x64xf32, #tpu.memory_space<vmem>>, vector<16xf32>,
      tpu.vector_store %arg14[%swap3A_1284, %swap3A_1285], %mul3A_1282 {strides = array<i32>} : memref<16x64xf32, #tpu.memory_space<vmem>>, vector<16xf32>,
      %get3A_1287 = arith.constant 14 : i32
      %get3A_1288 = arith.index_cast %get3A_1287 : i32 to index
      %get3A_1289 = arith.constant 32 : index
      %get3A_1290 = tpu.vector_load %arg13[%get3A_1288, %get3A_1289] {strides = array<i32>} : memref<16x64xf32, #tpu.memory_space<vmem>>, vector<16xf32>,
      %mul3A_1291 = arith.mulf %get3A_1290, %gather3A_1268 : vector<16xf32>
      %swap3A_1292 = arith.constant 14 : i32
      %swap3A_1293 = arith.index_cast %swap3A_1292 : i32 to index
      %swap3A_1294 = arith.constant 32 : index
      %swap3A_1295 = tpu.vector_load %arg14[%swap3A_1293, %swap3A_1294] {strides = array<i32>} : memref<16x64xf32, #tpu.memory_space<vmem>>, vector<16xf32>,
      tpu.vector_store %arg14[%swap3A_1293, %swap3A_1294], %mul3A_1291 {strides = array<i32>} : memref<16x64xf32, #tpu.memory_space<vmem>>, vector<16xf32>,
      %get3A_1296 = arith.constant 14 : i32
      %get3A_1297 = arith.index_cast %get3A_1296 : i32 to index
      %get3A_1298 = arith.constant 48 : index
      %get3A_1299 = tpu.vector_load %arg13[%get3A_1297, %get3A_1298] {strides = array<i32>} : memref<16x64xf32, #tpu.memory_space<vmem>>, vector<16xf32>,
      %mul3A_1300 = arith.mulf %get3A_1299, %gather3A_1268 : vector<16xf32>
      %swap3A_1301 = arith.constant 14 : i32
      %swap3A_1302 = arith.index_cast %swap3A_1301 : i32 to index
      %swap3A_1303 = arith.constant 48 : index
      %swap3A_1304 = tpu.vector_load %arg14[%swap3A_1302, %swap3A_1303] {strides = array<i32>} : memref<16x64xf32, #tpu.memory_space<vmem>>, vector<16xf32>,
      tpu.vector_store %arg14[%swap3A_1302, %swap3A_1303], %mul3A_1300 {strides = array<i32>} : memref<16x64xf32, #tpu.memory_space<vmem>>, vector<16xf32>,
      %broadcast_in_dim3A_1305 = arith.constant 15 : i32
      %broadcast_in_dim3A_1306 = vector.broadcast %broadcast_in_dim3A_1305 : i32 to vector<16xi32>
      %gather3A_1307 = tpu.vector_load_idx %arg16[%broadcast_in_dim3A_1306] : memref<16xf32, #tpu.memory_space<vmem>>[vector<16xi32>], vector<16xf32>,
      %get3A_1308 = arith.constant 15 : i32
      %get3A_1309 = arith.index_cast %get3A_1308 : i32 to index
      %get3A_1310 = arith.constant 0 : index
      %get3A_1311 = tpu.vector_load %arg13[%get3A_1309, %get3A_1310] {strides = array<i32>} : memref<16x64xf32, #tpu.memory_space<vmem>>, vector<16xf32>,
      %mul3A_1312 = arith.mulf %get3A_1311, %gather3A_1307 : vector<16xf32>
      %swap3A_1313 = arith.constant 15 : i32
      %swap3A_1314 = arith.index_cast %swap3A_1313 : i32 to index
      %swap3A_1315 = arith.constant 0 : index
      %swap3A_1316 = tpu.vector_load %arg14[%swap3A_1314, %swap3A_1315] {strides = array<i32>} : memref<16x64xf32, #tpu.memory_space<vmem>>, vector<16xf32>,
      tpu.vector_store %arg14[%swap3A_1314, %swap3A_1315], %mul3A_1312 {strides = array<i32>} : memref<16x64xf32, #tpu.memory_space<vmem>>, vector<16xf32>,
      %get3A_1317 = arith.constant 15 : i32
      %get3A_1318 = arith.index_cast %get3A_1317 : i32 to index
      %get3A_1319 = arith.constant 16 : index
      %get3A_1320 = tpu.vector_load %arg13[%get3A_1318, %get3A_1319] {strides = array<i32>} : memref<16x64xf32, #tpu.memory_space<vmem>>, vector<16xf32>,
      %mul3A_1321 = arith.mulf %get3A_1320, %gather3A_1307 : vector<16xf32>
      %swap3A_1322 = arith.constant 15 : i32
      %swap3A_1323 = arith.index_cast %swap3A_1322 : i32 to index
      %swap3A_1324 = arith.constant 16 : index
      %swap3A_1325 = tpu.vector_load %arg14[%swap3A_1323, %swap3A_1324] {strides = array<i32>} : memref<16x64xf32, #tpu.memory_space<vmem>>, vector<16xf32>,
      tpu.vector_store %arg14[%swap3A_1323, %swap3A_1324], %mul3A_1321 {strides = array<i32>} : memref<16x64xf32, #tpu.memory_space<vmem>>, vector<16xf32>,
      %get3A_1326 = arith.constant 15 : i32
      %get3A_1327 = arith.index_cast %get3A_1326 : i32 to index
      %get3A_1328 = arith.constant 32 : index
      %get3A_1329 = tpu.vector_load %arg13[%get3A_1327, %get3A_1328] {strides = array<i32>} : memref<16x64xf32, #tpu.memory_space<vmem>>, vector<16xf32>,
      %mul3A_1330 = arith.mulf %get3A_1329, %gather3A_1307 : vector<16xf32>
      %swap3A_1331 = arith.constant 15 : i32
      %swap3A_1332 = arith.index_cast %swap3A_1331 : i32 to index
      %swap3A_1333 = arith.constant 32 : index
      %swap3A_1334 = tpu.vector_load %arg14[%swap3A_1332, %swap3A_1333] {strides = array<i32>} : memref<16x64xf32, #tpu.memory_space<vmem>>, vector<16xf32>,
      tpu.vector_store %arg14[%swap3A_1332, %swap3A_1333], %mul3A_1330 {strides = array<i32>} : memref<16x64xf32, #tpu.memory_space<vmem>>, vector<16xf32>,
      %get3A_1335 = arith.constant 15 : i32
      %get3A_1336 = arith.index_cast %get3A_1335 : i32 to index
      %get3A_1337 = arith.constant 48 : index
      %get3A_1338 = tpu.vector_load %arg13[%get3A_1336, %get3A_1337] {strides = array<i32>} : memref<16x64xf32, #tpu.memory_space<vmem>>, vector<16xf32>,
      %mul3A_1339 = arith.mulf %get3A_1338, %gather3A_1307 : vector<16xf32>
      %swap3A_1340 = arith.constant 15 : i32
      %swap3A_1341 = arith.index_cast %swap3A_1340 : i32 to index
      %swap3A_1342 = arith.constant 48 : index
      %swap3A_1343 = tpu.vector_load %arg14[%swap3A_1341, %swap3A_1342] {strides = array<i32>} : memref<16x64xf32, #tpu.memory_space<vmem>>, vector<16xf32>,
      tpu.vector_store %arg14[%swap3A_1341, %swap3A_1342], %mul3A_1339 {strides = array<i32>} : memref<16x64xf32, #tpu.memory_space<vmem>>, vector<16xf32>,
      "tpu.region"() ({
        %run_scoped3A = tpu.sem_alloc : memref<!tpu.dma_semaphore, #tpu.memory_space<semaphore_mem>>
        %dma_start3A_1344 = arith.constant 0 : i32
        %dma_start3A_1345 = tpu.memref_slice %arg9[%add3A_82, %dma_start3A_1344] : memref<4096x64xf32, #tpu.memory_space<vmem_shared>> -> memref<16x64xf32, #tpu.memory_space<vmem_shared>>
        %dma_start3A_1346 = arith.constant 0 : i32
        %dma_start3A_1347 = tpu.memref_slice %arg9[%add3A_82, %dma_start3A_1346] : memref<4096x64xf32, #tpu.memory_space<vmem_shared>> -> memref<16x64xf32, #tpu.memory_space<vmem_shared>>
        tpu.enqueue_dma source(%arg14 : memref<16x64xf32, #tpu.memory_space<vmem>>) target(%dma_start3A_1347 : memref<16x64xf32, #tpu.memory_space<vmem_shared>>) target_semaphore(%run_scoped3A : memref<!tpu.dma_semaphore, #tpu.memory_space<semaphore_mem>>)
        %dma_wait3A_1348 = arith.constant 0 : i32
        %dma_wait3A_1349 = tpu.memref_slice %arg9[%add3A_82, %dma_wait3A_1348] : memref<4096x64xf32, #tpu.memory_space<vmem_shared>> -> memref<16x64xf32, #tpu.memory_space<vmem_shared>>
        %dma_wait3A_1350 = arith.constant 0 : i32
        %dma_wait3A_1351 = tpu.memref_slice %arg9[%add3A_82, %dma_wait3A_1350] : memref<4096x64xf32, #tpu.memory_space<vmem_shared>> -> memref<16x64xf32, #tpu.memory_space<vmem_shared>>
        tpu.wait_dma2 semaphore(%run_scoped3A : memref<!tpu.dma_semaphore, #tpu.memory_space<semaphore_mem>>) src(%arg14 : memref<16x64xf32, #tpu.memory_space<vmem>>) dst(%dma_wait3A_1351 : memref<16x64xf32, #tpu.memory_space<vmem_shared>>)
        tpu.yield
      }) : () -> ()
    }
    %scan3A_11 = arith.constant 16 : i32
    %eq3A = arith.constant 0 : i32
    %eq3A_12 = arith.cmpi eq, %arg1, %eq3A : i32
    %convert_element_type3A = arith.extui %eq3A_12 : i1 to i32
    %cond3A = arith.constant 0 : i32
    %cond3A_13 = arith.cmpi ne, %convert_element_type3A, %cond3A : i32
    scf.if %cond3A_13 {
      %scan3A_77 = arith.constant 0 : i32
      %scan3A_78 = arith.constant 0 : i32
      %scan3A_79 = arith.constant 256 : i32
      %scan3A_80 = arith.addi %scan3A_78, %scan3A_79 : i32
      %scan3A_81 = arith.constant 1 : i32
      scf.for %scan3A_83 = %scan3A_78 to %scan3A_80 step %scan3A_81  : i32 {
        %mul3A_84 = arith.constant 16 : i32
        %mul3A_85 = arith.muli %scan3A_83, %mul3A_84 : i32
        %add3A_86 = vector.broadcast %mul3A_85 : i32 to vector<16xi32>
        %add3A_87 = arith.addi %iota3A, %add3A_86 : vector<16xi32>
        %mul3A_88 = arith.constant 16 : i32
        %mul3A_89 = arith.muli %scan3A_83, %mul3A_88 : i32
        %swap3A = arith.index_cast %mul3A_89 : i32 to index
        %swap3A_90 = tpu.vector_load %arg11[%swap3A] {strides = array<i32>} : memref<4096xi32, #tpu.memory_space<vmem>>, vector<16xi32>,
        tpu.vector_store %arg11[%swap3A], %add3A_87 {strides = array<i32>} : memref<4096xi32, #tpu.memory_space<vmem>>, vector<16xi32>,
      }
      %scan3A_82 = arith.constant 256 : i32
      "tpu.region"() ({
        %run_scoped3A = tpu.sem_alloc : memref<!tpu.dma_semaphore, #tpu.memory_space<semaphore_mem>>
        %dma_start3A_83 = arith.constant 0 : i32
        %dma_start3A_84 = tpu.memref_slice %arg8[%dma_start3A_83] : memref<1000000xi32, #tpu.memory_space<vmem_shared>> -> memref<1000000xi32, #tpu.memory_space<vmem_shared>>
        tpu.enqueue_indirect_dma source(%arg11 : memref<4096xi32, #tpu.memory_space<vmem>>) target(%dma_start3A_84 : memref<1000000xi32, #tpu.memory_space<vmem_shared>>) offsets(%arg10 : memref<4096xi32, #tpu.memory_space<vmem>>) semaphore(%run_scoped3A : memref<!tpu.dma_semaphore, #tpu.memory_space<semaphore_mem>>)
        %dma_wait3A_85 = arith.constant 0 : i32
        %dma_wait3A_86 = tpu.memref_slice %arg8[%dma_wait3A_85] : memref<1000000xi32, #tpu.memory_space<vmem_shared>> -> memref<1000000xi32, #tpu.memory_space<vmem_shared>>
        tpu.wait_indirect_dma semaphore(%run_scoped3A : memref<!tpu.dma_semaphore, #tpu.memory_space<semaphore_mem>>) src(%arg11 : memref<4096xi32, #tpu.memory_space<vmem>>) dst(%dma_wait3A_86 : memref<1000000xi32, #tpu.memory_space<vmem_shared>>)
        tpu.yield
      }) : () -> ()
    } else {
    }
    %barrier3A = arith.constant 0 : index
    tpu.barrier barrier_id(%barrier3A)
    %get3A = arith.constant 0 : index
    %get3A_14 = tpu.vector_load %arg12[%get3A] {strides = array<i32>} : memref<16xi32, #tpu.memory_space<vmem>>, vector<16xi32>,
    %rem3A = arith.constant 0 : i32
    %rem3A_15 = arith.constant 2 : i32
    %rem3A_16 = arith.remsi %rem3A, %rem3A_15 : i32
    %dma_start3A = arith.constant 0 : i32
    %dma_start3A_17 = arith.constant 0 : i32
    %dma_start3A_18 = tpu.memref_slice %arg20[%rem3A_16, %dma_start3A, %dma_start3A_17] : memref<2x128x64xf32, #tpu.memory_space<vmem>> -> memref<1x128x64xf32, #tpu.memory_space<vmem>>
    %dma_start3A_19 = tpu.memref_squeeze %dma_start3A_18 : memref<1x128x64xf32, #tpu.memory_space<vmem>> -> memref<128x64xf32, #tpu.memory_space<vmem>>
    %dma_start3A_20 = arith.constant 0 : i32
    %dma_start3A_21 = tpu.memref_slice %arg17[%dma_start3A_20] : memref<8192xi32, #tpu.memory_space<vmem>> -> memref<128xi32, #tpu.memory_space<vmem>>
    %dma_start3A_22 = arith.constant 0 : i32
    %dma_start3A_23 = arith.constant 0 : i32
    %dma_start3A_24 = tpu.memref_slice %arg6[%dma_start3A_22, %dma_start3A_23] : memref<1000000x64xf32, #tpu.memory_space<hbm>> -> memref<1000000x64xf32, #tpu.memory_space<hbm>>
    %dma_start3A_25 = tpu.memref_slice %arg23[%rem3A_16] : memref<2x!tpu.dma_semaphore, #tpu.memory_space<semaphore_mem>> -> memref<1x!tpu.dma_semaphore, #tpu.memory_space<semaphore_mem>>
    %dma_start3A_26 = tpu.memref_squeeze %dma_start3A_25 : memref<1x!tpu.dma_semaphore, #tpu.memory_space<semaphore_mem>> -> memref<!tpu.dma_semaphore, #tpu.memory_space<semaphore_mem>>
    tpu.enqueue_indirect_dma source(%dma_start3A_24 : memref<1000000x64xf32, #tpu.memory_space<hbm>>) target(%dma_start3A_19 : memref<128x64xf32, #tpu.memory_space<vmem>>) offsets(%dma_start3A_21 : memref<128xi32, #tpu.memory_space<vmem>>) semaphore(%dma_start3A_26 : memref<!tpu.dma_semaphore, #tpu.memory_space<semaphore_mem>>)
    %dma_start3A_27 = arith.constant 0 : i32
    %dma_start3A_28 = tpu.memref_slice %arg19[%rem3A_16, %dma_start3A_27] : memref<2x128xi32, #tpu.memory_space<vmem>> -> memref<1x128xi32, #tpu.memory_space<vmem>>
    %dma_start3A_29 = tpu.memref_squeeze %dma_start3A_28 : memref<1x128xi32, #tpu.memory_space<vmem>> -> memref<128xi32, #tpu.memory_space<vmem>>
    %dma_start3A_30 = arith.constant 0 : i32
    %dma_start3A_31 = tpu.memref_slice %arg17[%dma_start3A_30] : memref<8192xi32, #tpu.memory_space<vmem>> -> memref<128xi32, #tpu.memory_space<vmem>>
    %dma_start3A_32 = arith.constant 0 : i32
    %dma_start3A_33 = tpu.memref_slice %arg8[%dma_start3A_32] : memref<1000000xi32, #tpu.memory_space<vmem_shared>> -> memref<1000000xi32, #tpu.memory_space<vmem_shared>>
    %dma_start3A_34 = tpu.memref_slice %arg24[%rem3A_16] : memref<2x!tpu.dma_semaphore, #tpu.memory_space<semaphore_mem>> -> memref<1x!tpu.dma_semaphore, #tpu.memory_space<semaphore_mem>>
    %dma_start3A_35 = tpu.memref_squeeze %dma_start3A_34 : memref<1x!tpu.dma_semaphore, #tpu.memory_space<semaphore_mem>> -> memref<!tpu.dma_semaphore, #tpu.memory_space<semaphore_mem>>
    tpu.enqueue_indirect_dma source(%dma_start3A_33 : memref<1000000xi32, #tpu.memory_space<vmem_shared>>) target(%dma_start3A_29 : memref<128xi32, #tpu.memory_space<vmem>>) offsets(%dma_start3A_31 : memref<128xi32, #tpu.memory_space<vmem>>) semaphore(%dma_start3A_35 : memref<!tpu.dma_semaphore, #tpu.memory_space<semaphore_mem>>)
    %scan3A_36 = arith.constant 0 : i32
    %scan3A_37 = arith.constant 0 : i32
    %scan3A_38 = arith.constant 64 : i32
    %scan3A_39 = arith.addi %scan3A_37, %scan3A_38 : i32
    %scan3A_40 = arith.constant 1 : i32
    scf.for %scan3A_77 = %scan3A_37 to %scan3A_39 step %scan3A_40  : i32 {
      %rem3A_78 = arith.constant 2 : i32
      %rem3A_79 = arith.remsi %scan3A_77, %rem3A_78 : i32
      %mul3A_80 = arith.constant 128 : i32
      %mul3A_81 = arith.muli %add3A, %mul3A_80 : i32
      %mul3A_82 = arith.constant 2 : i32
      %mul3A_83 = arith.muli %scan3A_77, %mul3A_82 : i32
      %add3A_84 = arith.addi %mul3A_81, %mul3A_83 : i32
      %mul3A_85 = arith.constant 64 : i32
      %mul3A_86 = arith.muli %add3A_84, %mul3A_85 : i32
      %add3A_87 = arith.constant 1 : i32
      %add3A_88 = arith.addi %scan3A_77, %add3A_87 : i32
      %lt3A = arith.constant 64 : i32
      %lt3A_89 = arith.cmpi slt, %add3A_88, %lt3A : i32
      %convert_element_type3A_90 = arith.extui %lt3A_89 : i1 to i32
      %cond3A_91 = arith.constant 0 : i32
      %cond3A_92 = arith.cmpi ne, %convert_element_type3A_90, %cond3A_91 : i32
      scf.if %cond3A_92 {
        %add3A_133 = arith.constant 1 : i32
        %add3A_134 = arith.addi %scan3A_77, %add3A_133 : i32
        %rem3A_135 = arith.constant 2 : i32
        %rem3A_136 = arith.remsi %add3A_134, %rem3A_135 : i32
        %mul3A_137 = arith.constant 128 : i32
        %mul3A_138 = arith.muli %add3A_134, %mul3A_137 : i32
        %dma_start3A_139 = arith.constant 0 : i32
        %dma_start3A_140 = arith.constant 0 : i32
        %dma_start3A_141 = tpu.memref_slice %arg20[%rem3A_136, %dma_start3A_139, %dma_start3A_140] : memref<2x128x64xf32, #tpu.memory_space<vmem>> -> memref<1x128x64xf32, #tpu.memory_space<vmem>>
        %dma_start3A_142 = tpu.memref_squeeze %dma_start3A_141 : memref<1x128x64xf32, #tpu.memory_space<vmem>> -> memref<128x64xf32, #tpu.memory_space<vmem>>
        %dma_start3A_143 = tpu.memref_slice %arg17[%mul3A_138] : memref<8192xi32, #tpu.memory_space<vmem>> -> memref<128xi32, #tpu.memory_space<vmem>>
        %dma_start3A_144 = arith.constant 0 : i32
        %dma_start3A_145 = arith.constant 0 : i32
        %dma_start3A_146 = tpu.memref_slice %arg6[%dma_start3A_144, %dma_start3A_145] : memref<1000000x64xf32, #tpu.memory_space<hbm>> -> memref<1000000x64xf32, #tpu.memory_space<hbm>>
        %dma_start3A_147 = tpu.memref_slice %arg23[%rem3A_136] : memref<2x!tpu.dma_semaphore, #tpu.memory_space<semaphore_mem>> -> memref<1x!tpu.dma_semaphore, #tpu.memory_space<semaphore_mem>>
        %dma_start3A_148 = tpu.memref_squeeze %dma_start3A_147 : memref<1x!tpu.dma_semaphore, #tpu.memory_space<semaphore_mem>> -> memref<!tpu.dma_semaphore, #tpu.memory_space<semaphore_mem>>
        tpu.enqueue_indirect_dma source(%dma_start3A_146 : memref<1000000x64xf32, #tpu.memory_space<hbm>>) target(%dma_start3A_142 : memref<128x64xf32, #tpu.memory_space<vmem>>) offsets(%dma_start3A_143 : memref<128xi32, #tpu.memory_space<vmem>>) semaphore(%dma_start3A_148 : memref<!tpu.dma_semaphore, #tpu.memory_space<semaphore_mem>>)
        %dma_start3A_149 = arith.constant 0 : i32
        %dma_start3A_150 = tpu.memref_slice %arg19[%rem3A_136, %dma_start3A_149] : memref<2x128xi32, #tpu.memory_space<vmem>> -> memref<1x128xi32, #tpu.memory_space<vmem>>
        %dma_start3A_151 = tpu.memref_squeeze %dma_start3A_150 : memref<1x128xi32, #tpu.memory_space<vmem>> -> memref<128xi32, #tpu.memory_space<vmem>>
        %dma_start3A_152 = tpu.memref_slice %arg17[%mul3A_138] : memref<8192xi32, #tpu.memory_space<vmem>> -> memref<128xi32, #tpu.memory_space<vmem>>
        %dma_start3A_153 = arith.constant 0 : i32
        %dma_start3A_154 = tpu.memref_slice %arg8[%dma_start3A_153] : memref<1000000xi32, #tpu.memory_space<vmem_shared>> -> memref<1000000xi32, #tpu.memory_space<vmem_shared>>
        %dma_start3A_155 = tpu.memref_slice %arg24[%rem3A_136] : memref<2x!tpu.dma_semaphore, #tpu.memory_space<semaphore_mem>> -> memref<1x!tpu.dma_semaphore, #tpu.memory_space<semaphore_mem>>
        %dma_start3A_156 = tpu.memref_squeeze %dma_start3A_155 : memref<1x!tpu.dma_semaphore, #tpu.memory_space<semaphore_mem>> -> memref<!tpu.dma_semaphore, #tpu.memory_space<semaphore_mem>>
        tpu.enqueue_indirect_dma source(%dma_start3A_154 : memref<1000000xi32, #tpu.memory_space<vmem_shared>>) target(%dma_start3A_151 : memref<128xi32, #tpu.memory_space<vmem>>) offsets(%dma_start3A_152 : memref<128xi32, #tpu.memory_space<vmem>>) semaphore(%dma_start3A_156 : memref<!tpu.dma_semaphore, #tpu.memory_space<semaphore_mem>>)
      } else {
      }
      %mul3A_93 = arith.constant 128 : i32
      %mul3A_94 = arith.muli %scan3A_77, %mul3A_93 : i32
      %dma_wait3A_95 = arith.constant 0 : i32
      %dma_wait3A_96 = arith.constant 0 : i32
      %dma_wait3A_97 = tpu.memref_slice %arg20[%rem3A_79, %dma_wait3A_95, %dma_wait3A_96] : memref<2x128x64xf32, #tpu.memory_space<vmem>> -> memref<1x128x64xf32, #tpu.memory_space<vmem>>
      %dma_wait3A_98 = tpu.memref_squeeze %dma_wait3A_97 : memref<1x128x64xf32, #tpu.memory_space<vmem>> -> memref<128x64xf32, #tpu.memory_space<vmem>>
      %dma_wait3A_99 = tpu.memref_slice %arg17[%mul3A_94] : memref<8192xi32, #tpu.memory_space<vmem>> -> memref<128xi32, #tpu.memory_space<vmem>>
      %dma_wait3A_100 = arith.constant 0 : i32
      %dma_wait3A_101 = arith.constant 0 : i32
      %dma_wait3A_102 = tpu.memref_slice %arg6[%dma_wait3A_100, %dma_wait3A_101] : memref<1000000x64xf32, #tpu.memory_space<hbm>> -> memref<1000000x64xf32, #tpu.memory_space<hbm>>
      %dma_wait3A_103 = tpu.memref_slice %arg23[%rem3A_79] : memref<2x!tpu.dma_semaphore, #tpu.memory_space<semaphore_mem>> -> memref<1x!tpu.dma_semaphore, #tpu.memory_space<semaphore_mem>>
      %dma_wait3A_104 = tpu.memref_squeeze %dma_wait3A_103 : memref<1x!tpu.dma_semaphore, #tpu.memory_space<semaphore_mem>> -> memref<!tpu.dma_semaphore, #tpu.memory_space<semaphore_mem>>
      tpu.wait_indirect_dma semaphore(%dma_wait3A_104 : memref<!tpu.dma_semaphore, #tpu.memory_space<semaphore_mem>>) src(%dma_wait3A_102 : memref<1000000x64xf32, #tpu.memory_space<hbm>>) dst(%dma_wait3A_98 : memref<128x64xf32, #tpu.memory_space<vmem>>)
      %dma_wait3A_105 = arith.constant 0 : i32
      %dma_wait3A_106 = tpu.memref_slice %arg19[%rem3A_79, %dma_wait3A_105] : memref<2x128xi32, #tpu.memory_space<vmem>> -> memref<1x128xi32, #tpu.memory_space<vmem>>
      %dma_wait3A_107 = tpu.memref_squeeze %dma_wait3A_106 : memref<1x128xi32, #tpu.memory_space<vmem>> -> memref<128xi32, #tpu.memory_space<vmem>>
      %dma_wait3A_108 = tpu.memref_slice %arg17[%mul3A_94] : memref<8192xi32, #tpu.memory_space<vmem>> -> memref<128xi32, #tpu.memory_space<vmem>>
      %dma_wait3A_109 = arith.constant 0 : i32
      %dma_wait3A_110 = tpu.memref_slice %arg8[%dma_wait3A_109] : memref<1000000xi32, #tpu.memory_space<vmem_shared>> -> memref<1000000xi32, #tpu.memory_space<vmem_shared>>
      %dma_wait3A_111 = tpu.memref_slice %arg24[%rem3A_79] : memref<2x!tpu.dma_semaphore, #tpu.memory_space<semaphore_mem>> -> memref<1x!tpu.dma_semaphore, #tpu.memory_space<semaphore_mem>>
      %dma_wait3A_112 = tpu.memref_squeeze %dma_wait3A_111 : memref<1x!tpu.dma_semaphore, #tpu.memory_space<semaphore_mem>> -> memref<!tpu.dma_semaphore, #tpu.memory_space<semaphore_mem>>
      tpu.wait_indirect_dma semaphore(%dma_wait3A_112 : memref<!tpu.dma_semaphore, #tpu.memory_space<semaphore_mem>>) src(%dma_wait3A_110 : memref<1000000xi32, #tpu.memory_space<vmem_shared>>) dst(%dma_wait3A_107 : memref<128xi32, #tpu.memory_space<vmem>>)
      %ge3A = arith.constant 2 : i32
      %ge3A_113 = arith.cmpi sge, %scan3A_77, %ge3A : i32
      %convert_element_type3A_114 = arith.extui %ge3A_113 : i1 to i32
      %cond3A_115 = arith.constant 0 : i32
      %cond3A_116 = arith.cmpi ne, %convert_element_type3A_114, %cond3A_115 : i32
      scf.if %cond3A_116 {
        %dma_wait3A_133 = arith.constant 0 : i32
        %dma_wait3A_134 = tpu.memref_slice %arg22[%rem3A_79, %dma_wait3A_133] : memref<2x128xf32, #tpu.memory_space<vmem>> -> memref<1x128xf32, #tpu.memory_space<vmem>>
        %dma_wait3A_135 = tpu.memref_squeeze %dma_wait3A_134 : memref<1x128xf32, #tpu.memory_space<vmem>> -> memref<128xf32, #tpu.memory_space<vmem>>
        %dma_wait3A_136 = tpu.memref_slice %arg7[%mul3A_86] : memref<262144xf32, #tpu.memory_space<hbm>> -> memref<128xf32, #tpu.memory_space<hbm>>
        %dma_wait3A_137 = tpu.memref_slice %arg25[%rem3A_79] : memref<2x!tpu.dma_semaphore, #tpu.memory_space<semaphore_mem>> -> memref<1x!tpu.dma_semaphore, #tpu.memory_space<semaphore_mem>>
        %dma_wait3A_138 = tpu.memref_squeeze %dma_wait3A_137 : memref<1x!tpu.dma_semaphore, #tpu.memory_space<semaphore_mem>> -> memref<!tpu.dma_semaphore, #tpu.memory_space<semaphore_mem>>
        %dma_wait3A_139 = tpu.memref_slice %arg7[%mul3A_86] : memref<262144xf32, #tpu.memory_space<hbm>> -> memref<128xf32, #tpu.memory_space<hbm>>
        %dma_wait3A_140 = arith.constant 0 : i32
        %dma_wait3A_141 = tpu.memref_slice %arg22[%rem3A_79, %dma_wait3A_140] : memref<2x128xf32, #tpu.memory_space<vmem>> -> memref<1x128xf32, #tpu.memory_space<vmem>>
        %dma_wait3A_142 = tpu.memref_squeeze %dma_wait3A_141 : memref<1x128xf32, #tpu.memory_space<vmem>> -> memref<128xf32, #tpu.memory_space<vmem>>
        tpu.wait_dma2 semaphore(%dma_wait3A_138 : memref<!tpu.dma_semaphore, #tpu.memory_space<semaphore_mem>>) src(%dma_wait3A_142 : memref<128xf32, #tpu.memory_space<vmem>>) dst(%dma_wait3A_139 : memref<128xf32, #tpu.memory_space<hbm>>)
      } else {
      }
      %scan3A_117 = arith.constant 0 : i32
      %scan3A_118 = arith.constant 0 : i32
      %scan3A_119 = arith.constant 4 : i32
      %scan3A_120 = arith.addi %scan3A_118, %scan3A_119 : i32
      %scan3A_121 = arith.constant 1 : i32
      scf.for %scan3A_133 = %scan3A_118 to %scan3A_120 step %scan3A_121  : i32 {
        %mul3A_134 = arith.constant 2 : i32
        %mul3A_135 = arith.muli %scan3A_133, %mul3A_134 : i32
        %add3A_136 = arith.constant 0 : i32
        %add3A_137 = arith.addi %mul3A_135, %add3A_136 : i32
        %jit3A = arith.constant 4 : i32
        %div3A = arith.divsi %add3A_137, %jit3A : i32
        %sign3A = arith.constant 0 : i32
        %sign3A_138 = arith.cmpi sgt, %add3A_137, %sign3A : i32
        %sign3A_139 = arith.extui %sign3A_138 : i1 to i32
        %sign3A_140 = arith.constant 0 : i32
        %sign3A_141 = arith.cmpi slt, %add3A_137, %sign3A_140 : i32
        %sign3A_142 = arith.extui %sign3A_141 : i1 to i32
        %sign3A_143 = arith.subi %sign3A_139, %sign3A_142 : i32
        %sign3A_144 = arith.constant 0 : i32
        %sign3A_145 = arith.cmpi sgt, %jit3A, %sign3A_144 : i32
        %sign3A_146 = arith.extui %sign3A_145 : i1 to i32
        %sign3A_147 = arith.constant 0 : i32
        %sign3A_148 = arith.cmpi slt, %jit3A, %sign3A_147 : i32
        %sign3A_149 = arith.extui %sign3A_148 : i1 to i32
        %sign3A_150 = arith.subi %sign3A_146, %sign3A_149 : i32
        %ne3A = arith.cmpi ne, %sign3A_143, %sign3A_150 : i32
        %rem3A_151 = arith.remsi %add3A_137, %jit3A : i32
        %ne3A_152 = arith.constant 0 : i32
        %ne3A_153 = arith.cmpi ne, %rem3A_151, %ne3A_152 : i32
        %and3A = arith.andi %ne3A, %ne3A_153 : i1
        %sub3A = arith.constant 1 : i32
        %sub3A_154 = arith.subi %div3A, %sub3A : i32
        %select_n3A = arith.select %and3A, %sub3A_154, %div3A : i32
        %mul3A_155 = arith.constant 16 : i32
        %mul3A_156 = arith.muli %add3A_137, %mul3A_155 : i32
        %mul3A_157 = arith.constant 2 : i32
        %mul3A_158 = arith.muli %scan3A_77, %mul3A_157 : i32
        %add3A_159 = arith.addi %mul3A_158, %select_n3A : i32
        %get3A_160 = arith.index_cast %add3A_159 : i32 to index
        %get3A_161 = arith.constant 0 : index
        %get3A_162 = tpu.vector_load %arg18[%get3A_160, %get3A_161] {strides = array<i32>} : memref<128x64xf32, #tpu.memory_space<vmem>>, vector<16xf32>,
        %mul3A_163 = arith.constant 2 : i32
        %mul3A_164 = arith.muli %scan3A_77, %mul3A_163 : i32
        %add3A_165 = arith.addi %mul3A_164, %select_n3A : i32
        %get3A_166 = arith.index_cast %add3A_165 : i32 to index
        %get3A_167 = arith.constant 16 : index
        %get3A_168 = tpu.vector_load %arg18[%get3A_166, %get3A_167] {strides = array<i32>} : memref<128x64xf32, #tpu.memory_space<vmem>>, vector<16xf32>,
        %mul3A_169 = arith.constant 2 : i32
        %mul3A_170 = arith.muli %scan3A_77, %mul3A_169 : i32
        %add3A_171 = arith.addi %mul3A_170, %select_n3A : i32
        %get3A_172 = arith.index_cast %add3A_171 : i32 to index
        %get3A_173 = arith.constant 32 : index
        %get3A_174 = tpu.vector_load %arg18[%get3A_172, %get3A_173] {strides = array<i32>} : memref<128x64xf32, #tpu.memory_space<vmem>>, vector<16xf32>,
        %mul3A_175 = arith.constant 2 : i32
        %mul3A_176 = arith.muli %scan3A_77, %mul3A_175 : i32
        %add3A_177 = arith.addi %mul3A_176, %select_n3A : i32
        %get3A_178 = arith.index_cast %add3A_177 : i32 to index
        %get3A_179 = arith.constant 48 : index
        %get3A_180 = tpu.vector_load %arg18[%get3A_178, %get3A_179] {strides = array<i32>} : memref<128x64xf32, #tpu.memory_space<vmem>>, vector<16xf32>,
        %get3A_181 = arith.constant 0 : i32
        %get3A_182 = arith.constant 0 : i32
        %get3A_183 = tpu.memref_slice %arg20[%rem3A_79, %mul3A_156, %get3A_182] : memref<2x128x64xf32, #tpu.memory_space<vmem>> -> memref<1x16x64xf32, #tpu.memory_space<vmem>>
        %get3A_184 = tpu.memref_squeeze %get3A_183 : memref<1x16x64xf32, #tpu.memory_space<vmem>> -> memref<16x64xf32, #tpu.memory_space<vmem>>
        %get3A_185 = arith.index_cast %get3A_181 : i32 to index
        %get3A_186 = arith.constant 0 : index
        %get3A_187 = tpu.vector_load %get3A_184[%get3A_185, %get3A_186] {strides = array<i32>} : memref<16x64xf32, #tpu.memory_space<vmem>>, vector<16xf32>,
        %mul3A_188 = arith.mulf %get3A_187, %get3A_162 : vector<16xf32>
        %get3A_189 = arith.constant 0 : i32
        %get3A_190 = arith.constant 0 : i32
        %get3A_191 = tpu.memref_slice %arg20[%rem3A_79, %mul3A_156, %get3A_190] : memref<2x128x64xf32, #tpu.memory_space<vmem>> -> memref<1x16x64xf32, #tpu.memory_space<vmem>>
        %get3A_192 = tpu.memref_squeeze %get3A_191 : memref<1x16x64xf32, #tpu.memory_space<vmem>> -> memref<16x64xf32, #tpu.memory_space<vmem>>
        %get3A_193 = arith.index_cast %get3A_189 : i32 to index
        %get3A_194 = arith.constant 16 : index
        %get3A_195 = tpu.vector_load %get3A_192[%get3A_193, %get3A_194] {strides = array<i32>} : memref<16x64xf32, #tpu.memory_space<vmem>>, vector<16xf32>,
        %mul3A_196 = arith.mulf %get3A_195, %get3A_168 : vector<16xf32>
        %add3A_197 = arith.addf %mul3A_188, %mul3A_196 : vector<16xf32>
        %get3A_198 = arith.constant 0 : i32
        %get3A_199 = arith.constant 0 : i32
        %get3A_200 = tpu.memref_slice %arg20[%rem3A_79, %mul3A_156, %get3A_199] : memref<2x128x64xf32, #tpu.memory_space<vmem>> -> memref<1x16x64xf32, #tpu.memory_space<vmem>>
        %get3A_201 = tpu.memref_squeeze %get3A_200 : memref<1x16x64xf32, #tpu.memory_space<vmem>> -> memref<16x64xf32, #tpu.memory_space<vmem>>
        %get3A_202 = arith.index_cast %get3A_198 : i32 to index
        %get3A_203 = arith.constant 32 : index
        %get3A_204 = tpu.vector_load %get3A_201[%get3A_202, %get3A_203] {strides = array<i32>} : memref<16x64xf32, #tpu.memory_space<vmem>>, vector<16xf32>,
        %mul3A_205 = arith.mulf %get3A_204, %get3A_174 : vector<16xf32>
        %add3A_206 = arith.addf %add3A_197, %mul3A_205 : vector<16xf32>
        %get3A_207 = arith.constant 0 : i32
        %get3A_208 = arith.constant 0 : i32
        %get3A_209 = tpu.memref_slice %arg20[%rem3A_79, %mul3A_156, %get3A_208] : memref<2x128x64xf32, #tpu.memory_space<vmem>> -> memref<1x16x64xf32, #tpu.memory_space<vmem>>
        %get3A_210 = tpu.memref_squeeze %get3A_209 : memref<1x16x64xf32, #tpu.memory_space<vmem>> -> memref<16x64xf32, #tpu.memory_space<vmem>>
        %get3A_211 = arith.index_cast %get3A_207 : i32 to index
        %get3A_212 = arith.constant 48 : index
        %get3A_213 = tpu.vector_load %get3A_210[%get3A_211, %get3A_212] {strides = array<i32>} : memref<16x64xf32, #tpu.memory_space<vmem>>, vector<16xf32>,
        %mul3A_214 = arith.mulf %get3A_213, %get3A_180 : vector<16xf32>
        %add3A_215 = arith.addf %add3A_206, %mul3A_214 : vector<16xf32>
        %mul3A_216 = arith.constant 17 : i32
        %mul3A_217 = vector.broadcast %mul3A_216 : i32 to vector<16xi32>
        %mul3A_218 = arith.muli %iota3A, %mul3A_217 : vector<16xi32>
        %add3A_219 = arith.constant 0 : i32
        %add3A_220 = vector.broadcast %add3A_219 : i32 to vector<16xi32>
        %add3A_221 = arith.addi %mul3A_218, %add3A_220 : vector<16xi32>
        %scatter3A = arith.constant 0 : i32
        %scatter3A_222 = arith.constant 0 : i32
        %scatter3A_223 = tpu.memref_slice %arg15[%scatter3A, %scatter3A_222] : memref<2x272xf32, #tpu.memory_space<vmem>> -> memref<1x272xf32, #tpu.memory_space<vmem>>
        %scatter3A_224 = tpu.memref_squeeze %scatter3A_223 : memref<1x272xf32, #tpu.memory_space<vmem>> -> memref<272xf32, #tpu.memory_space<vmem>>
        tpu.vector_store_idx %scatter3A_224[%add3A_221], %add3A_215 : memref<272xf32, #tpu.memory_space<vmem>>[vector<16xi32>], vector<16xf32>,
        %get3A_225 = arith.constant 1 : i32
        %get3A_226 = arith.constant 0 : i32
        %get3A_227 = tpu.memref_slice %arg20[%rem3A_79, %mul3A_156, %get3A_226] : memref<2x128x64xf32, #tpu.memory_space<vmem>> -> memref<1x16x64xf32, #tpu.memory_space<vmem>>
        %get3A_228 = tpu.memref_squeeze %get3A_227 : memref<1x16x64xf32, #tpu.memory_space<vmem>> -> memref<16x64xf32, #tpu.memory_space<vmem>>
        %get3A_229 = arith.index_cast %get3A_225 : i32 to index
        %get3A_230 = arith.constant 0 : index
        %get3A_231 = tpu.vector_load %get3A_228[%get3A_229, %get3A_230] {strides = array<i32>} : memref<16x64xf32, #tpu.memory_space<vmem>>, vector<16xf32>,
        %mul3A_232 = arith.mulf %get3A_231, %get3A_162 : vector<16xf32>
        %get3A_233 = arith.constant 1 : i32
        %get3A_234 = arith.constant 0 : i32
        %get3A_235 = tpu.memref_slice %arg20[%rem3A_79, %mul3A_156, %get3A_234] : memref<2x128x64xf32, #tpu.memory_space<vmem>> -> memref<1x16x64xf32, #tpu.memory_space<vmem>>
        %get3A_236 = tpu.memref_squeeze %get3A_235 : memref<1x16x64xf32, #tpu.memory_space<vmem>> -> memref<16x64xf32, #tpu.memory_space<vmem>>
        %get3A_237 = arith.index_cast %get3A_233 : i32 to index
        %get3A_238 = arith.constant 16 : index
        %get3A_239 = tpu.vector_load %get3A_236[%get3A_237, %get3A_238] {strides = array<i32>} : memref<16x64xf32, #tpu.memory_space<vmem>>, vector<16xf32>,
        %mul3A_240 = arith.mulf %get3A_239, %get3A_168 : vector<16xf32>
        %add3A_241 = arith.addf %mul3A_232, %mul3A_240 : vector<16xf32>
        %get3A_242 = arith.constant 1 : i32
        %get3A_243 = arith.constant 0 : i32
        %get3A_244 = tpu.memref_slice %arg20[%rem3A_79, %mul3A_156, %get3A_243] : memref<2x128x64xf32, #tpu.memory_space<vmem>> -> memref<1x16x64xf32, #tpu.memory_space<vmem>>
        %get3A_245 = tpu.memref_squeeze %get3A_244 : memref<1x16x64xf32, #tpu.memory_space<vmem>> -> memref<16x64xf32, #tpu.memory_space<vmem>>
        %get3A_246 = arith.index_cast %get3A_242 : i32 to index
        %get3A_247 = arith.constant 32 : index
        %get3A_248 = tpu.vector_load %get3A_245[%get3A_246, %get3A_247] {strides = array<i32>} : memref<16x64xf32, #tpu.memory_space<vmem>>, vector<16xf32>,
        %mul3A_249 = arith.mulf %get3A_248, %get3A_174 : vector<16xf32>
        %add3A_250 = arith.addf %add3A_241, %mul3A_249 : vector<16xf32>
        %get3A_251 = arith.constant 1 : i32
        %get3A_252 = arith.constant 0 : i32
        %get3A_253 = tpu.memref_slice %arg20[%rem3A_79, %mul3A_156, %get3A_252] : memref<2x128x64xf32, #tpu.memory_space<vmem>> -> memref<1x16x64xf32, #tpu.memory_space<vmem>>
        %get3A_254 = tpu.memref_squeeze %get3A_253 : memref<1x16x64xf32, #tpu.memory_space<vmem>> -> memref<16x64xf32, #tpu.memory_space<vmem>>
        %get3A_255 = arith.index_cast %get3A_251 : i32 to index
        %get3A_256 = arith.constant 48 : index
        %get3A_257 = tpu.vector_load %get3A_254[%get3A_255, %get3A_256] {strides = array<i32>} : memref<16x64xf32, #tpu.memory_space<vmem>>, vector<16xf32>,
        %mul3A_258 = arith.mulf %get3A_257, %get3A_180 : vector<16xf32>
        %add3A_259 = arith.addf %add3A_250, %mul3A_258 : vector<16xf32>
        %mul3A_260 = arith.constant 17 : i32
        %mul3A_261 = vector.broadcast %mul3A_260 : i32 to vector<16xi32>
        %mul3A_262 = arith.muli %iota3A, %mul3A_261 : vector<16xi32>
        %add3A_263 = arith.constant 1 : i32
        %add3A_264 = vector.broadcast %add3A_263 : i32 to vector<16xi32>
        %add3A_265 = arith.addi %mul3A_262, %add3A_264 : vector<16xi32>
        %scatter3A_266 = arith.constant 0 : i32
        %scatter3A_267 = arith.constant 0 : i32
        %scatter3A_268 = tpu.memref_slice %arg15[%scatter3A_266, %scatter3A_267] : memref<2x272xf32, #tpu.memory_space<vmem>> -> memref<1x272xf32, #tpu.memory_space<vmem>>
        %scatter3A_269 = tpu.memref_squeeze %scatter3A_268 : memref<1x272xf32, #tpu.memory_space<vmem>> -> memref<272xf32, #tpu.memory_space<vmem>>
        tpu.vector_store_idx %scatter3A_269[%add3A_265], %add3A_259 : memref<272xf32, #tpu.memory_space<vmem>>[vector<16xi32>], vector<16xf32>,
        %get3A_270 = arith.constant 2 : i32
        %get3A_271 = arith.constant 0 : i32
        %get3A_272 = tpu.memref_slice %arg20[%rem3A_79, %mul3A_156, %get3A_271] : memref<2x128x64xf32, #tpu.memory_space<vmem>> -> memref<1x16x64xf32, #tpu.memory_space<vmem>>
        %get3A_273 = tpu.memref_squeeze %get3A_272 : memref<1x16x64xf32, #tpu.memory_space<vmem>> -> memref<16x64xf32, #tpu.memory_space<vmem>>
        %get3A_274 = arith.index_cast %get3A_270 : i32 to index
        %get3A_275 = arith.constant 0 : index
        %get3A_276 = tpu.vector_load %get3A_273[%get3A_274, %get3A_275] {strides = array<i32>} : memref<16x64xf32, #tpu.memory_space<vmem>>, vector<16xf32>,
        %mul3A_277 = arith.mulf %get3A_276, %get3A_162 : vector<16xf32>
        %get3A_278 = arith.constant 2 : i32
        %get3A_279 = arith.constant 0 : i32
        %get3A_280 = tpu.memref_slice %arg20[%rem3A_79, %mul3A_156, %get3A_279] : memref<2x128x64xf32, #tpu.memory_space<vmem>> -> memref<1x16x64xf32, #tpu.memory_space<vmem>>
        %get3A_281 = tpu.memref_squeeze %get3A_280 : memref<1x16x64xf32, #tpu.memory_space<vmem>> -> memref<16x64xf32, #tpu.memory_space<vmem>>
        %get3A_282 = arith.index_cast %get3A_278 : i32 to index
        %get3A_283 = arith.constant 16 : index
        %get3A_284 = tpu.vector_load %get3A_281[%get3A_282, %get3A_283] {strides = array<i32>} : memref<16x64xf32, #tpu.memory_space<vmem>>, vector<16xf32>,
        %mul3A_285 = arith.mulf %get3A_284, %get3A_168 : vector<16xf32>
        %add3A_286 = arith.addf %mul3A_277, %mul3A_285 : vector<16xf32>
        %get3A_287 = arith.constant 2 : i32
        %get3A_288 = arith.constant 0 : i32
        %get3A_289 = tpu.memref_slice %arg20[%rem3A_79, %mul3A_156, %get3A_288] : memref<2x128x64xf32, #tpu.memory_space<vmem>> -> memref<1x16x64xf32, #tpu.memory_space<vmem>>
        %get3A_290 = tpu.memref_squeeze %get3A_289 : memref<1x16x64xf32, #tpu.memory_space<vmem>> -> memref<16x64xf32, #tpu.memory_space<vmem>>
        %get3A_291 = arith.index_cast %get3A_287 : i32 to index
        %get3A_292 = arith.constant 32 : index
        %get3A_293 = tpu.vector_load %get3A_290[%get3A_291, %get3A_292] {strides = array<i32>} : memref<16x64xf32, #tpu.memory_space<vmem>>, vector<16xf32>,
        %mul3A_294 = arith.mulf %get3A_293, %get3A_174 : vector<16xf32>
        %add3A_295 = arith.addf %add3A_286, %mul3A_294 : vector<16xf32>
        %get3A_296 = arith.constant 2 : i32
        %get3A_297 = arith.constant 0 : i32
        %get3A_298 = tpu.memref_slice %arg20[%rem3A_79, %mul3A_156, %get3A_297] : memref<2x128x64xf32, #tpu.memory_space<vmem>> -> memref<1x16x64xf32, #tpu.memory_space<vmem>>
        %get3A_299 = tpu.memref_squeeze %get3A_298 : memref<1x16x64xf32, #tpu.memory_space<vmem>> -> memref<16x64xf32, #tpu.memory_space<vmem>>
        %get3A_300 = arith.index_cast %get3A_296 : i32 to index
        %get3A_301 = arith.constant 48 : index
        %get3A_302 = tpu.vector_load %get3A_299[%get3A_300, %get3A_301] {strides = array<i32>} : memref<16x64xf32, #tpu.memory_space<vmem>>, vector<16xf32>,
        %mul3A_303 = arith.mulf %get3A_302, %get3A_180 : vector<16xf32>
        %add3A_304 = arith.addf %add3A_295, %mul3A_303 : vector<16xf32>
        %mul3A_305 = arith.constant 17 : i32
        %mul3A_306 = vector.broadcast %mul3A_305 : i32 to vector<16xi32>
        %mul3A_307 = arith.muli %iota3A, %mul3A_306 : vector<16xi32>
        %add3A_308 = arith.constant 2 : i32
        %add3A_309 = vector.broadcast %add3A_308 : i32 to vector<16xi32>
        %add3A_310 = arith.addi %mul3A_307, %add3A_309 : vector<16xi32>
        %scatter3A_311 = arith.constant 0 : i32
        %scatter3A_312 = arith.constant 0 : i32
        %scatter3A_313 = tpu.memref_slice %arg15[%scatter3A_311, %scatter3A_312] : memref<2x272xf32, #tpu.memory_space<vmem>> -> memref<1x272xf32, #tpu.memory_space<vmem>>
        %scatter3A_314 = tpu.memref_squeeze %scatter3A_313 : memref<1x272xf32, #tpu.memory_space<vmem>> -> memref<272xf32, #tpu.memory_space<vmem>>
        tpu.vector_store_idx %scatter3A_314[%add3A_310], %add3A_304 : memref<272xf32, #tpu.memory_space<vmem>>[vector<16xi32>], vector<16xf32>,
        %get3A_315 = arith.constant 3 : i32
        %get3A_316 = arith.constant 0 : i32
        %get3A_317 = tpu.memref_slice %arg20[%rem3A_79, %mul3A_156, %get3A_316] : memref<2x128x64xf32, #tpu.memory_space<vmem>> -> memref<1x16x64xf32, #tpu.memory_space<vmem>>
        %get3A_318 = tpu.memref_squeeze %get3A_317 : memref<1x16x64xf32, #tpu.memory_space<vmem>> -> memref<16x64xf32, #tpu.memory_space<vmem>>
        %get3A_319 = arith.index_cast %get3A_315 : i32 to index
        %get3A_320 = arith.constant 0 : index
        %get3A_321 = tpu.vector_load %get3A_318[%get3A_319, %get3A_320] {strides = array<i32>} : memref<16x64xf32, #tpu.memory_space<vmem>>, vector<16xf32>,
        %mul3A_322 = arith.mulf %get3A_321, %get3A_162 : vector<16xf32>
        %get3A_323 = arith.constant 3 : i32
        %get3A_324 = arith.constant 0 : i32
        %get3A_325 = tpu.memref_slice %arg20[%rem3A_79, %mul3A_156, %get3A_324] : memref<2x128x64xf32, #tpu.memory_space<vmem>> -> memref<1x16x64xf32, #tpu.memory_space<vmem>>
        %get3A_326 = tpu.memref_squeeze %get3A_325 : memref<1x16x64xf32, #tpu.memory_space<vmem>> -> memref<16x64xf32, #tpu.memory_space<vmem>>
        %get3A_327 = arith.index_cast %get3A_323 : i32 to index
        %get3A_328 = arith.constant 16 : index
        %get3A_329 = tpu.vector_load %get3A_326[%get3A_327, %get3A_328] {strides = array<i32>} : memref<16x64xf32, #tpu.memory_space<vmem>>, vector<16xf32>,
        %mul3A_330 = arith.mulf %get3A_329, %get3A_168 : vector<16xf32>
        %add3A_331 = arith.addf %mul3A_322, %mul3A_330 : vector<16xf32>
        %get3A_332 = arith.constant 3 : i32
        %get3A_333 = arith.constant 0 : i32
        %get3A_334 = tpu.memref_slice %arg20[%rem3A_79, %mul3A_156, %get3A_333] : memref<2x128x64xf32, #tpu.memory_space<vmem>> -> memref<1x16x64xf32, #tpu.memory_space<vmem>>
        %get3A_335 = tpu.memref_squeeze %get3A_334 : memref<1x16x64xf32, #tpu.memory_space<vmem>> -> memref<16x64xf32, #tpu.memory_space<vmem>>
        %get3A_336 = arith.index_cast %get3A_332 : i32 to index
        %get3A_337 = arith.constant 32 : index
        %get3A_338 = tpu.vector_load %get3A_335[%get3A_336, %get3A_337] {strides = array<i32>} : memref<16x64xf32, #tpu.memory_space<vmem>>, vector<16xf32>,
        %mul3A_339 = arith.mulf %get3A_338, %get3A_174 : vector<16xf32>
        %add3A_340 = arith.addf %add3A_331, %mul3A_339 : vector<16xf32>
        %get3A_341 = arith.constant 3 : i32
        %get3A_342 = arith.constant 0 : i32
        %get3A_343 = tpu.memref_slice %arg20[%rem3A_79, %mul3A_156, %get3A_342] : memref<2x128x64xf32, #tpu.memory_space<vmem>> -> memref<1x16x64xf32, #tpu.memory_space<vmem>>
        %get3A_344 = tpu.memref_squeeze %get3A_343 : memref<1x16x64xf32, #tpu.memory_space<vmem>> -> memref<16x64xf32, #tpu.memory_space<vmem>>
        %get3A_345 = arith.index_cast %get3A_341 : i32 to index
        %get3A_346 = arith.constant 48 : index
        %get3A_347 = tpu.vector_load %get3A_344[%get3A_345, %get3A_346] {strides = array<i32>} : memref<16x64xf32, #tpu.memory_space<vmem>>, vector<16xf32>,
        %mul3A_348 = arith.mulf %get3A_347, %get3A_180 : vector<16xf32>
        %add3A_349 = arith.addf %add3A_340, %mul3A_348 : vector<16xf32>
        %mul3A_350 = arith.constant 17 : i32
        %mul3A_351 = vector.broadcast %mul3A_350 : i32 to vector<16xi32>
        %mul3A_352 = arith.muli %iota3A, %mul3A_351 : vector<16xi32>
        %add3A_353 = arith.constant 3 : i32
        %add3A_354 = vector.broadcast %add3A_353 : i32 to vector<16xi32>
        %add3A_355 = arith.addi %mul3A_352, %add3A_354 : vector<16xi32>
        %scatter3A_356 = arith.constant 0 : i32
        %scatter3A_357 = arith.constant 0 : i32
        %scatter3A_358 = tpu.memref_slice %arg15[%scatter3A_356, %scatter3A_357] : memref<2x272xf32, #tpu.memory_space<vmem>> -> memref<1x272xf32, #tpu.memory_space<vmem>>
        %scatter3A_359 = tpu.memref_squeeze %scatter3A_358 : memref<1x272xf32, #tpu.memory_space<vmem>> -> memref<272xf32, #tpu.memory_space<vmem>>
        tpu.vector_store_idx %scatter3A_359[%add3A_355], %add3A_349 : memref<272xf32, #tpu.memory_space<vmem>>[vector<16xi32>], vector<16xf32>,
        %get3A_360 = arith.constant 4 : i32
        %get3A_361 = arith.constant 0 : i32
        %get3A_362 = tpu.memref_slice %arg20[%rem3A_79, %mul3A_156, %get3A_361] : memref<2x128x64xf32, #tpu.memory_space<vmem>> -> memref<1x16x64xf32, #tpu.memory_space<vmem>>
        %get3A_363 = tpu.memref_squeeze %get3A_362 : memref<1x16x64xf32, #tpu.memory_space<vmem>> -> memref<16x64xf32, #tpu.memory_space<vmem>>
        %get3A_364 = arith.index_cast %get3A_360 : i32 to index
        %get3A_365 = arith.constant 0 : index
        %get3A_366 = tpu.vector_load %get3A_363[%get3A_364, %get3A_365] {strides = array<i32>} : memref<16x64xf32, #tpu.memory_space<vmem>>, vector<16xf32>,
        %mul3A_367 = arith.mulf %get3A_366, %get3A_162 : vector<16xf32>
        %get3A_368 = arith.constant 4 : i32
        %get3A_369 = arith.constant 0 : i32
        %get3A_370 = tpu.memref_slice %arg20[%rem3A_79, %mul3A_156, %get3A_369] : memref<2x128x64xf32, #tpu.memory_space<vmem>> -> memref<1x16x64xf32, #tpu.memory_space<vmem>>
        %get3A_371 = tpu.memref_squeeze %get3A_370 : memref<1x16x64xf32, #tpu.memory_space<vmem>> -> memref<16x64xf32, #tpu.memory_space<vmem>>
        %get3A_372 = arith.index_cast %get3A_368 : i32 to index
        %get3A_373 = arith.constant 16 : index
        %get3A_374 = tpu.vector_load %get3A_371[%get3A_372, %get3A_373] {strides = array<i32>} : memref<16x64xf32, #tpu.memory_space<vmem>>, vector<16xf32>,
        %mul3A_375 = arith.mulf %get3A_374, %get3A_168 : vector<16xf32>
        %add3A_376 = arith.addf %mul3A_367, %mul3A_375 : vector<16xf32>
        %get3A_377 = arith.constant 4 : i32
        %get3A_378 = arith.constant 0 : i32
        %get3A_379 = tpu.memref_slice %arg20[%rem3A_79, %mul3A_156, %get3A_378] : memref<2x128x64xf32, #tpu.memory_space<vmem>> -> memref<1x16x64xf32, #tpu.memory_space<vmem>>
        %get3A_380 = tpu.memref_squeeze %get3A_379 : memref<1x16x64xf32, #tpu.memory_space<vmem>> -> memref<16x64xf32, #tpu.memory_space<vmem>>
        %get3A_381 = arith.index_cast %get3A_377 : i32 to index
        %get3A_382 = arith.constant 32 : index
        %get3A_383 = tpu.vector_load %get3A_380[%get3A_381, %get3A_382] {strides = array<i32>} : memref<16x64xf32, #tpu.memory_space<vmem>>, vector<16xf32>,
        %mul3A_384 = arith.mulf %get3A_383, %get3A_174 : vector<16xf32>
        %add3A_385 = arith.addf %add3A_376, %mul3A_384 : vector<16xf32>
        %get3A_386 = arith.constant 4 : i32
        %get3A_387 = arith.constant 0 : i32
        %get3A_388 = tpu.memref_slice %arg20[%rem3A_79, %mul3A_156, %get3A_387] : memref<2x128x64xf32, #tpu.memory_space<vmem>> -> memref<1x16x64xf32, #tpu.memory_space<vmem>>
        %get3A_389 = tpu.memref_squeeze %get3A_388 : memref<1x16x64xf32, #tpu.memory_space<vmem>> -> memref<16x64xf32, #tpu.memory_space<vmem>>
        %get3A_390 = arith.index_cast %get3A_386 : i32 to index
        %get3A_391 = arith.constant 48 : index
        %get3A_392 = tpu.vector_load %get3A_389[%get3A_390, %get3A_391] {strides = array<i32>} : memref<16x64xf32, #tpu.memory_space<vmem>>, vector<16xf32>,
        %mul3A_393 = arith.mulf %get3A_392, %get3A_180 : vector<16xf32>
        %add3A_394 = arith.addf %add3A_385, %mul3A_393 : vector<16xf32>
        %mul3A_395 = arith.constant 17 : i32
        %mul3A_396 = vector.broadcast %mul3A_395 : i32 to vector<16xi32>
        %mul3A_397 = arith.muli %iota3A, %mul3A_396 : vector<16xi32>
        %add3A_398 = arith.constant 4 : i32
        %add3A_399 = vector.broadcast %add3A_398 : i32 to vector<16xi32>
        %add3A_400 = arith.addi %mul3A_397, %add3A_399 : vector<16xi32>
        %scatter3A_401 = arith.constant 0 : i32
        %scatter3A_402 = arith.constant 0 : i32
        %scatter3A_403 = tpu.memref_slice %arg15[%scatter3A_401, %scatter3A_402] : memref<2x272xf32, #tpu.memory_space<vmem>> -> memref<1x272xf32, #tpu.memory_space<vmem>>
        %scatter3A_404 = tpu.memref_squeeze %scatter3A_403 : memref<1x272xf32, #tpu.memory_space<vmem>> -> memref<272xf32, #tpu.memory_space<vmem>>
        tpu.vector_store_idx %scatter3A_404[%add3A_400], %add3A_394 : memref<272xf32, #tpu.memory_space<vmem>>[vector<16xi32>], vector<16xf32>,
        %get3A_405 = arith.constant 5 : i32
        %get3A_406 = arith.constant 0 : i32
        %get3A_407 = tpu.memref_slice %arg20[%rem3A_79, %mul3A_156, %get3A_406] : memref<2x128x64xf32, #tpu.memory_space<vmem>> -> memref<1x16x64xf32, #tpu.memory_space<vmem>>
        %get3A_408 = tpu.memref_squeeze %get3A_407 : memref<1x16x64xf32, #tpu.memory_space<vmem>> -> memref<16x64xf32, #tpu.memory_space<vmem>>
        %get3A_409 = arith.index_cast %get3A_405 : i32 to index
        %get3A_410 = arith.constant 0 : index
        %get3A_411 = tpu.vector_load %get3A_408[%get3A_409, %get3A_410] {strides = array<i32>} : memref<16x64xf32, #tpu.memory_space<vmem>>, vector<16xf32>,
        %mul3A_412 = arith.mulf %get3A_411, %get3A_162 : vector<16xf32>
        %get3A_413 = arith.constant 5 : i32
        %get3A_414 = arith.constant 0 : i32
        %get3A_415 = tpu.memref_slice %arg20[%rem3A_79, %mul3A_156, %get3A_414] : memref<2x128x64xf32, #tpu.memory_space<vmem>> -> memref<1x16x64xf32, #tpu.memory_space<vmem>>
        %get3A_416 = tpu.memref_squeeze %get3A_415 : memref<1x16x64xf32, #tpu.memory_space<vmem>> -> memref<16x64xf32, #tpu.memory_space<vmem>>
        %get3A_417 = arith.index_cast %get3A_413 : i32 to index
        %get3A_418 = arith.constant 16 : index
        %get3A_419 = tpu.vector_load %get3A_416[%get3A_417, %get3A_418] {strides = array<i32>} : memref<16x64xf32, #tpu.memory_space<vmem>>, vector<16xf32>,
        %mul3A_420 = arith.mulf %get3A_419, %get3A_168 : vector<16xf32>
        %add3A_421 = arith.addf %mul3A_412, %mul3A_420 : vector<16xf32>
        %get3A_422 = arith.constant 5 : i32
        %get3A_423 = arith.constant 0 : i32
        %get3A_424 = tpu.memref_slice %arg20[%rem3A_79, %mul3A_156, %get3A_423] : memref<2x128x64xf32, #tpu.memory_space<vmem>> -> memref<1x16x64xf32, #tpu.memory_space<vmem>>
        %get3A_425 = tpu.memref_squeeze %get3A_424 : memref<1x16x64xf32, #tpu.memory_space<vmem>> -> memref<16x64xf32, #tpu.memory_space<vmem>>
        %get3A_426 = arith.index_cast %get3A_422 : i32 to index
        %get3A_427 = arith.constant 32 : index
        %get3A_428 = tpu.vector_load %get3A_425[%get3A_426, %get3A_427] {strides = array<i32>} : memref<16x64xf32, #tpu.memory_space<vmem>>, vector<16xf32>,
        %mul3A_429 = arith.mulf %get3A_428, %get3A_174 : vector<16xf32>
        %add3A_430 = arith.addf %add3A_421, %mul3A_429 : vector<16xf32>
        %get3A_431 = arith.constant 5 : i32
        %get3A_432 = arith.constant 0 : i32
        %get3A_433 = tpu.memref_slice %arg20[%rem3A_79, %mul3A_156, %get3A_432] : memref<2x128x64xf32, #tpu.memory_space<vmem>> -> memref<1x16x64xf32, #tpu.memory_space<vmem>>
        %get3A_434 = tpu.memref_squeeze %get3A_433 : memref<1x16x64xf32, #tpu.memory_space<vmem>> -> memref<16x64xf32, #tpu.memory_space<vmem>>
        %get3A_435 = arith.index_cast %get3A_431 : i32 to index
        %get3A_436 = arith.constant 48 : index
        %get3A_437 = tpu.vector_load %get3A_434[%get3A_435, %get3A_436] {strides = array<i32>} : memref<16x64xf32, #tpu.memory_space<vmem>>, vector<16xf32>,
        %mul3A_438 = arith.mulf %get3A_437, %get3A_180 : vector<16xf32>
        %add3A_439 = arith.addf %add3A_430, %mul3A_438 : vector<16xf32>
        %mul3A_440 = arith.constant 17 : i32
        %mul3A_441 = vector.broadcast %mul3A_440 : i32 to vector<16xi32>
        %mul3A_442 = arith.muli %iota3A, %mul3A_441 : vector<16xi32>
        %add3A_443 = arith.constant 5 : i32
        %add3A_444 = vector.broadcast %add3A_443 : i32 to vector<16xi32>
        %add3A_445 = arith.addi %mul3A_442, %add3A_444 : vector<16xi32>
        %scatter3A_446 = arith.constant 0 : i32
        %scatter3A_447 = arith.constant 0 : i32
        %scatter3A_448 = tpu.memref_slice %arg15[%scatter3A_446, %scatter3A_447] : memref<2x272xf32, #tpu.memory_space<vmem>> -> memref<1x272xf32, #tpu.memory_space<vmem>>
        %scatter3A_449 = tpu.memref_squeeze %scatter3A_448 : memref<1x272xf32, #tpu.memory_space<vmem>> -> memref<272xf32, #tpu.memory_space<vmem>>
        tpu.vector_store_idx %scatter3A_449[%add3A_445], %add3A_439 : memref<272xf32, #tpu.memory_space<vmem>>[vector<16xi32>], vector<16xf32>,
        %get3A_450 = arith.constant 6 : i32
        %get3A_451 = arith.constant 0 : i32
        %get3A_452 = tpu.memref_slice %arg20[%rem3A_79, %mul3A_156, %get3A_451] : memref<2x128x64xf32, #tpu.memory_space<vmem>> -> memref<1x16x64xf32, #tpu.memory_space<vmem>>
        %get3A_453 = tpu.memref_squeeze %get3A_452 : memref<1x16x64xf32, #tpu.memory_space<vmem>> -> memref<16x64xf32, #tpu.memory_space<vmem>>
        %get3A_454 = arith.index_cast %get3A_450 : i32 to index
        %get3A_455 = arith.constant 0 : index
        %get3A_456 = tpu.vector_load %get3A_453[%get3A_454, %get3A_455] {strides = array<i32>} : memref<16x64xf32, #tpu.memory_space<vmem>>, vector<16xf32>,
        %mul3A_457 = arith.mulf %get3A_456, %get3A_162 : vector<16xf32>
        %get3A_458 = arith.constant 6 : i32
        %get3A_459 = arith.constant 0 : i32
        %get3A_460 = tpu.memref_slice %arg20[%rem3A_79, %mul3A_156, %get3A_459] : memref<2x128x64xf32, #tpu.memory_space<vmem>> -> memref<1x16x64xf32, #tpu.memory_space<vmem>>
        %get3A_461 = tpu.memref_squeeze %get3A_460 : memref<1x16x64xf32, #tpu.memory_space<vmem>> -> memref<16x64xf32, #tpu.memory_space<vmem>>
        %get3A_462 = arith.index_cast %get3A_458 : i32 to index
        %get3A_463 = arith.constant 16 : index
        %get3A_464 = tpu.vector_load %get3A_461[%get3A_462, %get3A_463] {strides = array<i32>} : memref<16x64xf32, #tpu.memory_space<vmem>>, vector<16xf32>,
        %mul3A_465 = arith.mulf %get3A_464, %get3A_168 : vector<16xf32>
        %add3A_466 = arith.addf %mul3A_457, %mul3A_465 : vector<16xf32>
        %get3A_467 = arith.constant 6 : i32
        %get3A_468 = arith.constant 0 : i32
        %get3A_469 = tpu.memref_slice %arg20[%rem3A_79, %mul3A_156, %get3A_468] : memref<2x128x64xf32, #tpu.memory_space<vmem>> -> memref<1x16x64xf32, #tpu.memory_space<vmem>>
        %get3A_470 = tpu.memref_squeeze %get3A_469 : memref<1x16x64xf32, #tpu.memory_space<vmem>> -> memref<16x64xf32, #tpu.memory_space<vmem>>
        %get3A_471 = arith.index_cast %get3A_467 : i32 to index
        %get3A_472 = arith.constant 32 : index
        %get3A_473 = tpu.vector_load %get3A_470[%get3A_471, %get3A_472] {strides = array<i32>} : memref<16x64xf32, #tpu.memory_space<vmem>>, vector<16xf32>,
        %mul3A_474 = arith.mulf %get3A_473, %get3A_174 : vector<16xf32>
        %add3A_475 = arith.addf %add3A_466, %mul3A_474 : vector<16xf32>
        %get3A_476 = arith.constant 6 : i32
        %get3A_477 = arith.constant 0 : i32
        %get3A_478 = tpu.memref_slice %arg20[%rem3A_79, %mul3A_156, %get3A_477] : memref<2x128x64xf32, #tpu.memory_space<vmem>> -> memref<1x16x64xf32, #tpu.memory_space<vmem>>
        %get3A_479 = tpu.memref_squeeze %get3A_478 : memref<1x16x64xf32, #tpu.memory_space<vmem>> -> memref<16x64xf32, #tpu.memory_space<vmem>>
        %get3A_480 = arith.index_cast %get3A_476 : i32 to index
        %get3A_481 = arith.constant 48 : index
        %get3A_482 = tpu.vector_load %get3A_479[%get3A_480, %get3A_481] {strides = array<i32>} : memref<16x64xf32, #tpu.memory_space<vmem>>, vector<16xf32>,
        %mul3A_483 = arith.mulf %get3A_482, %get3A_180 : vector<16xf32>
        %add3A_484 = arith.addf %add3A_475, %mul3A_483 : vector<16xf32>
        %mul3A_485 = arith.constant 17 : i32
        %mul3A_486 = vector.broadcast %mul3A_485 : i32 to vector<16xi32>
        %mul3A_487 = arith.muli %iota3A, %mul3A_486 : vector<16xi32>
        %add3A_488 = arith.constant 6 : i32
        %add3A_489 = vector.broadcast %add3A_488 : i32 to vector<16xi32>
        %add3A_490 = arith.addi %mul3A_487, %add3A_489 : vector<16xi32>
        %scatter3A_491 = arith.constant 0 : i32
        %scatter3A_492 = arith.constant 0 : i32
        %scatter3A_493 = tpu.memref_slice %arg15[%scatter3A_491, %scatter3A_492] : memref<2x272xf32, #tpu.memory_space<vmem>> -> memref<1x272xf32, #tpu.memory_space<vmem>>
        %scatter3A_494 = tpu.memref_squeeze %scatter3A_493 : memref<1x272xf32, #tpu.memory_space<vmem>> -> memref<272xf32, #tpu.memory_space<vmem>>
        tpu.vector_store_idx %scatter3A_494[%add3A_490], %add3A_484 : memref<272xf32, #tpu.memory_space<vmem>>[vector<16xi32>], vector<16xf32>,
        %get3A_495 = arith.constant 7 : i32
        %get3A_496 = arith.constant 0 : i32
        %get3A_497 = tpu.memref_slice %arg20[%rem3A_79, %mul3A_156, %get3A_496] : memref<2x128x64xf32, #tpu.memory_space<vmem>> -> memref<1x16x64xf32, #tpu.memory_space<vmem>>
        %get3A_498 = tpu.memref_squeeze %get3A_497 : memref<1x16x64xf32, #tpu.memory_space<vmem>> -> memref<16x64xf32, #tpu.memory_space<vmem>>
        %get3A_499 = arith.index_cast %get3A_495 : i32 to index
        %get3A_500 = arith.constant 0 : index
        %get3A_501 = tpu.vector_load %get3A_498[%get3A_499, %get3A_500] {strides = array<i32>} : memref<16x64xf32, #tpu.memory_space<vmem>>, vector<16xf32>,
        %mul3A_502 = arith.mulf %get3A_501, %get3A_162 : vector<16xf32>
        %get3A_503 = arith.constant 7 : i32
        %get3A_504 = arith.constant 0 : i32
        %get3A_505 = tpu.memref_slice %arg20[%rem3A_79, %mul3A_156, %get3A_504] : memref<2x128x64xf32, #tpu.memory_space<vmem>> -> memref<1x16x64xf32, #tpu.memory_space<vmem>>
        %get3A_506 = tpu.memref_squeeze %get3A_505 : memref<1x16x64xf32, #tpu.memory_space<vmem>> -> memref<16x64xf32, #tpu.memory_space<vmem>>
        %get3A_507 = arith.index_cast %get3A_503 : i32 to index
        %get3A_508 = arith.constant 16 : index
        %get3A_509 = tpu.vector_load %get3A_506[%get3A_507, %get3A_508] {strides = array<i32>} : memref<16x64xf32, #tpu.memory_space<vmem>>, vector<16xf32>,
        %mul3A_510 = arith.mulf %get3A_509, %get3A_168 : vector<16xf32>
        %add3A_511 = arith.addf %mul3A_502, %mul3A_510 : vector<16xf32>
        %get3A_512 = arith.constant 7 : i32
        %get3A_513 = arith.constant 0 : i32
        %get3A_514 = tpu.memref_slice %arg20[%rem3A_79, %mul3A_156, %get3A_513] : memref<2x128x64xf32, #tpu.memory_space<vmem>> -> memref<1x16x64xf32, #tpu.memory_space<vmem>>
        %get3A_515 = tpu.memref_squeeze %get3A_514 : memref<1x16x64xf32, #tpu.memory_space<vmem>> -> memref<16x64xf32, #tpu.memory_space<vmem>>
        %get3A_516 = arith.index_cast %get3A_512 : i32 to index
        %get3A_517 = arith.constant 32 : index
        %get3A_518 = tpu.vector_load %get3A_515[%get3A_516, %get3A_517] {strides = array<i32>} : memref<16x64xf32, #tpu.memory_space<vmem>>, vector<16xf32>,
        %mul3A_519 = arith.mulf %get3A_518, %get3A_174 : vector<16xf32>
        %add3A_520 = arith.addf %add3A_511, %mul3A_519 : vector<16xf32>
        %get3A_521 = arith.constant 7 : i32
        %get3A_522 = arith.constant 0 : i32
        %get3A_523 = tpu.memref_slice %arg20[%rem3A_79, %mul3A_156, %get3A_522] : memref<2x128x64xf32, #tpu.memory_space<vmem>> -> memref<1x16x64xf32, #tpu.memory_space<vmem>>
        %get3A_524 = tpu.memref_squeeze %get3A_523 : memref<1x16x64xf32, #tpu.memory_space<vmem>> -> memref<16x64xf32, #tpu.memory_space<vmem>>
        %get3A_525 = arith.index_cast %get3A_521 : i32 to index
        %get3A_526 = arith.constant 48 : index
        %get3A_527 = tpu.vector_load %get3A_524[%get3A_525, %get3A_526] {strides = array<i32>} : memref<16x64xf32, #tpu.memory_space<vmem>>, vector<16xf32>,
        %mul3A_528 = arith.mulf %get3A_527, %get3A_180 : vector<16xf32>
        %add3A_529 = arith.addf %add3A_520, %mul3A_528 : vector<16xf32>
        %mul3A_530 = arith.constant 17 : i32
        %mul3A_531 = vector.broadcast %mul3A_530 : i32 to vector<16xi32>
        %mul3A_532 = arith.muli %iota3A, %mul3A_531 : vector<16xi32>
        %add3A_533 = arith.constant 7 : i32
        %add3A_534 = vector.broadcast %add3A_533 : i32 to vector<16xi32>
        %add3A_535 = arith.addi %mul3A_532, %add3A_534 : vector<16xi32>
        %scatter3A_536 = arith.constant 0 : i32
        %scatter3A_537 = arith.constant 0 : i32
        %scatter3A_538 = tpu.memref_slice %arg15[%scatter3A_536, %scatter3A_537] : memref<2x272xf32, #tpu.memory_space<vmem>> -> memref<1x272xf32, #tpu.memory_space<vmem>>
        %scatter3A_539 = tpu.memref_squeeze %scatter3A_538 : memref<1x272xf32, #tpu.memory_space<vmem>> -> memref<272xf32, #tpu.memory_space<vmem>>
        tpu.vector_store_idx %scatter3A_539[%add3A_535], %add3A_529 : memref<272xf32, #tpu.memory_space<vmem>>[vector<16xi32>], vector<16xf32>,
        %get3A_540 = arith.constant 8 : i32
        %get3A_541 = arith.constant 0 : i32
        %get3A_542 = tpu.memref_slice %arg20[%rem3A_79, %mul3A_156, %get3A_541] : memref<2x128x64xf32, #tpu.memory_space<vmem>> -> memref<1x16x64xf32, #tpu.memory_space<vmem>>
        %get3A_543 = tpu.memref_squeeze %get3A_542 : memref<1x16x64xf32, #tpu.memory_space<vmem>> -> memref<16x64xf32, #tpu.memory_space<vmem>>
        %get3A_544 = arith.index_cast %get3A_540 : i32 to index
        %get3A_545 = arith.constant 0 : index
        %get3A_546 = tpu.vector_load %get3A_543[%get3A_544, %get3A_545] {strides = array<i32>} : memref<16x64xf32, #tpu.memory_space<vmem>>, vector<16xf32>,
        %mul3A_547 = arith.mulf %get3A_546, %get3A_162 : vector<16xf32>
        %get3A_548 = arith.constant 8 : i32
        %get3A_549 = arith.constant 0 : i32
        %get3A_550 = tpu.memref_slice %arg20[%rem3A_79, %mul3A_156, %get3A_549] : memref<2x128x64xf32, #tpu.memory_space<vmem>> -> memref<1x16x64xf32, #tpu.memory_space<vmem>>
        %get3A_551 = tpu.memref_squeeze %get3A_550 : memref<1x16x64xf32, #tpu.memory_space<vmem>> -> memref<16x64xf32, #tpu.memory_space<vmem>>
        %get3A_552 = arith.index_cast %get3A_548 : i32 to index
        %get3A_553 = arith.constant 16 : index
        %get3A_554 = tpu.vector_load %get3A_551[%get3A_552, %get3A_553] {strides = array<i32>} : memref<16x64xf32, #tpu.memory_space<vmem>>, vector<16xf32>,
        %mul3A_555 = arith.mulf %get3A_554, %get3A_168 : vector<16xf32>
        %add3A_556 = arith.addf %mul3A_547, %mul3A_555 : vector<16xf32>
        %get3A_557 = arith.constant 8 : i32
        %get3A_558 = arith.constant 0 : i32
        %get3A_559 = tpu.memref_slice %arg20[%rem3A_79, %mul3A_156, %get3A_558] : memref<2x128x64xf32, #tpu.memory_space<vmem>> -> memref<1x16x64xf32, #tpu.memory_space<vmem>>
        %get3A_560 = tpu.memref_squeeze %get3A_559 : memref<1x16x64xf32, #tpu.memory_space<vmem>> -> memref<16x64xf32, #tpu.memory_space<vmem>>
        %get3A_561 = arith.index_cast %get3A_557 : i32 to index
        %get3A_562 = arith.constant 32 : index
        %get3A_563 = tpu.vector_load %get3A_560[%get3A_561, %get3A_562] {strides = array<i32>} : memref<16x64xf32, #tpu.memory_space<vmem>>, vector<16xf32>,
        %mul3A_564 = arith.mulf %get3A_563, %get3A_174 : vector<16xf32>
        %add3A_565 = arith.addf %add3A_556, %mul3A_564 : vector<16xf32>
        %get3A_566 = arith.constant 8 : i32
        %get3A_567 = arith.constant 0 : i32
        %get3A_568 = tpu.memref_slice %arg20[%rem3A_79, %mul3A_156, %get3A_567] : memref<2x128x64xf32, #tpu.memory_space<vmem>> -> memref<1x16x64xf32, #tpu.memory_space<vmem>>
        %get3A_569 = tpu.memref_squeeze %get3A_568 : memref<1x16x64xf32, #tpu.memory_space<vmem>> -> memref<16x64xf32, #tpu.memory_space<vmem>>
        %get3A_570 = arith.index_cast %get3A_566 : i32 to index
        %get3A_571 = arith.constant 48 : index
        %get3A_572 = tpu.vector_load %get3A_569[%get3A_570, %get3A_571] {strides = array<i32>} : memref<16x64xf32, #tpu.memory_space<vmem>>, vector<16xf32>,
        %mul3A_573 = arith.mulf %get3A_572, %get3A_180 : vector<16xf32>
        %add3A_574 = arith.addf %add3A_565, %mul3A_573 : vector<16xf32>
        %mul3A_575 = arith.constant 17 : i32
        %mul3A_576 = vector.broadcast %mul3A_575 : i32 to vector<16xi32>
        %mul3A_577 = arith.muli %iota3A, %mul3A_576 : vector<16xi32>
        %add3A_578 = arith.constant 8 : i32
        %add3A_579 = vector.broadcast %add3A_578 : i32 to vector<16xi32>
        %add3A_580 = arith.addi %mul3A_577, %add3A_579 : vector<16xi32>
        %scatter3A_581 = arith.constant 0 : i32
        %scatter3A_582 = arith.constant 0 : i32
        %scatter3A_583 = tpu.memref_slice %arg15[%scatter3A_581, %scatter3A_582] : memref<2x272xf32, #tpu.memory_space<vmem>> -> memref<1x272xf32, #tpu.memory_space<vmem>>
        %scatter3A_584 = tpu.memref_squeeze %scatter3A_583 : memref<1x272xf32, #tpu.memory_space<vmem>> -> memref<272xf32, #tpu.memory_space<vmem>>
        tpu.vector_store_idx %scatter3A_584[%add3A_580], %add3A_574 : memref<272xf32, #tpu.memory_space<vmem>>[vector<16xi32>], vector<16xf32>,
        %get3A_585 = arith.constant 9 : i32
        %get3A_586 = arith.constant 0 : i32
        %get3A_587 = tpu.memref_slice %arg20[%rem3A_79, %mul3A_156, %get3A_586] : memref<2x128x64xf32, #tpu.memory_space<vmem>> -> memref<1x16x64xf32, #tpu.memory_space<vmem>>
        %get3A_588 = tpu.memref_squeeze %get3A_587 : memref<1x16x64xf32, #tpu.memory_space<vmem>> -> memref<16x64xf32, #tpu.memory_space<vmem>>
        %get3A_589 = arith.index_cast %get3A_585 : i32 to index
        %get3A_590 = arith.constant 0 : index
        %get3A_591 = tpu.vector_load %get3A_588[%get3A_589, %get3A_590] {strides = array<i32>} : memref<16x64xf32, #tpu.memory_space<vmem>>, vector<16xf32>,
        %mul3A_592 = arith.mulf %get3A_591, %get3A_162 : vector<16xf32>
        %get3A_593 = arith.constant 9 : i32
        %get3A_594 = arith.constant 0 : i32
        %get3A_595 = tpu.memref_slice %arg20[%rem3A_79, %mul3A_156, %get3A_594] : memref<2x128x64xf32, #tpu.memory_space<vmem>> -> memref<1x16x64xf32, #tpu.memory_space<vmem>>
        %get3A_596 = tpu.memref_squeeze %get3A_595 : memref<1x16x64xf32, #tpu.memory_space<vmem>> -> memref<16x64xf32, #tpu.memory_space<vmem>>
        %get3A_597 = arith.index_cast %get3A_593 : i32 to index
        %get3A_598 = arith.constant 16 : index
        %get3A_599 = tpu.vector_load %get3A_596[%get3A_597, %get3A_598] {strides = array<i32>} : memref<16x64xf32, #tpu.memory_space<vmem>>, vector<16xf32>,
        %mul3A_600 = arith.mulf %get3A_599, %get3A_168 : vector<16xf32>
        %add3A_601 = arith.addf %mul3A_592, %mul3A_600 : vector<16xf32>
        %get3A_602 = arith.constant 9 : i32
        %get3A_603 = arith.constant 0 : i32
        %get3A_604 = tpu.memref_slice %arg20[%rem3A_79, %mul3A_156, %get3A_603] : memref<2x128x64xf32, #tpu.memory_space<vmem>> -> memref<1x16x64xf32, #tpu.memory_space<vmem>>
        %get3A_605 = tpu.memref_squeeze %get3A_604 : memref<1x16x64xf32, #tpu.memory_space<vmem>> -> memref<16x64xf32, #tpu.memory_space<vmem>>
        %get3A_606 = arith.index_cast %get3A_602 : i32 to index
        %get3A_607 = arith.constant 32 : index
        %get3A_608 = tpu.vector_load %get3A_605[%get3A_606, %get3A_607] {strides = array<i32>} : memref<16x64xf32, #tpu.memory_space<vmem>>, vector<16xf32>,
        %mul3A_609 = arith.mulf %get3A_608, %get3A_174 : vector<16xf32>
        %add3A_610 = arith.addf %add3A_601, %mul3A_609 : vector<16xf32>
        %get3A_611 = arith.constant 9 : i32
        %get3A_612 = arith.constant 0 : i32
        %get3A_613 = tpu.memref_slice %arg20[%rem3A_79, %mul3A_156, %get3A_612] : memref<2x128x64xf32, #tpu.memory_space<vmem>> -> memref<1x16x64xf32, #tpu.memory_space<vmem>>
        %get3A_614 = tpu.memref_squeeze %get3A_613 : memref<1x16x64xf32, #tpu.memory_space<vmem>> -> memref<16x64xf32, #tpu.memory_space<vmem>>
        %get3A_615 = arith.index_cast %get3A_611 : i32 to index
        %get3A_616 = arith.constant 48 : index
        %get3A_617 = tpu.vector_load %get3A_614[%get3A_615, %get3A_616] {strides = array<i32>} : memref<16x64xf32, #tpu.memory_space<vmem>>, vector<16xf32>,
        %mul3A_618 = arith.mulf %get3A_617, %get3A_180 : vector<16xf32>
        %add3A_619 = arith.addf %add3A_610, %mul3A_618 : vector<16xf32>
        %mul3A_620 = arith.constant 17 : i32
        %mul3A_621 = vector.broadcast %mul3A_620 : i32 to vector<16xi32>
        %mul3A_622 = arith.muli %iota3A, %mul3A_621 : vector<16xi32>
        %add3A_623 = arith.constant 9 : i32
        %add3A_624 = vector.broadcast %add3A_623 : i32 to vector<16xi32>
        %add3A_625 = arith.addi %mul3A_622, %add3A_624 : vector<16xi32>
        %scatter3A_626 = arith.constant 0 : i32
        %scatter3A_627 = arith.constant 0 : i32
        %scatter3A_628 = tpu.memref_slice %arg15[%scatter3A_626, %scatter3A_627] : memref<2x272xf32, #tpu.memory_space<vmem>> -> memref<1x272xf32, #tpu.memory_space<vmem>>
        %scatter3A_629 = tpu.memref_squeeze %scatter3A_628 : memref<1x272xf32, #tpu.memory_space<vmem>> -> memref<272xf32, #tpu.memory_space<vmem>>
        tpu.vector_store_idx %scatter3A_629[%add3A_625], %add3A_619 : memref<272xf32, #tpu.memory_space<vmem>>[vector<16xi32>], vector<16xf32>,
        %get3A_630 = arith.constant 10 : i32
        %get3A_631 = arith.constant 0 : i32
        %get3A_632 = tpu.memref_slice %arg20[%rem3A_79, %mul3A_156, %get3A_631] : memref<2x128x64xf32, #tpu.memory_space<vmem>> -> memref<1x16x64xf32, #tpu.memory_space<vmem>>
        %get3A_633 = tpu.memref_squeeze %get3A_632 : memref<1x16x64xf32, #tpu.memory_space<vmem>> -> memref<16x64xf32, #tpu.memory_space<vmem>>
        %get3A_634 = arith.index_cast %get3A_630 : i32 to index
        %get3A_635 = arith.constant 0 : index
        %get3A_636 = tpu.vector_load %get3A_633[%get3A_634, %get3A_635] {strides = array<i32>} : memref<16x64xf32, #tpu.memory_space<vmem>>, vector<16xf32>,
        %mul3A_637 = arith.mulf %get3A_636, %get3A_162 : vector<16xf32>
        %get3A_638 = arith.constant 10 : i32
        %get3A_639 = arith.constant 0 : i32
        %get3A_640 = tpu.memref_slice %arg20[%rem3A_79, %mul3A_156, %get3A_639] : memref<2x128x64xf32, #tpu.memory_space<vmem>> -> memref<1x16x64xf32, #tpu.memory_space<vmem>>
        %get3A_641 = tpu.memref_squeeze %get3A_640 : memref<1x16x64xf32, #tpu.memory_space<vmem>> -> memref<16x64xf32, #tpu.memory_space<vmem>>
        %get3A_642 = arith.index_cast %get3A_638 : i32 to index
        %get3A_643 = arith.constant 16 : index
        %get3A_644 = tpu.vector_load %get3A_641[%get3A_642, %get3A_643] {strides = array<i32>} : memref<16x64xf32, #tpu.memory_space<vmem>>, vector<16xf32>,
        %mul3A_645 = arith.mulf %get3A_644, %get3A_168 : vector<16xf32>
        %add3A_646 = arith.addf %mul3A_637, %mul3A_645 : vector<16xf32>
        %get3A_647 = arith.constant 10 : i32
        %get3A_648 = arith.constant 0 : i32
        %get3A_649 = tpu.memref_slice %arg20[%rem3A_79, %mul3A_156, %get3A_648] : memref<2x128x64xf32, #tpu.memory_space<vmem>> -> memref<1x16x64xf32, #tpu.memory_space<vmem>>
        %get3A_650 = tpu.memref_squeeze %get3A_649 : memref<1x16x64xf32, #tpu.memory_space<vmem>> -> memref<16x64xf32, #tpu.memory_space<vmem>>
        %get3A_651 = arith.index_cast %get3A_647 : i32 to index
        %get3A_652 = arith.constant 32 : index
        %get3A_653 = tpu.vector_load %get3A_650[%get3A_651, %get3A_652] {strides = array<i32>} : memref<16x64xf32, #tpu.memory_space<vmem>>, vector<16xf32>,
        %mul3A_654 = arith.mulf %get3A_653, %get3A_174 : vector<16xf32>
        %add3A_655 = arith.addf %add3A_646, %mul3A_654 : vector<16xf32>
        %get3A_656 = arith.constant 10 : i32
        %get3A_657 = arith.constant 0 : i32
        %get3A_658 = tpu.memref_slice %arg20[%rem3A_79, %mul3A_156, %get3A_657] : memref<2x128x64xf32, #tpu.memory_space<vmem>> -> memref<1x16x64xf32, #tpu.memory_space<vmem>>
        %get3A_659 = tpu.memref_squeeze %get3A_658 : memref<1x16x64xf32, #tpu.memory_space<vmem>> -> memref<16x64xf32, #tpu.memory_space<vmem>>
        %get3A_660 = arith.index_cast %get3A_656 : i32 to index
        %get3A_661 = arith.constant 48 : index
        %get3A_662 = tpu.vector_load %get3A_659[%get3A_660, %get3A_661] {strides = array<i32>} : memref<16x64xf32, #tpu.memory_space<vmem>>, vector<16xf32>,
        %mul3A_663 = arith.mulf %get3A_662, %get3A_180 : vector<16xf32>
        %add3A_664 = arith.addf %add3A_655, %mul3A_663 : vector<16xf32>
        %mul3A_665 = arith.constant 17 : i32
        %mul3A_666 = vector.broadcast %mul3A_665 : i32 to vector<16xi32>
        %mul3A_667 = arith.muli %iota3A, %mul3A_666 : vector<16xi32>
        %add3A_668 = arith.constant 10 : i32
        %add3A_669 = vector.broadcast %add3A_668 : i32 to vector<16xi32>
        %add3A_670 = arith.addi %mul3A_667, %add3A_669 : vector<16xi32>
        %scatter3A_671 = arith.constant 0 : i32
        %scatter3A_672 = arith.constant 0 : i32
        %scatter3A_673 = tpu.memref_slice %arg15[%scatter3A_671, %scatter3A_672] : memref<2x272xf32, #tpu.memory_space<vmem>> -> memref<1x272xf32, #tpu.memory_space<vmem>>
        %scatter3A_674 = tpu.memref_squeeze %scatter3A_673 : memref<1x272xf32, #tpu.memory_space<vmem>> -> memref<272xf32, #tpu.memory_space<vmem>>
        tpu.vector_store_idx %scatter3A_674[%add3A_670], %add3A_664 : memref<272xf32, #tpu.memory_space<vmem>>[vector<16xi32>], vector<16xf32>,
        %get3A_675 = arith.constant 11 : i32
        %get3A_676 = arith.constant 0 : i32
        %get3A_677 = tpu.memref_slice %arg20[%rem3A_79, %mul3A_156, %get3A_676] : memref<2x128x64xf32, #tpu.memory_space<vmem>> -> memref<1x16x64xf32, #tpu.memory_space<vmem>>
        %get3A_678 = tpu.memref_squeeze %get3A_677 : memref<1x16x64xf32, #tpu.memory_space<vmem>> -> memref<16x64xf32, #tpu.memory_space<vmem>>
        %get3A_679 = arith.index_cast %get3A_675 : i32 to index
        %get3A_680 = arith.constant 0 : index
        %get3A_681 = tpu.vector_load %get3A_678[%get3A_679, %get3A_680] {strides = array<i32>} : memref<16x64xf32, #tpu.memory_space<vmem>>, vector<16xf32>,
        %mul3A_682 = arith.mulf %get3A_681, %get3A_162 : vector<16xf32>
        %get3A_683 = arith.constant 11 : i32
        %get3A_684 = arith.constant 0 : i32
        %get3A_685 = tpu.memref_slice %arg20[%rem3A_79, %mul3A_156, %get3A_684] : memref<2x128x64xf32, #tpu.memory_space<vmem>> -> memref<1x16x64xf32, #tpu.memory_space<vmem>>
        %get3A_686 = tpu.memref_squeeze %get3A_685 : memref<1x16x64xf32, #tpu.memory_space<vmem>> -> memref<16x64xf32, #tpu.memory_space<vmem>>
        %get3A_687 = arith.index_cast %get3A_683 : i32 to index
        %get3A_688 = arith.constant 16 : index
        %get3A_689 = tpu.vector_load %get3A_686[%get3A_687, %get3A_688] {strides = array<i32>} : memref<16x64xf32, #tpu.memory_space<vmem>>, vector<16xf32>,
        %mul3A_690 = arith.mulf %get3A_689, %get3A_168 : vector<16xf32>
        %add3A_691 = arith.addf %mul3A_682, %mul3A_690 : vector<16xf32>
        %get3A_692 = arith.constant 11 : i32
        %get3A_693 = arith.constant 0 : i32
        %get3A_694 = tpu.memref_slice %arg20[%rem3A_79, %mul3A_156, %get3A_693] : memref<2x128x64xf32, #tpu.memory_space<vmem>> -> memref<1x16x64xf32, #tpu.memory_space<vmem>>
        %get3A_695 = tpu.memref_squeeze %get3A_694 : memref<1x16x64xf32, #tpu.memory_space<vmem>> -> memref<16x64xf32, #tpu.memory_space<vmem>>
        %get3A_696 = arith.index_cast %get3A_692 : i32 to index
        %get3A_697 = arith.constant 32 : index
        %get3A_698 = tpu.vector_load %get3A_695[%get3A_696, %get3A_697] {strides = array<i32>} : memref<16x64xf32, #tpu.memory_space<vmem>>, vector<16xf32>,
        %mul3A_699 = arith.mulf %get3A_698, %get3A_174 : vector<16xf32>
        %add3A_700 = arith.addf %add3A_691, %mul3A_699 : vector<16xf32>
        %get3A_701 = arith.constant 11 : i32
        %get3A_702 = arith.constant 0 : i32
        %get3A_703 = tpu.memref_slice %arg20[%rem3A_79, %mul3A_156, %get3A_702] : memref<2x128x64xf32, #tpu.memory_space<vmem>> -> memref<1x16x64xf32, #tpu.memory_space<vmem>>
        %get3A_704 = tpu.memref_squeeze %get3A_703 : memref<1x16x64xf32, #tpu.memory_space<vmem>> -> memref<16x64xf32, #tpu.memory_space<vmem>>
        %get3A_705 = arith.index_cast %get3A_701 : i32 to index
        %get3A_706 = arith.constant 48 : index
        %get3A_707 = tpu.vector_load %get3A_704[%get3A_705, %get3A_706] {strides = array<i32>} : memref<16x64xf32, #tpu.memory_space<vmem>>, vector<16xf32>,
        %mul3A_708 = arith.mulf %get3A_707, %get3A_180 : vector<16xf32>
        %add3A_709 = arith.addf %add3A_700, %mul3A_708 : vector<16xf32>
        %mul3A_710 = arith.constant 17 : i32
        %mul3A_711 = vector.broadcast %mul3A_710 : i32 to vector<16xi32>
        %mul3A_712 = arith.muli %iota3A, %mul3A_711 : vector<16xi32>
        %add3A_713 = arith.constant 11 : i32
        %add3A_714 = vector.broadcast %add3A_713 : i32 to vector<16xi32>
        %add3A_715 = arith.addi %mul3A_712, %add3A_714 : vector<16xi32>
        %scatter3A_716 = arith.constant 0 : i32
        %scatter3A_717 = arith.constant 0 : i32
        %scatter3A_718 = tpu.memref_slice %arg15[%scatter3A_716, %scatter3A_717] : memref<2x272xf32, #tpu.memory_space<vmem>> -> memref<1x272xf32, #tpu.memory_space<vmem>>
        %scatter3A_719 = tpu.memref_squeeze %scatter3A_718 : memref<1x272xf32, #tpu.memory_space<vmem>> -> memref<272xf32, #tpu.memory_space<vmem>>
        tpu.vector_store_idx %scatter3A_719[%add3A_715], %add3A_709 : memref<272xf32, #tpu.memory_space<vmem>>[vector<16xi32>], vector<16xf32>,
        %get3A_720 = arith.constant 12 : i32
        %get3A_721 = arith.constant 0 : i32
        %get3A_722 = tpu.memref_slice %arg20[%rem3A_79, %mul3A_156, %get3A_721] : memref<2x128x64xf32, #tpu.memory_space<vmem>> -> memref<1x16x64xf32, #tpu.memory_space<vmem>>
        %get3A_723 = tpu.memref_squeeze %get3A_722 : memref<1x16x64xf32, #tpu.memory_space<vmem>> -> memref<16x64xf32, #tpu.memory_space<vmem>>
        %get3A_724 = arith.index_cast %get3A_720 : i32 to index
        %get3A_725 = arith.constant 0 : index
        %get3A_726 = tpu.vector_load %get3A_723[%get3A_724, %get3A_725] {strides = array<i32>} : memref<16x64xf32, #tpu.memory_space<vmem>>, vector<16xf32>,
        %mul3A_727 = arith.mulf %get3A_726, %get3A_162 : vector<16xf32>
        %get3A_728 = arith.constant 12 : i32
        %get3A_729 = arith.constant 0 : i32
        %get3A_730 = tpu.memref_slice %arg20[%rem3A_79, %mul3A_156, %get3A_729] : memref<2x128x64xf32, #tpu.memory_space<vmem>> -> memref<1x16x64xf32, #tpu.memory_space<vmem>>
        %get3A_731 = tpu.memref_squeeze %get3A_730 : memref<1x16x64xf32, #tpu.memory_space<vmem>> -> memref<16x64xf32, #tpu.memory_space<vmem>>
        %get3A_732 = arith.index_cast %get3A_728 : i32 to index
        %get3A_733 = arith.constant 16 : index
        %get3A_734 = tpu.vector_load %get3A_731[%get3A_732, %get3A_733] {strides = array<i32>} : memref<16x64xf32, #tpu.memory_space<vmem>>, vector<16xf32>,
        %mul3A_735 = arith.mulf %get3A_734, %get3A_168 : vector<16xf32>
        %add3A_736 = arith.addf %mul3A_727, %mul3A_735 : vector<16xf32>
        %get3A_737 = arith.constant 12 : i32
        %get3A_738 = arith.constant 0 : i32
        %get3A_739 = tpu.memref_slice %arg20[%rem3A_79, %mul3A_156, %get3A_738] : memref<2x128x64xf32, #tpu.memory_space<vmem>> -> memref<1x16x64xf32, #tpu.memory_space<vmem>>
        %get3A_740 = tpu.memref_squeeze %get3A_739 : memref<1x16x64xf32, #tpu.memory_space<vmem>> -> memref<16x64xf32, #tpu.memory_space<vmem>>
        %get3A_741 = arith.index_cast %get3A_737 : i32 to index
        %get3A_742 = arith.constant 32 : index
        %get3A_743 = tpu.vector_load %get3A_740[%get3A_741, %get3A_742] {strides = array<i32>} : memref<16x64xf32, #tpu.memory_space<vmem>>, vector<16xf32>,
        %mul3A_744 = arith.mulf %get3A_743, %get3A_174 : vector<16xf32>
        %add3A_745 = arith.addf %add3A_736, %mul3A_744 : vector<16xf32>
        %get3A_746 = arith.constant 12 : i32
        %get3A_747 = arith.constant 0 : i32
        %get3A_748 = tpu.memref_slice %arg20[%rem3A_79, %mul3A_156, %get3A_747] : memref<2x128x64xf32, #tpu.memory_space<vmem>> -> memref<1x16x64xf32, #tpu.memory_space<vmem>>
        %get3A_749 = tpu.memref_squeeze %get3A_748 : memref<1x16x64xf32, #tpu.memory_space<vmem>> -> memref<16x64xf32, #tpu.memory_space<vmem>>
        %get3A_750 = arith.index_cast %get3A_746 : i32 to index
        %get3A_751 = arith.constant 48 : index
        %get3A_752 = tpu.vector_load %get3A_749[%get3A_750, %get3A_751] {strides = array<i32>} : memref<16x64xf32, #tpu.memory_space<vmem>>, vector<16xf32>,
        %mul3A_753 = arith.mulf %get3A_752, %get3A_180 : vector<16xf32>
        %add3A_754 = arith.addf %add3A_745, %mul3A_753 : vector<16xf32>
        %mul3A_755 = arith.constant 17 : i32
        %mul3A_756 = vector.broadcast %mul3A_755 : i32 to vector<16xi32>
        %mul3A_757 = arith.muli %iota3A, %mul3A_756 : vector<16xi32>
        %add3A_758 = arith.constant 12 : i32
        %add3A_759 = vector.broadcast %add3A_758 : i32 to vector<16xi32>
        %add3A_760 = arith.addi %mul3A_757, %add3A_759 : vector<16xi32>
        %scatter3A_761 = arith.constant 0 : i32
        %scatter3A_762 = arith.constant 0 : i32
        %scatter3A_763 = tpu.memref_slice %arg15[%scatter3A_761, %scatter3A_762] : memref<2x272xf32, #tpu.memory_space<vmem>> -> memref<1x272xf32, #tpu.memory_space<vmem>>
        %scatter3A_764 = tpu.memref_squeeze %scatter3A_763 : memref<1x272xf32, #tpu.memory_space<vmem>> -> memref<272xf32, #tpu.memory_space<vmem>>
        tpu.vector_store_idx %scatter3A_764[%add3A_760], %add3A_754 : memref<272xf32, #tpu.memory_space<vmem>>[vector<16xi32>], vector<16xf32>,
        %get3A_765 = arith.constant 13 : i32
        %get3A_766 = arith.constant 0 : i32
        %get3A_767 = tpu.memref_slice %arg20[%rem3A_79, %mul3A_156, %get3A_766] : memref<2x128x64xf32, #tpu.memory_space<vmem>> -> memref<1x16x64xf32, #tpu.memory_space<vmem>>
        %get3A_768 = tpu.memref_squeeze %get3A_767 : memref<1x16x64xf32, #tpu.memory_space<vmem>> -> memref<16x64xf32, #tpu.memory_space<vmem>>
        %get3A_769 = arith.index_cast %get3A_765 : i32 to index
        %get3A_770 = arith.constant 0 : index
        %get3A_771 = tpu.vector_load %get3A_768[%get3A_769, %get3A_770] {strides = array<i32>} : memref<16x64xf32, #tpu.memory_space<vmem>>, vector<16xf32>,
        %mul3A_772 = arith.mulf %get3A_771, %get3A_162 : vector<16xf32>
        %get3A_773 = arith.constant 13 : i32
        %get3A_774 = arith.constant 0 : i32
        %get3A_775 = tpu.memref_slice %arg20[%rem3A_79, %mul3A_156, %get3A_774] : memref<2x128x64xf32, #tpu.memory_space<vmem>> -> memref<1x16x64xf32, #tpu.memory_space<vmem>>
        %get3A_776 = tpu.memref_squeeze %get3A_775 : memref<1x16x64xf32, #tpu.memory_space<vmem>> -> memref<16x64xf32, #tpu.memory_space<vmem>>
        %get3A_777 = arith.index_cast %get3A_773 : i32 to index
        %get3A_778 = arith.constant 16 : index
        %get3A_779 = tpu.vector_load %get3A_776[%get3A_777, %get3A_778] {strides = array<i32>} : memref<16x64xf32, #tpu.memory_space<vmem>>, vector<16xf32>,
        %mul3A_780 = arith.mulf %get3A_779, %get3A_168 : vector<16xf32>
        %add3A_781 = arith.addf %mul3A_772, %mul3A_780 : vector<16xf32>
        %get3A_782 = arith.constant 13 : i32
        %get3A_783 = arith.constant 0 : i32
        %get3A_784 = tpu.memref_slice %arg20[%rem3A_79, %mul3A_156, %get3A_783] : memref<2x128x64xf32, #tpu.memory_space<vmem>> -> memref<1x16x64xf32, #tpu.memory_space<vmem>>
        %get3A_785 = tpu.memref_squeeze %get3A_784 : memref<1x16x64xf32, #tpu.memory_space<vmem>> -> memref<16x64xf32, #tpu.memory_space<vmem>>
        %get3A_786 = arith.index_cast %get3A_782 : i32 to index
        %get3A_787 = arith.constant 32 : index
        %get3A_788 = tpu.vector_load %get3A_785[%get3A_786, %get3A_787] {strides = array<i32>} : memref<16x64xf32, #tpu.memory_space<vmem>>, vector<16xf32>,
        %mul3A_789 = arith.mulf %get3A_788, %get3A_174 : vector<16xf32>
        %add3A_790 = arith.addf %add3A_781, %mul3A_789 : vector<16xf32>
        %get3A_791 = arith.constant 13 : i32
        %get3A_792 = arith.constant 0 : i32
        %get3A_793 = tpu.memref_slice %arg20[%rem3A_79, %mul3A_156, %get3A_792] : memref<2x128x64xf32, #tpu.memory_space<vmem>> -> memref<1x16x64xf32, #tpu.memory_space<vmem>>
        %get3A_794 = tpu.memref_squeeze %get3A_793 : memref<1x16x64xf32, #tpu.memory_space<vmem>> -> memref<16x64xf32, #tpu.memory_space<vmem>>
        %get3A_795 = arith.index_cast %get3A_791 : i32 to index
        %get3A_796 = arith.constant 48 : index
        %get3A_797 = tpu.vector_load %get3A_794[%get3A_795, %get3A_796] {strides = array<i32>} : memref<16x64xf32, #tpu.memory_space<vmem>>, vector<16xf32>,
        %mul3A_798 = arith.mulf %get3A_797, %get3A_180 : vector<16xf32>
        %add3A_799 = arith.addf %add3A_790, %mul3A_798 : vector<16xf32>
        %mul3A_800 = arith.constant 17 : i32
        %mul3A_801 = vector.broadcast %mul3A_800 : i32 to vector<16xi32>
        %mul3A_802 = arith.muli %iota3A, %mul3A_801 : vector<16xi32>
        %add3A_803 = arith.constant 13 : i32
        %add3A_804 = vector.broadcast %add3A_803 : i32 to vector<16xi32>
        %add3A_805 = arith.addi %mul3A_802, %add3A_804 : vector<16xi32>
        %scatter3A_806 = arith.constant 0 : i32
        %scatter3A_807 = arith.constant 0 : i32
        %scatter3A_808 = tpu.memref_slice %arg15[%scatter3A_806, %scatter3A_807] : memref<2x272xf32, #tpu.memory_space<vmem>> -> memref<1x272xf32, #tpu.memory_space<vmem>>
        %scatter3A_809 = tpu.memref_squeeze %scatter3A_808 : memref<1x272xf32, #tpu.memory_space<vmem>> -> memref<272xf32, #tpu.memory_space<vmem>>
        tpu.vector_store_idx %scatter3A_809[%add3A_805], %add3A_799 : memref<272xf32, #tpu.memory_space<vmem>>[vector<16xi32>], vector<16xf32>,
        %get3A_810 = arith.constant 14 : i32
        %get3A_811 = arith.constant 0 : i32
        %get3A_812 = tpu.memref_slice %arg20[%rem3A_79, %mul3A_156, %get3A_811] : memref<2x128x64xf32, #tpu.memory_space<vmem>> -> memref<1x16x64xf32, #tpu.memory_space<vmem>>
        %get3A_813 = tpu.memref_squeeze %get3A_812 : memref<1x16x64xf32, #tpu.memory_space<vmem>> -> memref<16x64xf32, #tpu.memory_space<vmem>>
        %get3A_814 = arith.index_cast %get3A_810 : i32 to index
        %get3A_815 = arith.constant 0 : index
        %get3A_816 = tpu.vector_load %get3A_813[%get3A_814, %get3A_815] {strides = array<i32>} : memref<16x64xf32, #tpu.memory_space<vmem>>, vector<16xf32>,
        %mul3A_817 = arith.mulf %get3A_816, %get3A_162 : vector<16xf32>
        %get3A_818 = arith.constant 14 : i32
        %get3A_819 = arith.constant 0 : i32
        %get3A_820 = tpu.memref_slice %arg20[%rem3A_79, %mul3A_156, %get3A_819] : memref<2x128x64xf32, #tpu.memory_space<vmem>> -> memref<1x16x64xf32, #tpu.memory_space<vmem>>
        %get3A_821 = tpu.memref_squeeze %get3A_820 : memref<1x16x64xf32, #tpu.memory_space<vmem>> -> memref<16x64xf32, #tpu.memory_space<vmem>>
        %get3A_822 = arith.index_cast %get3A_818 : i32 to index
        %get3A_823 = arith.constant 16 : index
        %get3A_824 = tpu.vector_load %get3A_821[%get3A_822, %get3A_823] {strides = array<i32>} : memref<16x64xf32, #tpu.memory_space<vmem>>, vector<16xf32>,
        %mul3A_825 = arith.mulf %get3A_824, %get3A_168 : vector<16xf32>
        %add3A_826 = arith.addf %mul3A_817, %mul3A_825 : vector<16xf32>
        %get3A_827 = arith.constant 14 : i32
        %get3A_828 = arith.constant 0 : i32
        %get3A_829 = tpu.memref_slice %arg20[%rem3A_79, %mul3A_156, %get3A_828] : memref<2x128x64xf32, #tpu.memory_space<vmem>> -> memref<1x16x64xf32, #tpu.memory_space<vmem>>
        %get3A_830 = tpu.memref_squeeze %get3A_829 : memref<1x16x64xf32, #tpu.memory_space<vmem>> -> memref<16x64xf32, #tpu.memory_space<vmem>>
        %get3A_831 = arith.index_cast %get3A_827 : i32 to index
        %get3A_832 = arith.constant 32 : index
        %get3A_833 = tpu.vector_load %get3A_830[%get3A_831, %get3A_832] {strides = array<i32>} : memref<16x64xf32, #tpu.memory_space<vmem>>, vector<16xf32>,
        %mul3A_834 = arith.mulf %get3A_833, %get3A_174 : vector<16xf32>
        %add3A_835 = arith.addf %add3A_826, %mul3A_834 : vector<16xf32>
        %get3A_836 = arith.constant 14 : i32
        %get3A_837 = arith.constant 0 : i32
        %get3A_838 = tpu.memref_slice %arg20[%rem3A_79, %mul3A_156, %get3A_837] : memref<2x128x64xf32, #tpu.memory_space<vmem>> -> memref<1x16x64xf32, #tpu.memory_space<vmem>>
        %get3A_839 = tpu.memref_squeeze %get3A_838 : memref<1x16x64xf32, #tpu.memory_space<vmem>> -> memref<16x64xf32, #tpu.memory_space<vmem>>
        %get3A_840 = arith.index_cast %get3A_836 : i32 to index
        %get3A_841 = arith.constant 48 : index
        %get3A_842 = tpu.vector_load %get3A_839[%get3A_840, %get3A_841] {strides = array<i32>} : memref<16x64xf32, #tpu.memory_space<vmem>>, vector<16xf32>,
        %mul3A_843 = arith.mulf %get3A_842, %get3A_180 : vector<16xf32>
        %add3A_844 = arith.addf %add3A_835, %mul3A_843 : vector<16xf32>
        %mul3A_845 = arith.constant 17 : i32
        %mul3A_846 = vector.broadcast %mul3A_845 : i32 to vector<16xi32>
        %mul3A_847 = arith.muli %iota3A, %mul3A_846 : vector<16xi32>
        %add3A_848 = arith.constant 14 : i32
        %add3A_849 = vector.broadcast %add3A_848 : i32 to vector<16xi32>
        %add3A_850 = arith.addi %mul3A_847, %add3A_849 : vector<16xi32>
        %scatter3A_851 = arith.constant 0 : i32
        %scatter3A_852 = arith.constant 0 : i32
        %scatter3A_853 = tpu.memref_slice %arg15[%scatter3A_851, %scatter3A_852] : memref<2x272xf32, #tpu.memory_space<vmem>> -> memref<1x272xf32, #tpu.memory_space<vmem>>
        %scatter3A_854 = tpu.memref_squeeze %scatter3A_853 : memref<1x272xf32, #tpu.memory_space<vmem>> -> memref<272xf32, #tpu.memory_space<vmem>>
        tpu.vector_store_idx %scatter3A_854[%add3A_850], %add3A_844 : memref<272xf32, #tpu.memory_space<vmem>>[vector<16xi32>], vector<16xf32>,
        %get3A_855 = arith.constant 15 : i32
        %get3A_856 = arith.constant 0 : i32
        %get3A_857 = tpu.memref_slice %arg20[%rem3A_79, %mul3A_156, %get3A_856] : memref<2x128x64xf32, #tpu.memory_space<vmem>> -> memref<1x16x64xf32, #tpu.memory_space<vmem>>
        %get3A_858 = tpu.memref_squeeze %get3A_857 : memref<1x16x64xf32, #tpu.memory_space<vmem>> -> memref<16x64xf32, #tpu.memory_space<vmem>>
        %get3A_859 = arith.index_cast %get3A_855 : i32 to index
        %get3A_860 = arith.constant 0 : index
        %get3A_861 = tpu.vector_load %get3A_858[%get3A_859, %get3A_860] {strides = array<i32>} : memref<16x64xf32, #tpu.memory_space<vmem>>, vector<16xf32>,
        %mul3A_862 = arith.mulf %get3A_861, %get3A_162 : vector<16xf32>
        %get3A_863 = arith.constant 15 : i32
        %get3A_864 = arith.constant 0 : i32
        %get3A_865 = tpu.memref_slice %arg20[%rem3A_79, %mul3A_156, %get3A_864] : memref<2x128x64xf32, #tpu.memory_space<vmem>> -> memref<1x16x64xf32, #tpu.memory_space<vmem>>
        %get3A_866 = tpu.memref_squeeze %get3A_865 : memref<1x16x64xf32, #tpu.memory_space<vmem>> -> memref<16x64xf32, #tpu.memory_space<vmem>>
        %get3A_867 = arith.index_cast %get3A_863 : i32 to index
        %get3A_868 = arith.constant 16 : index
        %get3A_869 = tpu.vector_load %get3A_866[%get3A_867, %get3A_868] {strides = array<i32>} : memref<16x64xf32, #tpu.memory_space<vmem>>, vector<16xf32>,
        %mul3A_870 = arith.mulf %get3A_869, %get3A_168 : vector<16xf32>
        %add3A_871 = arith.addf %mul3A_862, %mul3A_870 : vector<16xf32>
        %get3A_872 = arith.constant 15 : i32
        %get3A_873 = arith.constant 0 : i32
        %get3A_874 = tpu.memref_slice %arg20[%rem3A_79, %mul3A_156, %get3A_873] : memref<2x128x64xf32, #tpu.memory_space<vmem>> -> memref<1x16x64xf32, #tpu.memory_space<vmem>>
        %get3A_875 = tpu.memref_squeeze %get3A_874 : memref<1x16x64xf32, #tpu.memory_space<vmem>> -> memref<16x64xf32, #tpu.memory_space<vmem>>
        %get3A_876 = arith.index_cast %get3A_872 : i32 to index
        %get3A_877 = arith.constant 32 : index
        %get3A_878 = tpu.vector_load %get3A_875[%get3A_876, %get3A_877] {strides = array<i32>} : memref<16x64xf32, #tpu.memory_space<vmem>>, vector<16xf32>,
        %mul3A_879 = arith.mulf %get3A_878, %get3A_174 : vector<16xf32>
        %add3A_880 = arith.addf %add3A_871, %mul3A_879 : vector<16xf32>
        %get3A_881 = arith.constant 15 : i32
        %get3A_882 = arith.constant 0 : i32
        %get3A_883 = tpu.memref_slice %arg20[%rem3A_79, %mul3A_156, %get3A_882] : memref<2x128x64xf32, #tpu.memory_space<vmem>> -> memref<1x16x64xf32, #tpu.memory_space<vmem>>
        %get3A_884 = tpu.memref_squeeze %get3A_883 : memref<1x16x64xf32, #tpu.memory_space<vmem>> -> memref<16x64xf32, #tpu.memory_space<vmem>>
        %get3A_885 = arith.index_cast %get3A_881 : i32 to index
        %get3A_886 = arith.constant 48 : index
        %get3A_887 = tpu.vector_load %get3A_884[%get3A_885, %get3A_886] {strides = array<i32>} : memref<16x64xf32, #tpu.memory_space<vmem>>, vector<16xf32>,
        %mul3A_888 = arith.mulf %get3A_887, %get3A_180 : vector<16xf32>
        %add3A_889 = arith.addf %add3A_880, %mul3A_888 : vector<16xf32>
        %mul3A_890 = arith.constant 17 : i32
        %mul3A_891 = vector.broadcast %mul3A_890 : i32 to vector<16xi32>
        %mul3A_892 = arith.muli %iota3A, %mul3A_891 : vector<16xi32>
        %add3A_893 = arith.constant 15 : i32
        %add3A_894 = vector.broadcast %add3A_893 : i32 to vector<16xi32>
        %add3A_895 = arith.addi %mul3A_892, %add3A_894 : vector<16xi32>
        %scatter3A_896 = arith.constant 0 : i32
        %scatter3A_897 = arith.constant 0 : i32
        %scatter3A_898 = tpu.memref_slice %arg15[%scatter3A_896, %scatter3A_897] : memref<2x272xf32, #tpu.memory_space<vmem>> -> memref<1x272xf32, #tpu.memory_space<vmem>>
        %scatter3A_899 = tpu.memref_squeeze %scatter3A_898 : memref<1x272xf32, #tpu.memory_space<vmem>> -> memref<272xf32, #tpu.memory_space<vmem>>
        tpu.vector_store_idx %scatter3A_899[%add3A_895], %add3A_889 : memref<272xf32, #tpu.memory_space<vmem>>[vector<16xi32>], vector<16xf32>,
        %get3A_900 = arith.constant 0 : i32
        %get3A_901 = arith.index_cast %get3A_900 : i32 to index
        %get3A_902 = arith.constant 0 : index
        %get3A_903 = tpu.vector_load %arg15[%get3A_901, %get3A_902] {strides = array<i32>} : memref<2x272xf32, #tpu.memory_space<vmem>>, vector<16xf32>,
        %get3A_904 = arith.constant 0 : i32
        %get3A_905 = arith.index_cast %get3A_904 : i32 to index
        %get3A_906 = arith.constant 17 : index
        %get3A_907 = tpu.vector_load %arg15[%get3A_905, %get3A_906] {strides = array<i32>} : memref<2x272xf32, #tpu.memory_space<vmem>>, vector<16xf32>,
        %add3A_908 = arith.addf %get3A_903, %get3A_907 : vector<16xf32>
        %get3A_909 = arith.constant 0 : i32
        %get3A_910 = arith.index_cast %get3A_909 : i32 to index
        %get3A_911 = arith.constant 34 : index
        %get3A_912 = tpu.vector_load %arg15[%get3A_910, %get3A_911] {strides = array<i32>} : memref<2x272xf32, #tpu.memory_space<vmem>>, vector<16xf32>,
        %add3A_913 = arith.addf %add3A_908, %get3A_912 : vector<16xf32>
        %get3A_914 = arith.constant 0 : i32
        %get3A_915 = arith.index_cast %get3A_914 : i32 to index
        %get3A_916 = arith.constant 51 : index
        %get3A_917 = tpu.vector_load %arg15[%get3A_915, %get3A_916] {strides = array<i32>} : memref<2x272xf32, #tpu.memory_space<vmem>>, vector<16xf32>,
        %add3A_918 = arith.addf %add3A_913, %get3A_917 : vector<16xf32>
        %get3A_919 = arith.constant 0 : i32
        %get3A_920 = arith.index_cast %get3A_919 : i32 to index
        %get3A_921 = arith.constant 68 : index
        %get3A_922 = tpu.vector_load %arg15[%get3A_920, %get3A_921] {strides = array<i32>} : memref<2x272xf32, #tpu.memory_space<vmem>>, vector<16xf32>,
        %add3A_923 = arith.addf %add3A_918, %get3A_922 : vector<16xf32>
        %get3A_924 = arith.constant 0 : i32
        %get3A_925 = arith.index_cast %get3A_924 : i32 to index
        %get3A_926 = arith.constant 85 : index
        %get3A_927 = tpu.vector_load %arg15[%get3A_925, %get3A_926] {strides = array<i32>} : memref<2x272xf32, #tpu.memory_space<vmem>>, vector<16xf32>,
        %add3A_928 = arith.addf %add3A_923, %get3A_927 : vector<16xf32>
        %get3A_929 = arith.constant 0 : i32
        %get3A_930 = arith.index_cast %get3A_929 : i32 to index
        %get3A_931 = arith.constant 102 : index
        %get3A_932 = tpu.vector_load %arg15[%get3A_930, %get3A_931] {strides = array<i32>} : memref<2x272xf32, #tpu.memory_space<vmem>>, vector<16xf32>,
        %add3A_933 = arith.addf %add3A_928, %get3A_932 : vector<16xf32>
        %get3A_934 = arith.constant 0 : i32
        %get3A_935 = arith.index_cast %get3A_934 : i32 to index
        %get3A_936 = arith.constant 119 : index
        %get3A_937 = tpu.vector_load %arg15[%get3A_935, %get3A_936] {strides = array<i32>} : memref<2x272xf32, #tpu.memory_space<vmem>>, vector<16xf32>,
        %add3A_938 = arith.addf %add3A_933, %get3A_937 : vector<16xf32>
        %get3A_939 = arith.constant 0 : i32
        %get3A_940 = arith.index_cast %get3A_939 : i32 to index
        %get3A_941 = arith.constant 136 : index
        %get3A_942 = tpu.vector_load %arg15[%get3A_940, %get3A_941] {strides = array<i32>} : memref<2x272xf32, #tpu.memory_space<vmem>>, vector<16xf32>,
        %add3A_943 = arith.addf %add3A_938, %get3A_942 : vector<16xf32>
        %get3A_944 = arith.constant 0 : i32
        %get3A_945 = arith.index_cast %get3A_944 : i32 to index
        %get3A_946 = arith.constant 153 : index
        %get3A_947 = tpu.vector_load %arg15[%get3A_945, %get3A_946] {strides = array<i32>} : memref<2x272xf32, #tpu.memory_space<vmem>>, vector<16xf32>,
        %add3A_948 = arith.addf %add3A_943, %get3A_947 : vector<16xf32>
        %get3A_949 = arith.constant 0 : i32
        %get3A_950 = arith.index_cast %get3A_949 : i32 to index
        %get3A_951 = arith.constant 170 : index
        %get3A_952 = tpu.vector_load %arg15[%get3A_950, %get3A_951] {strides = array<i32>} : memref<2x272xf32, #tpu.memory_space<vmem>>, vector<16xf32>,
        %add3A_953 = arith.addf %add3A_948, %get3A_952 : vector<16xf32>
        %get3A_954 = arith.constant 0 : i32
        %get3A_955 = arith.index_cast %get3A_954 : i32 to index
        %get3A_956 = arith.constant 187 : index
        %get3A_957 = tpu.vector_load %arg15[%get3A_955, %get3A_956] {strides = array<i32>} : memref<2x272xf32, #tpu.memory_space<vmem>>, vector<16xf32>,
        %add3A_958 = arith.addf %add3A_953, %get3A_957 : vector<16xf32>
        %get3A_959 = arith.constant 0 : i32
        %get3A_960 = arith.index_cast %get3A_959 : i32 to index
        %get3A_961 = arith.constant 204 : index
        %get3A_962 = tpu.vector_load %arg15[%get3A_960, %get3A_961] {strides = array<i32>} : memref<2x272xf32, #tpu.memory_space<vmem>>, vector<16xf32>,
        %add3A_963 = arith.addf %add3A_958, %get3A_962 : vector<16xf32>
        %get3A_964 = arith.constant 0 : i32
        %get3A_965 = arith.index_cast %get3A_964 : i32 to index
        %get3A_966 = arith.constant 221 : index
        %get3A_967 = tpu.vector_load %arg15[%get3A_965, %get3A_966] {strides = array<i32>} : memref<2x272xf32, #tpu.memory_space<vmem>>, vector<16xf32>,
        %add3A_968 = arith.addf %add3A_963, %get3A_967 : vector<16xf32>
        %get3A_969 = arith.constant 0 : i32
        %get3A_970 = arith.index_cast %get3A_969 : i32 to index
        %get3A_971 = arith.constant 238 : index
        %get3A_972 = tpu.vector_load %arg15[%get3A_970, %get3A_971] {strides = array<i32>} : memref<2x272xf32, #tpu.memory_space<vmem>>, vector<16xf32>,
        %add3A_973 = arith.addf %add3A_968, %get3A_972 : vector<16xf32>
        %get3A_974 = arith.constant 0 : i32
        %get3A_975 = arith.index_cast %get3A_974 : i32 to index
        %get3A_976 = arith.constant 255 : index
        %get3A_977 = tpu.vector_load %arg15[%get3A_975, %get3A_976] {strides = array<i32>} : memref<2x272xf32, #tpu.memory_space<vmem>>, vector<16xf32>,
        %add3A_978 = arith.addf %add3A_973, %get3A_977 : vector<16xf32>
        %get3A_979 = arith.index_cast %rem3A_79 : i32 to index
        %get3A_980 = arith.index_cast %mul3A_156 : i32 to index
        %get3A_981 = tpu.vector_load %arg19[%get3A_979, %get3A_980] {strides = array<i32>} : memref<2x128xi32, #tpu.memory_space<vmem>>, vector<16xi32>,
        %mul3A_982 = arith.constant 128 : i32
        %mul3A_983 = arith.muli %scan3A_77, %mul3A_982 : i32
        %add3A_984 = arith.addi %mul3A_983, %mul3A_156 : i32
        %get3A_985 = arith.index_cast %add3A_984 : i32 to index
        %get3A_986 = tpu.vector_load %arg17[%get3A_985] {strides = array<i32>} : memref<8192xi32, #tpu.memory_space<vmem>>, vector<16xi32>,
        %jit3A_987 = arith.constant 0 : i32
        %jit3A_988 = arith.constant 4095 : i32
        %max3A = vector.broadcast %jit3A_987 : i32 to vector<16xi32>
        %max3A_989 = arith.maxsi %max3A, %get3A_981 : vector<16xi32>
        %min3A = vector.broadcast %jit3A_988 : i32 to vector<16xi32>
        %min3A_990 = arith.minsi %min3A, %max3A_989 : vector<16xi32>
        %gather3A = tpu.vector_load_idx %arg10[%min3A_990] : memref<4096xi32, #tpu.memory_space<vmem>>[vector<16xi32>], vector<16xi32>,
        %ge3A_991 = arith.constant 0 : i32
        %ge3A_992 = vector.broadcast %ge3A_991 : i32 to vector<16xi32>
        %ge3A_993 = arith.cmpi sge, %get3A_981, %ge3A_992 : vector<16xi32>
        %lt3A_994 = arith.constant 4096 : i32
        %lt3A_995 = vector.broadcast %lt3A_994 : i32 to vector<16xi32>
        %lt3A_996 = arith.cmpi slt, %get3A_981, %lt3A_995 : vector<16xi32>
        %and3A_997 = arith.andi %ge3A_993, %lt3A_996 : vector<16xi1>
        %eq3A_998 = arith.cmpi eq, %gather3A, %get3A_986 : vector<16xi32>
        %and3A_999 = arith.andi %and3A_997, %eq3A_998 : vector<16xi1>
        %ne3A_1000 = arith.constant 0 : i32
        %ne3A_1001 = vector.broadcast %ne3A_1000 : i32 to vector<16xi32>
        %ne3A_1002 = arith.cmpi ne, %get3A_14, %ne3A_1001 : vector<16xi32>
        %and3A_1003 = arith.andi %and3A_999, %ne3A_1002 : vector<16xi1>
        %swap3A = arith.index_cast %rem3A_79 : i32 to index
        %swap3A_1004 = arith.index_cast %mul3A_156 : i32 to index
        %swap3A_1005 = tpu.vector_load %arg22[%swap3A, %swap3A_1004] {strides = array<i32>} : memref<2x128xf32, #tpu.memory_space<vmem>>, vector<16xf32>,
        tpu.vector_store %arg22[%swap3A, %swap3A_1004], %add3A_978 {strides = array<i32>} : memref<2x128xf32, #tpu.memory_space<vmem>>, vector<16xf32>,
        %convert_element_type3A_1006 = arith.extui %and3A_1003 : vector<16xi1> to vector<16xi32>
        %reduce_sum3A = arith.constant true
        %reduce_sum3A_1007 = vector.broadcast %reduce_sum3A : i1 to vector<16xi1>
        %reduce_sum3A_1008 = tpu.scan <sum>, %convert_element_type3A_1006 masked %reduce_sum3A_1007 : vector<16xi32>, vector<16xi1> -> vector<16xi32>
        %reduce_sum3A_1009 = vector.extract %reduce_sum3A_1008[15] : i32 from vector<16xi32>
        %gt3A = arith.constant 0 : i32
        %gt3A_1010 = arith.cmpi sgt, %reduce_sum3A_1009, %gt3A : i32
        %convert_element_type3A_1011 = arith.extui %gt3A_1010 : i1 to i32
        %cond3A_1012 = arith.constant 0 : i32
        %cond3A_1013 = arith.cmpi ne, %convert_element_type3A_1011, %cond3A_1012 : i32
        scf.if %cond3A_1013 {
          "tpu.region"() ({
            %run_scoped3A = tpu.sem_alloc : memref<!tpu.dma_semaphore, #tpu.memory_space<semaphore_mem>>
            %dma_start3A_2519 = arith.constant 0 : i32
            %dma_start3A_2520 = arith.constant 0 : i32
            %dma_start3A_2521 = tpu.memref_slice %arg9[%dma_start3A_2519, %dma_start3A_2520] : memref<4096x64xf32, #tpu.memory_space<vmem_shared>> -> memref<4096x64xf32, #tpu.memory_space<vmem_shared>>
            tpu.enqueue_indirect_dma source(%dma_start3A_2521 : memref<4096x64xf32, #tpu.memory_space<vmem_shared>>) target(%arg21 : memref<16x64xf32, #tpu.memory_space<vmem>>) offsets(%min3A_990 : vector<16xi32>) semaphore(%run_scoped3A : memref<!tpu.dma_semaphore, #tpu.memory_space<semaphore_mem>>)
            %dma_wait3A_2522 = arith.constant 0 : i32
            %dma_wait3A_2523 = arith.constant 0 : i32
            %dma_wait3A_2524 = tpu.memref_slice %arg9[%dma_wait3A_2522, %dma_wait3A_2523] : memref<4096x64xf32, #tpu.memory_space<vmem_shared>> -> memref<4096x64xf32, #tpu.memory_space<vmem_shared>>
            tpu.wait_indirect_dma semaphore(%run_scoped3A : memref<!tpu.dma_semaphore, #tpu.memory_space<semaphore_mem>>) src(%dma_wait3A_2524 : memref<4096x64xf32, #tpu.memory_space<vmem_shared>>) dst(%arg21 : memref<16x64xf32, #tpu.memory_space<vmem>>)
            tpu.yield
          }) : () -> ()
          %get3A_1908 = arith.constant 0 : i32
          %get3A_1909 = arith.index_cast %get3A_1908 : i32 to index
          %get3A_1910 = arith.constant 0 : index
          %get3A_1911 = tpu.vector_load %arg21[%get3A_1909, %get3A_1910] {strides = array<i32>} : memref<16x64xf32, #tpu.memory_space<vmem>>, vector<16xf32>,
          %mul3A_1912 = arith.mulf %get3A_1911, %get3A_162 : vector<16xf32>
          %get3A_1913 = arith.constant 0 : i32
          %get3A_1914 = arith.index_cast %get3A_1913 : i32 to index
          %get3A_1915 = arith.constant 16 : index
          %get3A_1916 = tpu.vector_load %arg21[%get3A_1914, %get3A_1915] {strides = array<i32>} : memref<16x64xf32, #tpu.memory_space<vmem>>, vector<16xf32>,
          %mul3A_1917 = arith.mulf %get3A_1916, %get3A_168 : vector<16xf32>
          %add3A_1918 = arith.addf %mul3A_1912, %mul3A_1917 : vector<16xf32>
          %get3A_1919 = arith.constant 0 : i32
          %get3A_1920 = arith.index_cast %get3A_1919 : i32 to index
          %get3A_1921 = arith.constant 32 : index
          %get3A_1922 = tpu.vector_load %arg21[%get3A_1920, %get3A_1921] {strides = array<i32>} : memref<16x64xf32, #tpu.memory_space<vmem>>, vector<16xf32>,
          %mul3A_1923 = arith.mulf %get3A_1922, %get3A_174 : vector<16xf32>
          %add3A_1924 = arith.addf %add3A_1918, %mul3A_1923 : vector<16xf32>
          %get3A_1925 = arith.constant 0 : i32
          %get3A_1926 = arith.index_cast %get3A_1925 : i32 to index
          %get3A_1927 = arith.constant 48 : index
          %get3A_1928 = tpu.vector_load %arg21[%get3A_1926, %get3A_1927] {strides = array<i32>} : memref<16x64xf32, #tpu.memory_space<vmem>>, vector<16xf32>,
          %mul3A_1929 = arith.mulf %get3A_1928, %get3A_180 : vector<16xf32>
          %add3A_1930 = arith.addf %add3A_1924, %mul3A_1929 : vector<16xf32>
          %mul3A_1931 = arith.constant 17 : i32
          %mul3A_1932 = vector.broadcast %mul3A_1931 : i32 to vector<16xi32>
          %mul3A_1933 = arith.muli %iota3A, %mul3A_1932 : vector<16xi32>
          %add3A_1934 = arith.constant 0 : i32
          %add3A_1935 = vector.broadcast %add3A_1934 : i32 to vector<16xi32>
          %add3A_1936 = arith.addi %mul3A_1933, %add3A_1935 : vector<16xi32>
          %scatter3A_1937 = arith.constant 0 : i32
          %scatter3A_1938 = arith.constant 0 : i32
          %scatter3A_1939 = tpu.memref_slice %arg15[%scatter3A_1937, %scatter3A_1938] : memref<2x272xf32, #tpu.memory_space<vmem>> -> memref<1x272xf32, #tpu.memory_space<vmem>>
          %scatter3A_1940 = tpu.memref_squeeze %scatter3A_1939 : memref<1x272xf32, #tpu.memory_space<vmem>> -> memref<272xf32, #tpu.memory_space<vmem>>
          tpu.vector_store_idx %scatter3A_1940[%add3A_1936], %add3A_1930 : memref<272xf32, #tpu.memory_space<vmem>>[vector<16xi32>], vector<16xf32>,
          %get3A_1941 = arith.constant 1 : i32
          %get3A_1942 = arith.index_cast %get3A_1941 : i32 to index
          %get3A_1943 = arith.constant 0 : index
          %get3A_1944 = tpu.vector_load %arg21[%get3A_1942, %get3A_1943] {strides = array<i32>} : memref<16x64xf32, #tpu.memory_space<vmem>>, vector<16xf32>,
          %mul3A_1945 = arith.mulf %get3A_1944, %get3A_162 : vector<16xf32>
          %get3A_1946 = arith.constant 1 : i32
          %get3A_1947 = arith.index_cast %get3A_1946 : i32 to index
          %get3A_1948 = arith.constant 16 : index
          %get3A_1949 = tpu.vector_load %arg21[%get3A_1947, %get3A_1948] {strides = array<i32>} : memref<16x64xf32, #tpu.memory_space<vmem>>, vector<16xf32>,
          %mul3A_1950 = arith.mulf %get3A_1949, %get3A_168 : vector<16xf32>
          %add3A_1951 = arith.addf %mul3A_1945, %mul3A_1950 : vector<16xf32>
          %get3A_1952 = arith.constant 1 : i32
          %get3A_1953 = arith.index_cast %get3A_1952 : i32 to index
          %get3A_1954 = arith.constant 32 : index
          %get3A_1955 = tpu.vector_load %arg21[%get3A_1953, %get3A_1954] {strides = array<i32>} : memref<16x64xf32, #tpu.memory_space<vmem>>, vector<16xf32>,
          %mul3A_1956 = arith.mulf %get3A_1955, %get3A_174 : vector<16xf32>
          %add3A_1957 = arith.addf %add3A_1951, %mul3A_1956 : vector<16xf32>
          %get3A_1958 = arith.constant 1 : i32
          %get3A_1959 = arith.index_cast %get3A_1958 : i32 to index
          %get3A_1960 = arith.constant 48 : index
          %get3A_1961 = tpu.vector_load %arg21[%get3A_1959, %get3A_1960] {strides = array<i32>} : memref<16x64xf32, #tpu.memory_space<vmem>>, vector<16xf32>,
          %mul3A_1962 = arith.mulf %get3A_1961, %get3A_180 : vector<16xf32>
          %add3A_1963 = arith.addf %add3A_1957, %mul3A_1962 : vector<16xf32>
          %mul3A_1964 = arith.constant 17 : i32
          %mul3A_1965 = vector.broadcast %mul3A_1964 : i32 to vector<16xi32>
          %mul3A_1966 = arith.muli %iota3A, %mul3A_1965 : vector<16xi32>
          %add3A_1967 = arith.constant 1 : i32
          %add3A_1968 = vector.broadcast %add3A_1967 : i32 to vector<16xi32>
          %add3A_1969 = arith.addi %mul3A_1966, %add3A_1968 : vector<16xi32>
          %scatter3A_1970 = arith.constant 0 : i32
          %scatter3A_1971 = arith.constant 0 : i32
          %scatter3A_1972 = tpu.memref_slice %arg15[%scatter3A_1970, %scatter3A_1971] : memref<2x272xf32, #tpu.memory_space<vmem>> -> memref<1x272xf32, #tpu.memory_space<vmem>>
          %scatter3A_1973 = tpu.memref_squeeze %scatter3A_1972 : memref<1x272xf32, #tpu.memory_space<vmem>> -> memref<272xf32, #tpu.memory_space<vmem>>
          tpu.vector_store_idx %scatter3A_1973[%add3A_1969], %add3A_1963 : memref<272xf32, #tpu.memory_space<vmem>>[vector<16xi32>], vector<16xf32>,
          %get3A_1974 = arith.constant 2 : i32
          %get3A_1975 = arith.index_cast %get3A_1974 : i32 to index
          %get3A_1976 = arith.constant 0 : index
          %get3A_1977 = tpu.vector_load %arg21[%get3A_1975, %get3A_1976] {strides = array<i32>} : memref<16x64xf32, #tpu.memory_space<vmem>>, vector<16xf32>,
          %mul3A_1978 = arith.mulf %get3A_1977, %get3A_162 : vector<16xf32>
          %get3A_1979 = arith.constant 2 : i32
          %get3A_1980 = arith.index_cast %get3A_1979 : i32 to index
          %get3A_1981 = arith.constant 16 : index
          %get3A_1982 = tpu.vector_load %arg21[%get3A_1980, %get3A_1981] {strides = array<i32>} : memref<16x64xf32, #tpu.memory_space<vmem>>, vector<16xf32>,
          %mul3A_1983 = arith.mulf %get3A_1982, %get3A_168 : vector<16xf32>
          %add3A_1984 = arith.addf %mul3A_1978, %mul3A_1983 : vector<16xf32>
          %get3A_1985 = arith.constant 2 : i32
          %get3A_1986 = arith.index_cast %get3A_1985 : i32 to index
          %get3A_1987 = arith.constant 32 : index
          %get3A_1988 = tpu.vector_load %arg21[%get3A_1986, %get3A_1987] {strides = array<i32>} : memref<16x64xf32, #tpu.memory_space<vmem>>, vector<16xf32>,
          %mul3A_1989 = arith.mulf %get3A_1988, %get3A_174 : vector<16xf32>
          %add3A_1990 = arith.addf %add3A_1984, %mul3A_1989 : vector<16xf32>
          %get3A_1991 = arith.constant 2 : i32
          %get3A_1992 = arith.index_cast %get3A_1991 : i32 to index
          %get3A_1993 = arith.constant 48 : index
          %get3A_1994 = tpu.vector_load %arg21[%get3A_1992, %get3A_1993] {strides = array<i32>} : memref<16x64xf32, #tpu.memory_space<vmem>>, vector<16xf32>,
          %mul3A_1995 = arith.mulf %get3A_1994, %get3A_180 : vector<16xf32>
          %add3A_1996 = arith.addf %add3A_1990, %mul3A_1995 : vector<16xf32>
          %mul3A_1997 = arith.constant 17 : i32
          %mul3A_1998 = vector.broadcast %mul3A_1997 : i32 to vector<16xi32>
          %mul3A_1999 = arith.muli %iota3A, %mul3A_1998 : vector<16xi32>
          %add3A_2000 = arith.constant 2 : i32
          %add3A_2001 = vector.broadcast %add3A_2000 : i32 to vector<16xi32>
          %add3A_2002 = arith.addi %mul3A_1999, %add3A_2001 : vector<16xi32>
          %scatter3A_2003 = arith.constant 0 : i32
          %scatter3A_2004 = arith.constant 0 : i32
          %scatter3A_2005 = tpu.memref_slice %arg15[%scatter3A_2003, %scatter3A_2004] : memref<2x272xf32, #tpu.memory_space<vmem>> -> memref<1x272xf32, #tpu.memory_space<vmem>>
          %scatter3A_2006 = tpu.memref_squeeze %scatter3A_2005 : memref<1x272xf32, #tpu.memory_space<vmem>> -> memref<272xf32, #tpu.memory_space<vmem>>
          tpu.vector_store_idx %scatter3A_2006[%add3A_2002], %add3A_1996 : memref<272xf32, #tpu.memory_space<vmem>>[vector<16xi32>], vector<16xf32>,
          %get3A_2007 = arith.constant 3 : i32
          %get3A_2008 = arith.index_cast %get3A_2007 : i32 to index
          %get3A_2009 = arith.constant 0 : index
          %get3A_2010 = tpu.vector_load %arg21[%get3A_2008, %get3A_2009] {strides = array<i32>} : memref<16x64xf32, #tpu.memory_space<vmem>>, vector<16xf32>,
          %mul3A_2011 = arith.mulf %get3A_2010, %get3A_162 : vector<16xf32>
          %get3A_2012 = arith.constant 3 : i32
          %get3A_2013 = arith.index_cast %get3A_2012 : i32 to index
          %get3A_2014 = arith.constant 16 : index
          %get3A_2015 = tpu.vector_load %arg21[%get3A_2013, %get3A_2014] {strides = array<i32>} : memref<16x64xf32, #tpu.memory_space<vmem>>, vector<16xf32>,
          %mul3A_2016 = arith.mulf %get3A_2015, %get3A_168 : vector<16xf32>
          %add3A_2017 = arith.addf %mul3A_2011, %mul3A_2016 : vector<16xf32>
          %get3A_2018 = arith.constant 3 : i32
          %get3A_2019 = arith.index_cast %get3A_2018 : i32 to index
          %get3A_2020 = arith.constant 32 : index
          %get3A_2021 = tpu.vector_load %arg21[%get3A_2019, %get3A_2020] {strides = array<i32>} : memref<16x64xf32, #tpu.memory_space<vmem>>, vector<16xf32>,
          %mul3A_2022 = arith.mulf %get3A_2021, %get3A_174 : vector<16xf32>
          %add3A_2023 = arith.addf %add3A_2017, %mul3A_2022 : vector<16xf32>
          %get3A_2024 = arith.constant 3 : i32
          %get3A_2025 = arith.index_cast %get3A_2024 : i32 to index
          %get3A_2026 = arith.constant 48 : index
          %get3A_2027 = tpu.vector_load %arg21[%get3A_2025, %get3A_2026] {strides = array<i32>} : memref<16x64xf32, #tpu.memory_space<vmem>>, vector<16xf32>,
          %mul3A_2028 = arith.mulf %get3A_2027, %get3A_180 : vector<16xf32>
          %add3A_2029 = arith.addf %add3A_2023, %mul3A_2028 : vector<16xf32>
          %mul3A_2030 = arith.constant 17 : i32
          %mul3A_2031 = vector.broadcast %mul3A_2030 : i32 to vector<16xi32>
          %mul3A_2032 = arith.muli %iota3A, %mul3A_2031 : vector<16xi32>
          %add3A_2033 = arith.constant 3 : i32
          %add3A_2034 = vector.broadcast %add3A_2033 : i32 to vector<16xi32>
          %add3A_2035 = arith.addi %mul3A_2032, %add3A_2034 : vector<16xi32>
          %scatter3A_2036 = arith.constant 0 : i32
          %scatter3A_2037 = arith.constant 0 : i32
          %scatter3A_2038 = tpu.memref_slice %arg15[%scatter3A_2036, %scatter3A_2037] : memref<2x272xf32, #tpu.memory_space<vmem>> -> memref<1x272xf32, #tpu.memory_space<vmem>>
          %scatter3A_2039 = tpu.memref_squeeze %scatter3A_2038 : memref<1x272xf32, #tpu.memory_space<vmem>> -> memref<272xf32, #tpu.memory_space<vmem>>
          tpu.vector_store_idx %scatter3A_2039[%add3A_2035], %add3A_2029 : memref<272xf32, #tpu.memory_space<vmem>>[vector<16xi32>], vector<16xf32>,
          %get3A_2040 = arith.constant 4 : i32
          %get3A_2041 = arith.index_cast %get3A_2040 : i32 to index
          %get3A_2042 = arith.constant 0 : index
          %get3A_2043 = tpu.vector_load %arg21[%get3A_2041, %get3A_2042] {strides = array<i32>} : memref<16x64xf32, #tpu.memory_space<vmem>>, vector<16xf32>,
          %mul3A_2044 = arith.mulf %get3A_2043, %get3A_162 : vector<16xf32>
          %get3A_2045 = arith.constant 4 : i32
          %get3A_2046 = arith.index_cast %get3A_2045 : i32 to index
          %get3A_2047 = arith.constant 16 : index
          %get3A_2048 = tpu.vector_load %arg21[%get3A_2046, %get3A_2047] {strides = array<i32>} : memref<16x64xf32, #tpu.memory_space<vmem>>, vector<16xf32>,
          %mul3A_2049 = arith.mulf %get3A_2048, %get3A_168 : vector<16xf32>
          %add3A_2050 = arith.addf %mul3A_2044, %mul3A_2049 : vector<16xf32>
          %get3A_2051 = arith.constant 4 : i32
          %get3A_2052 = arith.index_cast %get3A_2051 : i32 to index
          %get3A_2053 = arith.constant 32 : index
          %get3A_2054 = tpu.vector_load %arg21[%get3A_2052, %get3A_2053] {strides = array<i32>} : memref<16x64xf32, #tpu.memory_space<vmem>>, vector<16xf32>,
          %mul3A_2055 = arith.mulf %get3A_2054, %get3A_174 : vector<16xf32>
          %add3A_2056 = arith.addf %add3A_2050, %mul3A_2055 : vector<16xf32>
          %get3A_2057 = arith.constant 4 : i32
          %get3A_2058 = arith.index_cast %get3A_2057 : i32 to index
          %get3A_2059 = arith.constant 48 : index
          %get3A_2060 = tpu.vector_load %arg21[%get3A_2058, %get3A_2059] {strides = array<i32>} : memref<16x64xf32, #tpu.memory_space<vmem>>, vector<16xf32>,
          %mul3A_2061 = arith.mulf %get3A_2060, %get3A_180 : vector<16xf32>
          %add3A_2062 = arith.addf %add3A_2056, %mul3A_2061 : vector<16xf32>
          %mul3A_2063 = arith.constant 17 : i32
          %mul3A_2064 = vector.broadcast %mul3A_2063 : i32 to vector<16xi32>
          %mul3A_2065 = arith.muli %iota3A, %mul3A_2064 : vector<16xi32>
          %add3A_2066 = arith.constant 4 : i32
          %add3A_2067 = vector.broadcast %add3A_2066 : i32 to vector<16xi32>
          %add3A_2068 = arith.addi %mul3A_2065, %add3A_2067 : vector<16xi32>
          %scatter3A_2069 = arith.constant 0 : i32
          %scatter3A_2070 = arith.constant 0 : i32
          %scatter3A_2071 = tpu.memref_slice %arg15[%scatter3A_2069, %scatter3A_2070] : memref<2x272xf32, #tpu.memory_space<vmem>> -> memref<1x272xf32, #tpu.memory_space<vmem>>
          %scatter3A_2072 = tpu.memref_squeeze %scatter3A_2071 : memref<1x272xf32, #tpu.memory_space<vmem>> -> memref<272xf32, #tpu.memory_space<vmem>>
          tpu.vector_store_idx %scatter3A_2072[%add3A_2068], %add3A_2062 : memref<272xf32, #tpu.memory_space<vmem>>[vector<16xi32>], vector<16xf32>,
          %get3A_2073 = arith.constant 5 : i32
          %get3A_2074 = arith.index_cast %get3A_2073 : i32 to index
          %get3A_2075 = arith.constant 0 : index
          %get3A_2076 = tpu.vector_load %arg21[%get3A_2074, %get3A_2075] {strides = array<i32>} : memref<16x64xf32, #tpu.memory_space<vmem>>, vector<16xf32>,
          %mul3A_2077 = arith.mulf %get3A_2076, %get3A_162 : vector<16xf32>
          %get3A_2078 = arith.constant 5 : i32
          %get3A_2079 = arith.index_cast %get3A_2078 : i32 to index
          %get3A_2080 = arith.constant 16 : index
          %get3A_2081 = tpu.vector_load %arg21[%get3A_2079, %get3A_2080] {strides = array<i32>} : memref<16x64xf32, #tpu.memory_space<vmem>>, vector<16xf32>,
          %mul3A_2082 = arith.mulf %get3A_2081, %get3A_168 : vector<16xf32>
          %add3A_2083 = arith.addf %mul3A_2077, %mul3A_2082 : vector<16xf32>
          %get3A_2084 = arith.constant 5 : i32
          %get3A_2085 = arith.index_cast %get3A_2084 : i32 to index
          %get3A_2086 = arith.constant 32 : index
          %get3A_2087 = tpu.vector_load %arg21[%get3A_2085, %get3A_2086] {strides = array<i32>} : memref<16x64xf32, #tpu.memory_space<vmem>>, vector<16xf32>,
          %mul3A_2088 = arith.mulf %get3A_2087, %get3A_174 : vector<16xf32>
          %add3A_2089 = arith.addf %add3A_2083, %mul3A_2088 : vector<16xf32>
          %get3A_2090 = arith.constant 5 : i32
          %get3A_2091 = arith.index_cast %get3A_2090 : i32 to index
          %get3A_2092 = arith.constant 48 : index
          %get3A_2093 = tpu.vector_load %arg21[%get3A_2091, %get3A_2092] {strides = array<i32>} : memref<16x64xf32, #tpu.memory_space<vmem>>, vector<16xf32>,
          %mul3A_2094 = arith.mulf %get3A_2093, %get3A_180 : vector<16xf32>
          %add3A_2095 = arith.addf %add3A_2089, %mul3A_2094 : vector<16xf32>
          %mul3A_2096 = arith.constant 17 : i32
          %mul3A_2097 = vector.broadcast %mul3A_2096 : i32 to vector<16xi32>
          %mul3A_2098 = arith.muli %iota3A, %mul3A_2097 : vector<16xi32>
          %add3A_2099 = arith.constant 5 : i32
          %add3A_2100 = vector.broadcast %add3A_2099 : i32 to vector<16xi32>
          %add3A_2101 = arith.addi %mul3A_2098, %add3A_2100 : vector<16xi32>
          %scatter3A_2102 = arith.constant 0 : i32
          %scatter3A_2103 = arith.constant 0 : i32
          %scatter3A_2104 = tpu.memref_slice %arg15[%scatter3A_2102, %scatter3A_2103] : memref<2x272xf32, #tpu.memory_space<vmem>> -> memref<1x272xf32, #tpu.memory_space<vmem>>
          %scatter3A_2105 = tpu.memref_squeeze %scatter3A_2104 : memref<1x272xf32, #tpu.memory_space<vmem>> -> memref<272xf32, #tpu.memory_space<vmem>>
          tpu.vector_store_idx %scatter3A_2105[%add3A_2101], %add3A_2095 : memref<272xf32, #tpu.memory_space<vmem>>[vector<16xi32>], vector<16xf32>,
          %get3A_2106 = arith.constant 6 : i32
          %get3A_2107 = arith.index_cast %get3A_2106 : i32 to index
          %get3A_2108 = arith.constant 0 : index
          %get3A_2109 = tpu.vector_load %arg21[%get3A_2107, %get3A_2108] {strides = array<i32>} : memref<16x64xf32, #tpu.memory_space<vmem>>, vector<16xf32>,
          %mul3A_2110 = arith.mulf %get3A_2109, %get3A_162 : vector<16xf32>
          %get3A_2111 = arith.constant 6 : i32
          %get3A_2112 = arith.index_cast %get3A_2111 : i32 to index
          %get3A_2113 = arith.constant 16 : index
          %get3A_2114 = tpu.vector_load %arg21[%get3A_2112, %get3A_2113] {strides = array<i32>} : memref<16x64xf32, #tpu.memory_space<vmem>>, vector<16xf32>,
          %mul3A_2115 = arith.mulf %get3A_2114, %get3A_168 : vector<16xf32>
          %add3A_2116 = arith.addf %mul3A_2110, %mul3A_2115 : vector<16xf32>
          %get3A_2117 = arith.constant 6 : i32
          %get3A_2118 = arith.index_cast %get3A_2117 : i32 to index
          %get3A_2119 = arith.constant 32 : index
          %get3A_2120 = tpu.vector_load %arg21[%get3A_2118, %get3A_2119] {strides = array<i32>} : memref<16x64xf32, #tpu.memory_space<vmem>>, vector<16xf32>,
          %mul3A_2121 = arith.mulf %get3A_2120, %get3A_174 : vector<16xf32>
          %add3A_2122 = arith.addf %add3A_2116, %mul3A_2121 : vector<16xf32>
          %get3A_2123 = arith.constant 6 : i32
          %get3A_2124 = arith.index_cast %get3A_2123 : i32 to index
          %get3A_2125 = arith.constant 48 : index
          %get3A_2126 = tpu.vector_load %arg21[%get3A_2124, %get3A_2125] {strides = array<i32>} : memref<16x64xf32, #tpu.memory_space<vmem>>, vector<16xf32>,
          %mul3A_2127 = arith.mulf %get3A_2126, %get3A_180 : vector<16xf32>
          %add3A_2128 = arith.addf %add3A_2122, %mul3A_2127 : vector<16xf32>
          %mul3A_2129 = arith.constant 17 : i32
          %mul3A_2130 = vector.broadcast %mul3A_2129 : i32 to vector<16xi32>
          %mul3A_2131 = arith.muli %iota3A, %mul3A_2130 : vector<16xi32>
          %add3A_2132 = arith.constant 6 : i32
          %add3A_2133 = vector.broadcast %add3A_2132 : i32 to vector<16xi32>
          %add3A_2134 = arith.addi %mul3A_2131, %add3A_2133 : vector<16xi32>
          %scatter3A_2135 = arith.constant 0 : i32
          %scatter3A_2136 = arith.constant 0 : i32
          %scatter3A_2137 = tpu.memref_slice %arg15[%scatter3A_2135, %scatter3A_2136] : memref<2x272xf32, #tpu.memory_space<vmem>> -> memref<1x272xf32, #tpu.memory_space<vmem>>
          %scatter3A_2138 = tpu.memref_squeeze %scatter3A_2137 : memref<1x272xf32, #tpu.memory_space<vmem>> -> memref<272xf32, #tpu.memory_space<vmem>>
          tpu.vector_store_idx %scatter3A_2138[%add3A_2134], %add3A_2128 : memref<272xf32, #tpu.memory_space<vmem>>[vector<16xi32>], vector<16xf32>,
          %get3A_2139 = arith.constant 7 : i32
          %get3A_2140 = arith.index_cast %get3A_2139 : i32 to index
          %get3A_2141 = arith.constant 0 : index
          %get3A_2142 = tpu.vector_load %arg21[%get3A_2140, %get3A_2141] {strides = array<i32>} : memref<16x64xf32, #tpu.memory_space<vmem>>, vector<16xf32>,
          %mul3A_2143 = arith.mulf %get3A_2142, %get3A_162 : vector<16xf32>
          %get3A_2144 = arith.constant 7 : i32
          %get3A_2145 = arith.index_cast %get3A_2144 : i32 to index
          %get3A_2146 = arith.constant 16 : index
          %get3A_2147 = tpu.vector_load %arg21[%get3A_2145, %get3A_2146] {strides = array<i32>} : memref<16x64xf32, #tpu.memory_space<vmem>>, vector<16xf32>,
          %mul3A_2148 = arith.mulf %get3A_2147, %get3A_168 : vector<16xf32>
          %add3A_2149 = arith.addf %mul3A_2143, %mul3A_2148 : vector<16xf32>
          %get3A_2150 = arith.constant 7 : i32
          %get3A_2151 = arith.index_cast %get3A_2150 : i32 to index
          %get3A_2152 = arith.constant 32 : index
          %get3A_2153 = tpu.vector_load %arg21[%get3A_2151, %get3A_2152] {strides = array<i32>} : memref<16x64xf32, #tpu.memory_space<vmem>>, vector<16xf32>,
          %mul3A_2154 = arith.mulf %get3A_2153, %get3A_174 : vector<16xf32>
          %add3A_2155 = arith.addf %add3A_2149, %mul3A_2154 : vector<16xf32>
          %get3A_2156 = arith.constant 7 : i32
          %get3A_2157 = arith.index_cast %get3A_2156 : i32 to index
          %get3A_2158 = arith.constant 48 : index
          %get3A_2159 = tpu.vector_load %arg21[%get3A_2157, %get3A_2158] {strides = array<i32>} : memref<16x64xf32, #tpu.memory_space<vmem>>, vector<16xf32>,
          %mul3A_2160 = arith.mulf %get3A_2159, %get3A_180 : vector<16xf32>
          %add3A_2161 = arith.addf %add3A_2155, %mul3A_2160 : vector<16xf32>
          %mul3A_2162 = arith.constant 17 : i32
          %mul3A_2163 = vector.broadcast %mul3A_2162 : i32 to vector<16xi32>
          %mul3A_2164 = arith.muli %iota3A, %mul3A_2163 : vector<16xi32>
          %add3A_2165 = arith.constant 7 : i32
          %add3A_2166 = vector.broadcast %add3A_2165 : i32 to vector<16xi32>
          %add3A_2167 = arith.addi %mul3A_2164, %add3A_2166 : vector<16xi32>
          %scatter3A_2168 = arith.constant 0 : i32
          %scatter3A_2169 = arith.constant 0 : i32
          %scatter3A_2170 = tpu.memref_slice %arg15[%scatter3A_2168, %scatter3A_2169] : memref<2x272xf32, #tpu.memory_space<vmem>> -> memref<1x272xf32, #tpu.memory_space<vmem>>
          %scatter3A_2171 = tpu.memref_squeeze %scatter3A_2170 : memref<1x272xf32, #tpu.memory_space<vmem>> -> memref<272xf32, #tpu.memory_space<vmem>>
          tpu.vector_store_idx %scatter3A_2171[%add3A_2167], %add3A_2161 : memref<272xf32, #tpu.memory_space<vmem>>[vector<16xi32>], vector<16xf32>,
          %get3A_2172 = arith.constant 8 : i32
          %get3A_2173 = arith.index_cast %get3A_2172 : i32 to index
          %get3A_2174 = arith.constant 0 : index
          %get3A_2175 = tpu.vector_load %arg21[%get3A_2173, %get3A_2174] {strides = array<i32>} : memref<16x64xf32, #tpu.memory_space<vmem>>, vector<16xf32>,
          %mul3A_2176 = arith.mulf %get3A_2175, %get3A_162 : vector<16xf32>
          %get3A_2177 = arith.constant 8 : i32
          %get3A_2178 = arith.index_cast %get3A_2177 : i32 to index
          %get3A_2179 = arith.constant 16 : index
          %get3A_2180 = tpu.vector_load %arg21[%get3A_2178, %get3A_2179] {strides = array<i32>} : memref<16x64xf32, #tpu.memory_space<vmem>>, vector<16xf32>,
          %mul3A_2181 = arith.mulf %get3A_2180, %get3A_168 : vector<16xf32>
          %add3A_2182 = arith.addf %mul3A_2176, %mul3A_2181 : vector<16xf32>
          %get3A_2183 = arith.constant 8 : i32
          %get3A_2184 = arith.index_cast %get3A_2183 : i32 to index
          %get3A_2185 = arith.constant 32 : index
          %get3A_2186 = tpu.vector_load %arg21[%get3A_2184, %get3A_2185] {strides = array<i32>} : memref<16x64xf32, #tpu.memory_space<vmem>>, vector<16xf32>,
          %mul3A_2187 = arith.mulf %get3A_2186, %get3A_174 : vector<16xf32>
          %add3A_2188 = arith.addf %add3A_2182, %mul3A_2187 : vector<16xf32>
          %get3A_2189 = arith.constant 8 : i32
          %get3A_2190 = arith.index_cast %get3A_2189 : i32 to index
          %get3A_2191 = arith.constant 48 : index
          %get3A_2192 = tpu.vector_load %arg21[%get3A_2190, %get3A_2191] {strides = array<i32>} : memref<16x64xf32, #tpu.memory_space<vmem>>, vector<16xf32>,
          %mul3A_2193 = arith.mulf %get3A_2192, %get3A_180 : vector<16xf32>
          %add3A_2194 = arith.addf %add3A_2188, %mul3A_2193 : vector<16xf32>
          %mul3A_2195 = arith.constant 17 : i32
          %mul3A_2196 = vector.broadcast %mul3A_2195 : i32 to vector<16xi32>
          %mul3A_2197 = arith.muli %iota3A, %mul3A_2196 : vector<16xi32>
          %add3A_2198 = arith.constant 8 : i32
          %add3A_2199 = vector.broadcast %add3A_2198 : i32 to vector<16xi32>
          %add3A_2200 = arith.addi %mul3A_2197, %add3A_2199 : vector<16xi32>
          %scatter3A_2201 = arith.constant 0 : i32
          %scatter3A_2202 = arith.constant 0 : i32
          %scatter3A_2203 = tpu.memref_slice %arg15[%scatter3A_2201, %scatter3A_2202] : memref<2x272xf32, #tpu.memory_space<vmem>> -> memref<1x272xf32, #tpu.memory_space<vmem>>
          %scatter3A_2204 = tpu.memref_squeeze %scatter3A_2203 : memref<1x272xf32, #tpu.memory_space<vmem>> -> memref<272xf32, #tpu.memory_space<vmem>>
          tpu.vector_store_idx %scatter3A_2204[%add3A_2200], %add3A_2194 : memref<272xf32, #tpu.memory_space<vmem>>[vector<16xi32>], vector<16xf32>,
          %get3A_2205 = arith.constant 9 : i32
          %get3A_2206 = arith.index_cast %get3A_2205 : i32 to index
          %get3A_2207 = arith.constant 0 : index
          %get3A_2208 = tpu.vector_load %arg21[%get3A_2206, %get3A_2207] {strides = array<i32>} : memref<16x64xf32, #tpu.memory_space<vmem>>, vector<16xf32>,
          %mul3A_2209 = arith.mulf %get3A_2208, %get3A_162 : vector<16xf32>
          %get3A_2210 = arith.constant 9 : i32
          %get3A_2211 = arith.index_cast %get3A_2210 : i32 to index
          %get3A_2212 = arith.constant 16 : index
          %get3A_2213 = tpu.vector_load %arg21[%get3A_2211, %get3A_2212] {strides = array<i32>} : memref<16x64xf32, #tpu.memory_space<vmem>>, vector<16xf32>,
          %mul3A_2214 = arith.mulf %get3A_2213, %get3A_168 : vector<16xf32>
          %add3A_2215 = arith.addf %mul3A_2209, %mul3A_2214 : vector<16xf32>
          %get3A_2216 = arith.constant 9 : i32
          %get3A_2217 = arith.index_cast %get3A_2216 : i32 to index
          %get3A_2218 = arith.constant 32 : index
          %get3A_2219 = tpu.vector_load %arg21[%get3A_2217, %get3A_2218] {strides = array<i32>} : memref<16x64xf32, #tpu.memory_space<vmem>>, vector<16xf32>,
          %mul3A_2220 = arith.mulf %get3A_2219, %get3A_174 : vector<16xf32>
          %add3A_2221 = arith.addf %add3A_2215, %mul3A_2220 : vector<16xf32>
          %get3A_2222 = arith.constant 9 : i32
          %get3A_2223 = arith.index_cast %get3A_2222 : i32 to index
          %get3A_2224 = arith.constant 48 : index
          %get3A_2225 = tpu.vector_load %arg21[%get3A_2223, %get3A_2224] {strides = array<i32>} : memref<16x64xf32, #tpu.memory_space<vmem>>, vector<16xf32>,
          %mul3A_2226 = arith.mulf %get3A_2225, %get3A_180 : vector<16xf32>
          %add3A_2227 = arith.addf %add3A_2221, %mul3A_2226 : vector<16xf32>
          %mul3A_2228 = arith.constant 17 : i32
          %mul3A_2229 = vector.broadcast %mul3A_2228 : i32 to vector<16xi32>
          %mul3A_2230 = arith.muli %iota3A, %mul3A_2229 : vector<16xi32>
          %add3A_2231 = arith.constant 9 : i32
          %add3A_2232 = vector.broadcast %add3A_2231 : i32 to vector<16xi32>
          %add3A_2233 = arith.addi %mul3A_2230, %add3A_2232 : vector<16xi32>
          %scatter3A_2234 = arith.constant 0 : i32
          %scatter3A_2235 = arith.constant 0 : i32
          %scatter3A_2236 = tpu.memref_slice %arg15[%scatter3A_2234, %scatter3A_2235] : memref<2x272xf32, #tpu.memory_space<vmem>> -> memref<1x272xf32, #tpu.memory_space<vmem>>
          %scatter3A_2237 = tpu.memref_squeeze %scatter3A_2236 : memref<1x272xf32, #tpu.memory_space<vmem>> -> memref<272xf32, #tpu.memory_space<vmem>>
          tpu.vector_store_idx %scatter3A_2237[%add3A_2233], %add3A_2227 : memref<272xf32, #tpu.memory_space<vmem>>[vector<16xi32>], vector<16xf32>,
          %get3A_2238 = arith.constant 10 : i32
          %get3A_2239 = arith.index_cast %get3A_2238 : i32 to index
          %get3A_2240 = arith.constant 0 : index
          %get3A_2241 = tpu.vector_load %arg21[%get3A_2239, %get3A_2240] {strides = array<i32>} : memref<16x64xf32, #tpu.memory_space<vmem>>, vector<16xf32>,
          %mul3A_2242 = arith.mulf %get3A_2241, %get3A_162 : vector<16xf32>
          %get3A_2243 = arith.constant 10 : i32
          %get3A_2244 = arith.index_cast %get3A_2243 : i32 to index
          %get3A_2245 = arith.constant 16 : index
          %get3A_2246 = tpu.vector_load %arg21[%get3A_2244, %get3A_2245] {strides = array<i32>} : memref<16x64xf32, #tpu.memory_space<vmem>>, vector<16xf32>,
          %mul3A_2247 = arith.mulf %get3A_2246, %get3A_168 : vector<16xf32>
          %add3A_2248 = arith.addf %mul3A_2242, %mul3A_2247 : vector<16xf32>
          %get3A_2249 = arith.constant 10 : i32
          %get3A_2250 = arith.index_cast %get3A_2249 : i32 to index
          %get3A_2251 = arith.constant 32 : index
          %get3A_2252 = tpu.vector_load %arg21[%get3A_2250, %get3A_2251] {strides = array<i32>} : memref<16x64xf32, #tpu.memory_space<vmem>>, vector<16xf32>,
          %mul3A_2253 = arith.mulf %get3A_2252, %get3A_174 : vector<16xf32>
          %add3A_2254 = arith.addf %add3A_2248, %mul3A_2253 : vector<16xf32>
          %get3A_2255 = arith.constant 10 : i32
          %get3A_2256 = arith.index_cast %get3A_2255 : i32 to index
          %get3A_2257 = arith.constant 48 : index
          %get3A_2258 = tpu.vector_load %arg21[%get3A_2256, %get3A_2257] {strides = array<i32>} : memref<16x64xf32, #tpu.memory_space<vmem>>, vector<16xf32>,
          %mul3A_2259 = arith.mulf %get3A_2258, %get3A_180 : vector<16xf32>
          %add3A_2260 = arith.addf %add3A_2254, %mul3A_2259 : vector<16xf32>
          %mul3A_2261 = arith.constant 17 : i32
          %mul3A_2262 = vector.broadcast %mul3A_2261 : i32 to vector<16xi32>
          %mul3A_2263 = arith.muli %iota3A, %mul3A_2262 : vector<16xi32>
          %add3A_2264 = arith.constant 10 : i32
          %add3A_2265 = vector.broadcast %add3A_2264 : i32 to vector<16xi32>
          %add3A_2266 = arith.addi %mul3A_2263, %add3A_2265 : vector<16xi32>
          %scatter3A_2267 = arith.constant 0 : i32
          %scatter3A_2268 = arith.constant 0 : i32
          %scatter3A_2269 = tpu.memref_slice %arg15[%scatter3A_2267, %scatter3A_2268] : memref<2x272xf32, #tpu.memory_space<vmem>> -> memref<1x272xf32, #tpu.memory_space<vmem>>
          %scatter3A_2270 = tpu.memref_squeeze %scatter3A_2269 : memref<1x272xf32, #tpu.memory_space<vmem>> -> memref<272xf32, #tpu.memory_space<vmem>>
          tpu.vector_store_idx %scatter3A_2270[%add3A_2266], %add3A_2260 : memref<272xf32, #tpu.memory_space<vmem>>[vector<16xi32>], vector<16xf32>,
          %get3A_2271 = arith.constant 11 : i32
          %get3A_2272 = arith.index_cast %get3A_2271 : i32 to index
          %get3A_2273 = arith.constant 0 : index
          %get3A_2274 = tpu.vector_load %arg21[%get3A_2272, %get3A_2273] {strides = array<i32>} : memref<16x64xf32, #tpu.memory_space<vmem>>, vector<16xf32>,
          %mul3A_2275 = arith.mulf %get3A_2274, %get3A_162 : vector<16xf32>
          %get3A_2276 = arith.constant 11 : i32
          %get3A_2277 = arith.index_cast %get3A_2276 : i32 to index
          %get3A_2278 = arith.constant 16 : index
          %get3A_2279 = tpu.vector_load %arg21[%get3A_2277, %get3A_2278] {strides = array<i32>} : memref<16x64xf32, #tpu.memory_space<vmem>>, vector<16xf32>,
          %mul3A_2280 = arith.mulf %get3A_2279, %get3A_168 : vector<16xf32>
          %add3A_2281 = arith.addf %mul3A_2275, %mul3A_2280 : vector<16xf32>
          %get3A_2282 = arith.constant 11 : i32
          %get3A_2283 = arith.index_cast %get3A_2282 : i32 to index
          %get3A_2284 = arith.constant 32 : index
          %get3A_2285 = tpu.vector_load %arg21[%get3A_2283, %get3A_2284] {strides = array<i32>} : memref<16x64xf32, #tpu.memory_space<vmem>>, vector<16xf32>,
          %mul3A_2286 = arith.mulf %get3A_2285, %get3A_174 : vector<16xf32>
          %add3A_2287 = arith.addf %add3A_2281, %mul3A_2286 : vector<16xf32>
          %get3A_2288 = arith.constant 11 : i32
          %get3A_2289 = arith.index_cast %get3A_2288 : i32 to index
          %get3A_2290 = arith.constant 48 : index
          %get3A_2291 = tpu.vector_load %arg21[%get3A_2289, %get3A_2290] {strides = array<i32>} : memref<16x64xf32, #tpu.memory_space<vmem>>, vector<16xf32>,
          %mul3A_2292 = arith.mulf %get3A_2291, %get3A_180 : vector<16xf32>
          %add3A_2293 = arith.addf %add3A_2287, %mul3A_2292 : vector<16xf32>
          %mul3A_2294 = arith.constant 17 : i32
          %mul3A_2295 = vector.broadcast %mul3A_2294 : i32 to vector<16xi32>
          %mul3A_2296 = arith.muli %iota3A, %mul3A_2295 : vector<16xi32>
          %add3A_2297 = arith.constant 11 : i32
          %add3A_2298 = vector.broadcast %add3A_2297 : i32 to vector<16xi32>
          %add3A_2299 = arith.addi %mul3A_2296, %add3A_2298 : vector<16xi32>
          %scatter3A_2300 = arith.constant 0 : i32
          %scatter3A_2301 = arith.constant 0 : i32
          %scatter3A_2302 = tpu.memref_slice %arg15[%scatter3A_2300, %scatter3A_2301] : memref<2x272xf32, #tpu.memory_space<vmem>> -> memref<1x272xf32, #tpu.memory_space<vmem>>
          %scatter3A_2303 = tpu.memref_squeeze %scatter3A_2302 : memref<1x272xf32, #tpu.memory_space<vmem>> -> memref<272xf32, #tpu.memory_space<vmem>>
          tpu.vector_store_idx %scatter3A_2303[%add3A_2299], %add3A_2293 : memref<272xf32, #tpu.memory_space<vmem>>[vector<16xi32>], vector<16xf32>,
          %get3A_2304 = arith.constant 12 : i32
          %get3A_2305 = arith.index_cast %get3A_2304 : i32 to index
          %get3A_2306 = arith.constant 0 : index
          %get3A_2307 = tpu.vector_load %arg21[%get3A_2305, %get3A_2306] {strides = array<i32>} : memref<16x64xf32, #tpu.memory_space<vmem>>, vector<16xf32>,
          %mul3A_2308 = arith.mulf %get3A_2307, %get3A_162 : vector<16xf32>
          %get3A_2309 = arith.constant 12 : i32
          %get3A_2310 = arith.index_cast %get3A_2309 : i32 to index
          %get3A_2311 = arith.constant 16 : index
          %get3A_2312 = tpu.vector_load %arg21[%get3A_2310, %get3A_2311] {strides = array<i32>} : memref<16x64xf32, #tpu.memory_space<vmem>>, vector<16xf32>,
          %mul3A_2313 = arith.mulf %get3A_2312, %get3A_168 : vector<16xf32>
          %add3A_2314 = arith.addf %mul3A_2308, %mul3A_2313 : vector<16xf32>
          %get3A_2315 = arith.constant 12 : i32
          %get3A_2316 = arith.index_cast %get3A_2315 : i32 to index
          %get3A_2317 = arith.constant 32 : index
          %get3A_2318 = tpu.vector_load %arg21[%get3A_2316, %get3A_2317] {strides = array<i32>} : memref<16x64xf32, #tpu.memory_space<vmem>>, vector<16xf32>,
          %mul3A_2319 = arith.mulf %get3A_2318, %get3A_174 : vector<16xf32>
          %add3A_2320 = arith.addf %add3A_2314, %mul3A_2319 : vector<16xf32>
          %get3A_2321 = arith.constant 12 : i32
          %get3A_2322 = arith.index_cast %get3A_2321 : i32 to index
          %get3A_2323 = arith.constant 48 : index
          %get3A_2324 = tpu.vector_load %arg21[%get3A_2322, %get3A_2323] {strides = array<i32>} : memref<16x64xf32, #tpu.memory_space<vmem>>, vector<16xf32>,
          %mul3A_2325 = arith.mulf %get3A_2324, %get3A_180 : vector<16xf32>
          %add3A_2326 = arith.addf %add3A_2320, %mul3A_2325 : vector<16xf32>
          %mul3A_2327 = arith.constant 17 : i32
          %mul3A_2328 = vector.broadcast %mul3A_2327 : i32 to vector<16xi32>
          %mul3A_2329 = arith.muli %iota3A, %mul3A_2328 : vector<16xi32>
          %add3A_2330 = arith.constant 12 : i32
          %add3A_2331 = vector.broadcast %add3A_2330 : i32 to vector<16xi32>
          %add3A_2332 = arith.addi %mul3A_2329, %add3A_2331 : vector<16xi32>
          %scatter3A_2333 = arith.constant 0 : i32
          %scatter3A_2334 = arith.constant 0 : i32
          %scatter3A_2335 = tpu.memref_slice %arg15[%scatter3A_2333, %scatter3A_2334] : memref<2x272xf32, #tpu.memory_space<vmem>> -> memref<1x272xf32, #tpu.memory_space<vmem>>
          %scatter3A_2336 = tpu.memref_squeeze %scatter3A_2335 : memref<1x272xf32, #tpu.memory_space<vmem>> -> memref<272xf32, #tpu.memory_space<vmem>>
          tpu.vector_store_idx %scatter3A_2336[%add3A_2332], %add3A_2326 : memref<272xf32, #tpu.memory_space<vmem>>[vector<16xi32>], vector<16xf32>,
          %get3A_2337 = arith.constant 13 : i32
          %get3A_2338 = arith.index_cast %get3A_2337 : i32 to index
          %get3A_2339 = arith.constant 0 : index
          %get3A_2340 = tpu.vector_load %arg21[%get3A_2338, %get3A_2339] {strides = array<i32>} : memref<16x64xf32, #tpu.memory_space<vmem>>, vector<16xf32>,
          %mul3A_2341 = arith.mulf %get3A_2340, %get3A_162 : vector<16xf32>
          %get3A_2342 = arith.constant 13 : i32
          %get3A_2343 = arith.index_cast %get3A_2342 : i32 to index
          %get3A_2344 = arith.constant 16 : index
          %get3A_2345 = tpu.vector_load %arg21[%get3A_2343, %get3A_2344] {strides = array<i32>} : memref<16x64xf32, #tpu.memory_space<vmem>>, vector<16xf32>,
          %mul3A_2346 = arith.mulf %get3A_2345, %get3A_168 : vector<16xf32>
          %add3A_2347 = arith.addf %mul3A_2341, %mul3A_2346 : vector<16xf32>
          %get3A_2348 = arith.constant 13 : i32
          %get3A_2349 = arith.index_cast %get3A_2348 : i32 to index
          %get3A_2350 = arith.constant 32 : index
          %get3A_2351 = tpu.vector_load %arg21[%get3A_2349, %get3A_2350] {strides = array<i32>} : memref<16x64xf32, #tpu.memory_space<vmem>>, vector<16xf32>,
          %mul3A_2352 = arith.mulf %get3A_2351, %get3A_174 : vector<16xf32>
          %add3A_2353 = arith.addf %add3A_2347, %mul3A_2352 : vector<16xf32>
          %get3A_2354 = arith.constant 13 : i32
          %get3A_2355 = arith.index_cast %get3A_2354 : i32 to index
          %get3A_2356 = arith.constant 48 : index
          %get3A_2357 = tpu.vector_load %arg21[%get3A_2355, %get3A_2356] {strides = array<i32>} : memref<16x64xf32, #tpu.memory_space<vmem>>, vector<16xf32>,
          %mul3A_2358 = arith.mulf %get3A_2357, %get3A_180 : vector<16xf32>
          %add3A_2359 = arith.addf %add3A_2353, %mul3A_2358 : vector<16xf32>
          %mul3A_2360 = arith.constant 17 : i32
          %mul3A_2361 = vector.broadcast %mul3A_2360 : i32 to vector<16xi32>
          %mul3A_2362 = arith.muli %iota3A, %mul3A_2361 : vector<16xi32>
          %add3A_2363 = arith.constant 13 : i32
          %add3A_2364 = vector.broadcast %add3A_2363 : i32 to vector<16xi32>
          %add3A_2365 = arith.addi %mul3A_2362, %add3A_2364 : vector<16xi32>
          %scatter3A_2366 = arith.constant 0 : i32
          %scatter3A_2367 = arith.constant 0 : i32
          %scatter3A_2368 = tpu.memref_slice %arg15[%scatter3A_2366, %scatter3A_2367] : memref<2x272xf32, #tpu.memory_space<vmem>> -> memref<1x272xf32, #tpu.memory_space<vmem>>
          %scatter3A_2369 = tpu.memref_squeeze %scatter3A_2368 : memref<1x272xf32, #tpu.memory_space<vmem>> -> memref<272xf32, #tpu.memory_space<vmem>>
          tpu.vector_store_idx %scatter3A_2369[%add3A_2365], %add3A_2359 : memref<272xf32, #tpu.memory_space<vmem>>[vector<16xi32>], vector<16xf32>,
          %get3A_2370 = arith.constant 14 : i32
          %get3A_2371 = arith.index_cast %get3A_2370 : i32 to index
          %get3A_2372 = arith.constant 0 : index
          %get3A_2373 = tpu.vector_load %arg21[%get3A_2371, %get3A_2372] {strides = array<i32>} : memref<16x64xf32, #tpu.memory_space<vmem>>, vector<16xf32>,
          %mul3A_2374 = arith.mulf %get3A_2373, %get3A_162 : vector<16xf32>
          %get3A_2375 = arith.constant 14 : i32
          %get3A_2376 = arith.index_cast %get3A_2375 : i32 to index
          %get3A_2377 = arith.constant 16 : index
          %get3A_2378 = tpu.vector_load %arg21[%get3A_2376, %get3A_2377] {strides = array<i32>} : memref<16x64xf32, #tpu.memory_space<vmem>>, vector<16xf32>,
          %mul3A_2379 = arith.mulf %get3A_2378, %get3A_168 : vector<16xf32>
          %add3A_2380 = arith.addf %mul3A_2374, %mul3A_2379 : vector<16xf32>
          %get3A_2381 = arith.constant 14 : i32
          %get3A_2382 = arith.index_cast %get3A_2381 : i32 to index
          %get3A_2383 = arith.constant 32 : index
          %get3A_2384 = tpu.vector_load %arg21[%get3A_2382, %get3A_2383] {strides = array<i32>} : memref<16x64xf32, #tpu.memory_space<vmem>>, vector<16xf32>,
          %mul3A_2385 = arith.mulf %get3A_2384, %get3A_174 : vector<16xf32>
          %add3A_2386 = arith.addf %add3A_2380, %mul3A_2385 : vector<16xf32>
          %get3A_2387 = arith.constant 14 : i32
          %get3A_2388 = arith.index_cast %get3A_2387 : i32 to index
          %get3A_2389 = arith.constant 48 : index
          %get3A_2390 = tpu.vector_load %arg21[%get3A_2388, %get3A_2389] {strides = array<i32>} : memref<16x64xf32, #tpu.memory_space<vmem>>, vector<16xf32>,
          %mul3A_2391 = arith.mulf %get3A_2390, %get3A_180 : vector<16xf32>
          %add3A_2392 = arith.addf %add3A_2386, %mul3A_2391 : vector<16xf32>
          %mul3A_2393 = arith.constant 17 : i32
          %mul3A_2394 = vector.broadcast %mul3A_2393 : i32 to vector<16xi32>
          %mul3A_2395 = arith.muli %iota3A, %mul3A_2394 : vector<16xi32>
          %add3A_2396 = arith.constant 14 : i32
          %add3A_2397 = vector.broadcast %add3A_2396 : i32 to vector<16xi32>
          %add3A_2398 = arith.addi %mul3A_2395, %add3A_2397 : vector<16xi32>
          %scatter3A_2399 = arith.constant 0 : i32
          %scatter3A_2400 = arith.constant 0 : i32
          %scatter3A_2401 = tpu.memref_slice %arg15[%scatter3A_2399, %scatter3A_2400] : memref<2x272xf32, #tpu.memory_space<vmem>> -> memref<1x272xf32, #tpu.memory_space<vmem>>
          %scatter3A_2402 = tpu.memref_squeeze %scatter3A_2401 : memref<1x272xf32, #tpu.memory_space<vmem>> -> memref<272xf32, #tpu.memory_space<vmem>>
          tpu.vector_store_idx %scatter3A_2402[%add3A_2398], %add3A_2392 : memref<272xf32, #tpu.memory_space<vmem>>[vector<16xi32>], vector<16xf32>,
          %get3A_2403 = arith.constant 15 : i32
          %get3A_2404 = arith.index_cast %get3A_2403 : i32 to index
          %get3A_2405 = arith.constant 0 : index
          %get3A_2406 = tpu.vector_load %arg21[%get3A_2404, %get3A_2405] {strides = array<i32>} : memref<16x64xf32, #tpu.memory_space<vmem>>, vector<16xf32>,
          %mul3A_2407 = arith.mulf %get3A_2406, %get3A_162 : vector<16xf32>
          %get3A_2408 = arith.constant 15 : i32
          %get3A_2409 = arith.index_cast %get3A_2408 : i32 to index
          %get3A_2410 = arith.constant 16 : index
          %get3A_2411 = tpu.vector_load %arg21[%get3A_2409, %get3A_2410] {strides = array<i32>} : memref<16x64xf32, #tpu.memory_space<vmem>>, vector<16xf32>,
          %mul3A_2412 = arith.mulf %get3A_2411, %get3A_168 : vector<16xf32>
          %add3A_2413 = arith.addf %mul3A_2407, %mul3A_2412 : vector<16xf32>
          %get3A_2414 = arith.constant 15 : i32
          %get3A_2415 = arith.index_cast %get3A_2414 : i32 to index
          %get3A_2416 = arith.constant 32 : index
          %get3A_2417 = tpu.vector_load %arg21[%get3A_2415, %get3A_2416] {strides = array<i32>} : memref<16x64xf32, #tpu.memory_space<vmem>>, vector<16xf32>,
          %mul3A_2418 = arith.mulf %get3A_2417, %get3A_174 : vector<16xf32>
          %add3A_2419 = arith.addf %add3A_2413, %mul3A_2418 : vector<16xf32>
          %get3A_2420 = arith.constant 15 : i32
          %get3A_2421 = arith.index_cast %get3A_2420 : i32 to index
          %get3A_2422 = arith.constant 48 : index
          %get3A_2423 = tpu.vector_load %arg21[%get3A_2421, %get3A_2422] {strides = array<i32>} : memref<16x64xf32, #tpu.memory_space<vmem>>, vector<16xf32>,
          %mul3A_2424 = arith.mulf %get3A_2423, %get3A_180 : vector<16xf32>
          %add3A_2425 = arith.addf %add3A_2419, %mul3A_2424 : vector<16xf32>
          %mul3A_2426 = arith.constant 17 : i32
          %mul3A_2427 = vector.broadcast %mul3A_2426 : i32 to vector<16xi32>
          %mul3A_2428 = arith.muli %iota3A, %mul3A_2427 : vector<16xi32>
          %add3A_2429 = arith.constant 15 : i32
          %add3A_2430 = vector.broadcast %add3A_2429 : i32 to vector<16xi32>
          %add3A_2431 = arith.addi %mul3A_2428, %add3A_2430 : vector<16xi32>
          %scatter3A_2432 = arith.constant 0 : i32
          %scatter3A_2433 = arith.constant 0 : i32
          %scatter3A_2434 = tpu.memref_slice %arg15[%scatter3A_2432, %scatter3A_2433] : memref<2x272xf32, #tpu.memory_space<vmem>> -> memref<1x272xf32, #tpu.memory_space<vmem>>
          %scatter3A_2435 = tpu.memref_squeeze %scatter3A_2434 : memref<1x272xf32, #tpu.memory_space<vmem>> -> memref<272xf32, #tpu.memory_space<vmem>>
          tpu.vector_store_idx %scatter3A_2435[%add3A_2431], %add3A_2425 : memref<272xf32, #tpu.memory_space<vmem>>[vector<16xi32>], vector<16xf32>,
          %get3A_2436 = arith.constant 0 : i32
          %get3A_2437 = arith.index_cast %get3A_2436 : i32 to index
          %get3A_2438 = arith.constant 0 : index
          %get3A_2439 = tpu.vector_load %arg15[%get3A_2437, %get3A_2438] {strides = array<i32>} : memref<2x272xf32, #tpu.memory_space<vmem>>, vector<16xf32>,
          %get3A_2440 = arith.constant 0 : i32
          %get3A_2441 = arith.index_cast %get3A_2440 : i32 to index
          %get3A_2442 = arith.constant 17 : index
          %get3A_2443 = tpu.vector_load %arg15[%get3A_2441, %get3A_2442] {strides = array<i32>} : memref<2x272xf32, #tpu.memory_space<vmem>>, vector<16xf32>,
          %add3A_2444 = arith.addf %get3A_2439, %get3A_2443 : vector<16xf32>
          %get3A_2445 = arith.constant 0 : i32
          %get3A_2446 = arith.index_cast %get3A_2445 : i32 to index
          %get3A_2447 = arith.constant 34 : index
          %get3A_2448 = tpu.vector_load %arg15[%get3A_2446, %get3A_2447] {strides = array<i32>} : memref<2x272xf32, #tpu.memory_space<vmem>>, vector<16xf32>,
          %add3A_2449 = arith.addf %add3A_2444, %get3A_2448 : vector<16xf32>
          %get3A_2450 = arith.constant 0 : i32
          %get3A_2451 = arith.index_cast %get3A_2450 : i32 to index
          %get3A_2452 = arith.constant 51 : index
          %get3A_2453 = tpu.vector_load %arg15[%get3A_2451, %get3A_2452] {strides = array<i32>} : memref<2x272xf32, #tpu.memory_space<vmem>>, vector<16xf32>,
          %add3A_2454 = arith.addf %add3A_2449, %get3A_2453 : vector<16xf32>
          %get3A_2455 = arith.constant 0 : i32
          %get3A_2456 = arith.index_cast %get3A_2455 : i32 to index
          %get3A_2457 = arith.constant 68 : index
          %get3A_2458 = tpu.vector_load %arg15[%get3A_2456, %get3A_2457] {strides = array<i32>} : memref<2x272xf32, #tpu.memory_space<vmem>>, vector<16xf32>,
          %add3A_2459 = arith.addf %add3A_2454, %get3A_2458 : vector<16xf32>
          %get3A_2460 = arith.constant 0 : i32
          %get3A_2461 = arith.index_cast %get3A_2460 : i32 to index
          %get3A_2462 = arith.constant 85 : index
          %get3A_2463 = tpu.vector_load %arg15[%get3A_2461, %get3A_2462] {strides = array<i32>} : memref<2x272xf32, #tpu.memory_space<vmem>>, vector<16xf32>,
          %add3A_2464 = arith.addf %add3A_2459, %get3A_2463 : vector<16xf32>
          %get3A_2465 = arith.constant 0 : i32
          %get3A_2466 = arith.index_cast %get3A_2465 : i32 to index
          %get3A_2467 = arith.constant 102 : index
          %get3A_2468 = tpu.vector_load %arg15[%get3A_2466, %get3A_2467] {strides = array<i32>} : memref<2x272xf32, #tpu.memory_space<vmem>>, vector<16xf32>,
          %add3A_2469 = arith.addf %add3A_2464, %get3A_2468 : vector<16xf32>
          %get3A_2470 = arith.constant 0 : i32
          %get3A_2471 = arith.index_cast %get3A_2470 : i32 to index
          %get3A_2472 = arith.constant 119 : index
          %get3A_2473 = tpu.vector_load %arg15[%get3A_2471, %get3A_2472] {strides = array<i32>} : memref<2x272xf32, #tpu.memory_space<vmem>>, vector<16xf32>,
          %add3A_2474 = arith.addf %add3A_2469, %get3A_2473 : vector<16xf32>
          %get3A_2475 = arith.constant 0 : i32
          %get3A_2476 = arith.index_cast %get3A_2475 : i32 to index
          %get3A_2477 = arith.constant 136 : index
          %get3A_2478 = tpu.vector_load %arg15[%get3A_2476, %get3A_2477] {strides = array<i32>} : memref<2x272xf32, #tpu.memory_space<vmem>>, vector<16xf32>,
          %add3A_2479 = arith.addf %add3A_2474, %get3A_2478 : vector<16xf32>
          %get3A_2480 = arith.constant 0 : i32
          %get3A_2481 = arith.index_cast %get3A_2480 : i32 to index
          %get3A_2482 = arith.constant 153 : index
          %get3A_2483 = tpu.vector_load %arg15[%get3A_2481, %get3A_2482] {strides = array<i32>} : memref<2x272xf32, #tpu.memory_space<vmem>>, vector<16xf32>,
          %add3A_2484 = arith.addf %add3A_2479, %get3A_2483 : vector<16xf32>
          %get3A_2485 = arith.constant 0 : i32
          %get3A_2486 = arith.index_cast %get3A_2485 : i32 to index
          %get3A_2487 = arith.constant 170 : index
          %get3A_2488 = tpu.vector_load %arg15[%get3A_2486, %get3A_2487] {strides = array<i32>} : memref<2x272xf32, #tpu.memory_space<vmem>>, vector<16xf32>,
          %add3A_2489 = arith.addf %add3A_2484, %get3A_2488 : vector<16xf32>
          %get3A_2490 = arith.constant 0 : i32
          %get3A_2491 = arith.index_cast %get3A_2490 : i32 to index
          %get3A_2492 = arith.constant 187 : index
          %get3A_2493 = tpu.vector_load %arg15[%get3A_2491, %get3A_2492] {strides = array<i32>} : memref<2x272xf32, #tpu.memory_space<vmem>>, vector<16xf32>,
          %add3A_2494 = arith.addf %add3A_2489, %get3A_2493 : vector<16xf32>
          %get3A_2495 = arith.constant 0 : i32
          %get3A_2496 = arith.index_cast %get3A_2495 : i32 to index
          %get3A_2497 = arith.constant 204 : index
          %get3A_2498 = tpu.vector_load %arg15[%get3A_2496, %get3A_2497] {strides = array<i32>} : memref<2x272xf32, #tpu.memory_space<vmem>>, vector<16xf32>,
          %add3A_2499 = arith.addf %add3A_2494, %get3A_2498 : vector<16xf32>
          %get3A_2500 = arith.constant 0 : i32
          %get3A_2501 = arith.index_cast %get3A_2500 : i32 to index
          %get3A_2502 = arith.constant 221 : index
          %get3A_2503 = tpu.vector_load %arg15[%get3A_2501, %get3A_2502] {strides = array<i32>} : memref<2x272xf32, #tpu.memory_space<vmem>>, vector<16xf32>,
          %add3A_2504 = arith.addf %add3A_2499, %get3A_2503 : vector<16xf32>
          %get3A_2505 = arith.constant 0 : i32
          %get3A_2506 = arith.index_cast %get3A_2505 : i32 to index
          %get3A_2507 = arith.constant 238 : index
          %get3A_2508 = tpu.vector_load %arg15[%get3A_2506, %get3A_2507] {strides = array<i32>} : memref<2x272xf32, #tpu.memory_space<vmem>>, vector<16xf32>,
          %add3A_2509 = arith.addf %add3A_2504, %get3A_2508 : vector<16xf32>
          %get3A_2510 = arith.constant 0 : i32
          %get3A_2511 = arith.index_cast %get3A_2510 : i32 to index
          %get3A_2512 = arith.constant 255 : index
          %get3A_2513 = tpu.vector_load %arg15[%get3A_2511, %get3A_2512] {strides = array<i32>} : memref<2x272xf32, #tpu.memory_space<vmem>>, vector<16xf32>,
          %add3A_2514 = arith.addf %add3A_2509, %get3A_2513 : vector<16xf32>
          %select_n3A_2515 = arith.select %and3A_1003, %add3A_2514, %add3A_978 : vector<16xi1>, vector<16xf32>
          %swap3A_2516 = arith.index_cast %rem3A_79 : i32 to index
          %swap3A_2517 = arith.index_cast %mul3A_156 : i32 to index
          %swap3A_2518 = tpu.vector_load %arg22[%swap3A_2516, %swap3A_2517] {strides = array<i32>} : memref<2x128xf32, #tpu.memory_space<vmem>>, vector<16xf32>,
          tpu.vector_store %arg22[%swap3A_2516, %swap3A_2517], %select_n3A_2515 {strides = array<i32>} : memref<2x128xf32, #tpu.memory_space<vmem>>, vector<16xf32>,
        } else {
        }
        %mul3A_1014 = arith.constant 2 : i32
        %mul3A_1015 = arith.muli %scan3A_133, %mul3A_1014 : i32
        %add3A_1016 = arith.constant 1 : i32
        %add3A_1017 = arith.addi %mul3A_1015, %add3A_1016 : i32
        %jit3A_1018 = arith.constant 4 : i32
        %div3A_1019 = arith.divsi %add3A_1017, %jit3A_1018 : i32
        %sign3A_1020 = arith.constant 0 : i32
        %sign3A_1021 = arith.cmpi sgt, %add3A_1017, %sign3A_1020 : i32
        %sign3A_1022 = arith.extui %sign3A_1021 : i1 to i32
        %sign3A_1023 = arith.constant 0 : i32
        %sign3A_1024 = arith.cmpi slt, %add3A_1017, %sign3A_1023 : i32
        %sign3A_1025 = arith.extui %sign3A_1024 : i1 to i32
        %sign3A_1026 = arith.subi %sign3A_1022, %sign3A_1025 : i32
        %sign3A_1027 = arith.constant 0 : i32
        %sign3A_1028 = arith.cmpi sgt, %jit3A_1018, %sign3A_1027 : i32
        %sign3A_1029 = arith.extui %sign3A_1028 : i1 to i32
        %sign3A_1030 = arith.constant 0 : i32
        %sign3A_1031 = arith.cmpi slt, %jit3A_1018, %sign3A_1030 : i32
        %sign3A_1032 = arith.extui %sign3A_1031 : i1 to i32
        %sign3A_1033 = arith.subi %sign3A_1029, %sign3A_1032 : i32
        %ne3A_1034 = arith.cmpi ne, %sign3A_1026, %sign3A_1033 : i32
        %rem3A_1035 = arith.remsi %add3A_1017, %jit3A_1018 : i32
        %ne3A_1036 = arith.constant 0 : i32
        %ne3A_1037 = arith.cmpi ne, %rem3A_1035, %ne3A_1036 : i32
        %and3A_1038 = arith.andi %ne3A_1034, %ne3A_1037 : i1
        %sub3A_1039 = arith.constant 1 : i32
        %sub3A_1040 = arith.subi %div3A_1019, %sub3A_1039 : i32
        %select_n3A_1041 = arith.select %and3A_1038, %sub3A_1040, %div3A_1019 : i32
        %mul3A_1042 = arith.constant 16 : i32
        %mul3A_1043 = arith.muli %add3A_1017, %mul3A_1042 : i32
        %mul3A_1044 = arith.constant 2 : i32
        %mul3A_1045 = arith.muli %scan3A_77, %mul3A_1044 : i32
        %add3A_1046 = arith.addi %mul3A_1045, %select_n3A_1041 : i32
        %get3A_1047 = arith.index_cast %add3A_1046 : i32 to index
        %get3A_1048 = arith.constant 0 : index
        %get3A_1049 = tpu.vector_load %arg18[%get3A_1047, %get3A_1048] {strides = array<i32>} : memref<128x64xf32, #tpu.memory_space<vmem>>, vector<16xf32>,
        %mul3A_1050 = arith.constant 2 : i32
        %mul3A_1051 = arith.muli %scan3A_77, %mul3A_1050 : i32
        %add3A_1052 = arith.addi %mul3A_1051, %select_n3A_1041 : i32
        %get3A_1053 = arith.index_cast %add3A_1052 : i32 to index
        %get3A_1054 = arith.constant 16 : index
        %get3A_1055 = tpu.vector_load %arg18[%get3A_1053, %get3A_1054] {strides = array<i32>} : memref<128x64xf32, #tpu.memory_space<vmem>>, vector<16xf32>,
        %mul3A_1056 = arith.constant 2 : i32
        %mul3A_1057 = arith.muli %scan3A_77, %mul3A_1056 : i32
        %add3A_1058 = arith.addi %mul3A_1057, %select_n3A_1041 : i32
        %get3A_1059 = arith.index_cast %add3A_1058 : i32 to index
        %get3A_1060 = arith.constant 32 : index
        %get3A_1061 = tpu.vector_load %arg18[%get3A_1059, %get3A_1060] {strides = array<i32>} : memref<128x64xf32, #tpu.memory_space<vmem>>, vector<16xf32>,
        %mul3A_1062 = arith.constant 2 : i32
        %mul3A_1063 = arith.muli %scan3A_77, %mul3A_1062 : i32
        %add3A_1064 = arith.addi %mul3A_1063, %select_n3A_1041 : i32
        %get3A_1065 = arith.index_cast %add3A_1064 : i32 to index
        %get3A_1066 = arith.constant 48 : index
        %get3A_1067 = tpu.vector_load %arg18[%get3A_1065, %get3A_1066] {strides = array<i32>} : memref<128x64xf32, #tpu.memory_space<vmem>>, vector<16xf32>,
        %get3A_1068 = arith.constant 0 : i32
        %get3A_1069 = arith.constant 0 : i32
        %get3A_1070 = tpu.memref_slice %arg20[%rem3A_79, %mul3A_1043, %get3A_1069] : memref<2x128x64xf32, #tpu.memory_space<vmem>> -> memref<1x16x64xf32, #tpu.memory_space<vmem>>
        %get3A_1071 = tpu.memref_squeeze %get3A_1070 : memref<1x16x64xf32, #tpu.memory_space<vmem>> -> memref<16x64xf32, #tpu.memory_space<vmem>>
        %get3A_1072 = arith.index_cast %get3A_1068 : i32 to index
        %get3A_1073 = arith.constant 0 : index
        %get3A_1074 = tpu.vector_load %get3A_1071[%get3A_1072, %get3A_1073] {strides = array<i32>} : memref<16x64xf32, #tpu.memory_space<vmem>>, vector<16xf32>,
        %mul3A_1075 = arith.mulf %get3A_1074, %get3A_1049 : vector<16xf32>
        %get3A_1076 = arith.constant 0 : i32
        %get3A_1077 = arith.constant 0 : i32
        %get3A_1078 = tpu.memref_slice %arg20[%rem3A_79, %mul3A_1043, %get3A_1077] : memref<2x128x64xf32, #tpu.memory_space<vmem>> -> memref<1x16x64xf32, #tpu.memory_space<vmem>>
        %get3A_1079 = tpu.memref_squeeze %get3A_1078 : memref<1x16x64xf32, #tpu.memory_space<vmem>> -> memref<16x64xf32, #tpu.memory_space<vmem>>
        %get3A_1080 = arith.index_cast %get3A_1076 : i32 to index
        %get3A_1081 = arith.constant 16 : index
        %get3A_1082 = tpu.vector_load %get3A_1079[%get3A_1080, %get3A_1081] {strides = array<i32>} : memref<16x64xf32, #tpu.memory_space<vmem>>, vector<16xf32>,
        %mul3A_1083 = arith.mulf %get3A_1082, %get3A_1055 : vector<16xf32>
        %add3A_1084 = arith.addf %mul3A_1075, %mul3A_1083 : vector<16xf32>
        %get3A_1085 = arith.constant 0 : i32
        %get3A_1086 = arith.constant 0 : i32
        %get3A_1087 = tpu.memref_slice %arg20[%rem3A_79, %mul3A_1043, %get3A_1086] : memref<2x128x64xf32, #tpu.memory_space<vmem>> -> memref<1x16x64xf32, #tpu.memory_space<vmem>>
        %get3A_1088 = tpu.memref_squeeze %get3A_1087 : memref<1x16x64xf32, #tpu.memory_space<vmem>> -> memref<16x64xf32, #tpu.memory_space<vmem>>
        %get3A_1089 = arith.index_cast %get3A_1085 : i32 to index
        %get3A_1090 = arith.constant 32 : index
        %get3A_1091 = tpu.vector_load %get3A_1088[%get3A_1089, %get3A_1090] {strides = array<i32>} : memref<16x64xf32, #tpu.memory_space<vmem>>, vector<16xf32>,
        %mul3A_1092 = arith.mulf %get3A_1091, %get3A_1061 : vector<16xf32>
        %add3A_1093 = arith.addf %add3A_1084, %mul3A_1092 : vector<16xf32>
        %get3A_1094 = arith.constant 0 : i32
        %get3A_1095 = arith.constant 0 : i32
        %get3A_1096 = tpu.memref_slice %arg20[%rem3A_79, %mul3A_1043, %get3A_1095] : memref<2x128x64xf32, #tpu.memory_space<vmem>> -> memref<1x16x64xf32, #tpu.memory_space<vmem>>
        %get3A_1097 = tpu.memref_squeeze %get3A_1096 : memref<1x16x64xf32, #tpu.memory_space<vmem>> -> memref<16x64xf32, #tpu.memory_space<vmem>>
        %get3A_1098 = arith.index_cast %get3A_1094 : i32 to index
        %get3A_1099 = arith.constant 48 : index
        %get3A_1100 = tpu.vector_load %get3A_1097[%get3A_1098, %get3A_1099] {strides = array<i32>} : memref<16x64xf32, #tpu.memory_space<vmem>>, vector<16xf32>,
        %mul3A_1101 = arith.mulf %get3A_1100, %get3A_1067 : vector<16xf32>
        %add3A_1102 = arith.addf %add3A_1093, %mul3A_1101 : vector<16xf32>
        %mul3A_1103 = arith.constant 17 : i32
        %mul3A_1104 = vector.broadcast %mul3A_1103 : i32 to vector<16xi32>
        %mul3A_1105 = arith.muli %iota3A, %mul3A_1104 : vector<16xi32>
        %add3A_1106 = arith.constant 0 : i32
        %add3A_1107 = vector.broadcast %add3A_1106 : i32 to vector<16xi32>
        %add3A_1108 = arith.addi %mul3A_1105, %add3A_1107 : vector<16xi32>
        %scatter3A_1109 = arith.constant 1 : i32
        %scatter3A_1110 = arith.constant 0 : i32
        %scatter3A_1111 = tpu.memref_slice %arg15[%scatter3A_1109, %scatter3A_1110] : memref<2x272xf32, #tpu.memory_space<vmem>> -> memref<1x272xf32, #tpu.memory_space<vmem>>
        %scatter3A_1112 = tpu.memref_squeeze %scatter3A_1111 : memref<1x272xf32, #tpu.memory_space<vmem>> -> memref<272xf32, #tpu.memory_space<vmem>>
        tpu.vector_store_idx %scatter3A_1112[%add3A_1108], %add3A_1102 : memref<272xf32, #tpu.memory_space<vmem>>[vector<16xi32>], vector<16xf32>,
        %get3A_1113 = arith.constant 1 : i32
        %get3A_1114 = arith.constant 0 : i32
        %get3A_1115 = tpu.memref_slice %arg20[%rem3A_79, %mul3A_1043, %get3A_1114] : memref<2x128x64xf32, #tpu.memory_space<vmem>> -> memref<1x16x64xf32, #tpu.memory_space<vmem>>
        %get3A_1116 = tpu.memref_squeeze %get3A_1115 : memref<1x16x64xf32, #tpu.memory_space<vmem>> -> memref<16x64xf32, #tpu.memory_space<vmem>>
        %get3A_1117 = arith.index_cast %get3A_1113 : i32 to index
        %get3A_1118 = arith.constant 0 : index
        %get3A_1119 = tpu.vector_load %get3A_1116[%get3A_1117, %get3A_1118] {strides = array<i32>} : memref<16x64xf32, #tpu.memory_space<vmem>>, vector<16xf32>,
        %mul3A_1120 = arith.mulf %get3A_1119, %get3A_1049 : vector<16xf32>
        %get3A_1121 = arith.constant 1 : i32
        %get3A_1122 = arith.constant 0 : i32
        %get3A_1123 = tpu.memref_slice %arg20[%rem3A_79, %mul3A_1043, %get3A_1122] : memref<2x128x64xf32, #tpu.memory_space<vmem>> -> memref<1x16x64xf32, #tpu.memory_space<vmem>>
        %get3A_1124 = tpu.memref_squeeze %get3A_1123 : memref<1x16x64xf32, #tpu.memory_space<vmem>> -> memref<16x64xf32, #tpu.memory_space<vmem>>
        %get3A_1125 = arith.index_cast %get3A_1121 : i32 to index
        %get3A_1126 = arith.constant 16 : index
        %get3A_1127 = tpu.vector_load %get3A_1124[%get3A_1125, %get3A_1126] {strides = array<i32>} : memref<16x64xf32, #tpu.memory_space<vmem>>, vector<16xf32>,
        %mul3A_1128 = arith.mulf %get3A_1127, %get3A_1055 : vector<16xf32>
        %add3A_1129 = arith.addf %mul3A_1120, %mul3A_1128 : vector<16xf32>
        %get3A_1130 = arith.constant 1 : i32
        %get3A_1131 = arith.constant 0 : i32
        %get3A_1132 = tpu.memref_slice %arg20[%rem3A_79, %mul3A_1043, %get3A_1131] : memref<2x128x64xf32, #tpu.memory_space<vmem>> -> memref<1x16x64xf32, #tpu.memory_space<vmem>>
        %get3A_1133 = tpu.memref_squeeze %get3A_1132 : memref<1x16x64xf32, #tpu.memory_space<vmem>> -> memref<16x64xf32, #tpu.memory_space<vmem>>
        %get3A_1134 = arith.index_cast %get3A_1130 : i32 to index
        %get3A_1135 = arith.constant 32 : index
        %get3A_1136 = tpu.vector_load %get3A_1133[%get3A_1134, %get3A_1135] {strides = array<i32>} : memref<16x64xf32, #tpu.memory_space<vmem>>, vector<16xf32>,
        %mul3A_1137 = arith.mulf %get3A_1136, %get3A_1061 : vector<16xf32>
        %add3A_1138 = arith.addf %add3A_1129, %mul3A_1137 : vector<16xf32>
        %get3A_1139 = arith.constant 1 : i32
        %get3A_1140 = arith.constant 0 : i32
        %get3A_1141 = tpu.memref_slice %arg20[%rem3A_79, %mul3A_1043, %get3A_1140] : memref<2x128x64xf32, #tpu.memory_space<vmem>> -> memref<1x16x64xf32, #tpu.memory_space<vmem>>
        %get3A_1142 = tpu.memref_squeeze %get3A_1141 : memref<1x16x64xf32, #tpu.memory_space<vmem>> -> memref<16x64xf32, #tpu.memory_space<vmem>>
        %get3A_1143 = arith.index_cast %get3A_1139 : i32 to index
        %get3A_1144 = arith.constant 48 : index
        %get3A_1145 = tpu.vector_load %get3A_1142[%get3A_1143, %get3A_1144] {strides = array<i32>} : memref<16x64xf32, #tpu.memory_space<vmem>>, vector<16xf32>,
        %mul3A_1146 = arith.mulf %get3A_1145, %get3A_1067 : vector<16xf32>
        %add3A_1147 = arith.addf %add3A_1138, %mul3A_1146 : vector<16xf32>
        %mul3A_1148 = arith.constant 17 : i32
        %mul3A_1149 = vector.broadcast %mul3A_1148 : i32 to vector<16xi32>
        %mul3A_1150 = arith.muli %iota3A, %mul3A_1149 : vector<16xi32>
        %add3A_1151 = arith.constant 1 : i32
        %add3A_1152 = vector.broadcast %add3A_1151 : i32 to vector<16xi32>
        %add3A_1153 = arith.addi %mul3A_1150, %add3A_1152 : vector<16xi32>
        %scatter3A_1154 = arith.constant 1 : i32
        %scatter3A_1155 = arith.constant 0 : i32
        %scatter3A_1156 = tpu.memref_slice %arg15[%scatter3A_1154, %scatter3A_1155] : memref<2x272xf32, #tpu.memory_space<vmem>> -> memref<1x272xf32, #tpu.memory_space<vmem>>
        %scatter3A_1157 = tpu.memref_squeeze %scatter3A_1156 : memref<1x272xf32, #tpu.memory_space<vmem>> -> memref<272xf32, #tpu.memory_space<vmem>>
        tpu.vector_store_idx %scatter3A_1157[%add3A_1153], %add3A_1147 : memref<272xf32, #tpu.memory_space<vmem>>[vector<16xi32>], vector<16xf32>,
        %get3A_1158 = arith.constant 2 : i32
        %get3A_1159 = arith.constant 0 : i32
        %get3A_1160 = tpu.memref_slice %arg20[%rem3A_79, %mul3A_1043, %get3A_1159] : memref<2x128x64xf32, #tpu.memory_space<vmem>> -> memref<1x16x64xf32, #tpu.memory_space<vmem>>
        %get3A_1161 = tpu.memref_squeeze %get3A_1160 : memref<1x16x64xf32, #tpu.memory_space<vmem>> -> memref<16x64xf32, #tpu.memory_space<vmem>>
        %get3A_1162 = arith.index_cast %get3A_1158 : i32 to index
        %get3A_1163 = arith.constant 0 : index
        %get3A_1164 = tpu.vector_load %get3A_1161[%get3A_1162, %get3A_1163] {strides = array<i32>} : memref<16x64xf32, #tpu.memory_space<vmem>>, vector<16xf32>,
        %mul3A_1165 = arith.mulf %get3A_1164, %get3A_1049 : vector<16xf32>
        %get3A_1166 = arith.constant 2 : i32
        %get3A_1167 = arith.constant 0 : i32
        %get3A_1168 = tpu.memref_slice %arg20[%rem3A_79, %mul3A_1043, %get3A_1167] : memref<2x128x64xf32, #tpu.memory_space<vmem>> -> memref<1x16x64xf32, #tpu.memory_space<vmem>>
        %get3A_1169 = tpu.memref_squeeze %get3A_1168 : memref<1x16x64xf32, #tpu.memory_space<vmem>> -> memref<16x64xf32, #tpu.memory_space<vmem>>
        %get3A_1170 = arith.index_cast %get3A_1166 : i32 to index
        %get3A_1171 = arith.constant 16 : index
        %get3A_1172 = tpu.vector_load %get3A_1169[%get3A_1170, %get3A_1171] {strides = array<i32>} : memref<16x64xf32, #tpu.memory_space<vmem>>, vector<16xf32>,
        %mul3A_1173 = arith.mulf %get3A_1172, %get3A_1055 : vector<16xf32>
        %add3A_1174 = arith.addf %mul3A_1165, %mul3A_1173 : vector<16xf32>
        %get3A_1175 = arith.constant 2 : i32
        %get3A_1176 = arith.constant 0 : i32
        %get3A_1177 = tpu.memref_slice %arg20[%rem3A_79, %mul3A_1043, %get3A_1176] : memref<2x128x64xf32, #tpu.memory_space<vmem>> -> memref<1x16x64xf32, #tpu.memory_space<vmem>>
        %get3A_1178 = tpu.memref_squeeze %get3A_1177 : memref<1x16x64xf32, #tpu.memory_space<vmem>> -> memref<16x64xf32, #tpu.memory_space<vmem>>
        %get3A_1179 = arith.index_cast %get3A_1175 : i32 to index
        %get3A_1180 = arith.constant 32 : index
        %get3A_1181 = tpu.vector_load %get3A_1178[%get3A_1179, %get3A_1180] {strides = array<i32>} : memref<16x64xf32, #tpu.memory_space<vmem>>, vector<16xf32>,
        %mul3A_1182 = arith.mulf %get3A_1181, %get3A_1061 : vector<16xf32>
        %add3A_1183 = arith.addf %add3A_1174, %mul3A_1182 : vector<16xf32>
        %get3A_1184 = arith.constant 2 : i32
        %get3A_1185 = arith.constant 0 : i32
        %get3A_1186 = tpu.memref_slice %arg20[%rem3A_79, %mul3A_1043, %get3A_1185] : memref<2x128x64xf32, #tpu.memory_space<vmem>> -> memref<1x16x64xf32, #tpu.memory_space<vmem>>
        %get3A_1187 = tpu.memref_squeeze %get3A_1186 : memref<1x16x64xf32, #tpu.memory_space<vmem>> -> memref<16x64xf32, #tpu.memory_space<vmem>>
        %get3A_1188 = arith.index_cast %get3A_1184 : i32 to index
        %get3A_1189 = arith.constant 48 : index
        %get3A_1190 = tpu.vector_load %get3A_1187[%get3A_1188, %get3A_1189] {strides = array<i32>} : memref<16x64xf32, #tpu.memory_space<vmem>>, vector<16xf32>,
        %mul3A_1191 = arith.mulf %get3A_1190, %get3A_1067 : vector<16xf32>
        %add3A_1192 = arith.addf %add3A_1183, %mul3A_1191 : vector<16xf32>
        %mul3A_1193 = arith.constant 17 : i32
        %mul3A_1194 = vector.broadcast %mul3A_1193 : i32 to vector<16xi32>
        %mul3A_1195 = arith.muli %iota3A, %mul3A_1194 : vector<16xi32>
        %add3A_1196 = arith.constant 2 : i32
        %add3A_1197 = vector.broadcast %add3A_1196 : i32 to vector<16xi32>
        %add3A_1198 = arith.addi %mul3A_1195, %add3A_1197 : vector<16xi32>
        %scatter3A_1199 = arith.constant 1 : i32
        %scatter3A_1200 = arith.constant 0 : i32
        %scatter3A_1201 = tpu.memref_slice %arg15[%scatter3A_1199, %scatter3A_1200] : memref<2x272xf32, #tpu.memory_space<vmem>> -> memref<1x272xf32, #tpu.memory_space<vmem>>
        %scatter3A_1202 = tpu.memref_squeeze %scatter3A_1201 : memref<1x272xf32, #tpu.memory_space<vmem>> -> memref<272xf32, #tpu.memory_space<vmem>>
        tpu.vector_store_idx %scatter3A_1202[%add3A_1198], %add3A_1192 : memref<272xf32, #tpu.memory_space<vmem>>[vector<16xi32>], vector<16xf32>,
        %get3A_1203 = arith.constant 3 : i32
        %get3A_1204 = arith.constant 0 : i32
        %get3A_1205 = tpu.memref_slice %arg20[%rem3A_79, %mul3A_1043, %get3A_1204] : memref<2x128x64xf32, #tpu.memory_space<vmem>> -> memref<1x16x64xf32, #tpu.memory_space<vmem>>
        %get3A_1206 = tpu.memref_squeeze %get3A_1205 : memref<1x16x64xf32, #tpu.memory_space<vmem>> -> memref<16x64xf32, #tpu.memory_space<vmem>>
        %get3A_1207 = arith.index_cast %get3A_1203 : i32 to index
        %get3A_1208 = arith.constant 0 : index
        %get3A_1209 = tpu.vector_load %get3A_1206[%get3A_1207, %get3A_1208] {strides = array<i32>} : memref<16x64xf32, #tpu.memory_space<vmem>>, vector<16xf32>,
        %mul3A_1210 = arith.mulf %get3A_1209, %get3A_1049 : vector<16xf32>
        %get3A_1211 = arith.constant 3 : i32
        %get3A_1212 = arith.constant 0 : i32
        %get3A_1213 = tpu.memref_slice %arg20[%rem3A_79, %mul3A_1043, %get3A_1212] : memref<2x128x64xf32, #tpu.memory_space<vmem>> -> memref<1x16x64xf32, #tpu.memory_space<vmem>>
        %get3A_1214 = tpu.memref_squeeze %get3A_1213 : memref<1x16x64xf32, #tpu.memory_space<vmem>> -> memref<16x64xf32, #tpu.memory_space<vmem>>
        %get3A_1215 = arith.index_cast %get3A_1211 : i32 to index
        %get3A_1216 = arith.constant 16 : index
        %get3A_1217 = tpu.vector_load %get3A_1214[%get3A_1215, %get3A_1216] {strides = array<i32>} : memref<16x64xf32, #tpu.memory_space<vmem>>, vector<16xf32>,
        %mul3A_1218 = arith.mulf %get3A_1217, %get3A_1055 : vector<16xf32>
        %add3A_1219 = arith.addf %mul3A_1210, %mul3A_1218 : vector<16xf32>
        %get3A_1220 = arith.constant 3 : i32
        %get3A_1221 = arith.constant 0 : i32
        %get3A_1222 = tpu.memref_slice %arg20[%rem3A_79, %mul3A_1043, %get3A_1221] : memref<2x128x64xf32, #tpu.memory_space<vmem>> -> memref<1x16x64xf32, #tpu.memory_space<vmem>>
        %get3A_1223 = tpu.memref_squeeze %get3A_1222 : memref<1x16x64xf32, #tpu.memory_space<vmem>> -> memref<16x64xf32, #tpu.memory_space<vmem>>
        %get3A_1224 = arith.index_cast %get3A_1220 : i32 to index
        %get3A_1225 = arith.constant 32 : index
        %get3A_1226 = tpu.vector_load %get3A_1223[%get3A_1224, %get3A_1225] {strides = array<i32>} : memref<16x64xf32, #tpu.memory_space<vmem>>, vector<16xf32>,
        %mul3A_1227 = arith.mulf %get3A_1226, %get3A_1061 : vector<16xf32>
        %add3A_1228 = arith.addf %add3A_1219, %mul3A_1227 : vector<16xf32>
        %get3A_1229 = arith.constant 3 : i32
        %get3A_1230 = arith.constant 0 : i32
        %get3A_1231 = tpu.memref_slice %arg20[%rem3A_79, %mul3A_1043, %get3A_1230] : memref<2x128x64xf32, #tpu.memory_space<vmem>> -> memref<1x16x64xf32, #tpu.memory_space<vmem>>
        %get3A_1232 = tpu.memref_squeeze %get3A_1231 : memref<1x16x64xf32, #tpu.memory_space<vmem>> -> memref<16x64xf32, #tpu.memory_space<vmem>>
        %get3A_1233 = arith.index_cast %get3A_1229 : i32 to index
        %get3A_1234 = arith.constant 48 : index
        %get3A_1235 = tpu.vector_load %get3A_1232[%get3A_1233, %get3A_1234] {strides = array<i32>} : memref<16x64xf32, #tpu.memory_space<vmem>>, vector<16xf32>,
        %mul3A_1236 = arith.mulf %get3A_1235, %get3A_1067 : vector<16xf32>
        %add3A_1237 = arith.addf %add3A_1228, %mul3A_1236 : vector<16xf32>
        %mul3A_1238 = arith.constant 17 : i32
        %mul3A_1239 = vector.broadcast %mul3A_1238 : i32 to vector<16xi32>
        %mul3A_1240 = arith.muli %iota3A, %mul3A_1239 : vector<16xi32>
        %add3A_1241 = arith.constant 3 : i32
        %add3A_1242 = vector.broadcast %add3A_1241 : i32 to vector<16xi32>
        %add3A_1243 = arith.addi %mul3A_1240, %add3A_1242 : vector<16xi32>
        %scatter3A_1244 = arith.constant 1 : i32
        %scatter3A_1245 = arith.constant 0 : i32
        %scatter3A_1246 = tpu.memref_slice %arg15[%scatter3A_1244, %scatter3A_1245] : memref<2x272xf32, #tpu.memory_space<vmem>> -> memref<1x272xf32, #tpu.memory_space<vmem>>
        %scatter3A_1247 = tpu.memref_squeeze %scatter3A_1246 : memref<1x272xf32, #tpu.memory_space<vmem>> -> memref<272xf32, #tpu.memory_space<vmem>>
        tpu.vector_store_idx %scatter3A_1247[%add3A_1243], %add3A_1237 : memref<272xf32, #tpu.memory_space<vmem>>[vector<16xi32>], vector<16xf32>,
        %get3A_1248 = arith.constant 4 : i32
        %get3A_1249 = arith.constant 0 : i32
        %get3A_1250 = tpu.memref_slice %arg20[%rem3A_79, %mul3A_1043, %get3A_1249] : memref<2x128x64xf32, #tpu.memory_space<vmem>> -> memref<1x16x64xf32, #tpu.memory_space<vmem>>
        %get3A_1251 = tpu.memref_squeeze %get3A_1250 : memref<1x16x64xf32, #tpu.memory_space<vmem>> -> memref<16x64xf32, #tpu.memory_space<vmem>>
        %get3A_1252 = arith.index_cast %get3A_1248 : i32 to index
        %get3A_1253 = arith.constant 0 : index
        %get3A_1254 = tpu.vector_load %get3A_1251[%get3A_1252, %get3A_1253] {strides = array<i32>} : memref<16x64xf32, #tpu.memory_space<vmem>>, vector<16xf32>,
        %mul3A_1255 = arith.mulf %get3A_1254, %get3A_1049 : vector<16xf32>
        %get3A_1256 = arith.constant 4 : i32
        %get3A_1257 = arith.constant 0 : i32
        %get3A_1258 = tpu.memref_slice %arg20[%rem3A_79, %mul3A_1043, %get3A_1257] : memref<2x128x64xf32, #tpu.memory_space<vmem>> -> memref<1x16x64xf32, #tpu.memory_space<vmem>>
        %get3A_1259 = tpu.memref_squeeze %get3A_1258 : memref<1x16x64xf32, #tpu.memory_space<vmem>> -> memref<16x64xf32, #tpu.memory_space<vmem>>
        %get3A_1260 = arith.index_cast %get3A_1256 : i32 to index
        %get3A_1261 = arith.constant 16 : index
        %get3A_1262 = tpu.vector_load %get3A_1259[%get3A_1260, %get3A_1261] {strides = array<i32>} : memref<16x64xf32, #tpu.memory_space<vmem>>, vector<16xf32>,
        %mul3A_1263 = arith.mulf %get3A_1262, %get3A_1055 : vector<16xf32>
        %add3A_1264 = arith.addf %mul3A_1255, %mul3A_1263 : vector<16xf32>
        %get3A_1265 = arith.constant 4 : i32
        %get3A_1266 = arith.constant 0 : i32
        %get3A_1267 = tpu.memref_slice %arg20[%rem3A_79, %mul3A_1043, %get3A_1266] : memref<2x128x64xf32, #tpu.memory_space<vmem>> -> memref<1x16x64xf32, #tpu.memory_space<vmem>>
        %get3A_1268 = tpu.memref_squeeze %get3A_1267 : memref<1x16x64xf32, #tpu.memory_space<vmem>> -> memref<16x64xf32, #tpu.memory_space<vmem>>
        %get3A_1269 = arith.index_cast %get3A_1265 : i32 to index
        %get3A_1270 = arith.constant 32 : index
        %get3A_1271 = tpu.vector_load %get3A_1268[%get3A_1269, %get3A_1270] {strides = array<i32>} : memref<16x64xf32, #tpu.memory_space<vmem>>, vector<16xf32>,
        %mul3A_1272 = arith.mulf %get3A_1271, %get3A_1061 : vector<16xf32>
        %add3A_1273 = arith.addf %add3A_1264, %mul3A_1272 : vector<16xf32>
        %get3A_1274 = arith.constant 4 : i32
        %get3A_1275 = arith.constant 0 : i32
        %get3A_1276 = tpu.memref_slice %arg20[%rem3A_79, %mul3A_1043, %get3A_1275] : memref<2x128x64xf32, #tpu.memory_space<vmem>> -> memref<1x16x64xf32, #tpu.memory_space<vmem>>
        %get3A_1277 = tpu.memref_squeeze %get3A_1276 : memref<1x16x64xf32, #tpu.memory_space<vmem>> -> memref<16x64xf32, #tpu.memory_space<vmem>>
        %get3A_1278 = arith.index_cast %get3A_1274 : i32 to index
        %get3A_1279 = arith.constant 48 : index
        %get3A_1280 = tpu.vector_load %get3A_1277[%get3A_1278, %get3A_1279] {strides = array<i32>} : memref<16x64xf32, #tpu.memory_space<vmem>>, vector<16xf32>,
        %mul3A_1281 = arith.mulf %get3A_1280, %get3A_1067 : vector<16xf32>
        %add3A_1282 = arith.addf %add3A_1273, %mul3A_1281 : vector<16xf32>
        %mul3A_1283 = arith.constant 17 : i32
        %mul3A_1284 = vector.broadcast %mul3A_1283 : i32 to vector<16xi32>
        %mul3A_1285 = arith.muli %iota3A, %mul3A_1284 : vector<16xi32>
        %add3A_1286 = arith.constant 4 : i32
        %add3A_1287 = vector.broadcast %add3A_1286 : i32 to vector<16xi32>
        %add3A_1288 = arith.addi %mul3A_1285, %add3A_1287 : vector<16xi32>
        %scatter3A_1289 = arith.constant 1 : i32
        %scatter3A_1290 = arith.constant 0 : i32
        %scatter3A_1291 = tpu.memref_slice %arg15[%scatter3A_1289, %scatter3A_1290] : memref<2x272xf32, #tpu.memory_space<vmem>> -> memref<1x272xf32, #tpu.memory_space<vmem>>
        %scatter3A_1292 = tpu.memref_squeeze %scatter3A_1291 : memref<1x272xf32, #tpu.memory_space<vmem>> -> memref<272xf32, #tpu.memory_space<vmem>>
        tpu.vector_store_idx %scatter3A_1292[%add3A_1288], %add3A_1282 : memref<272xf32, #tpu.memory_space<vmem>>[vector<16xi32>], vector<16xf32>,
        %get3A_1293 = arith.constant 5 : i32
        %get3A_1294 = arith.constant 0 : i32
        %get3A_1295 = tpu.memref_slice %arg20[%rem3A_79, %mul3A_1043, %get3A_1294] : memref<2x128x64xf32, #tpu.memory_space<vmem>> -> memref<1x16x64xf32, #tpu.memory_space<vmem>>
        %get3A_1296 = tpu.memref_squeeze %get3A_1295 : memref<1x16x64xf32, #tpu.memory_space<vmem>> -> memref<16x64xf32, #tpu.memory_space<vmem>>
        %get3A_1297 = arith.index_cast %get3A_1293 : i32 to index
        %get3A_1298 = arith.constant 0 : index
        %get3A_1299 = tpu.vector_load %get3A_1296[%get3A_1297, %get3A_1298] {strides = array<i32>} : memref<16x64xf32, #tpu.memory_space<vmem>>, vector<16xf32>,
        %mul3A_1300 = arith.mulf %get3A_1299, %get3A_1049 : vector<16xf32>
        %get3A_1301 = arith.constant 5 : i32
        %get3A_1302 = arith.constant 0 : i32
        %get3A_1303 = tpu.memref_slice %arg20[%rem3A_79, %mul3A_1043, %get3A_1302] : memref<2x128x64xf32, #tpu.memory_space<vmem>> -> memref<1x16x64xf32, #tpu.memory_space<vmem>>
        %get3A_1304 = tpu.memref_squeeze %get3A_1303 : memref<1x16x64xf32, #tpu.memory_space<vmem>> -> memref<16x64xf32, #tpu.memory_space<vmem>>
        %get3A_1305 = arith.index_cast %get3A_1301 : i32 to index
        %get3A_1306 = arith.constant 16 : index
        %get3A_1307 = tpu.vector_load %get3A_1304[%get3A_1305, %get3A_1306] {strides = array<i32>} : memref<16x64xf32, #tpu.memory_space<vmem>>, vector<16xf32>,
        %mul3A_1308 = arith.mulf %get3A_1307, %get3A_1055 : vector<16xf32>
        %add3A_1309 = arith.addf %mul3A_1300, %mul3A_1308 : vector<16xf32>
        %get3A_1310 = arith.constant 5 : i32
        %get3A_1311 = arith.constant 0 : i32
        %get3A_1312 = tpu.memref_slice %arg20[%rem3A_79, %mul3A_1043, %get3A_1311] : memref<2x128x64xf32, #tpu.memory_space<vmem>> -> memref<1x16x64xf32, #tpu.memory_space<vmem>>
        %get3A_1313 = tpu.memref_squeeze %get3A_1312 : memref<1x16x64xf32, #tpu.memory_space<vmem>> -> memref<16x64xf32, #tpu.memory_space<vmem>>
        %get3A_1314 = arith.index_cast %get3A_1310 : i32 to index
        %get3A_1315 = arith.constant 32 : index
        %get3A_1316 = tpu.vector_load %get3A_1313[%get3A_1314, %get3A_1315] {strides = array<i32>} : memref<16x64xf32, #tpu.memory_space<vmem>>, vector<16xf32>,
        %mul3A_1317 = arith.mulf %get3A_1316, %get3A_1061 : vector<16xf32>
        %add3A_1318 = arith.addf %add3A_1309, %mul3A_1317 : vector<16xf32>
        %get3A_1319 = arith.constant 5 : i32
        %get3A_1320 = arith.constant 0 : i32
        %get3A_1321 = tpu.memref_slice %arg20[%rem3A_79, %mul3A_1043, %get3A_1320] : memref<2x128x64xf32, #tpu.memory_space<vmem>> -> memref<1x16x64xf32, #tpu.memory_space<vmem>>
        %get3A_1322 = tpu.memref_squeeze %get3A_1321 : memref<1x16x64xf32, #tpu.memory_space<vmem>> -> memref<16x64xf32, #tpu.memory_space<vmem>>
        %get3A_1323 = arith.index_cast %get3A_1319 : i32 to index
        %get3A_1324 = arith.constant 48 : index
        %get3A_1325 = tpu.vector_load %get3A_1322[%get3A_1323, %get3A_1324] {strides = array<i32>} : memref<16x64xf32, #tpu.memory_space<vmem>>, vector<16xf32>,
        %mul3A_1326 = arith.mulf %get3A_1325, %get3A_1067 : vector<16xf32>
        %add3A_1327 = arith.addf %add3A_1318, %mul3A_1326 : vector<16xf32>
        %mul3A_1328 = arith.constant 17 : i32
        %mul3A_1329 = vector.broadcast %mul3A_1328 : i32 to vector<16xi32>
        %mul3A_1330 = arith.muli %iota3A, %mul3A_1329 : vector<16xi32>
        %add3A_1331 = arith.constant 5 : i32
        %add3A_1332 = vector.broadcast %add3A_1331 : i32 to vector<16xi32>
        %add3A_1333 = arith.addi %mul3A_1330, %add3A_1332 : vector<16xi32>
        %scatter3A_1334 = arith.constant 1 : i32
        %scatter3A_1335 = arith.constant 0 : i32
        %scatter3A_1336 = tpu.memref_slice %arg15[%scatter3A_1334, %scatter3A_1335] : memref<2x272xf32, #tpu.memory_space<vmem>> -> memref<1x272xf32, #tpu.memory_space<vmem>>
        %scatter3A_1337 = tpu.memref_squeeze %scatter3A_1336 : memref<1x272xf32, #tpu.memory_space<vmem>> -> memref<272xf32, #tpu.memory_space<vmem>>
        tpu.vector_store_idx %scatter3A_1337[%add3A_1333], %add3A_1327 : memref<272xf32, #tpu.memory_space<vmem>>[vector<16xi32>], vector<16xf32>,
        %get3A_1338 = arith.constant 6 : i32
        %get3A_1339 = arith.constant 0 : i32
        %get3A_1340 = tpu.memref_slice %arg20[%rem3A_79, %mul3A_1043, %get3A_1339] : memref<2x128x64xf32, #tpu.memory_space<vmem>> -> memref<1x16x64xf32, #tpu.memory_space<vmem>>
        %get3A_1341 = tpu.memref_squeeze %get3A_1340 : memref<1x16x64xf32, #tpu.memory_space<vmem>> -> memref<16x64xf32, #tpu.memory_space<vmem>>
        %get3A_1342 = arith.index_cast %get3A_1338 : i32 to index
        %get3A_1343 = arith.constant 0 : index
        %get3A_1344 = tpu.vector_load %get3A_1341[%get3A_1342, %get3A_1343] {strides = array<i32>} : memref<16x64xf32, #tpu.memory_space<vmem>>, vector<16xf32>,
        %mul3A_1345 = arith.mulf %get3A_1344, %get3A_1049 : vector<16xf32>
        %get3A_1346 = arith.constant 6 : i32
        %get3A_1347 = arith.constant 0 : i32
        %get3A_1348 = tpu.memref_slice %arg20[%rem3A_79, %mul3A_1043, %get3A_1347] : memref<2x128x64xf32, #tpu.memory_space<vmem>> -> memref<1x16x64xf32, #tpu.memory_space<vmem>>
        %get3A_1349 = tpu.memref_squeeze %get3A_1348 : memref<1x16x64xf32, #tpu.memory_space<vmem>> -> memref<16x64xf32, #tpu.memory_space<vmem>>
        %get3A_1350 = arith.index_cast %get3A_1346 : i32 to index
        %get3A_1351 = arith.constant 16 : index
        %get3A_1352 = tpu.vector_load %get3A_1349[%get3A_1350, %get3A_1351] {strides = array<i32>} : memref<16x64xf32, #tpu.memory_space<vmem>>, vector<16xf32>,
        %mul3A_1353 = arith.mulf %get3A_1352, %get3A_1055 : vector<16xf32>
        %add3A_1354 = arith.addf %mul3A_1345, %mul3A_1353 : vector<16xf32>
        %get3A_1355 = arith.constant 6 : i32
        %get3A_1356 = arith.constant 0 : i32
        %get3A_1357 = tpu.memref_slice %arg20[%rem3A_79, %mul3A_1043, %get3A_1356] : memref<2x128x64xf32, #tpu.memory_space<vmem>> -> memref<1x16x64xf32, #tpu.memory_space<vmem>>
        %get3A_1358 = tpu.memref_squeeze %get3A_1357 : memref<1x16x64xf32, #tpu.memory_space<vmem>> -> memref<16x64xf32, #tpu.memory_space<vmem>>
        %get3A_1359 = arith.index_cast %get3A_1355 : i32 to index
        %get3A_1360 = arith.constant 32 : index
        %get3A_1361 = tpu.vector_load %get3A_1358[%get3A_1359, %get3A_1360] {strides = array<i32>} : memref<16x64xf32, #tpu.memory_space<vmem>>, vector<16xf32>,
        %mul3A_1362 = arith.mulf %get3A_1361, %get3A_1061 : vector<16xf32>
        %add3A_1363 = arith.addf %add3A_1354, %mul3A_1362 : vector<16xf32>
        %get3A_1364 = arith.constant 6 : i32
        %get3A_1365 = arith.constant 0 : i32
        %get3A_1366 = tpu.memref_slice %arg20[%rem3A_79, %mul3A_1043, %get3A_1365] : memref<2x128x64xf32, #tpu.memory_space<vmem>> -> memref<1x16x64xf32, #tpu.memory_space<vmem>>
        %get3A_1367 = tpu.memref_squeeze %get3A_1366 : memref<1x16x64xf32, #tpu.memory_space<vmem>> -> memref<16x64xf32, #tpu.memory_space<vmem>>
        %get3A_1368 = arith.index_cast %get3A_1364 : i32 to index
        %get3A_1369 = arith.constant 48 : index
        %get3A_1370 = tpu.vector_load %get3A_1367[%get3A_1368, %get3A_1369] {strides = array<i32>} : memref<16x64xf32, #tpu.memory_space<vmem>>, vector<16xf32>,
        %mul3A_1371 = arith.mulf %get3A_1370, %get3A_1067 : vector<16xf32>
        %add3A_1372 = arith.addf %add3A_1363, %mul3A_1371 : vector<16xf32>
        %mul3A_1373 = arith.constant 17 : i32
        %mul3A_1374 = vector.broadcast %mul3A_1373 : i32 to vector<16xi32>
        %mul3A_1375 = arith.muli %iota3A, %mul3A_1374 : vector<16xi32>
        %add3A_1376 = arith.constant 6 : i32
        %add3A_1377 = vector.broadcast %add3A_1376 : i32 to vector<16xi32>
        %add3A_1378 = arith.addi %mul3A_1375, %add3A_1377 : vector<16xi32>
        %scatter3A_1379 = arith.constant 1 : i32
        %scatter3A_1380 = arith.constant 0 : i32
        %scatter3A_1381 = tpu.memref_slice %arg15[%scatter3A_1379, %scatter3A_1380] : memref<2x272xf32, #tpu.memory_space<vmem>> -> memref<1x272xf32, #tpu.memory_space<vmem>>
        %scatter3A_1382 = tpu.memref_squeeze %scatter3A_1381 : memref<1x272xf32, #tpu.memory_space<vmem>> -> memref<272xf32, #tpu.memory_space<vmem>>
        tpu.vector_store_idx %scatter3A_1382[%add3A_1378], %add3A_1372 : memref<272xf32, #tpu.memory_space<vmem>>[vector<16xi32>], vector<16xf32>,
        %get3A_1383 = arith.constant 7 : i32
        %get3A_1384 = arith.constant 0 : i32
        %get3A_1385 = tpu.memref_slice %arg20[%rem3A_79, %mul3A_1043, %get3A_1384] : memref<2x128x64xf32, #tpu.memory_space<vmem>> -> memref<1x16x64xf32, #tpu.memory_space<vmem>>
        %get3A_1386 = tpu.memref_squeeze %get3A_1385 : memref<1x16x64xf32, #tpu.memory_space<vmem>> -> memref<16x64xf32, #tpu.memory_space<vmem>>
        %get3A_1387 = arith.index_cast %get3A_1383 : i32 to index
        %get3A_1388 = arith.constant 0 : index
        %get3A_1389 = tpu.vector_load %get3A_1386[%get3A_1387, %get3A_1388] {strides = array<i32>} : memref<16x64xf32, #tpu.memory_space<vmem>>, vector<16xf32>,
        %mul3A_1390 = arith.mulf %get3A_1389, %get3A_1049 : vector<16xf32>
        %get3A_1391 = arith.constant 7 : i32
        %get3A_1392 = arith.constant 0 : i32
        %get3A_1393 = tpu.memref_slice %arg20[%rem3A_79, %mul3A_1043, %get3A_1392] : memref<2x128x64xf32, #tpu.memory_space<vmem>> -> memref<1x16x64xf32, #tpu.memory_space<vmem>>
        %get3A_1394 = tpu.memref_squeeze %get3A_1393 : memref<1x16x64xf32, #tpu.memory_space<vmem>> -> memref<16x64xf32, #tpu.memory_space<vmem>>
        %get3A_1395 = arith.index_cast %get3A_1391 : i32 to index
        %get3A_1396 = arith.constant 16 : index
        %get3A_1397 = tpu.vector_load %get3A_1394[%get3A_1395, %get3A_1396] {strides = array<i32>} : memref<16x64xf32, #tpu.memory_space<vmem>>, vector<16xf32>,
        %mul3A_1398 = arith.mulf %get3A_1397, %get3A_1055 : vector<16xf32>
        %add3A_1399 = arith.addf %mul3A_1390, %mul3A_1398 : vector<16xf32>
        %get3A_1400 = arith.constant 7 : i32
        %get3A_1401 = arith.constant 0 : i32
        %get3A_1402 = tpu.memref_slice %arg20[%rem3A_79, %mul3A_1043, %get3A_1401] : memref<2x128x64xf32, #tpu.memory_space<vmem>> -> memref<1x16x64xf32, #tpu.memory_space<vmem>>
        %get3A_1403 = tpu.memref_squeeze %get3A_1402 : memref<1x16x64xf32, #tpu.memory_space<vmem>> -> memref<16x64xf32, #tpu.memory_space<vmem>>
        %get3A_1404 = arith.index_cast %get3A_1400 : i32 to index
        %get3A_1405 = arith.constant 32 : index
        %get3A_1406 = tpu.vector_load %get3A_1403[%get3A_1404, %get3A_1405] {strides = array<i32>} : memref<16x64xf32, #tpu.memory_space<vmem>>, vector<16xf32>,
        %mul3A_1407 = arith.mulf %get3A_1406, %get3A_1061 : vector<16xf32>
        %add3A_1408 = arith.addf %add3A_1399, %mul3A_1407 : vector<16xf32>
        %get3A_1409 = arith.constant 7 : i32
        %get3A_1410 = arith.constant 0 : i32
        %get3A_1411 = tpu.memref_slice %arg20[%rem3A_79, %mul3A_1043, %get3A_1410] : memref<2x128x64xf32, #tpu.memory_space<vmem>> -> memref<1x16x64xf32, #tpu.memory_space<vmem>>
        %get3A_1412 = tpu.memref_squeeze %get3A_1411 : memref<1x16x64xf32, #tpu.memory_space<vmem>> -> memref<16x64xf32, #tpu.memory_space<vmem>>
        %get3A_1413 = arith.index_cast %get3A_1409 : i32 to index
        %get3A_1414 = arith.constant 48 : index
        %get3A_1415 = tpu.vector_load %get3A_1412[%get3A_1413, %get3A_1414] {strides = array<i32>} : memref<16x64xf32, #tpu.memory_space<vmem>>, vector<16xf32>,
        %mul3A_1416 = arith.mulf %get3A_1415, %get3A_1067 : vector<16xf32>
        %add3A_1417 = arith.addf %add3A_1408, %mul3A_1416 : vector<16xf32>
        %mul3A_1418 = arith.constant 17 : i32
        %mul3A_1419 = vector.broadcast %mul3A_1418 : i32 to vector<16xi32>
        %mul3A_1420 = arith.muli %iota3A, %mul3A_1419 : vector<16xi32>
        %add3A_1421 = arith.constant 7 : i32
        %add3A_1422 = vector.broadcast %add3A_1421 : i32 to vector<16xi32>
        %add3A_1423 = arith.addi %mul3A_1420, %add3A_1422 : vector<16xi32>
        %scatter3A_1424 = arith.constant 1 : i32
        %scatter3A_1425 = arith.constant 0 : i32
        %scatter3A_1426 = tpu.memref_slice %arg15[%scatter3A_1424, %scatter3A_1425] : memref<2x272xf32, #tpu.memory_space<vmem>> -> memref<1x272xf32, #tpu.memory_space<vmem>>
        %scatter3A_1427 = tpu.memref_squeeze %scatter3A_1426 : memref<1x272xf32, #tpu.memory_space<vmem>> -> memref<272xf32, #tpu.memory_space<vmem>>
        tpu.vector_store_idx %scatter3A_1427[%add3A_1423], %add3A_1417 : memref<272xf32, #tpu.memory_space<vmem>>[vector<16xi32>], vector<16xf32>,
        %get3A_1428 = arith.constant 8 : i32
        %get3A_1429 = arith.constant 0 : i32
        %get3A_1430 = tpu.memref_slice %arg20[%rem3A_79, %mul3A_1043, %get3A_1429] : memref<2x128x64xf32, #tpu.memory_space<vmem>> -> memref<1x16x64xf32, #tpu.memory_space<vmem>>
        %get3A_1431 = tpu.memref_squeeze %get3A_1430 : memref<1x16x64xf32, #tpu.memory_space<vmem>> -> memref<16x64xf32, #tpu.memory_space<vmem>>
        %get3A_1432 = arith.index_cast %get3A_1428 : i32 to index
        %get3A_1433 = arith.constant 0 : index
        %get3A_1434 = tpu.vector_load %get3A_1431[%get3A_1432, %get3A_1433] {strides = array<i32>} : memref<16x64xf32, #tpu.memory_space<vmem>>, vector<16xf32>,
        %mul3A_1435 = arith.mulf %get3A_1434, %get3A_1049 : vector<16xf32>
        %get3A_1436 = arith.constant 8 : i32
        %get3A_1437 = arith.constant 0 : i32
        %get3A_1438 = tpu.memref_slice %arg20[%rem3A_79, %mul3A_1043, %get3A_1437] : memref<2x128x64xf32, #tpu.memory_space<vmem>> -> memref<1x16x64xf32, #tpu.memory_space<vmem>>
        %get3A_1439 = tpu.memref_squeeze %get3A_1438 : memref<1x16x64xf32, #tpu.memory_space<vmem>> -> memref<16x64xf32, #tpu.memory_space<vmem>>
        %get3A_1440 = arith.index_cast %get3A_1436 : i32 to index
        %get3A_1441 = arith.constant 16 : index
        %get3A_1442 = tpu.vector_load %get3A_1439[%get3A_1440, %get3A_1441] {strides = array<i32>} : memref<16x64xf32, #tpu.memory_space<vmem>>, vector<16xf32>,
        %mul3A_1443 = arith.mulf %get3A_1442, %get3A_1055 : vector<16xf32>
        %add3A_1444 = arith.addf %mul3A_1435, %mul3A_1443 : vector<16xf32>
        %get3A_1445 = arith.constant 8 : i32
        %get3A_1446 = arith.constant 0 : i32
        %get3A_1447 = tpu.memref_slice %arg20[%rem3A_79, %mul3A_1043, %get3A_1446] : memref<2x128x64xf32, #tpu.memory_space<vmem>> -> memref<1x16x64xf32, #tpu.memory_space<vmem>>
        %get3A_1448 = tpu.memref_squeeze %get3A_1447 : memref<1x16x64xf32, #tpu.memory_space<vmem>> -> memref<16x64xf32, #tpu.memory_space<vmem>>
        %get3A_1449 = arith.index_cast %get3A_1445 : i32 to index
        %get3A_1450 = arith.constant 32 : index
        %get3A_1451 = tpu.vector_load %get3A_1448[%get3A_1449, %get3A_1450] {strides = array<i32>} : memref<16x64xf32, #tpu.memory_space<vmem>>, vector<16xf32>,
        %mul3A_1452 = arith.mulf %get3A_1451, %get3A_1061 : vector<16xf32>
        %add3A_1453 = arith.addf %add3A_1444, %mul3A_1452 : vector<16xf32>
        %get3A_1454 = arith.constant 8 : i32
        %get3A_1455 = arith.constant 0 : i32
        %get3A_1456 = tpu.memref_slice %arg20[%rem3A_79, %mul3A_1043, %get3A_1455] : memref<2x128x64xf32, #tpu.memory_space<vmem>> -> memref<1x16x64xf32, #tpu.memory_space<vmem>>
        %get3A_1457 = tpu.memref_squeeze %get3A_1456 : memref<1x16x64xf32, #tpu.memory_space<vmem>> -> memref<16x64xf32, #tpu.memory_space<vmem>>
        %get3A_1458 = arith.index_cast %get3A_1454 : i32 to index
        %get3A_1459 = arith.constant 48 : index
        %get3A_1460 = tpu.vector_load %get3A_1457[%get3A_1458, %get3A_1459] {strides = array<i32>} : memref<16x64xf32, #tpu.memory_space<vmem>>, vector<16xf32>,
        %mul3A_1461 = arith.mulf %get3A_1460, %get3A_1067 : vector<16xf32>
        %add3A_1462 = arith.addf %add3A_1453, %mul3A_1461 : vector<16xf32>
        %mul3A_1463 = arith.constant 17 : i32
        %mul3A_1464 = vector.broadcast %mul3A_1463 : i32 to vector<16xi32>
        %mul3A_1465 = arith.muli %iota3A, %mul3A_1464 : vector<16xi32>
        %add3A_1466 = arith.constant 8 : i32
        %add3A_1467 = vector.broadcast %add3A_1466 : i32 to vector<16xi32>
        %add3A_1468 = arith.addi %mul3A_1465, %add3A_1467 : vector<16xi32>
        %scatter3A_1469 = arith.constant 1 : i32
        %scatter3A_1470 = arith.constant 0 : i32
        %scatter3A_1471 = tpu.memref_slice %arg15[%scatter3A_1469, %scatter3A_1470] : memref<2x272xf32, #tpu.memory_space<vmem>> -> memref<1x272xf32, #tpu.memory_space<vmem>>
        %scatter3A_1472 = tpu.memref_squeeze %scatter3A_1471 : memref<1x272xf32, #tpu.memory_space<vmem>> -> memref<272xf32, #tpu.memory_space<vmem>>
        tpu.vector_store_idx %scatter3A_1472[%add3A_1468], %add3A_1462 : memref<272xf32, #tpu.memory_space<vmem>>[vector<16xi32>], vector<16xf32>,
        %get3A_1473 = arith.constant 9 : i32
        %get3A_1474 = arith.constant 0 : i32
        %get3A_1475 = tpu.memref_slice %arg20[%rem3A_79, %mul3A_1043, %get3A_1474] : memref<2x128x64xf32, #tpu.memory_space<vmem>> -> memref<1x16x64xf32, #tpu.memory_space<vmem>>
        %get3A_1476 = tpu.memref_squeeze %get3A_1475 : memref<1x16x64xf32, #tpu.memory_space<vmem>> -> memref<16x64xf32, #tpu.memory_space<vmem>>
        %get3A_1477 = arith.index_cast %get3A_1473 : i32 to index
        %get3A_1478 = arith.constant 0 : index
        %get3A_1479 = tpu.vector_load %get3A_1476[%get3A_1477, %get3A_1478] {strides = array<i32>} : memref<16x64xf32, #tpu.memory_space<vmem>>, vector<16xf32>,
        %mul3A_1480 = arith.mulf %get3A_1479, %get3A_1049 : vector<16xf32>
        %get3A_1481 = arith.constant 9 : i32
        %get3A_1482 = arith.constant 0 : i32
        %get3A_1483 = tpu.memref_slice %arg20[%rem3A_79, %mul3A_1043, %get3A_1482] : memref<2x128x64xf32, #tpu.memory_space<vmem>> -> memref<1x16x64xf32, #tpu.memory_space<vmem>>
        %get3A_1484 = tpu.memref_squeeze %get3A_1483 : memref<1x16x64xf32, #tpu.memory_space<vmem>> -> memref<16x64xf32, #tpu.memory_space<vmem>>
        %get3A_1485 = arith.index_cast %get3A_1481 : i32 to index
        %get3A_1486 = arith.constant 16 : index
        %get3A_1487 = tpu.vector_load %get3A_1484[%get3A_1485, %get3A_1486] {strides = array<i32>} : memref<16x64xf32, #tpu.memory_space<vmem>>, vector<16xf32>,
        %mul3A_1488 = arith.mulf %get3A_1487, %get3A_1055 : vector<16xf32>
        %add3A_1489 = arith.addf %mul3A_1480, %mul3A_1488 : vector<16xf32>
        %get3A_1490 = arith.constant 9 : i32
        %get3A_1491 = arith.constant 0 : i32
        %get3A_1492 = tpu.memref_slice %arg20[%rem3A_79, %mul3A_1043, %get3A_1491] : memref<2x128x64xf32, #tpu.memory_space<vmem>> -> memref<1x16x64xf32, #tpu.memory_space<vmem>>
        %get3A_1493 = tpu.memref_squeeze %get3A_1492 : memref<1x16x64xf32, #tpu.memory_space<vmem>> -> memref<16x64xf32, #tpu.memory_space<vmem>>
        %get3A_1494 = arith.index_cast %get3A_1490 : i32 to index
        %get3A_1495 = arith.constant 32 : index
        %get3A_1496 = tpu.vector_load %get3A_1493[%get3A_1494, %get3A_1495] {strides = array<i32>} : memref<16x64xf32, #tpu.memory_space<vmem>>, vector<16xf32>,
        %mul3A_1497 = arith.mulf %get3A_1496, %get3A_1061 : vector<16xf32>
        %add3A_1498 = arith.addf %add3A_1489, %mul3A_1497 : vector<16xf32>
        %get3A_1499 = arith.constant 9 : i32
        %get3A_1500 = arith.constant 0 : i32
        %get3A_1501 = tpu.memref_slice %arg20[%rem3A_79, %mul3A_1043, %get3A_1500] : memref<2x128x64xf32, #tpu.memory_space<vmem>> -> memref<1x16x64xf32, #tpu.memory_space<vmem>>
        %get3A_1502 = tpu.memref_squeeze %get3A_1501 : memref<1x16x64xf32, #tpu.memory_space<vmem>> -> memref<16x64xf32, #tpu.memory_space<vmem>>
        %get3A_1503 = arith.index_cast %get3A_1499 : i32 to index
        %get3A_1504 = arith.constant 48 : index
        %get3A_1505 = tpu.vector_load %get3A_1502[%get3A_1503, %get3A_1504] {strides = array<i32>} : memref<16x64xf32, #tpu.memory_space<vmem>>, vector<16xf32>,
        %mul3A_1506 = arith.mulf %get3A_1505, %get3A_1067 : vector<16xf32>
        %add3A_1507 = arith.addf %add3A_1498, %mul3A_1506 : vector<16xf32>
        %mul3A_1508 = arith.constant 17 : i32
        %mul3A_1509 = vector.broadcast %mul3A_1508 : i32 to vector<16xi32>
        %mul3A_1510 = arith.muli %iota3A, %mul3A_1509 : vector<16xi32>
        %add3A_1511 = arith.constant 9 : i32
        %add3A_1512 = vector.broadcast %add3A_1511 : i32 to vector<16xi32>
        %add3A_1513 = arith.addi %mul3A_1510, %add3A_1512 : vector<16xi32>
        %scatter3A_1514 = arith.constant 1 : i32
        %scatter3A_1515 = arith.constant 0 : i32
        %scatter3A_1516 = tpu.memref_slice %arg15[%scatter3A_1514, %scatter3A_1515] : memref<2x272xf32, #tpu.memory_space<vmem>> -> memref<1x272xf32, #tpu.memory_space<vmem>>
        %scatter3A_1517 = tpu.memref_squeeze %scatter3A_1516 : memref<1x272xf32, #tpu.memory_space<vmem>> -> memref<272xf32, #tpu.memory_space<vmem>>
        tpu.vector_store_idx %scatter3A_1517[%add3A_1513], %add3A_1507 : memref<272xf32, #tpu.memory_space<vmem>>[vector<16xi32>], vector<16xf32>,
        %get3A_1518 = arith.constant 10 : i32
        %get3A_1519 = arith.constant 0 : i32
        %get3A_1520 = tpu.memref_slice %arg20[%rem3A_79, %mul3A_1043, %get3A_1519] : memref<2x128x64xf32, #tpu.memory_space<vmem>> -> memref<1x16x64xf32, #tpu.memory_space<vmem>>
        %get3A_1521 = tpu.memref_squeeze %get3A_1520 : memref<1x16x64xf32, #tpu.memory_space<vmem>> -> memref<16x64xf32, #tpu.memory_space<vmem>>
        %get3A_1522 = arith.index_cast %get3A_1518 : i32 to index
        %get3A_1523 = arith.constant 0 : index
        %get3A_1524 = tpu.vector_load %get3A_1521[%get3A_1522, %get3A_1523] {strides = array<i32>} : memref<16x64xf32, #tpu.memory_space<vmem>>, vector<16xf32>,
        %mul3A_1525 = arith.mulf %get3A_1524, %get3A_1049 : vector<16xf32>
        %get3A_1526 = arith.constant 10 : i32
        %get3A_1527 = arith.constant 0 : i32
        %get3A_1528 = tpu.memref_slice %arg20[%rem3A_79, %mul3A_1043, %get3A_1527] : memref<2x128x64xf32, #tpu.memory_space<vmem>> -> memref<1x16x64xf32, #tpu.memory_space<vmem>>
        %get3A_1529 = tpu.memref_squeeze %get3A_1528 : memref<1x16x64xf32, #tpu.memory_space<vmem>> -> memref<16x64xf32, #tpu.memory_space<vmem>>
        %get3A_1530 = arith.index_cast %get3A_1526 : i32 to index
        %get3A_1531 = arith.constant 16 : index
        %get3A_1532 = tpu.vector_load %get3A_1529[%get3A_1530, %get3A_1531] {strides = array<i32>} : memref<16x64xf32, #tpu.memory_space<vmem>>, vector<16xf32>,
        %mul3A_1533 = arith.mulf %get3A_1532, %get3A_1055 : vector<16xf32>
        %add3A_1534 = arith.addf %mul3A_1525, %mul3A_1533 : vector<16xf32>
        %get3A_1535 = arith.constant 10 : i32
        %get3A_1536 = arith.constant 0 : i32
        %get3A_1537 = tpu.memref_slice %arg20[%rem3A_79, %mul3A_1043, %get3A_1536] : memref<2x128x64xf32, #tpu.memory_space<vmem>> -> memref<1x16x64xf32, #tpu.memory_space<vmem>>
        %get3A_1538 = tpu.memref_squeeze %get3A_1537 : memref<1x16x64xf32, #tpu.memory_space<vmem>> -> memref<16x64xf32, #tpu.memory_space<vmem>>
        %get3A_1539 = arith.index_cast %get3A_1535 : i32 to index
        %get3A_1540 = arith.constant 32 : index
        %get3A_1541 = tpu.vector_load %get3A_1538[%get3A_1539, %get3A_1540] {strides = array<i32>} : memref<16x64xf32, #tpu.memory_space<vmem>>, vector<16xf32>,
        %mul3A_1542 = arith.mulf %get3A_1541, %get3A_1061 : vector<16xf32>
        %add3A_1543 = arith.addf %add3A_1534, %mul3A_1542 : vector<16xf32>
        %get3A_1544 = arith.constant 10 : i32
        %get3A_1545 = arith.constant 0 : i32
        %get3A_1546 = tpu.memref_slice %arg20[%rem3A_79, %mul3A_1043, %get3A_1545] : memref<2x128x64xf32, #tpu.memory_space<vmem>> -> memref<1x16x64xf32, #tpu.memory_space<vmem>>
        %get3A_1547 = tpu.memref_squeeze %get3A_1546 : memref<1x16x64xf32, #tpu.memory_space<vmem>> -> memref<16x64xf32, #tpu.memory_space<vmem>>
        %get3A_1548 = arith.index_cast %get3A_1544 : i32 to index
        %get3A_1549 = arith.constant 48 : index
        %get3A_1550 = tpu.vector_load %get3A_1547[%get3A_1548, %get3A_1549] {strides = array<i32>} : memref<16x64xf32, #tpu.memory_space<vmem>>, vector<16xf32>,
        %mul3A_1551 = arith.mulf %get3A_1550, %get3A_1067 : vector<16xf32>
        %add3A_1552 = arith.addf %add3A_1543, %mul3A_1551 : vector<16xf32>
        %mul3A_1553 = arith.constant 17 : i32
        %mul3A_1554 = vector.broadcast %mul3A_1553 : i32 to vector<16xi32>
        %mul3A_1555 = arith.muli %iota3A, %mul3A_1554 : vector<16xi32>
        %add3A_1556 = arith.constant 10 : i32
        %add3A_1557 = vector.broadcast %add3A_1556 : i32 to vector<16xi32>
        %add3A_1558 = arith.addi %mul3A_1555, %add3A_1557 : vector<16xi32>
        %scatter3A_1559 = arith.constant 1 : i32
        %scatter3A_1560 = arith.constant 0 : i32
        %scatter3A_1561 = tpu.memref_slice %arg15[%scatter3A_1559, %scatter3A_1560] : memref<2x272xf32, #tpu.memory_space<vmem>> -> memref<1x272xf32, #tpu.memory_space<vmem>>
        %scatter3A_1562 = tpu.memref_squeeze %scatter3A_1561 : memref<1x272xf32, #tpu.memory_space<vmem>> -> memref<272xf32, #tpu.memory_space<vmem>>
        tpu.vector_store_idx %scatter3A_1562[%add3A_1558], %add3A_1552 : memref<272xf32, #tpu.memory_space<vmem>>[vector<16xi32>], vector<16xf32>,
        %get3A_1563 = arith.constant 11 : i32
        %get3A_1564 = arith.constant 0 : i32
        %get3A_1565 = tpu.memref_slice %arg20[%rem3A_79, %mul3A_1043, %get3A_1564] : memref<2x128x64xf32, #tpu.memory_space<vmem>> -> memref<1x16x64xf32, #tpu.memory_space<vmem>>
        %get3A_1566 = tpu.memref_squeeze %get3A_1565 : memref<1x16x64xf32, #tpu.memory_space<vmem>> -> memref<16x64xf32, #tpu.memory_space<vmem>>
        %get3A_1567 = arith.index_cast %get3A_1563 : i32 to index
        %get3A_1568 = arith.constant 0 : index
        %get3A_1569 = tpu.vector_load %get3A_1566[%get3A_1567, %get3A_1568] {strides = array<i32>} : memref<16x64xf32, #tpu.memory_space<vmem>>, vector<16xf32>,
        %mul3A_1570 = arith.mulf %get3A_1569, %get3A_1049 : vector<16xf32>
        %get3A_1571 = arith.constant 11 : i32
        %get3A_1572 = arith.constant 0 : i32
        %get3A_1573 = tpu.memref_slice %arg20[%rem3A_79, %mul3A_1043, %get3A_1572] : memref<2x128x64xf32, #tpu.memory_space<vmem>> -> memref<1x16x64xf32, #tpu.memory_space<vmem>>
        %get3A_1574 = tpu.memref_squeeze %get3A_1573 : memref<1x16x64xf32, #tpu.memory_space<vmem>> -> memref<16x64xf32, #tpu.memory_space<vmem>>
        %get3A_1575 = arith.index_cast %get3A_1571 : i32 to index
        %get3A_1576 = arith.constant 16 : index
        %get3A_1577 = tpu.vector_load %get3A_1574[%get3A_1575, %get3A_1576] {strides = array<i32>} : memref<16x64xf32, #tpu.memory_space<vmem>>, vector<16xf32>,
        %mul3A_1578 = arith.mulf %get3A_1577, %get3A_1055 : vector<16xf32>
        %add3A_1579 = arith.addf %mul3A_1570, %mul3A_1578 : vector<16xf32>
        %get3A_1580 = arith.constant 11 : i32
        %get3A_1581 = arith.constant 0 : i32
        %get3A_1582 = tpu.memref_slice %arg20[%rem3A_79, %mul3A_1043, %get3A_1581] : memref<2x128x64xf32, #tpu.memory_space<vmem>> -> memref<1x16x64xf32, #tpu.memory_space<vmem>>
        %get3A_1583 = tpu.memref_squeeze %get3A_1582 : memref<1x16x64xf32, #tpu.memory_space<vmem>> -> memref<16x64xf32, #tpu.memory_space<vmem>>
        %get3A_1584 = arith.index_cast %get3A_1580 : i32 to index
        %get3A_1585 = arith.constant 32 : index
        %get3A_1586 = tpu.vector_load %get3A_1583[%get3A_1584, %get3A_1585] {strides = array<i32>} : memref<16x64xf32, #tpu.memory_space<vmem>>, vector<16xf32>,
        %mul3A_1587 = arith.mulf %get3A_1586, %get3A_1061 : vector<16xf32>
        %add3A_1588 = arith.addf %add3A_1579, %mul3A_1587 : vector<16xf32>
        %get3A_1589 = arith.constant 11 : i32
        %get3A_1590 = arith.constant 0 : i32
        %get3A_1591 = tpu.memref_slice %arg20[%rem3A_79, %mul3A_1043, %get3A_1590] : memref<2x128x64xf32, #tpu.memory_space<vmem>> -> memref<1x16x64xf32, #tpu.memory_space<vmem>>
        %get3A_1592 = tpu.memref_squeeze %get3A_1591 : memref<1x16x64xf32, #tpu.memory_space<vmem>> -> memref<16x64xf32, #tpu.memory_space<vmem>>
        %get3A_1593 = arith.index_cast %get3A_1589 : i32 to index
        %get3A_1594 = arith.constant 48 : index
        %get3A_1595 = tpu.vector_load %get3A_1592[%get3A_1593, %get3A_1594] {strides = array<i32>} : memref<16x64xf32, #tpu.memory_space<vmem>>, vector<16xf32>,
        %mul3A_1596 = arith.mulf %get3A_1595, %get3A_1067 : vector<16xf32>
        %add3A_1597 = arith.addf %add3A_1588, %mul3A_1596 : vector<16xf32>
        %mul3A_1598 = arith.constant 17 : i32
        %mul3A_1599 = vector.broadcast %mul3A_1598 : i32 to vector<16xi32>
        %mul3A_1600 = arith.muli %iota3A, %mul3A_1599 : vector<16xi32>
        %add3A_1601 = arith.constant 11 : i32
        %add3A_1602 = vector.broadcast %add3A_1601 : i32 to vector<16xi32>
        %add3A_1603 = arith.addi %mul3A_1600, %add3A_1602 : vector<16xi32>
        %scatter3A_1604 = arith.constant 1 : i32
        %scatter3A_1605 = arith.constant 0 : i32
        %scatter3A_1606 = tpu.memref_slice %arg15[%scatter3A_1604, %scatter3A_1605] : memref<2x272xf32, #tpu.memory_space<vmem>> -> memref<1x272xf32, #tpu.memory_space<vmem>>
        %scatter3A_1607 = tpu.memref_squeeze %scatter3A_1606 : memref<1x272xf32, #tpu.memory_space<vmem>> -> memref<272xf32, #tpu.memory_space<vmem>>
        tpu.vector_store_idx %scatter3A_1607[%add3A_1603], %add3A_1597 : memref<272xf32, #tpu.memory_space<vmem>>[vector<16xi32>], vector<16xf32>,
        %get3A_1608 = arith.constant 12 : i32
        %get3A_1609 = arith.constant 0 : i32
        %get3A_1610 = tpu.memref_slice %arg20[%rem3A_79, %mul3A_1043, %get3A_1609] : memref<2x128x64xf32, #tpu.memory_space<vmem>> -> memref<1x16x64xf32, #tpu.memory_space<vmem>>
        %get3A_1611 = tpu.memref_squeeze %get3A_1610 : memref<1x16x64xf32, #tpu.memory_space<vmem>> -> memref<16x64xf32, #tpu.memory_space<vmem>>
        %get3A_1612 = arith.index_cast %get3A_1608 : i32 to index
        %get3A_1613 = arith.constant 0 : index
        %get3A_1614 = tpu.vector_load %get3A_1611[%get3A_1612, %get3A_1613] {strides = array<i32>} : memref<16x64xf32, #tpu.memory_space<vmem>>, vector<16xf32>,
        %mul3A_1615 = arith.mulf %get3A_1614, %get3A_1049 : vector<16xf32>
        %get3A_1616 = arith.constant 12 : i32
        %get3A_1617 = arith.constant 0 : i32
        %get3A_1618 = tpu.memref_slice %arg20[%rem3A_79, %mul3A_1043, %get3A_1617] : memref<2x128x64xf32, #tpu.memory_space<vmem>> -> memref<1x16x64xf32, #tpu.memory_space<vmem>>
        %get3A_1619 = tpu.memref_squeeze %get3A_1618 : memref<1x16x64xf32, #tpu.memory_space<vmem>> -> memref<16x64xf32, #tpu.memory_space<vmem>>
        %get3A_1620 = arith.index_cast %get3A_1616 : i32 to index
        %get3A_1621 = arith.constant 16 : index
        %get3A_1622 = tpu.vector_load %get3A_1619[%get3A_1620, %get3A_1621] {strides = array<i32>} : memref<16x64xf32, #tpu.memory_space<vmem>>, vector<16xf32>,
        %mul3A_1623 = arith.mulf %get3A_1622, %get3A_1055 : vector<16xf32>
        %add3A_1624 = arith.addf %mul3A_1615, %mul3A_1623 : vector<16xf32>
        %get3A_1625 = arith.constant 12 : i32
        %get3A_1626 = arith.constant 0 : i32
        %get3A_1627 = tpu.memref_slice %arg20[%rem3A_79, %mul3A_1043, %get3A_1626] : memref<2x128x64xf32, #tpu.memory_space<vmem>> -> memref<1x16x64xf32, #tpu.memory_space<vmem>>
        %get3A_1628 = tpu.memref_squeeze %get3A_1627 : memref<1x16x64xf32, #tpu.memory_space<vmem>> -> memref<16x64xf32, #tpu.memory_space<vmem>>
        %get3A_1629 = arith.index_cast %get3A_1625 : i32 to index
        %get3A_1630 = arith.constant 32 : index
        %get3A_1631 = tpu.vector_load %get3A_1628[%get3A_1629, %get3A_1630] {strides = array<i32>} : memref<16x64xf32, #tpu.memory_space<vmem>>, vector<16xf32>,
        %mul3A_1632 = arith.mulf %get3A_1631, %get3A_1061 : vector<16xf32>
        %add3A_1633 = arith.addf %add3A_1624, %mul3A_1632 : vector<16xf32>
        %get3A_1634 = arith.constant 12 : i32
        %get3A_1635 = arith.constant 0 : i32
        %get3A_1636 = tpu.memref_slice %arg20[%rem3A_79, %mul3A_1043, %get3A_1635] : memref<2x128x64xf32, #tpu.memory_space<vmem>> -> memref<1x16x64xf32, #tpu.memory_space<vmem>>
        %get3A_1637 = tpu.memref_squeeze %get3A_1636 : memref<1x16x64xf32, #tpu.memory_space<vmem>> -> memref<16x64xf32, #tpu.memory_space<vmem>>
        %get3A_1638 = arith.index_cast %get3A_1634 : i32 to index
        %get3A_1639 = arith.constant 48 : index
        %get3A_1640 = tpu.vector_load %get3A_1637[%get3A_1638, %get3A_1639] {strides = array<i32>} : memref<16x64xf32, #tpu.memory_space<vmem>>, vector<16xf32>,
        %mul3A_1641 = arith.mulf %get3A_1640, %get3A_1067 : vector<16xf32>
        %add3A_1642 = arith.addf %add3A_1633, %mul3A_1641 : vector<16xf32>
        %mul3A_1643 = arith.constant 17 : i32
        %mul3A_1644 = vector.broadcast %mul3A_1643 : i32 to vector<16xi32>
        %mul3A_1645 = arith.muli %iota3A, %mul3A_1644 : vector<16xi32>
        %add3A_1646 = arith.constant 12 : i32
        %add3A_1647 = vector.broadcast %add3A_1646 : i32 to vector<16xi32>
        %add3A_1648 = arith.addi %mul3A_1645, %add3A_1647 : vector<16xi32>
        %scatter3A_1649 = arith.constant 1 : i32
        %scatter3A_1650 = arith.constant 0 : i32
        %scatter3A_1651 = tpu.memref_slice %arg15[%scatter3A_1649, %scatter3A_1650] : memref<2x272xf32, #tpu.memory_space<vmem>> -> memref<1x272xf32, #tpu.memory_space<vmem>>
        %scatter3A_1652 = tpu.memref_squeeze %scatter3A_1651 : memref<1x272xf32, #tpu.memory_space<vmem>> -> memref<272xf32, #tpu.memory_space<vmem>>
        tpu.vector_store_idx %scatter3A_1652[%add3A_1648], %add3A_1642 : memref<272xf32, #tpu.memory_space<vmem>>[vector<16xi32>], vector<16xf32>,
        %get3A_1653 = arith.constant 13 : i32
        %get3A_1654 = arith.constant 0 : i32
        %get3A_1655 = tpu.memref_slice %arg20[%rem3A_79, %mul3A_1043, %get3A_1654] : memref<2x128x64xf32, #tpu.memory_space<vmem>> -> memref<1x16x64xf32, #tpu.memory_space<vmem>>
        %get3A_1656 = tpu.memref_squeeze %get3A_1655 : memref<1x16x64xf32, #tpu.memory_space<vmem>> -> memref<16x64xf32, #tpu.memory_space<vmem>>
        %get3A_1657 = arith.index_cast %get3A_1653 : i32 to index
        %get3A_1658 = arith.constant 0 : index
        %get3A_1659 = tpu.vector_load %get3A_1656[%get3A_1657, %get3A_1658] {strides = array<i32>} : memref<16x64xf32, #tpu.memory_space<vmem>>, vector<16xf32>,
        %mul3A_1660 = arith.mulf %get3A_1659, %get3A_1049 : vector<16xf32>
        %get3A_1661 = arith.constant 13 : i32
        %get3A_1662 = arith.constant 0 : i32
        %get3A_1663 = tpu.memref_slice %arg20[%rem3A_79, %mul3A_1043, %get3A_1662] : memref<2x128x64xf32, #tpu.memory_space<vmem>> -> memref<1x16x64xf32, #tpu.memory_space<vmem>>
        %get3A_1664 = tpu.memref_squeeze %get3A_1663 : memref<1x16x64xf32, #tpu.memory_space<vmem>> -> memref<16x64xf32, #tpu.memory_space<vmem>>
        %get3A_1665 = arith.index_cast %get3A_1661 : i32 to index
        %get3A_1666 = arith.constant 16 : index
        %get3A_1667 = tpu.vector_load %get3A_1664[%get3A_1665, %get3A_1666] {strides = array<i32>} : memref<16x64xf32, #tpu.memory_space<vmem>>, vector<16xf32>,
        %mul3A_1668 = arith.mulf %get3A_1667, %get3A_1055 : vector<16xf32>
        %add3A_1669 = arith.addf %mul3A_1660, %mul3A_1668 : vector<16xf32>
        %get3A_1670 = arith.constant 13 : i32
        %get3A_1671 = arith.constant 0 : i32
        %get3A_1672 = tpu.memref_slice %arg20[%rem3A_79, %mul3A_1043, %get3A_1671] : memref<2x128x64xf32, #tpu.memory_space<vmem>> -> memref<1x16x64xf32, #tpu.memory_space<vmem>>
        %get3A_1673 = tpu.memref_squeeze %get3A_1672 : memref<1x16x64xf32, #tpu.memory_space<vmem>> -> memref<16x64xf32, #tpu.memory_space<vmem>>
        %get3A_1674 = arith.index_cast %get3A_1670 : i32 to index
        %get3A_1675 = arith.constant 32 : index
        %get3A_1676 = tpu.vector_load %get3A_1673[%get3A_1674, %get3A_1675] {strides = array<i32>} : memref<16x64xf32, #tpu.memory_space<vmem>>, vector<16xf32>,
        %mul3A_1677 = arith.mulf %get3A_1676, %get3A_1061 : vector<16xf32>
        %add3A_1678 = arith.addf %add3A_1669, %mul3A_1677 : vector<16xf32>
        %get3A_1679 = arith.constant 13 : i32
        %get3A_1680 = arith.constant 0 : i32
        %get3A_1681 = tpu.memref_slice %arg20[%rem3A_79, %mul3A_1043, %get3A_1680] : memref<2x128x64xf32, #tpu.memory_space<vmem>> -> memref<1x16x64xf32, #tpu.memory_space<vmem>>
        %get3A_1682 = tpu.memref_squeeze %get3A_1681 : memref<1x16x64xf32, #tpu.memory_space<vmem>> -> memref<16x64xf32, #tpu.memory_space<vmem>>
        %get3A_1683 = arith.index_cast %get3A_1679 : i32 to index
        %get3A_1684 = arith.constant 48 : index
        %get3A_1685 = tpu.vector_load %get3A_1682[%get3A_1683, %get3A_1684] {strides = array<i32>} : memref<16x64xf32, #tpu.memory_space<vmem>>, vector<16xf32>,
        %mul3A_1686 = arith.mulf %get3A_1685, %get3A_1067 : vector<16xf32>
        %add3A_1687 = arith.addf %add3A_1678, %mul3A_1686 : vector<16xf32>
        %mul3A_1688 = arith.constant 17 : i32
        %mul3A_1689 = vector.broadcast %mul3A_1688 : i32 to vector<16xi32>
        %mul3A_1690 = arith.muli %iota3A, %mul3A_1689 : vector<16xi32>
        %add3A_1691 = arith.constant 13 : i32
        %add3A_1692 = vector.broadcast %add3A_1691 : i32 to vector<16xi32>
        %add3A_1693 = arith.addi %mul3A_1690, %add3A_1692 : vector<16xi32>
        %scatter3A_1694 = arith.constant 1 : i32
        %scatter3A_1695 = arith.constant 0 : i32
        %scatter3A_1696 = tpu.memref_slice %arg15[%scatter3A_1694, %scatter3A_1695] : memref<2x272xf32, #tpu.memory_space<vmem>> -> memref<1x272xf32, #tpu.memory_space<vmem>>
        %scatter3A_1697 = tpu.memref_squeeze %scatter3A_1696 : memref<1x272xf32, #tpu.memory_space<vmem>> -> memref<272xf32, #tpu.memory_space<vmem>>
        tpu.vector_store_idx %scatter3A_1697[%add3A_1693], %add3A_1687 : memref<272xf32, #tpu.memory_space<vmem>>[vector<16xi32>], vector<16xf32>,
        %get3A_1698 = arith.constant 14 : i32
        %get3A_1699 = arith.constant 0 : i32
        %get3A_1700 = tpu.memref_slice %arg20[%rem3A_79, %mul3A_1043, %get3A_1699] : memref<2x128x64xf32, #tpu.memory_space<vmem>> -> memref<1x16x64xf32, #tpu.memory_space<vmem>>
        %get3A_1701 = tpu.memref_squeeze %get3A_1700 : memref<1x16x64xf32, #tpu.memory_space<vmem>> -> memref<16x64xf32, #tpu.memory_space<vmem>>
        %get3A_1702 = arith.index_cast %get3A_1698 : i32 to index
        %get3A_1703 = arith.constant 0 : index
        %get3A_1704 = tpu.vector_load %get3A_1701[%get3A_1702, %get3A_1703] {strides = array<i32>} : memref<16x64xf32, #tpu.memory_space<vmem>>, vector<16xf32>,
        %mul3A_1705 = arith.mulf %get3A_1704, %get3A_1049 : vector<16xf32>
        %get3A_1706 = arith.constant 14 : i32
        %get3A_1707 = arith.constant 0 : i32
        %get3A_1708 = tpu.memref_slice %arg20[%rem3A_79, %mul3A_1043, %get3A_1707] : memref<2x128x64xf32, #tpu.memory_space<vmem>> -> memref<1x16x64xf32, #tpu.memory_space<vmem>>
        %get3A_1709 = tpu.memref_squeeze %get3A_1708 : memref<1x16x64xf32, #tpu.memory_space<vmem>> -> memref<16x64xf32, #tpu.memory_space<vmem>>
        %get3A_1710 = arith.index_cast %get3A_1706 : i32 to index
        %get3A_1711 = arith.constant 16 : index
        %get3A_1712 = tpu.vector_load %get3A_1709[%get3A_1710, %get3A_1711] {strides = array<i32>} : memref<16x64xf32, #tpu.memory_space<vmem>>, vector<16xf32>,
        %mul3A_1713 = arith.mulf %get3A_1712, %get3A_1055 : vector<16xf32>
        %add3A_1714 = arith.addf %mul3A_1705, %mul3A_1713 : vector<16xf32>
        %get3A_1715 = arith.constant 14 : i32
        %get3A_1716 = arith.constant 0 : i32
        %get3A_1717 = tpu.memref_slice %arg20[%rem3A_79, %mul3A_1043, %get3A_1716] : memref<2x128x64xf32, #tpu.memory_space<vmem>> -> memref<1x16x64xf32, #tpu.memory_space<vmem>>
        %get3A_1718 = tpu.memref_squeeze %get3A_1717 : memref<1x16x64xf32, #tpu.memory_space<vmem>> -> memref<16x64xf32, #tpu.memory_space<vmem>>
        %get3A_1719 = arith.index_cast %get3A_1715 : i32 to index
        %get3A_1720 = arith.constant 32 : index
        %get3A_1721 = tpu.vector_load %get3A_1718[%get3A_1719, %get3A_1720] {strides = array<i32>} : memref<16x64xf32, #tpu.memory_space<vmem>>, vector<16xf32>,
        %mul3A_1722 = arith.mulf %get3A_1721, %get3A_1061 : vector<16xf32>
        %add3A_1723 = arith.addf %add3A_1714, %mul3A_1722 : vector<16xf32>
        %get3A_1724 = arith.constant 14 : i32
        %get3A_1725 = arith.constant 0 : i32
        %get3A_1726 = tpu.memref_slice %arg20[%rem3A_79, %mul3A_1043, %get3A_1725] : memref<2x128x64xf32, #tpu.memory_space<vmem>> -> memref<1x16x64xf32, #tpu.memory_space<vmem>>
        %get3A_1727 = tpu.memref_squeeze %get3A_1726 : memref<1x16x64xf32, #tpu.memory_space<vmem>> -> memref<16x64xf32, #tpu.memory_space<vmem>>
        %get3A_1728 = arith.index_cast %get3A_1724 : i32 to index
        %get3A_1729 = arith.constant 48 : index
        %get3A_1730 = tpu.vector_load %get3A_1727[%get3A_1728, %get3A_1729] {strides = array<i32>} : memref<16x64xf32, #tpu.memory_space<vmem>>, vector<16xf32>,
        %mul3A_1731 = arith.mulf %get3A_1730, %get3A_1067 : vector<16xf32>
        %add3A_1732 = arith.addf %add3A_1723, %mul3A_1731 : vector<16xf32>
        %mul3A_1733 = arith.constant 17 : i32
        %mul3A_1734 = vector.broadcast %mul3A_1733 : i32 to vector<16xi32>
        %mul3A_1735 = arith.muli %iota3A, %mul3A_1734 : vector<16xi32>
        %add3A_1736 = arith.constant 14 : i32
        %add3A_1737 = vector.broadcast %add3A_1736 : i32 to vector<16xi32>
        %add3A_1738 = arith.addi %mul3A_1735, %add3A_1737 : vector<16xi32>
        %scatter3A_1739 = arith.constant 1 : i32
        %scatter3A_1740 = arith.constant 0 : i32
        %scatter3A_1741 = tpu.memref_slice %arg15[%scatter3A_1739, %scatter3A_1740] : memref<2x272xf32, #tpu.memory_space<vmem>> -> memref<1x272xf32, #tpu.memory_space<vmem>>
        %scatter3A_1742 = tpu.memref_squeeze %scatter3A_1741 : memref<1x272xf32, #tpu.memory_space<vmem>> -> memref<272xf32, #tpu.memory_space<vmem>>
        tpu.vector_store_idx %scatter3A_1742[%add3A_1738], %add3A_1732 : memref<272xf32, #tpu.memory_space<vmem>>[vector<16xi32>], vector<16xf32>,
        %get3A_1743 = arith.constant 15 : i32
        %get3A_1744 = arith.constant 0 : i32
        %get3A_1745 = tpu.memref_slice %arg20[%rem3A_79, %mul3A_1043, %get3A_1744] : memref<2x128x64xf32, #tpu.memory_space<vmem>> -> memref<1x16x64xf32, #tpu.memory_space<vmem>>
        %get3A_1746 = tpu.memref_squeeze %get3A_1745 : memref<1x16x64xf32, #tpu.memory_space<vmem>> -> memref<16x64xf32, #tpu.memory_space<vmem>>
        %get3A_1747 = arith.index_cast %get3A_1743 : i32 to index
        %get3A_1748 = arith.constant 0 : index
        %get3A_1749 = tpu.vector_load %get3A_1746[%get3A_1747, %get3A_1748] {strides = array<i32>} : memref<16x64xf32, #tpu.memory_space<vmem>>, vector<16xf32>,
        %mul3A_1750 = arith.mulf %get3A_1749, %get3A_1049 : vector<16xf32>
        %get3A_1751 = arith.constant 15 : i32
        %get3A_1752 = arith.constant 0 : i32
        %get3A_1753 = tpu.memref_slice %arg20[%rem3A_79, %mul3A_1043, %get3A_1752] : memref<2x128x64xf32, #tpu.memory_space<vmem>> -> memref<1x16x64xf32, #tpu.memory_space<vmem>>
        %get3A_1754 = tpu.memref_squeeze %get3A_1753 : memref<1x16x64xf32, #tpu.memory_space<vmem>> -> memref<16x64xf32, #tpu.memory_space<vmem>>
        %get3A_1755 = arith.index_cast %get3A_1751 : i32 to index
        %get3A_1756 = arith.constant 16 : index
        %get3A_1757 = tpu.vector_load %get3A_1754[%get3A_1755, %get3A_1756] {strides = array<i32>} : memref<16x64xf32, #tpu.memory_space<vmem>>, vector<16xf32>,
        %mul3A_1758 = arith.mulf %get3A_1757, %get3A_1055 : vector<16xf32>
        %add3A_1759 = arith.addf %mul3A_1750, %mul3A_1758 : vector<16xf32>
        %get3A_1760 = arith.constant 15 : i32
        %get3A_1761 = arith.constant 0 : i32
        %get3A_1762 = tpu.memref_slice %arg20[%rem3A_79, %mul3A_1043, %get3A_1761] : memref<2x128x64xf32, #tpu.memory_space<vmem>> -> memref<1x16x64xf32, #tpu.memory_space<vmem>>
        %get3A_1763 = tpu.memref_squeeze %get3A_1762 : memref<1x16x64xf32, #tpu.memory_space<vmem>> -> memref<16x64xf32, #tpu.memory_space<vmem>>
        %get3A_1764 = arith.index_cast %get3A_1760 : i32 to index
        %get3A_1765 = arith.constant 32 : index
        %get3A_1766 = tpu.vector_load %get3A_1763[%get3A_1764, %get3A_1765] {strides = array<i32>} : memref<16x64xf32, #tpu.memory_space<vmem>>, vector<16xf32>,
        %mul3A_1767 = arith.mulf %get3A_1766, %get3A_1061 : vector<16xf32>
        %add3A_1768 = arith.addf %add3A_1759, %mul3A_1767 : vector<16xf32>
        %get3A_1769 = arith.constant 15 : i32
        %get3A_1770 = arith.constant 0 : i32
        %get3A_1771 = tpu.memref_slice %arg20[%rem3A_79, %mul3A_1043, %get3A_1770] : memref<2x128x64xf32, #tpu.memory_space<vmem>> -> memref<1x16x64xf32, #tpu.memory_space<vmem>>
        %get3A_1772 = tpu.memref_squeeze %get3A_1771 : memref<1x16x64xf32, #tpu.memory_space<vmem>> -> memref<16x64xf32, #tpu.memory_space<vmem>>
        %get3A_1773 = arith.index_cast %get3A_1769 : i32 to index
        %get3A_1774 = arith.constant 48 : index
        %get3A_1775 = tpu.vector_load %get3A_1772[%get3A_1773, %get3A_1774] {strides = array<i32>} : memref<16x64xf32, #tpu.memory_space<vmem>>, vector<16xf32>,
        %mul3A_1776 = arith.mulf %get3A_1775, %get3A_1067 : vector<16xf32>
        %add3A_1777 = arith.addf %add3A_1768, %mul3A_1776 : vector<16xf32>
        %mul3A_1778 = arith.constant 17 : i32
        %mul3A_1779 = vector.broadcast %mul3A_1778 : i32 to vector<16xi32>
        %mul3A_1780 = arith.muli %iota3A, %mul3A_1779 : vector<16xi32>
        %add3A_1781 = arith.constant 15 : i32
        %add3A_1782 = vector.broadcast %add3A_1781 : i32 to vector<16xi32>
        %add3A_1783 = arith.addi %mul3A_1780, %add3A_1782 : vector<16xi32>
        %scatter3A_1784 = arith.constant 1 : i32
        %scatter3A_1785 = arith.constant 0 : i32
        %scatter3A_1786 = tpu.memref_slice %arg15[%scatter3A_1784, %scatter3A_1785] : memref<2x272xf32, #tpu.memory_space<vmem>> -> memref<1x272xf32, #tpu.memory_space<vmem>>
        %scatter3A_1787 = tpu.memref_squeeze %scatter3A_1786 : memref<1x272xf32, #tpu.memory_space<vmem>> -> memref<272xf32, #tpu.memory_space<vmem>>
        tpu.vector_store_idx %scatter3A_1787[%add3A_1783], %add3A_1777 : memref<272xf32, #tpu.memory_space<vmem>>[vector<16xi32>], vector<16xf32>,
        %get3A_1788 = arith.constant 1 : i32
        %get3A_1789 = arith.index_cast %get3A_1788 : i32 to index
        %get3A_1790 = arith.constant 0 : index
        %get3A_1791 = tpu.vector_load %arg15[%get3A_1789, %get3A_1790] {strides = array<i32>} : memref<2x272xf32, #tpu.memory_space<vmem>>, vector<16xf32>,
        %get3A_1792 = arith.constant 1 : i32
        %get3A_1793 = arith.index_cast %get3A_1792 : i32 to index
        %get3A_1794 = arith.constant 17 : index
        %get3A_1795 = tpu.vector_load %arg15[%get3A_1793, %get3A_1794] {strides = array<i32>} : memref<2x272xf32, #tpu.memory_space<vmem>>, vector<16xf32>,
        %add3A_1796 = arith.addf %get3A_1791, %get3A_1795 : vector<16xf32>
        %get3A_1797 = arith.constant 1 : i32
        %get3A_1798 = arith.index_cast %get3A_1797 : i32 to index
        %get3A_1799 = arith.constant 34 : index
        %get3A_1800 = tpu.vector_load %arg15[%get3A_1798, %get3A_1799] {strides = array<i32>} : memref<2x272xf32, #tpu.memory_space<vmem>>, vector<16xf32>,
        %add3A_1801 = arith.addf %add3A_1796, %get3A_1800 : vector<16xf32>
        %get3A_1802 = arith.constant 1 : i32
        %get3A_1803 = arith.index_cast %get3A_1802 : i32 to index
        %get3A_1804 = arith.constant 51 : index
        %get3A_1805 = tpu.vector_load %arg15[%get3A_1803, %get3A_1804] {strides = array<i32>} : memref<2x272xf32, #tpu.memory_space<vmem>>, vector<16xf32>,
        %add3A_1806 = arith.addf %add3A_1801, %get3A_1805 : vector<16xf32>
        %get3A_1807 = arith.constant 1 : i32
        %get3A_1808 = arith.index_cast %get3A_1807 : i32 to index
        %get3A_1809 = arith.constant 68 : index
        %get3A_1810 = tpu.vector_load %arg15[%get3A_1808, %get3A_1809] {strides = array<i32>} : memref<2x272xf32, #tpu.memory_space<vmem>>, vector<16xf32>,
        %add3A_1811 = arith.addf %add3A_1806, %get3A_1810 : vector<16xf32>
        %get3A_1812 = arith.constant 1 : i32
        %get3A_1813 = arith.index_cast %get3A_1812 : i32 to index
        %get3A_1814 = arith.constant 85 : index
        %get3A_1815 = tpu.vector_load %arg15[%get3A_1813, %get3A_1814] {strides = array<i32>} : memref<2x272xf32, #tpu.memory_space<vmem>>, vector<16xf32>,
        %add3A_1816 = arith.addf %add3A_1811, %get3A_1815 : vector<16xf32>
        %get3A_1817 = arith.constant 1 : i32
        %get3A_1818 = arith.index_cast %get3A_1817 : i32 to index
        %get3A_1819 = arith.constant 102 : index
        %get3A_1820 = tpu.vector_load %arg15[%get3A_1818, %get3A_1819] {strides = array<i32>} : memref<2x272xf32, #tpu.memory_space<vmem>>, vector<16xf32>,
        %add3A_1821 = arith.addf %add3A_1816, %get3A_1820 : vector<16xf32>
        %get3A_1822 = arith.constant 1 : i32
        %get3A_1823 = arith.index_cast %get3A_1822 : i32 to index
        %get3A_1824 = arith.constant 119 : index
        %get3A_1825 = tpu.vector_load %arg15[%get3A_1823, %get3A_1824] {strides = array<i32>} : memref<2x272xf32, #tpu.memory_space<vmem>>, vector<16xf32>,
        %add3A_1826 = arith.addf %add3A_1821, %get3A_1825 : vector<16xf32>
        %get3A_1827 = arith.constant 1 : i32
        %get3A_1828 = arith.index_cast %get3A_1827 : i32 to index
        %get3A_1829 = arith.constant 136 : index
        %get3A_1830 = tpu.vector_load %arg15[%get3A_1828, %get3A_1829] {strides = array<i32>} : memref<2x272xf32, #tpu.memory_space<vmem>>, vector<16xf32>,
        %add3A_1831 = arith.addf %add3A_1826, %get3A_1830 : vector<16xf32>
        %get3A_1832 = arith.constant 1 : i32
        %get3A_1833 = arith.index_cast %get3A_1832 : i32 to index
        %get3A_1834 = arith.constant 153 : index
        %get3A_1835 = tpu.vector_load %arg15[%get3A_1833, %get3A_1834] {strides = array<i32>} : memref<2x272xf32, #tpu.memory_space<vmem>>, vector<16xf32>,
        %add3A_1836 = arith.addf %add3A_1831, %get3A_1835 : vector<16xf32>
        %get3A_1837 = arith.constant 1 : i32
        %get3A_1838 = arith.index_cast %get3A_1837 : i32 to index
        %get3A_1839 = arith.constant 170 : index
        %get3A_1840 = tpu.vector_load %arg15[%get3A_1838, %get3A_1839] {strides = array<i32>} : memref<2x272xf32, #tpu.memory_space<vmem>>, vector<16xf32>,
        %add3A_1841 = arith.addf %add3A_1836, %get3A_1840 : vector<16xf32>
        %get3A_1842 = arith.constant 1 : i32
        %get3A_1843 = arith.index_cast %get3A_1842 : i32 to index
        %get3A_1844 = arith.constant 187 : index
        %get3A_1845 = tpu.vector_load %arg15[%get3A_1843, %get3A_1844] {strides = array<i32>} : memref<2x272xf32, #tpu.memory_space<vmem>>, vector<16xf32>,
        %add3A_1846 = arith.addf %add3A_1841, %get3A_1845 : vector<16xf32>
        %get3A_1847 = arith.constant 1 : i32
        %get3A_1848 = arith.index_cast %get3A_1847 : i32 to index
        %get3A_1849 = arith.constant 204 : index
        %get3A_1850 = tpu.vector_load %arg15[%get3A_1848, %get3A_1849] {strides = array<i32>} : memref<2x272xf32, #tpu.memory_space<vmem>>, vector<16xf32>,
        %add3A_1851 = arith.addf %add3A_1846, %get3A_1850 : vector<16xf32>
        %get3A_1852 = arith.constant 1 : i32
        %get3A_1853 = arith.index_cast %get3A_1852 : i32 to index
        %get3A_1854 = arith.constant 221 : index
        %get3A_1855 = tpu.vector_load %arg15[%get3A_1853, %get3A_1854] {strides = array<i32>} : memref<2x272xf32, #tpu.memory_space<vmem>>, vector<16xf32>,
        %add3A_1856 = arith.addf %add3A_1851, %get3A_1855 : vector<16xf32>
        %get3A_1857 = arith.constant 1 : i32
        %get3A_1858 = arith.index_cast %get3A_1857 : i32 to index
        %get3A_1859 = arith.constant 238 : index
        %get3A_1860 = tpu.vector_load %arg15[%get3A_1858, %get3A_1859] {strides = array<i32>} : memref<2x272xf32, #tpu.memory_space<vmem>>, vector<16xf32>,
        %add3A_1861 = arith.addf %add3A_1856, %get3A_1860 : vector<16xf32>
        %get3A_1862 = arith.constant 1 : i32
        %get3A_1863 = arith.index_cast %get3A_1862 : i32 to index
        %get3A_1864 = arith.constant 255 : index
        %get3A_1865 = tpu.vector_load %arg15[%get3A_1863, %get3A_1864] {strides = array<i32>} : memref<2x272xf32, #tpu.memory_space<vmem>>, vector<16xf32>,
        %add3A_1866 = arith.addf %add3A_1861, %get3A_1865 : vector<16xf32>
        %get3A_1867 = arith.index_cast %rem3A_79 : i32 to index
        %get3A_1868 = arith.index_cast %mul3A_1043 : i32 to index
        %get3A_1869 = tpu.vector_load %arg19[%get3A_1867, %get3A_1868] {strides = array<i32>} : memref<2x128xi32, #tpu.memory_space<vmem>>, vector<16xi32>,
        %mul3A_1870 = arith.constant 128 : i32
        %mul3A_1871 = arith.muli %scan3A_77, %mul3A_1870 : i32
        %add3A_1872 = arith.addi %mul3A_1871, %mul3A_1043 : i32
        %get3A_1873 = arith.index_cast %add3A_1872 : i32 to index
        %get3A_1874 = tpu.vector_load %arg17[%get3A_1873] {strides = array<i32>} : memref<8192xi32, #tpu.memory_space<vmem>>, vector<16xi32>,
        %jit3A_1875 = arith.constant 0 : i32
        %jit3A_1876 = arith.constant 4095 : i32
        %max3A_1877 = vector.broadcast %jit3A_1875 : i32 to vector<16xi32>
        %max3A_1878 = arith.maxsi %max3A_1877, %get3A_1869 : vector<16xi32>
        %min3A_1879 = vector.broadcast %jit3A_1876 : i32 to vector<16xi32>
        %min3A_1880 = arith.minsi %min3A_1879, %max3A_1878 : vector<16xi32>
        %gather3A_1881 = tpu.vector_load_idx %arg10[%min3A_1880] : memref<4096xi32, #tpu.memory_space<vmem>>[vector<16xi32>], vector<16xi32>,
        %ge3A_1882 = arith.constant 0 : i32
        %ge3A_1883 = vector.broadcast %ge3A_1882 : i32 to vector<16xi32>
        %ge3A_1884 = arith.cmpi sge, %get3A_1869, %ge3A_1883 : vector<16xi32>
        %lt3A_1885 = arith.constant 4096 : i32
        %lt3A_1886 = vector.broadcast %lt3A_1885 : i32 to vector<16xi32>
        %lt3A_1887 = arith.cmpi slt, %get3A_1869, %lt3A_1886 : vector<16xi32>
        %and3A_1888 = arith.andi %ge3A_1884, %lt3A_1887 : vector<16xi1>
        %eq3A_1889 = arith.cmpi eq, %gather3A_1881, %get3A_1874 : vector<16xi32>
        %and3A_1890 = arith.andi %and3A_1888, %eq3A_1889 : vector<16xi1>
        %ne3A_1891 = arith.constant 0 : i32
        %ne3A_1892 = vector.broadcast %ne3A_1891 : i32 to vector<16xi32>
        %ne3A_1893 = arith.cmpi ne, %get3A_14, %ne3A_1892 : vector<16xi32>
        %and3A_1894 = arith.andi %and3A_1890, %ne3A_1893 : vector<16xi1>
        %swap3A_1895 = arith.index_cast %rem3A_79 : i32 to index
        %swap3A_1896 = arith.index_cast %mul3A_1043 : i32 to index
        %swap3A_1897 = tpu.vector_load %arg22[%swap3A_1895, %swap3A_1896] {strides = array<i32>} : memref<2x128xf32, #tpu.memory_space<vmem>>, vector<16xf32>,
        tpu.vector_store %arg22[%swap3A_1895, %swap3A_1896], %add3A_1866 {strides = array<i32>} : memref<2x128xf32, #tpu.memory_space<vmem>>, vector<16xf32>,
        %convert_element_type3A_1898 = arith.extui %and3A_1894 : vector<16xi1> to vector<16xi32>
        %reduce_sum3A_1899 = arith.constant true
        %reduce_sum3A_1900 = vector.broadcast %reduce_sum3A_1899 : i1 to vector<16xi1>
        %reduce_sum3A_1901 = tpu.scan <sum>, %convert_element_type3A_1898 masked %reduce_sum3A_1900 : vector<16xi32>, vector<16xi1> -> vector<16xi32>
        %reduce_sum3A_1902 = vector.extract %reduce_sum3A_1901[15] : i32 from vector<16xi32>
        %gt3A_1903 = arith.constant 0 : i32
        %gt3A_1904 = arith.cmpi sgt, %reduce_sum3A_1902, %gt3A_1903 : i32
        %convert_element_type3A_1905 = arith.extui %gt3A_1904 : i1 to i32
        %cond3A_1906 = arith.constant 0 : i32
        %cond3A_1907 = arith.cmpi ne, %convert_element_type3A_1905, %cond3A_1906 : i32
        scf.if %cond3A_1907 {
          "tpu.region"() ({
            %run_scoped3A = tpu.sem_alloc : memref<!tpu.dma_semaphore, #tpu.memory_space<semaphore_mem>>
            %dma_start3A_2519 = arith.constant 0 : i32
            %dma_start3A_2520 = arith.constant 0 : i32
            %dma_start3A_2521 = tpu.memref_slice %arg9[%dma_start3A_2519, %dma_start3A_2520] : memref<4096x64xf32, #tpu.memory_space<vmem_shared>> -> memref<4096x64xf32, #tpu.memory_space<vmem_shared>>
            tpu.enqueue_indirect_dma source(%dma_start3A_2521 : memref<4096x64xf32, #tpu.memory_space<vmem_shared>>) target(%arg21 : memref<16x64xf32, #tpu.memory_space<vmem>>) offsets(%min3A_1880 : vector<16xi32>) semaphore(%run_scoped3A : memref<!tpu.dma_semaphore, #tpu.memory_space<semaphore_mem>>)
            %dma_wait3A_2522 = arith.constant 0 : i32
            %dma_wait3A_2523 = arith.constant 0 : i32
            %dma_wait3A_2524 = tpu.memref_slice %arg9[%dma_wait3A_2522, %dma_wait3A_2523] : memref<4096x64xf32, #tpu.memory_space<vmem_shared>> -> memref<4096x64xf32, #tpu.memory_space<vmem_shared>>
            tpu.wait_indirect_dma semaphore(%run_scoped3A : memref<!tpu.dma_semaphore, #tpu.memory_space<semaphore_mem>>) src(%dma_wait3A_2524 : memref<4096x64xf32, #tpu.memory_space<vmem_shared>>) dst(%arg21 : memref<16x64xf32, #tpu.memory_space<vmem>>)
            tpu.yield
          }) : () -> ()
          %get3A_1908 = arith.constant 0 : i32
          %get3A_1909 = arith.index_cast %get3A_1908 : i32 to index
          %get3A_1910 = arith.constant 0 : index
          %get3A_1911 = tpu.vector_load %arg21[%get3A_1909, %get3A_1910] {strides = array<i32>} : memref<16x64xf32, #tpu.memory_space<vmem>>, vector<16xf32>,
          %mul3A_1912 = arith.mulf %get3A_1911, %get3A_1049 : vector<16xf32>
          %get3A_1913 = arith.constant 0 : i32
          %get3A_1914 = arith.index_cast %get3A_1913 : i32 to index
          %get3A_1915 = arith.constant 16 : index
          %get3A_1916 = tpu.vector_load %arg21[%get3A_1914, %get3A_1915] {strides = array<i32>} : memref<16x64xf32, #tpu.memory_space<vmem>>, vector<16xf32>,
          %mul3A_1917 = arith.mulf %get3A_1916, %get3A_1055 : vector<16xf32>
          %add3A_1918 = arith.addf %mul3A_1912, %mul3A_1917 : vector<16xf32>
          %get3A_1919 = arith.constant 0 : i32
          %get3A_1920 = arith.index_cast %get3A_1919 : i32 to index
          %get3A_1921 = arith.constant 32 : index
          %get3A_1922 = tpu.vector_load %arg21[%get3A_1920, %get3A_1921] {strides = array<i32>} : memref<16x64xf32, #tpu.memory_space<vmem>>, vector<16xf32>,
          %mul3A_1923 = arith.mulf %get3A_1922, %get3A_1061 : vector<16xf32>
          %add3A_1924 = arith.addf %add3A_1918, %mul3A_1923 : vector<16xf32>
          %get3A_1925 = arith.constant 0 : i32
          %get3A_1926 = arith.index_cast %get3A_1925 : i32 to index
          %get3A_1927 = arith.constant 48 : index
          %get3A_1928 = tpu.vector_load %arg21[%get3A_1926, %get3A_1927] {strides = array<i32>} : memref<16x64xf32, #tpu.memory_space<vmem>>, vector<16xf32>,
          %mul3A_1929 = arith.mulf %get3A_1928, %get3A_1067 : vector<16xf32>
          %add3A_1930 = arith.addf %add3A_1924, %mul3A_1929 : vector<16xf32>
          %mul3A_1931 = arith.constant 17 : i32
          %mul3A_1932 = vector.broadcast %mul3A_1931 : i32 to vector<16xi32>
          %mul3A_1933 = arith.muli %iota3A, %mul3A_1932 : vector<16xi32>
          %add3A_1934 = arith.constant 0 : i32
          %add3A_1935 = vector.broadcast %add3A_1934 : i32 to vector<16xi32>
          %add3A_1936 = arith.addi %mul3A_1933, %add3A_1935 : vector<16xi32>
          %scatter3A_1937 = arith.constant 1 : i32
          %scatter3A_1938 = arith.constant 0 : i32
          %scatter3A_1939 = tpu.memref_slice %arg15[%scatter3A_1937, %scatter3A_1938] : memref<2x272xf32, #tpu.memory_space<vmem>> -> memref<1x272xf32, #tpu.memory_space<vmem>>
          %scatter3A_1940 = tpu.memref_squeeze %scatter3A_1939 : memref<1x272xf32, #tpu.memory_space<vmem>> -> memref<272xf32, #tpu.memory_space<vmem>>
          tpu.vector_store_idx %scatter3A_1940[%add3A_1936], %add3A_1930 : memref<272xf32, #tpu.memory_space<vmem>>[vector<16xi32>], vector<16xf32>,
          %get3A_1941 = arith.constant 1 : i32
          %get3A_1942 = arith.index_cast %get3A_1941 : i32 to index
          %get3A_1943 = arith.constant 0 : index
          %get3A_1944 = tpu.vector_load %arg21[%get3A_1942, %get3A_1943] {strides = array<i32>} : memref<16x64xf32, #tpu.memory_space<vmem>>, vector<16xf32>,
          %mul3A_1945 = arith.mulf %get3A_1944, %get3A_1049 : vector<16xf32>
          %get3A_1946 = arith.constant 1 : i32
          %get3A_1947 = arith.index_cast %get3A_1946 : i32 to index
          %get3A_1948 = arith.constant 16 : index
          %get3A_1949 = tpu.vector_load %arg21[%get3A_1947, %get3A_1948] {strides = array<i32>} : memref<16x64xf32, #tpu.memory_space<vmem>>, vector<16xf32>,
          %mul3A_1950 = arith.mulf %get3A_1949, %get3A_1055 : vector<16xf32>
          %add3A_1951 = arith.addf %mul3A_1945, %mul3A_1950 : vector<16xf32>
          %get3A_1952 = arith.constant 1 : i32
          %get3A_1953 = arith.index_cast %get3A_1952 : i32 to index
          %get3A_1954 = arith.constant 32 : index
          %get3A_1955 = tpu.vector_load %arg21[%get3A_1953, %get3A_1954] {strides = array<i32>} : memref<16x64xf32, #tpu.memory_space<vmem>>, vector<16xf32>,
          %mul3A_1956 = arith.mulf %get3A_1955, %get3A_1061 : vector<16xf32>
          %add3A_1957 = arith.addf %add3A_1951, %mul3A_1956 : vector<16xf32>
          %get3A_1958 = arith.constant 1 : i32
          %get3A_1959 = arith.index_cast %get3A_1958 : i32 to index
          %get3A_1960 = arith.constant 48 : index
          %get3A_1961 = tpu.vector_load %arg21[%get3A_1959, %get3A_1960] {strides = array<i32>} : memref<16x64xf32, #tpu.memory_space<vmem>>, vector<16xf32>,
          %mul3A_1962 = arith.mulf %get3A_1961, %get3A_1067 : vector<16xf32>
          %add3A_1963 = arith.addf %add3A_1957, %mul3A_1962 : vector<16xf32>
          %mul3A_1964 = arith.constant 17 : i32
          %mul3A_1965 = vector.broadcast %mul3A_1964 : i32 to vector<16xi32>
          %mul3A_1966 = arith.muli %iota3A, %mul3A_1965 : vector<16xi32>
          %add3A_1967 = arith.constant 1 : i32
          %add3A_1968 = vector.broadcast %add3A_1967 : i32 to vector<16xi32>
          %add3A_1969 = arith.addi %mul3A_1966, %add3A_1968 : vector<16xi32>
          %scatter3A_1970 = arith.constant 1 : i32
          %scatter3A_1971 = arith.constant 0 : i32
          %scatter3A_1972 = tpu.memref_slice %arg15[%scatter3A_1970, %scatter3A_1971] : memref<2x272xf32, #tpu.memory_space<vmem>> -> memref<1x272xf32, #tpu.memory_space<vmem>>
          %scatter3A_1973 = tpu.memref_squeeze %scatter3A_1972 : memref<1x272xf32, #tpu.memory_space<vmem>> -> memref<272xf32, #tpu.memory_space<vmem>>
          tpu.vector_store_idx %scatter3A_1973[%add3A_1969], %add3A_1963 : memref<272xf32, #tpu.memory_space<vmem>>[vector<16xi32>], vector<16xf32>,
          %get3A_1974 = arith.constant 2 : i32
          %get3A_1975 = arith.index_cast %get3A_1974 : i32 to index
          %get3A_1976 = arith.constant 0 : index
          %get3A_1977 = tpu.vector_load %arg21[%get3A_1975, %get3A_1976] {strides = array<i32>} : memref<16x64xf32, #tpu.memory_space<vmem>>, vector<16xf32>,
          %mul3A_1978 = arith.mulf %get3A_1977, %get3A_1049 : vector<16xf32>
          %get3A_1979 = arith.constant 2 : i32
          %get3A_1980 = arith.index_cast %get3A_1979 : i32 to index
          %get3A_1981 = arith.constant 16 : index
          %get3A_1982 = tpu.vector_load %arg21[%get3A_1980, %get3A_1981] {strides = array<i32>} : memref<16x64xf32, #tpu.memory_space<vmem>>, vector<16xf32>,
          %mul3A_1983 = arith.mulf %get3A_1982, %get3A_1055 : vector<16xf32>
          %add3A_1984 = arith.addf %mul3A_1978, %mul3A_1983 : vector<16xf32>
          %get3A_1985 = arith.constant 2 : i32
          %get3A_1986 = arith.index_cast %get3A_1985 : i32 to index
          %get3A_1987 = arith.constant 32 : index
          %get3A_1988 = tpu.vector_load %arg21[%get3A_1986, %get3A_1987] {strides = array<i32>} : memref<16x64xf32, #tpu.memory_space<vmem>>, vector<16xf32>,
          %mul3A_1989 = arith.mulf %get3A_1988, %get3A_1061 : vector<16xf32>
          %add3A_1990 = arith.addf %add3A_1984, %mul3A_1989 : vector<16xf32>
          %get3A_1991 = arith.constant 2 : i32
          %get3A_1992 = arith.index_cast %get3A_1991 : i32 to index
          %get3A_1993 = arith.constant 48 : index
          %get3A_1994 = tpu.vector_load %arg21[%get3A_1992, %get3A_1993] {strides = array<i32>} : memref<16x64xf32, #tpu.memory_space<vmem>>, vector<16xf32>,
          %mul3A_1995 = arith.mulf %get3A_1994, %get3A_1067 : vector<16xf32>
          %add3A_1996 = arith.addf %add3A_1990, %mul3A_1995 : vector<16xf32>
          %mul3A_1997 = arith.constant 17 : i32
          %mul3A_1998 = vector.broadcast %mul3A_1997 : i32 to vector<16xi32>
          %mul3A_1999 = arith.muli %iota3A, %mul3A_1998 : vector<16xi32>
          %add3A_2000 = arith.constant 2 : i32
          %add3A_2001 = vector.broadcast %add3A_2000 : i32 to vector<16xi32>
          %add3A_2002 = arith.addi %mul3A_1999, %add3A_2001 : vector<16xi32>
          %scatter3A_2003 = arith.constant 1 : i32
          %scatter3A_2004 = arith.constant 0 : i32
          %scatter3A_2005 = tpu.memref_slice %arg15[%scatter3A_2003, %scatter3A_2004] : memref<2x272xf32, #tpu.memory_space<vmem>> -> memref<1x272xf32, #tpu.memory_space<vmem>>
          %scatter3A_2006 = tpu.memref_squeeze %scatter3A_2005 : memref<1x272xf32, #tpu.memory_space<vmem>> -> memref<272xf32, #tpu.memory_space<vmem>>
          tpu.vector_store_idx %scatter3A_2006[%add3A_2002], %add3A_1996 : memref<272xf32, #tpu.memory_space<vmem>>[vector<16xi32>], vector<16xf32>,
          %get3A_2007 = arith.constant 3 : i32
          %get3A_2008 = arith.index_cast %get3A_2007 : i32 to index
          %get3A_2009 = arith.constant 0 : index
          %get3A_2010 = tpu.vector_load %arg21[%get3A_2008, %get3A_2009] {strides = array<i32>} : memref<16x64xf32, #tpu.memory_space<vmem>>, vector<16xf32>,
          %mul3A_2011 = arith.mulf %get3A_2010, %get3A_1049 : vector<16xf32>
          %get3A_2012 = arith.constant 3 : i32
          %get3A_2013 = arith.index_cast %get3A_2012 : i32 to index
          %get3A_2014 = arith.constant 16 : index
          %get3A_2015 = tpu.vector_load %arg21[%get3A_2013, %get3A_2014] {strides = array<i32>} : memref<16x64xf32, #tpu.memory_space<vmem>>, vector<16xf32>,
          %mul3A_2016 = arith.mulf %get3A_2015, %get3A_1055 : vector<16xf32>
          %add3A_2017 = arith.addf %mul3A_2011, %mul3A_2016 : vector<16xf32>
          %get3A_2018 = arith.constant 3 : i32
          %get3A_2019 = arith.index_cast %get3A_2018 : i32 to index
          %get3A_2020 = arith.constant 32 : index
          %get3A_2021 = tpu.vector_load %arg21[%get3A_2019, %get3A_2020] {strides = array<i32>} : memref<16x64xf32, #tpu.memory_space<vmem>>, vector<16xf32>,
          %mul3A_2022 = arith.mulf %get3A_2021, %get3A_1061 : vector<16xf32>
          %add3A_2023 = arith.addf %add3A_2017, %mul3A_2022 : vector<16xf32>
          %get3A_2024 = arith.constant 3 : i32
          %get3A_2025 = arith.index_cast %get3A_2024 : i32 to index
          %get3A_2026 = arith.constant 48 : index
          %get3A_2027 = tpu.vector_load %arg21[%get3A_2025, %get3A_2026] {strides = array<i32>} : memref<16x64xf32, #tpu.memory_space<vmem>>, vector<16xf32>,
          %mul3A_2028 = arith.mulf %get3A_2027, %get3A_1067 : vector<16xf32>
          %add3A_2029 = arith.addf %add3A_2023, %mul3A_2028 : vector<16xf32>
          %mul3A_2030 = arith.constant 17 : i32
          %mul3A_2031 = vector.broadcast %mul3A_2030 : i32 to vector<16xi32>
          %mul3A_2032 = arith.muli %iota3A, %mul3A_2031 : vector<16xi32>
          %add3A_2033 = arith.constant 3 : i32
          %add3A_2034 = vector.broadcast %add3A_2033 : i32 to vector<16xi32>
          %add3A_2035 = arith.addi %mul3A_2032, %add3A_2034 : vector<16xi32>
          %scatter3A_2036 = arith.constant 1 : i32
          %scatter3A_2037 = arith.constant 0 : i32
          %scatter3A_2038 = tpu.memref_slice %arg15[%scatter3A_2036, %scatter3A_2037] : memref<2x272xf32, #tpu.memory_space<vmem>> -> memref<1x272xf32, #tpu.memory_space<vmem>>
          %scatter3A_2039 = tpu.memref_squeeze %scatter3A_2038 : memref<1x272xf32, #tpu.memory_space<vmem>> -> memref<272xf32, #tpu.memory_space<vmem>>
          tpu.vector_store_idx %scatter3A_2039[%add3A_2035], %add3A_2029 : memref<272xf32, #tpu.memory_space<vmem>>[vector<16xi32>], vector<16xf32>,
          %get3A_2040 = arith.constant 4 : i32
          %get3A_2041 = arith.index_cast %get3A_2040 : i32 to index
          %get3A_2042 = arith.constant 0 : index
          %get3A_2043 = tpu.vector_load %arg21[%get3A_2041, %get3A_2042] {strides = array<i32>} : memref<16x64xf32, #tpu.memory_space<vmem>>, vector<16xf32>,
          %mul3A_2044 = arith.mulf %get3A_2043, %get3A_1049 : vector<16xf32>
          %get3A_2045 = arith.constant 4 : i32
          %get3A_2046 = arith.index_cast %get3A_2045 : i32 to index
          %get3A_2047 = arith.constant 16 : index
          %get3A_2048 = tpu.vector_load %arg21[%get3A_2046, %get3A_2047] {strides = array<i32>} : memref<16x64xf32, #tpu.memory_space<vmem>>, vector<16xf32>,
          %mul3A_2049 = arith.mulf %get3A_2048, %get3A_1055 : vector<16xf32>
          %add3A_2050 = arith.addf %mul3A_2044, %mul3A_2049 : vector<16xf32>
          %get3A_2051 = arith.constant 4 : i32
          %get3A_2052 = arith.index_cast %get3A_2051 : i32 to index
          %get3A_2053 = arith.constant 32 : index
          %get3A_2054 = tpu.vector_load %arg21[%get3A_2052, %get3A_2053] {strides = array<i32>} : memref<16x64xf32, #tpu.memory_space<vmem>>, vector<16xf32>,
          %mul3A_2055 = arith.mulf %get3A_2054, %get3A_1061 : vector<16xf32>
          %add3A_2056 = arith.addf %add3A_2050, %mul3A_2055 : vector<16xf32>
          %get3A_2057 = arith.constant 4 : i32
          %get3A_2058 = arith.index_cast %get3A_2057 : i32 to index
          %get3A_2059 = arith.constant 48 : index
          %get3A_2060 = tpu.vector_load %arg21[%get3A_2058, %get3A_2059] {strides = array<i32>} : memref<16x64xf32, #tpu.memory_space<vmem>>, vector<16xf32>,
          %mul3A_2061 = arith.mulf %get3A_2060, %get3A_1067 : vector<16xf32>
          %add3A_2062 = arith.addf %add3A_2056, %mul3A_2061 : vector<16xf32>
          %mul3A_2063 = arith.constant 17 : i32
          %mul3A_2064 = vector.broadcast %mul3A_2063 : i32 to vector<16xi32>
          %mul3A_2065 = arith.muli %iota3A, %mul3A_2064 : vector<16xi32>
          %add3A_2066 = arith.constant 4 : i32
          %add3A_2067 = vector.broadcast %add3A_2066 : i32 to vector<16xi32>
          %add3A_2068 = arith.addi %mul3A_2065, %add3A_2067 : vector<16xi32>
          %scatter3A_2069 = arith.constant 1 : i32
          %scatter3A_2070 = arith.constant 0 : i32
          %scatter3A_2071 = tpu.memref_slice %arg15[%scatter3A_2069, %scatter3A_2070] : memref<2x272xf32, #tpu.memory_space<vmem>> -> memref<1x272xf32, #tpu.memory_space<vmem>>
          %scatter3A_2072 = tpu.memref_squeeze %scatter3A_2071 : memref<1x272xf32, #tpu.memory_space<vmem>> -> memref<272xf32, #tpu.memory_space<vmem>>
          tpu.vector_store_idx %scatter3A_2072[%add3A_2068], %add3A_2062 : memref<272xf32, #tpu.memory_space<vmem>>[vector<16xi32>], vector<16xf32>,
          %get3A_2073 = arith.constant 5 : i32
          %get3A_2074 = arith.index_cast %get3A_2073 : i32 to index
          %get3A_2075 = arith.constant 0 : index
          %get3A_2076 = tpu.vector_load %arg21[%get3A_2074, %get3A_2075] {strides = array<i32>} : memref<16x64xf32, #tpu.memory_space<vmem>>, vector<16xf32>,
          %mul3A_2077 = arith.mulf %get3A_2076, %get3A_1049 : vector<16xf32>
          %get3A_2078 = arith.constant 5 : i32
          %get3A_2079 = arith.index_cast %get3A_2078 : i32 to index
          %get3A_2080 = arith.constant 16 : index
          %get3A_2081 = tpu.vector_load %arg21[%get3A_2079, %get3A_2080] {strides = array<i32>} : memref<16x64xf32, #tpu.memory_space<vmem>>, vector<16xf32>,
          %mul3A_2082 = arith.mulf %get3A_2081, %get3A_1055 : vector<16xf32>
          %add3A_2083 = arith.addf %mul3A_2077, %mul3A_2082 : vector<16xf32>
          %get3A_2084 = arith.constant 5 : i32
          %get3A_2085 = arith.index_cast %get3A_2084 : i32 to index
          %get3A_2086 = arith.constant 32 : index
          %get3A_2087 = tpu.vector_load %arg21[%get3A_2085, %get3A_2086] {strides = array<i32>} : memref<16x64xf32, #tpu.memory_space<vmem>>, vector<16xf32>,
          %mul3A_2088 = arith.mulf %get3A_2087, %get3A_1061 : vector<16xf32>
          %add3A_2089 = arith.addf %add3A_2083, %mul3A_2088 : vector<16xf32>
          %get3A_2090 = arith.constant 5 : i32
          %get3A_2091 = arith.index_cast %get3A_2090 : i32 to index
          %get3A_2092 = arith.constant 48 : index
          %get3A_2093 = tpu.vector_load %arg21[%get3A_2091, %get3A_2092] {strides = array<i32>} : memref<16x64xf32, #tpu.memory_space<vmem>>, vector<16xf32>,
          %mul3A_2094 = arith.mulf %get3A_2093, %get3A_1067 : vector<16xf32>
          %add3A_2095 = arith.addf %add3A_2089, %mul3A_2094 : vector<16xf32>
          %mul3A_2096 = arith.constant 17 : i32
          %mul3A_2097 = vector.broadcast %mul3A_2096 : i32 to vector<16xi32>
          %mul3A_2098 = arith.muli %iota3A, %mul3A_2097 : vector<16xi32>
          %add3A_2099 = arith.constant 5 : i32
          %add3A_2100 = vector.broadcast %add3A_2099 : i32 to vector<16xi32>
          %add3A_2101 = arith.addi %mul3A_2098, %add3A_2100 : vector<16xi32>
          %scatter3A_2102 = arith.constant 1 : i32
          %scatter3A_2103 = arith.constant 0 : i32
          %scatter3A_2104 = tpu.memref_slice %arg15[%scatter3A_2102, %scatter3A_2103] : memref<2x272xf32, #tpu.memory_space<vmem>> -> memref<1x272xf32, #tpu.memory_space<vmem>>
          %scatter3A_2105 = tpu.memref_squeeze %scatter3A_2104 : memref<1x272xf32, #tpu.memory_space<vmem>> -> memref<272xf32, #tpu.memory_space<vmem>>
          tpu.vector_store_idx %scatter3A_2105[%add3A_2101], %add3A_2095 : memref<272xf32, #tpu.memory_space<vmem>>[vector<16xi32>], vector<16xf32>,
          %get3A_2106 = arith.constant 6 : i32
          %get3A_2107 = arith.index_cast %get3A_2106 : i32 to index
          %get3A_2108 = arith.constant 0 : index
          %get3A_2109 = tpu.vector_load %arg21[%get3A_2107, %get3A_2108] {strides = array<i32>} : memref<16x64xf32, #tpu.memory_space<vmem>>, vector<16xf32>,
          %mul3A_2110 = arith.mulf %get3A_2109, %get3A_1049 : vector<16xf32>
          %get3A_2111 = arith.constant 6 : i32
          %get3A_2112 = arith.index_cast %get3A_2111 : i32 to index
          %get3A_2113 = arith.constant 16 : index
          %get3A_2114 = tpu.vector_load %arg21[%get3A_2112, %get3A_2113] {strides = array<i32>} : memref<16x64xf32, #tpu.memory_space<vmem>>, vector<16xf32>,
          %mul3A_2115 = arith.mulf %get3A_2114, %get3A_1055 : vector<16xf32>
          %add3A_2116 = arith.addf %mul3A_2110, %mul3A_2115 : vector<16xf32>
          %get3A_2117 = arith.constant 6 : i32
          %get3A_2118 = arith.index_cast %get3A_2117 : i32 to index
          %get3A_2119 = arith.constant 32 : index
          %get3A_2120 = tpu.vector_load %arg21[%get3A_2118, %get3A_2119] {strides = array<i32>} : memref<16x64xf32, #tpu.memory_space<vmem>>, vector<16xf32>,
          %mul3A_2121 = arith.mulf %get3A_2120, %get3A_1061 : vector<16xf32>
          %add3A_2122 = arith.addf %add3A_2116, %mul3A_2121 : vector<16xf32>
          %get3A_2123 = arith.constant 6 : i32
          %get3A_2124 = arith.index_cast %get3A_2123 : i32 to index
          %get3A_2125 = arith.constant 48 : index
          %get3A_2126 = tpu.vector_load %arg21[%get3A_2124, %get3A_2125] {strides = array<i32>} : memref<16x64xf32, #tpu.memory_space<vmem>>, vector<16xf32>,
          %mul3A_2127 = arith.mulf %get3A_2126, %get3A_1067 : vector<16xf32>
          %add3A_2128 = arith.addf %add3A_2122, %mul3A_2127 : vector<16xf32>
          %mul3A_2129 = arith.constant 17 : i32
          %mul3A_2130 = vector.broadcast %mul3A_2129 : i32 to vector<16xi32>
          %mul3A_2131 = arith.muli %iota3A, %mul3A_2130 : vector<16xi32>
          %add3A_2132 = arith.constant 6 : i32
          %add3A_2133 = vector.broadcast %add3A_2132 : i32 to vector<16xi32>
          %add3A_2134 = arith.addi %mul3A_2131, %add3A_2133 : vector<16xi32>
          %scatter3A_2135 = arith.constant 1 : i32
          %scatter3A_2136 = arith.constant 0 : i32
          %scatter3A_2137 = tpu.memref_slice %arg15[%scatter3A_2135, %scatter3A_2136] : memref<2x272xf32, #tpu.memory_space<vmem>> -> memref<1x272xf32, #tpu.memory_space<vmem>>
          %scatter3A_2138 = tpu.memref_squeeze %scatter3A_2137 : memref<1x272xf32, #tpu.memory_space<vmem>> -> memref<272xf32, #tpu.memory_space<vmem>>
          tpu.vector_store_idx %scatter3A_2138[%add3A_2134], %add3A_2128 : memref<272xf32, #tpu.memory_space<vmem>>[vector<16xi32>], vector<16xf32>,
          %get3A_2139 = arith.constant 7 : i32
          %get3A_2140 = arith.index_cast %get3A_2139 : i32 to index
          %get3A_2141 = arith.constant 0 : index
          %get3A_2142 = tpu.vector_load %arg21[%get3A_2140, %get3A_2141] {strides = array<i32>} : memref<16x64xf32, #tpu.memory_space<vmem>>, vector<16xf32>,
          %mul3A_2143 = arith.mulf %get3A_2142, %get3A_1049 : vector<16xf32>
          %get3A_2144 = arith.constant 7 : i32
          %get3A_2145 = arith.index_cast %get3A_2144 : i32 to index
          %get3A_2146 = arith.constant 16 : index
          %get3A_2147 = tpu.vector_load %arg21[%get3A_2145, %get3A_2146] {strides = array<i32>} : memref<16x64xf32, #tpu.memory_space<vmem>>, vector<16xf32>,
          %mul3A_2148 = arith.mulf %get3A_2147, %get3A_1055 : vector<16xf32>
          %add3A_2149 = arith.addf %mul3A_2143, %mul3A_2148 : vector<16xf32>
          %get3A_2150 = arith.constant 7 : i32
          %get3A_2151 = arith.index_cast %get3A_2150 : i32 to index
          %get3A_2152 = arith.constant 32 : index
          %get3A_2153 = tpu.vector_load %arg21[%get3A_2151, %get3A_2152] {strides = array<i32>} : memref<16x64xf32, #tpu.memory_space<vmem>>, vector<16xf32>,
          %mul3A_2154 = arith.mulf %get3A_2153, %get3A_1061 : vector<16xf32>
          %add3A_2155 = arith.addf %add3A_2149, %mul3A_2154 : vector<16xf32>
          %get3A_2156 = arith.constant 7 : i32
          %get3A_2157 = arith.index_cast %get3A_2156 : i32 to index
          %get3A_2158 = arith.constant 48 : index
          %get3A_2159 = tpu.vector_load %arg21[%get3A_2157, %get3A_2158] {strides = array<i32>} : memref<16x64xf32, #tpu.memory_space<vmem>>, vector<16xf32>,
          %mul3A_2160 = arith.mulf %get3A_2159, %get3A_1067 : vector<16xf32>
          %add3A_2161 = arith.addf %add3A_2155, %mul3A_2160 : vector<16xf32>
          %mul3A_2162 = arith.constant 17 : i32
          %mul3A_2163 = vector.broadcast %mul3A_2162 : i32 to vector<16xi32>
          %mul3A_2164 = arith.muli %iota3A, %mul3A_2163 : vector<16xi32>
          %add3A_2165 = arith.constant 7 : i32
          %add3A_2166 = vector.broadcast %add3A_2165 : i32 to vector<16xi32>
          %add3A_2167 = arith.addi %mul3A_2164, %add3A_2166 : vector<16xi32>
          %scatter3A_2168 = arith.constant 1 : i32
          %scatter3A_2169 = arith.constant 0 : i32
          %scatter3A_2170 = tpu.memref_slice %arg15[%scatter3A_2168, %scatter3A_2169] : memref<2x272xf32, #tpu.memory_space<vmem>> -> memref<1x272xf32, #tpu.memory_space<vmem>>
          %scatter3A_2171 = tpu.memref_squeeze %scatter3A_2170 : memref<1x272xf32, #tpu.memory_space<vmem>> -> memref<272xf32, #tpu.memory_space<vmem>>
          tpu.vector_store_idx %scatter3A_2171[%add3A_2167], %add3A_2161 : memref<272xf32, #tpu.memory_space<vmem>>[vector<16xi32>], vector<16xf32>,
          %get3A_2172 = arith.constant 8 : i32
          %get3A_2173 = arith.index_cast %get3A_2172 : i32 to index
          %get3A_2174 = arith.constant 0 : index
          %get3A_2175 = tpu.vector_load %arg21[%get3A_2173, %get3A_2174] {strides = array<i32>} : memref<16x64xf32, #tpu.memory_space<vmem>>, vector<16xf32>,
          %mul3A_2176 = arith.mulf %get3A_2175, %get3A_1049 : vector<16xf32>
          %get3A_2177 = arith.constant 8 : i32
          %get3A_2178 = arith.index_cast %get3A_2177 : i32 to index
          %get3A_2179 = arith.constant 16 : index
          %get3A_2180 = tpu.vector_load %arg21[%get3A_2178, %get3A_2179] {strides = array<i32>} : memref<16x64xf32, #tpu.memory_space<vmem>>, vector<16xf32>,
          %mul3A_2181 = arith.mulf %get3A_2180, %get3A_1055 : vector<16xf32>
          %add3A_2182 = arith.addf %mul3A_2176, %mul3A_2181 : vector<16xf32>
          %get3A_2183 = arith.constant 8 : i32
          %get3A_2184 = arith.index_cast %get3A_2183 : i32 to index
          %get3A_2185 = arith.constant 32 : index
          %get3A_2186 = tpu.vector_load %arg21[%get3A_2184, %get3A_2185] {strides = array<i32>} : memref<16x64xf32, #tpu.memory_space<vmem>>, vector<16xf32>,
          %mul3A_2187 = arith.mulf %get3A_2186, %get3A_1061 : vector<16xf32>
          %add3A_2188 = arith.addf %add3A_2182, %mul3A_2187 : vector<16xf32>
          %get3A_2189 = arith.constant 8 : i32
          %get3A_2190 = arith.index_cast %get3A_2189 : i32 to index
          %get3A_2191 = arith.constant 48 : index
          %get3A_2192 = tpu.vector_load %arg21[%get3A_2190, %get3A_2191] {strides = array<i32>} : memref<16x64xf32, #tpu.memory_space<vmem>>, vector<16xf32>,
          %mul3A_2193 = arith.mulf %get3A_2192, %get3A_1067 : vector<16xf32>
          %add3A_2194 = arith.addf %add3A_2188, %mul3A_2193 : vector<16xf32>
          %mul3A_2195 = arith.constant 17 : i32
          %mul3A_2196 = vector.broadcast %mul3A_2195 : i32 to vector<16xi32>
          %mul3A_2197 = arith.muli %iota3A, %mul3A_2196 : vector<16xi32>
          %add3A_2198 = arith.constant 8 : i32
          %add3A_2199 = vector.broadcast %add3A_2198 : i32 to vector<16xi32>
          %add3A_2200 = arith.addi %mul3A_2197, %add3A_2199 : vector<16xi32>
          %scatter3A_2201 = arith.constant 1 : i32
          %scatter3A_2202 = arith.constant 0 : i32
          %scatter3A_2203 = tpu.memref_slice %arg15[%scatter3A_2201, %scatter3A_2202] : memref<2x272xf32, #tpu.memory_space<vmem>> -> memref<1x272xf32, #tpu.memory_space<vmem>>
          %scatter3A_2204 = tpu.memref_squeeze %scatter3A_2203 : memref<1x272xf32, #tpu.memory_space<vmem>> -> memref<272xf32, #tpu.memory_space<vmem>>
          tpu.vector_store_idx %scatter3A_2204[%add3A_2200], %add3A_2194 : memref<272xf32, #tpu.memory_space<vmem>>[vector<16xi32>], vector<16xf32>,
          %get3A_2205 = arith.constant 9 : i32
          %get3A_2206 = arith.index_cast %get3A_2205 : i32 to index
          %get3A_2207 = arith.constant 0 : index
          %get3A_2208 = tpu.vector_load %arg21[%get3A_2206, %get3A_2207] {strides = array<i32>} : memref<16x64xf32, #tpu.memory_space<vmem>>, vector<16xf32>,
          %mul3A_2209 = arith.mulf %get3A_2208, %get3A_1049 : vector<16xf32>
          %get3A_2210 = arith.constant 9 : i32
          %get3A_2211 = arith.index_cast %get3A_2210 : i32 to index
          %get3A_2212 = arith.constant 16 : index
          %get3A_2213 = tpu.vector_load %arg21[%get3A_2211, %get3A_2212] {strides = array<i32>} : memref<16x64xf32, #tpu.memory_space<vmem>>, vector<16xf32>,
          %mul3A_2214 = arith.mulf %get3A_2213, %get3A_1055 : vector<16xf32>
          %add3A_2215 = arith.addf %mul3A_2209, %mul3A_2214 : vector<16xf32>
          %get3A_2216 = arith.constant 9 : i32
          %get3A_2217 = arith.index_cast %get3A_2216 : i32 to index
          %get3A_2218 = arith.constant 32 : index
          %get3A_2219 = tpu.vector_load %arg21[%get3A_2217, %get3A_2218] {strides = array<i32>} : memref<16x64xf32, #tpu.memory_space<vmem>>, vector<16xf32>,
          %mul3A_2220 = arith.mulf %get3A_2219, %get3A_1061 : vector<16xf32>
          %add3A_2221 = arith.addf %add3A_2215, %mul3A_2220 : vector<16xf32>
          %get3A_2222 = arith.constant 9 : i32
          %get3A_2223 = arith.index_cast %get3A_2222 : i32 to index
          %get3A_2224 = arith.constant 48 : index
          %get3A_2225 = tpu.vector_load %arg21[%get3A_2223, %get3A_2224] {strides = array<i32>} : memref<16x64xf32, #tpu.memory_space<vmem>>, vector<16xf32>,
          %mul3A_2226 = arith.mulf %get3A_2225, %get3A_1067 : vector<16xf32>
          %add3A_2227 = arith.addf %add3A_2221, %mul3A_2226 : vector<16xf32>
          %mul3A_2228 = arith.constant 17 : i32
          %mul3A_2229 = vector.broadcast %mul3A_2228 : i32 to vector<16xi32>
          %mul3A_2230 = arith.muli %iota3A, %mul3A_2229 : vector<16xi32>
          %add3A_2231 = arith.constant 9 : i32
          %add3A_2232 = vector.broadcast %add3A_2231 : i32 to vector<16xi32>
          %add3A_2233 = arith.addi %mul3A_2230, %add3A_2232 : vector<16xi32>
          %scatter3A_2234 = arith.constant 1 : i32
          %scatter3A_2235 = arith.constant 0 : i32
          %scatter3A_2236 = tpu.memref_slice %arg15[%scatter3A_2234, %scatter3A_2235] : memref<2x272xf32, #tpu.memory_space<vmem>> -> memref<1x272xf32, #tpu.memory_space<vmem>>
          %scatter3A_2237 = tpu.memref_squeeze %scatter3A_2236 : memref<1x272xf32, #tpu.memory_space<vmem>> -> memref<272xf32, #tpu.memory_space<vmem>>
          tpu.vector_store_idx %scatter3A_2237[%add3A_2233], %add3A_2227 : memref<272xf32, #tpu.memory_space<vmem>>[vector<16xi32>], vector<16xf32>,
          %get3A_2238 = arith.constant 10 : i32
          %get3A_2239 = arith.index_cast %get3A_2238 : i32 to index
          %get3A_2240 = arith.constant 0 : index
          %get3A_2241 = tpu.vector_load %arg21[%get3A_2239, %get3A_2240] {strides = array<i32>} : memref<16x64xf32, #tpu.memory_space<vmem>>, vector<16xf32>,
          %mul3A_2242 = arith.mulf %get3A_2241, %get3A_1049 : vector<16xf32>
          %get3A_2243 = arith.constant 10 : i32
          %get3A_2244 = arith.index_cast %get3A_2243 : i32 to index
          %get3A_2245 = arith.constant 16 : index
          %get3A_2246 = tpu.vector_load %arg21[%get3A_2244, %get3A_2245] {strides = array<i32>} : memref<16x64xf32, #tpu.memory_space<vmem>>, vector<16xf32>,
          %mul3A_2247 = arith.mulf %get3A_2246, %get3A_1055 : vector<16xf32>
          %add3A_2248 = arith.addf %mul3A_2242, %mul3A_2247 : vector<16xf32>
          %get3A_2249 = arith.constant 10 : i32
          %get3A_2250 = arith.index_cast %get3A_2249 : i32 to index
          %get3A_2251 = arith.constant 32 : index
          %get3A_2252 = tpu.vector_load %arg21[%get3A_2250, %get3A_2251] {strides = array<i32>} : memref<16x64xf32, #tpu.memory_space<vmem>>, vector<16xf32>,
          %mul3A_2253 = arith.mulf %get3A_2252, %get3A_1061 : vector<16xf32>
          %add3A_2254 = arith.addf %add3A_2248, %mul3A_2253 : vector<16xf32>
          %get3A_2255 = arith.constant 10 : i32
          %get3A_2256 = arith.index_cast %get3A_2255 : i32 to index
          %get3A_2257 = arith.constant 48 : index
          %get3A_2258 = tpu.vector_load %arg21[%get3A_2256, %get3A_2257] {strides = array<i32>} : memref<16x64xf32, #tpu.memory_space<vmem>>, vector<16xf32>,
          %mul3A_2259 = arith.mulf %get3A_2258, %get3A_1067 : vector<16xf32>
          %add3A_2260 = arith.addf %add3A_2254, %mul3A_2259 : vector<16xf32>
          %mul3A_2261 = arith.constant 17 : i32
          %mul3A_2262 = vector.broadcast %mul3A_2261 : i32 to vector<16xi32>
          %mul3A_2263 = arith.muli %iota3A, %mul3A_2262 : vector<16xi32>
          %add3A_2264 = arith.constant 10 : i32
          %add3A_2265 = vector.broadcast %add3A_2264 : i32 to vector<16xi32>
          %add3A_2266 = arith.addi %mul3A_2263, %add3A_2265 : vector<16xi32>
          %scatter3A_2267 = arith.constant 1 : i32
          %scatter3A_2268 = arith.constant 0 : i32
          %scatter3A_2269 = tpu.memref_slice %arg15[%scatter3A_2267, %scatter3A_2268] : memref<2x272xf32, #tpu.memory_space<vmem>> -> memref<1x272xf32, #tpu.memory_space<vmem>>
          %scatter3A_2270 = tpu.memref_squeeze %scatter3A_2269 : memref<1x272xf32, #tpu.memory_space<vmem>> -> memref<272xf32, #tpu.memory_space<vmem>>
          tpu.vector_store_idx %scatter3A_2270[%add3A_2266], %add3A_2260 : memref<272xf32, #tpu.memory_space<vmem>>[vector<16xi32>], vector<16xf32>,
          %get3A_2271 = arith.constant 11 : i32
          %get3A_2272 = arith.index_cast %get3A_2271 : i32 to index
          %get3A_2273 = arith.constant 0 : index
          %get3A_2274 = tpu.vector_load %arg21[%get3A_2272, %get3A_2273] {strides = array<i32>} : memref<16x64xf32, #tpu.memory_space<vmem>>, vector<16xf32>,
          %mul3A_2275 = arith.mulf %get3A_2274, %get3A_1049 : vector<16xf32>
          %get3A_2276 = arith.constant 11 : i32
          %get3A_2277 = arith.index_cast %get3A_2276 : i32 to index
          %get3A_2278 = arith.constant 16 : index
          %get3A_2279 = tpu.vector_load %arg21[%get3A_2277, %get3A_2278] {strides = array<i32>} : memref<16x64xf32, #tpu.memory_space<vmem>>, vector<16xf32>,
          %mul3A_2280 = arith.mulf %get3A_2279, %get3A_1055 : vector<16xf32>
          %add3A_2281 = arith.addf %mul3A_2275, %mul3A_2280 : vector<16xf32>
          %get3A_2282 = arith.constant 11 : i32
          %get3A_2283 = arith.index_cast %get3A_2282 : i32 to index
          %get3A_2284 = arith.constant 32 : index
          %get3A_2285 = tpu.vector_load %arg21[%get3A_2283, %get3A_2284] {strides = array<i32>} : memref<16x64xf32, #tpu.memory_space<vmem>>, vector<16xf32>,
          %mul3A_2286 = arith.mulf %get3A_2285, %get3A_1061 : vector<16xf32>
          %add3A_2287 = arith.addf %add3A_2281, %mul3A_2286 : vector<16xf32>
          %get3A_2288 = arith.constant 11 : i32
          %get3A_2289 = arith.index_cast %get3A_2288 : i32 to index
          %get3A_2290 = arith.constant 48 : index
          %get3A_2291 = tpu.vector_load %arg21[%get3A_2289, %get3A_2290] {strides = array<i32>} : memref<16x64xf32, #tpu.memory_space<vmem>>, vector<16xf32>,
          %mul3A_2292 = arith.mulf %get3A_2291, %get3A_1067 : vector<16xf32>
          %add3A_2293 = arith.addf %add3A_2287, %mul3A_2292 : vector<16xf32>
          %mul3A_2294 = arith.constant 17 : i32
          %mul3A_2295 = vector.broadcast %mul3A_2294 : i32 to vector<16xi32>
          %mul3A_2296 = arith.muli %iota3A, %mul3A_2295 : vector<16xi32>
          %add3A_2297 = arith.constant 11 : i32
          %add3A_2298 = vector.broadcast %add3A_2297 : i32 to vector<16xi32>
          %add3A_2299 = arith.addi %mul3A_2296, %add3A_2298 : vector<16xi32>
          %scatter3A_2300 = arith.constant 1 : i32
          %scatter3A_2301 = arith.constant 0 : i32
          %scatter3A_2302 = tpu.memref_slice %arg15[%scatter3A_2300, %scatter3A_2301] : memref<2x272xf32, #tpu.memory_space<vmem>> -> memref<1x272xf32, #tpu.memory_space<vmem>>
          %scatter3A_2303 = tpu.memref_squeeze %scatter3A_2302 : memref<1x272xf32, #tpu.memory_space<vmem>> -> memref<272xf32, #tpu.memory_space<vmem>>
          tpu.vector_store_idx %scatter3A_2303[%add3A_2299], %add3A_2293 : memref<272xf32, #tpu.memory_space<vmem>>[vector<16xi32>], vector<16xf32>,
          %get3A_2304 = arith.constant 12 : i32
          %get3A_2305 = arith.index_cast %get3A_2304 : i32 to index
          %get3A_2306 = arith.constant 0 : index
          %get3A_2307 = tpu.vector_load %arg21[%get3A_2305, %get3A_2306] {strides = array<i32>} : memref<16x64xf32, #tpu.memory_space<vmem>>, vector<16xf32>,
          %mul3A_2308 = arith.mulf %get3A_2307, %get3A_1049 : vector<16xf32>
          %get3A_2309 = arith.constant 12 : i32
          %get3A_2310 = arith.index_cast %get3A_2309 : i32 to index
          %get3A_2311 = arith.constant 16 : index
          %get3A_2312 = tpu.vector_load %arg21[%get3A_2310, %get3A_2311] {strides = array<i32>} : memref<16x64xf32, #tpu.memory_space<vmem>>, vector<16xf32>,
          %mul3A_2313 = arith.mulf %get3A_2312, %get3A_1055 : vector<16xf32>
          %add3A_2314 = arith.addf %mul3A_2308, %mul3A_2313 : vector<16xf32>
          %get3A_2315 = arith.constant 12 : i32
          %get3A_2316 = arith.index_cast %get3A_2315 : i32 to index
          %get3A_2317 = arith.constant 32 : index
          %get3A_2318 = tpu.vector_load %arg21[%get3A_2316, %get3A_2317] {strides = array<i32>} : memref<16x64xf32, #tpu.memory_space<vmem>>, vector<16xf32>,
          %mul3A_2319 = arith.mulf %get3A_2318, %get3A_1061 : vector<16xf32>
          %add3A_2320 = arith.addf %add3A_2314, %mul3A_2319 : vector<16xf32>
          %get3A_2321 = arith.constant 12 : i32
          %get3A_2322 = arith.index_cast %get3A_2321 : i32 to index
          %get3A_2323 = arith.constant 48 : index
          %get3A_2324 = tpu.vector_load %arg21[%get3A_2322, %get3A_2323] {strides = array<i32>} : memref<16x64xf32, #tpu.memory_space<vmem>>, vector<16xf32>,
          %mul3A_2325 = arith.mulf %get3A_2324, %get3A_1067 : vector<16xf32>
          %add3A_2326 = arith.addf %add3A_2320, %mul3A_2325 : vector<16xf32>
          %mul3A_2327 = arith.constant 17 : i32
          %mul3A_2328 = vector.broadcast %mul3A_2327 : i32 to vector<16xi32>
          %mul3A_2329 = arith.muli %iota3A, %mul3A_2328 : vector<16xi32>
          %add3A_2330 = arith.constant 12 : i32
          %add3A_2331 = vector.broadcast %add3A_2330 : i32 to vector<16xi32>
          %add3A_2332 = arith.addi %mul3A_2329, %add3A_2331 : vector<16xi32>
          %scatter3A_2333 = arith.constant 1 : i32
          %scatter3A_2334 = arith.constant 0 : i32
          %scatter3A_2335 = tpu.memref_slice %arg15[%scatter3A_2333, %scatter3A_2334] : memref<2x272xf32, #tpu.memory_space<vmem>> -> memref<1x272xf32, #tpu.memory_space<vmem>>
          %scatter3A_2336 = tpu.memref_squeeze %scatter3A_2335 : memref<1x272xf32, #tpu.memory_space<vmem>> -> memref<272xf32, #tpu.memory_space<vmem>>
          tpu.vector_store_idx %scatter3A_2336[%add3A_2332], %add3A_2326 : memref<272xf32, #tpu.memory_space<vmem>>[vector<16xi32>], vector<16xf32>,
          %get3A_2337 = arith.constant 13 : i32
          %get3A_2338 = arith.index_cast %get3A_2337 : i32 to index
          %get3A_2339 = arith.constant 0 : index
          %get3A_2340 = tpu.vector_load %arg21[%get3A_2338, %get3A_2339] {strides = array<i32>} : memref<16x64xf32, #tpu.memory_space<vmem>>, vector<16xf32>,
          %mul3A_2341 = arith.mulf %get3A_2340, %get3A_1049 : vector<16xf32>
          %get3A_2342 = arith.constant 13 : i32
          %get3A_2343 = arith.index_cast %get3A_2342 : i32 to index
          %get3A_2344 = arith.constant 16 : index
          %get3A_2345 = tpu.vector_load %arg21[%get3A_2343, %get3A_2344] {strides = array<i32>} : memref<16x64xf32, #tpu.memory_space<vmem>>, vector<16xf32>,
          %mul3A_2346 = arith.mulf %get3A_2345, %get3A_1055 : vector<16xf32>
          %add3A_2347 = arith.addf %mul3A_2341, %mul3A_2346 : vector<16xf32>
          %get3A_2348 = arith.constant 13 : i32
          %get3A_2349 = arith.index_cast %get3A_2348 : i32 to index
          %get3A_2350 = arith.constant 32 : index
          %get3A_2351 = tpu.vector_load %arg21[%get3A_2349, %get3A_2350] {strides = array<i32>} : memref<16x64xf32, #tpu.memory_space<vmem>>, vector<16xf32>,
          %mul3A_2352 = arith.mulf %get3A_2351, %get3A_1061 : vector<16xf32>
          %add3A_2353 = arith.addf %add3A_2347, %mul3A_2352 : vector<16xf32>
          %get3A_2354 = arith.constant 13 : i32
          %get3A_2355 = arith.index_cast %get3A_2354 : i32 to index
          %get3A_2356 = arith.constant 48 : index
          %get3A_2357 = tpu.vector_load %arg21[%get3A_2355, %get3A_2356] {strides = array<i32>} : memref<16x64xf32, #tpu.memory_space<vmem>>, vector<16xf32>,
          %mul3A_2358 = arith.mulf %get3A_2357, %get3A_1067 : vector<16xf32>
          %add3A_2359 = arith.addf %add3A_2353, %mul3A_2358 : vector<16xf32>
          %mul3A_2360 = arith.constant 17 : i32
          %mul3A_2361 = vector.broadcast %mul3A_2360 : i32 to vector<16xi32>
          %mul3A_2362 = arith.muli %iota3A, %mul3A_2361 : vector<16xi32>
          %add3A_2363 = arith.constant 13 : i32
          %add3A_2364 = vector.broadcast %add3A_2363 : i32 to vector<16xi32>
          %add3A_2365 = arith.addi %mul3A_2362, %add3A_2364 : vector<16xi32>
          %scatter3A_2366 = arith.constant 1 : i32
          %scatter3A_2367 = arith.constant 0 : i32
          %scatter3A_2368 = tpu.memref_slice %arg15[%scatter3A_2366, %scatter3A_2367] : memref<2x272xf32, #tpu.memory_space<vmem>> -> memref<1x272xf32, #tpu.memory_space<vmem>>
          %scatter3A_2369 = tpu.memref_squeeze %scatter3A_2368 : memref<1x272xf32, #tpu.memory_space<vmem>> -> memref<272xf32, #tpu.memory_space<vmem>>
          tpu.vector_store_idx %scatter3A_2369[%add3A_2365], %add3A_2359 : memref<272xf32, #tpu.memory_space<vmem>>[vector<16xi32>], vector<16xf32>,
          %get3A_2370 = arith.constant 14 : i32
          %get3A_2371 = arith.index_cast %get3A_2370 : i32 to index
          %get3A_2372 = arith.constant 0 : index
          %get3A_2373 = tpu.vector_load %arg21[%get3A_2371, %get3A_2372] {strides = array<i32>} : memref<16x64xf32, #tpu.memory_space<vmem>>, vector<16xf32>,
          %mul3A_2374 = arith.mulf %get3A_2373, %get3A_1049 : vector<16xf32>
          %get3A_2375 = arith.constant 14 : i32
          %get3A_2376 = arith.index_cast %get3A_2375 : i32 to index
          %get3A_2377 = arith.constant 16 : index
          %get3A_2378 = tpu.vector_load %arg21[%get3A_2376, %get3A_2377] {strides = array<i32>} : memref<16x64xf32, #tpu.memory_space<vmem>>, vector<16xf32>,
          %mul3A_2379 = arith.mulf %get3A_2378, %get3A_1055 : vector<16xf32>
          %add3A_2380 = arith.addf %mul3A_2374, %mul3A_2379 : vector<16xf32>
          %get3A_2381 = arith.constant 14 : i32
          %get3A_2382 = arith.index_cast %get3A_2381 : i32 to index
          %get3A_2383 = arith.constant 32 : index
          %get3A_2384 = tpu.vector_load %arg21[%get3A_2382, %get3A_2383] {strides = array<i32>} : memref<16x64xf32, #tpu.memory_space<vmem>>, vector<16xf32>,
          %mul3A_2385 = arith.mulf %get3A_2384, %get3A_1061 : vector<16xf32>
          %add3A_2386 = arith.addf %add3A_2380, %mul3A_2385 : vector<16xf32>
          %get3A_2387 = arith.constant 14 : i32
          %get3A_2388 = arith.index_cast %get3A_2387 : i32 to index
          %get3A_2389 = arith.constant 48 : index
          %get3A_2390 = tpu.vector_load %arg21[%get3A_2388, %get3A_2389] {strides = array<i32>} : memref<16x64xf32, #tpu.memory_space<vmem>>, vector<16xf32>,
          %mul3A_2391 = arith.mulf %get3A_2390, %get3A_1067 : vector<16xf32>
          %add3A_2392 = arith.addf %add3A_2386, %mul3A_2391 : vector<16xf32>
          %mul3A_2393 = arith.constant 17 : i32
          %mul3A_2394 = vector.broadcast %mul3A_2393 : i32 to vector<16xi32>
          %mul3A_2395 = arith.muli %iota3A, %mul3A_2394 : vector<16xi32>
          %add3A_2396 = arith.constant 14 : i32
          %add3A_2397 = vector.broadcast %add3A_2396 : i32 to vector<16xi32>
          %add3A_2398 = arith.addi %mul3A_2395, %add3A_2397 : vector<16xi32>
          %scatter3A_2399 = arith.constant 1 : i32
          %scatter3A_2400 = arith.constant 0 : i32
          %scatter3A_2401 = tpu.memref_slice %arg15[%scatter3A_2399, %scatter3A_2400] : memref<2x272xf32, #tpu.memory_space<vmem>> -> memref<1x272xf32, #tpu.memory_space<vmem>>
          %scatter3A_2402 = tpu.memref_squeeze %scatter3A_2401 : memref<1x272xf32, #tpu.memory_space<vmem>> -> memref<272xf32, #tpu.memory_space<vmem>>
          tpu.vector_store_idx %scatter3A_2402[%add3A_2398], %add3A_2392 : memref<272xf32, #tpu.memory_space<vmem>>[vector<16xi32>], vector<16xf32>,
          %get3A_2403 = arith.constant 15 : i32
          %get3A_2404 = arith.index_cast %get3A_2403 : i32 to index
          %get3A_2405 = arith.constant 0 : index
          %get3A_2406 = tpu.vector_load %arg21[%get3A_2404, %get3A_2405] {strides = array<i32>} : memref<16x64xf32, #tpu.memory_space<vmem>>, vector<16xf32>,
          %mul3A_2407 = arith.mulf %get3A_2406, %get3A_1049 : vector<16xf32>
          %get3A_2408 = arith.constant 15 : i32
          %get3A_2409 = arith.index_cast %get3A_2408 : i32 to index
          %get3A_2410 = arith.constant 16 : index
          %get3A_2411 = tpu.vector_load %arg21[%get3A_2409, %get3A_2410] {strides = array<i32>} : memref<16x64xf32, #tpu.memory_space<vmem>>, vector<16xf32>,
          %mul3A_2412 = arith.mulf %get3A_2411, %get3A_1055 : vector<16xf32>
          %add3A_2413 = arith.addf %mul3A_2407, %mul3A_2412 : vector<16xf32>
          %get3A_2414 = arith.constant 15 : i32
          %get3A_2415 = arith.index_cast %get3A_2414 : i32 to index
          %get3A_2416 = arith.constant 32 : index
          %get3A_2417 = tpu.vector_load %arg21[%get3A_2415, %get3A_2416] {strides = array<i32>} : memref<16x64xf32, #tpu.memory_space<vmem>>, vector<16xf32>,
          %mul3A_2418 = arith.mulf %get3A_2417, %get3A_1061 : vector<16xf32>
          %add3A_2419 = arith.addf %add3A_2413, %mul3A_2418 : vector<16xf32>
          %get3A_2420 = arith.constant 15 : i32
          %get3A_2421 = arith.index_cast %get3A_2420 : i32 to index
          %get3A_2422 = arith.constant 48 : index
          %get3A_2423 = tpu.vector_load %arg21[%get3A_2421, %get3A_2422] {strides = array<i32>} : memref<16x64xf32, #tpu.memory_space<vmem>>, vector<16xf32>,
          %mul3A_2424 = arith.mulf %get3A_2423, %get3A_1067 : vector<16xf32>
          %add3A_2425 = arith.addf %add3A_2419, %mul3A_2424 : vector<16xf32>
          %mul3A_2426 = arith.constant 17 : i32
          %mul3A_2427 = vector.broadcast %mul3A_2426 : i32 to vector<16xi32>
          %mul3A_2428 = arith.muli %iota3A, %mul3A_2427 : vector<16xi32>
          %add3A_2429 = arith.constant 15 : i32
          %add3A_2430 = vector.broadcast %add3A_2429 : i32 to vector<16xi32>
          %add3A_2431 = arith.addi %mul3A_2428, %add3A_2430 : vector<16xi32>
          %scatter3A_2432 = arith.constant 1 : i32
          %scatter3A_2433 = arith.constant 0 : i32
          %scatter3A_2434 = tpu.memref_slice %arg15[%scatter3A_2432, %scatter3A_2433] : memref<2x272xf32, #tpu.memory_space<vmem>> -> memref<1x272xf32, #tpu.memory_space<vmem>>
          %scatter3A_2435 = tpu.memref_squeeze %scatter3A_2434 : memref<1x272xf32, #tpu.memory_space<vmem>> -> memref<272xf32, #tpu.memory_space<vmem>>
          tpu.vector_store_idx %scatter3A_2435[%add3A_2431], %add3A_2425 : memref<272xf32, #tpu.memory_space<vmem>>[vector<16xi32>], vector<16xf32>,
          %get3A_2436 = arith.constant 1 : i32
          %get3A_2437 = arith.index_cast %get3A_2436 : i32 to index
          %get3A_2438 = arith.constant 0 : index
          %get3A_2439 = tpu.vector_load %arg15[%get3A_2437, %get3A_2438] {strides = array<i32>} : memref<2x272xf32, #tpu.memory_space<vmem>>, vector<16xf32>,
          %get3A_2440 = arith.constant 1 : i32
          %get3A_2441 = arith.index_cast %get3A_2440 : i32 to index
          %get3A_2442 = arith.constant 17 : index
          %get3A_2443 = tpu.vector_load %arg15[%get3A_2441, %get3A_2442] {strides = array<i32>} : memref<2x272xf32, #tpu.memory_space<vmem>>, vector<16xf32>,
          %add3A_2444 = arith.addf %get3A_2439, %get3A_2443 : vector<16xf32>
          %get3A_2445 = arith.constant 1 : i32
          %get3A_2446 = arith.index_cast %get3A_2445 : i32 to index
          %get3A_2447 = arith.constant 34 : index
          %get3A_2448 = tpu.vector_load %arg15[%get3A_2446, %get3A_2447] {strides = array<i32>} : memref<2x272xf32, #tpu.memory_space<vmem>>, vector<16xf32>,
          %add3A_2449 = arith.addf %add3A_2444, %get3A_2448 : vector<16xf32>
          %get3A_2450 = arith.constant 1 : i32
          %get3A_2451 = arith.index_cast %get3A_2450 : i32 to index
          %get3A_2452 = arith.constant 51 : index
          %get3A_2453 = tpu.vector_load %arg15[%get3A_2451, %get3A_2452] {strides = array<i32>} : memref<2x272xf32, #tpu.memory_space<vmem>>, vector<16xf32>,
          %add3A_2454 = arith.addf %add3A_2449, %get3A_2453 : vector<16xf32>
          %get3A_2455 = arith.constant 1 : i32
          %get3A_2456 = arith.index_cast %get3A_2455 : i32 to index
          %get3A_2457 = arith.constant 68 : index
          %get3A_2458 = tpu.vector_load %arg15[%get3A_2456, %get3A_2457] {strides = array<i32>} : memref<2x272xf32, #tpu.memory_space<vmem>>, vector<16xf32>,
          %add3A_2459 = arith.addf %add3A_2454, %get3A_2458 : vector<16xf32>
          %get3A_2460 = arith.constant 1 : i32
          %get3A_2461 = arith.index_cast %get3A_2460 : i32 to index
          %get3A_2462 = arith.constant 85 : index
          %get3A_2463 = tpu.vector_load %arg15[%get3A_2461, %get3A_2462] {strides = array<i32>} : memref<2x272xf32, #tpu.memory_space<vmem>>, vector<16xf32>,
          %add3A_2464 = arith.addf %add3A_2459, %get3A_2463 : vector<16xf32>
          %get3A_2465 = arith.constant 1 : i32
          %get3A_2466 = arith.index_cast %get3A_2465 : i32 to index
          %get3A_2467 = arith.constant 102 : index
          %get3A_2468 = tpu.vector_load %arg15[%get3A_2466, %get3A_2467] {strides = array<i32>} : memref<2x272xf32, #tpu.memory_space<vmem>>, vector<16xf32>,
          %add3A_2469 = arith.addf %add3A_2464, %get3A_2468 : vector<16xf32>
          %get3A_2470 = arith.constant 1 : i32
          %get3A_2471 = arith.index_cast %get3A_2470 : i32 to index
          %get3A_2472 = arith.constant 119 : index
          %get3A_2473 = tpu.vector_load %arg15[%get3A_2471, %get3A_2472] {strides = array<i32>} : memref<2x272xf32, #tpu.memory_space<vmem>>, vector<16xf32>,
          %add3A_2474 = arith.addf %add3A_2469, %get3A_2473 : vector<16xf32>
          %get3A_2475 = arith.constant 1 : i32
          %get3A_2476 = arith.index_cast %get3A_2475 : i32 to index
          %get3A_2477 = arith.constant 136 : index
          %get3A_2478 = tpu.vector_load %arg15[%get3A_2476, %get3A_2477] {strides = array<i32>} : memref<2x272xf32, #tpu.memory_space<vmem>>, vector<16xf32>,
          %add3A_2479 = arith.addf %add3A_2474, %get3A_2478 : vector<16xf32>
          %get3A_2480 = arith.constant 1 : i32
          %get3A_2481 = arith.index_cast %get3A_2480 : i32 to index
          %get3A_2482 = arith.constant 153 : index
          %get3A_2483 = tpu.vector_load %arg15[%get3A_2481, %get3A_2482] {strides = array<i32>} : memref<2x272xf32, #tpu.memory_space<vmem>>, vector<16xf32>,
          %add3A_2484 = arith.addf %add3A_2479, %get3A_2483 : vector<16xf32>
          %get3A_2485 = arith.constant 1 : i32
          %get3A_2486 = arith.index_cast %get3A_2485 : i32 to index
          %get3A_2487 = arith.constant 170 : index
          %get3A_2488 = tpu.vector_load %arg15[%get3A_2486, %get3A_2487] {strides = array<i32>} : memref<2x272xf32, #tpu.memory_space<vmem>>, vector<16xf32>,
          %add3A_2489 = arith.addf %add3A_2484, %get3A_2488 : vector<16xf32>
          %get3A_2490 = arith.constant 1 : i32
          %get3A_2491 = arith.index_cast %get3A_2490 : i32 to index
          %get3A_2492 = arith.constant 187 : index
          %get3A_2493 = tpu.vector_load %arg15[%get3A_2491, %get3A_2492] {strides = array<i32>} : memref<2x272xf32, #tpu.memory_space<vmem>>, vector<16xf32>,
          %add3A_2494 = arith.addf %add3A_2489, %get3A_2493 : vector<16xf32>
          %get3A_2495 = arith.constant 1 : i32
          %get3A_2496 = arith.index_cast %get3A_2495 : i32 to index
          %get3A_2497 = arith.constant 204 : index
          %get3A_2498 = tpu.vector_load %arg15[%get3A_2496, %get3A_2497] {strides = array<i32>} : memref<2x272xf32, #tpu.memory_space<vmem>>, vector<16xf32>,
          %add3A_2499 = arith.addf %add3A_2494, %get3A_2498 : vector<16xf32>
          %get3A_2500 = arith.constant 1 : i32
          %get3A_2501 = arith.index_cast %get3A_2500 : i32 to index
          %get3A_2502 = arith.constant 221 : index
          %get3A_2503 = tpu.vector_load %arg15[%get3A_2501, %get3A_2502] {strides = array<i32>} : memref<2x272xf32, #tpu.memory_space<vmem>>, vector<16xf32>,
          %add3A_2504 = arith.addf %add3A_2499, %get3A_2503 : vector<16xf32>
          %get3A_2505 = arith.constant 1 : i32
          %get3A_2506 = arith.index_cast %get3A_2505 : i32 to index
          %get3A_2507 = arith.constant 238 : index
          %get3A_2508 = tpu.vector_load %arg15[%get3A_2506, %get3A_2507] {strides = array<i32>} : memref<2x272xf32, #tpu.memory_space<vmem>>, vector<16xf32>,
          %add3A_2509 = arith.addf %add3A_2504, %get3A_2508 : vector<16xf32>
          %get3A_2510 = arith.constant 1 : i32
          %get3A_2511 = arith.index_cast %get3A_2510 : i32 to index
          %get3A_2512 = arith.constant 255 : index
          %get3A_2513 = tpu.vector_load %arg15[%get3A_2511, %get3A_2512] {strides = array<i32>} : memref<2x272xf32, #tpu.memory_space<vmem>>, vector<16xf32>,
          %add3A_2514 = arith.addf %add3A_2509, %get3A_2513 : vector<16xf32>
          %select_n3A_2515 = arith.select %and3A_1894, %add3A_2514, %add3A_1866 : vector<16xi1>, vector<16xf32>
          %swap3A_2516 = arith.index_cast %rem3A_79 : i32 to index
          %swap3A_2517 = arith.index_cast %mul3A_1043 : i32 to index
          %swap3A_2518 = tpu.vector_load %arg22[%swap3A_2516, %swap3A_2517] {strides = array<i32>} : memref<2x128xf32, #tpu.memory_space<vmem>>, vector<16xf32>,
          tpu.vector_store %arg22[%swap3A_2516, %swap3A_2517], %select_n3A_2515 {strides = array<i32>} : memref<2x128xf32, #tpu.memory_space<vmem>>, vector<16xf32>,
        } else {
        }
      }
      %scan3A_122 = arith.constant 4 : i32
      %dma_start3A_123 = arith.constant 0 : i32
      %dma_start3A_124 = tpu.memref_slice %arg22[%rem3A_79, %dma_start3A_123] : memref<2x128xf32, #tpu.memory_space<vmem>> -> memref<1x128xf32, #tpu.memory_space<vmem>>
      %dma_start3A_125 = tpu.memref_squeeze %dma_start3A_124 : memref<1x128xf32, #tpu.memory_space<vmem>> -> memref<128xf32, #tpu.memory_space<vmem>>
      %dma_start3A_126 = tpu.memref_slice %arg7[%mul3A_86] : memref<262144xf32, #tpu.memory_space<hbm>> -> memref<128xf32, #tpu.memory_space<hbm>>
      %dma_start3A_127 = tpu.memref_slice %arg25[%rem3A_79] : memref<2x!tpu.dma_semaphore, #tpu.memory_space<semaphore_mem>> -> memref<1x!tpu.dma_semaphore, #tpu.memory_space<semaphore_mem>>
      %dma_start3A_128 = tpu.memref_squeeze %dma_start3A_127 : memref<1x!tpu.dma_semaphore, #tpu.memory_space<semaphore_mem>> -> memref<!tpu.dma_semaphore, #tpu.memory_space<semaphore_mem>>
      %dma_start3A_129 = tpu.memref_slice %arg7[%mul3A_86] : memref<262144xf32, #tpu.memory_space<hbm>> -> memref<128xf32, #tpu.memory_space<hbm>>
      %dma_start3A_130 = arith.constant 0 : i32
      %dma_start3A_131 = tpu.memref_slice %arg22[%rem3A_79, %dma_start3A_130] : memref<2x128xf32, #tpu.memory_space<vmem>> -> memref<1x128xf32, #tpu.memory_space<vmem>>
      %dma_start3A_132 = tpu.memref_squeeze %dma_start3A_131 : memref<1x128xf32, #tpu.memory_space<vmem>> -> memref<128xf32, #tpu.memory_space<vmem>>
      tpu.enqueue_dma source(%dma_start3A_132 : memref<128xf32, #tpu.memory_space<vmem>>) target(%dma_start3A_129 : memref<128xf32, #tpu.memory_space<hbm>>) target_semaphore(%dma_start3A_128 : memref<!tpu.dma_semaphore, #tpu.memory_space<semaphore_mem>>)
    }
    %scan3A_41 = arith.constant 64 : i32
    %mul3A_42 = arith.constant 128 : i32
    %mul3A_43 = arith.muli %add3A, %mul3A_42 : i32
    %add3A_44 = arith.constant 124 : i32
    %add3A_45 = arith.addi %mul3A_43, %add3A_44 : i32
    %mul3A_46 = arith.constant 64 : i32
    %mul3A_47 = arith.muli %add3A_45, %mul3A_46 : i32
    %dma_wait3A = arith.constant 0 : i32
    %dma_wait3A_48 = arith.constant 0 : i32
    %dma_wait3A_49 = arith.constant 0 : i32
    %dma_wait3A_50 = tpu.memref_slice %arg22[%dma_wait3A, %dma_wait3A_49] : memref<2x128xf32, #tpu.memory_space<vmem>> -> memref<1x128xf32, #tpu.memory_space<vmem>>
    %dma_wait3A_51 = tpu.memref_squeeze %dma_wait3A_50 : memref<1x128xf32, #tpu.memory_space<vmem>> -> memref<128xf32, #tpu.memory_space<vmem>>
    %dma_wait3A_52 = tpu.memref_slice %arg7[%mul3A_47] : memref<262144xf32, #tpu.memory_space<hbm>> -> memref<128xf32, #tpu.memory_space<hbm>>
    %dma_wait3A_53 = tpu.memref_slice %arg25[%dma_wait3A_48] : memref<2x!tpu.dma_semaphore, #tpu.memory_space<semaphore_mem>> -> memref<1x!tpu.dma_semaphore, #tpu.memory_space<semaphore_mem>>
    %dma_wait3A_54 = tpu.memref_squeeze %dma_wait3A_53 : memref<1x!tpu.dma_semaphore, #tpu.memory_space<semaphore_mem>> -> memref<!tpu.dma_semaphore, #tpu.memory_space<semaphore_mem>>
    %dma_wait3A_55 = tpu.memref_slice %arg7[%mul3A_47] : memref<262144xf32, #tpu.memory_space<hbm>> -> memref<128xf32, #tpu.memory_space<hbm>>
    %dma_wait3A_56 = arith.constant 0 : i32
    %dma_wait3A_57 = tpu.memref_slice %arg22[%dma_wait3A, %dma_wait3A_56] : memref<2x128xf32, #tpu.memory_space<vmem>> -> memref<1x128xf32, #tpu.memory_space<vmem>>
    %dma_wait3A_58 = tpu.memref_squeeze %dma_wait3A_57 : memref<1x128xf32, #tpu.memory_space<vmem>> -> memref<128xf32, #tpu.memory_space<vmem>>
    tpu.wait_dma2 semaphore(%dma_wait3A_54 : memref<!tpu.dma_semaphore, #tpu.memory_space<semaphore_mem>>) src(%dma_wait3A_58 : memref<128xf32, #tpu.memory_space<vmem>>) dst(%dma_wait3A_55 : memref<128xf32, #tpu.memory_space<hbm>>)
    %mul3A_59 = arith.constant 128 : i32
    %mul3A_60 = arith.muli %add3A, %mul3A_59 : i32
    %add3A_61 = arith.constant 126 : i32
    %add3A_62 = arith.addi %mul3A_60, %add3A_61 : i32
    %mul3A_63 = arith.constant 64 : i32
    %mul3A_64 = arith.muli %add3A_62, %mul3A_63 : i32
    %dma_wait3A_65 = arith.constant 1 : i32
    %dma_wait3A_66 = arith.constant 1 : i32
    %dma_wait3A_67 = arith.constant 0 : i32
    %dma_wait3A_68 = tpu.memref_slice %arg22[%dma_wait3A_65, %dma_wait3A_67] : memref<2x128xf32, #tpu.memory_space<vmem>> -> memref<1x128xf32, #tpu.memory_space<vmem>>
    %dma_wait3A_69 = tpu.memref_squeeze %dma_wait3A_68 : memref<1x128xf32, #tpu.memory_space<vmem>> -> memref<128xf32, #tpu.memory_space<vmem>>
    %dma_wait3A_70 = tpu.memref_slice %arg7[%mul3A_64] : memref<262144xf32, #tpu.memory_space<hbm>> -> memref<128xf32, #tpu.memory_space<hbm>>
    %dma_wait3A_71 = tpu.memref_slice %arg25[%dma_wait3A_66] : memref<2x!tpu.dma_semaphore, #tpu.memory_space<semaphore_mem>> -> memref<1x!tpu.dma_semaphore, #tpu.memory_space<semaphore_mem>>
    %dma_wait3A_72 = tpu.memref_squeeze %dma_wait3A_71 : memref<1x!tpu.dma_semaphore, #tpu.memory_space<semaphore_mem>> -> memref<!tpu.dma_semaphore, #tpu.memory_space<semaphore_mem>>
    %dma_wait3A_73 = tpu.memref_slice %arg7[%mul3A_64] : memref<262144xf32, #tpu.memory_space<hbm>> -> memref<128xf32, #tpu.memory_space<hbm>>
    %dma_wait3A_74 = arith.constant 0 : i32
    %dma_wait3A_75 = tpu.memref_slice %arg22[%dma_wait3A_65, %dma_wait3A_74] : memref<2x128xf32, #tpu.memory_space<vmem>> -> memref<1x128xf32, #tpu.memory_space<vmem>>
    %dma_wait3A_76 = tpu.memref_squeeze %dma_wait3A_75 : memref<1x128xf32, #tpu.memory_space<vmem>> -> memref<128xf32, #tpu.memory_space<vmem>>
    tpu.wait_dma2 semaphore(%dma_wait3A_72 : memref<!tpu.dma_semaphore, #tpu.memory_space<semaphore_mem>>) src(%dma_wait3A_76 : memref<128xf32, #tpu.memory_space<vmem>>) dst(%dma_wait3A_73 : memref<128xf32, #tpu.memory_space<hbm>>)
    return
  }
}

</mosaic_0001>

<sc_bundles>
// kernel: kernel.3.cloned.1.call-start
scs
__scs_entry_jumppad:
0x0: {  	(pc) =	sbr.rel $0x88, $3  }
0x1: {  	(tag) =	ssettag $0x0;
	lr =	simm.s32 $0x1  }
0x2: {  	[smem:$0x3F9C] =	sst lr;
	_ =	strace $0xD0000000  }
0x3: {  	_ = 	snop  }
0x4: {  	_ = 	snop  }
0x5: {  	_ = 	snop  }
0x6: {  	_ = 	snop  }
0x7: {  	_ = 	snop  }
__scs_overlays_trampoline_lowered:
0x8: {  	[smem:$0x3FAB] =	sst s0  }
0x9: {  	[smem:$0x3FAC] =	sst s1  }
0xa: {  	[smem:$0x3FAD] =	sst s2  }
0xb: {  	[smem:$0x3FAE] =	sst s3  }
0xc: {  	[smem:$0x3FAF] =	sst s4  }
0xd: {  	[smem:$0x3FB0] =	sst s5  }
0xe: {  	[smem:$0x3FB1] =	sst s6  }
0xf: {  	[smem:$0x3FB2] =	sst s7  }
0x10: {  	[smem:$0x3FB3] =	sst s8  }
0x11: {  	[smem:$0x3FB4] =	sst s9;
	s0 =	simm.s32 @!p0 $0x0  }
0x12: {  	s1 =	sld [smem:$0x3F9A];
	s0 =	simm.s32 @p0 $0x1  }
0x13: {  	[smem:$0x3FB5] =	sst s0;
	s0 =	simm.s32 @!p1 $0x0  }
0x14: {  	s2 =	sld [smem:$0x3F99];
	s0 =	simm.s32 @p1 $0x1  }
0x15: {  	[smem:$0x3FB6] =	sst s0;
	s0 =	simm.s32 @!p2 $0x0  }
0x16: {  	s3 =	sld [smem:$0x3FDB];
	s0 =	simm.s32 @p2 $0x1  }
0x17: {  	s4 =	simm.s32 $0x1BF5;
	[smem:$0x3FB8] =	sst s0  }
0x18: {  	s0 =	sld [smem:$0x3F9B];
	_ =	swait.ge [sflag:s4], $0x0  }
0x19: {  	s7 =	sld [smem:$0x3F9C]  }
0x1a: {  	s8 =	sadd.s32 $0xFFFFE003, lr  }
0x1b: {  	s9 =	sadd.s32 $0xFFFFFEF7, lr;
	s5 =	simm.s32 $0xFFFFFFFF;
	p2 =	slt.u32 s8, $0xFFFFF086  }
0x1c: {  	p1 =	slt.u32 s9, $0xF7A;
	s5 =	simm.s32 @!p2 $0x0  }
0x1d: {  	s5 =	simm.s32 @p1 $0x1;
	p0 =	seq.s32 s7, s2  }
0x1e: {  	s7 =	smul.u32 @!p0 $0xF7A, s2;
	p2 =	seq.s32 @!p0 s5, $0x0  }
0x1f: {  	s9 =	smul.u32 $0xF7A, s1;
	s8 =	simm.s32 @!p0 $0x1BF5;
	p2 =	por !p2, p0  }
0x20: {  	[sflag:s8] =	ssyncset.s32 @!p0 $0xFFFFF086;
	s6 =	sadd.s32 @!p0 s3, s7;
	s7 =	simm.s32 @!p0 $0x108  }
0x21: {  	s3 =	sadd.s32 s3, s9;
	s6 =	sadd.s32 @!p0 $0x88, s6;
	s7 =	simm.s32 @p2 $0x1082  }
0x22: {  	[simem:s7], [sflag:s8] =	dma.local @!p0 [hbm:s6], $0xF7A  }
0x23: {  	s9 =	sor.u32 $0xD0000000, s2;
	s6 =	simm.s32 $0x108;
	_ =	swait.ge @!p0 [sflag:s8], $0x0  }
0x24: {  	s3 =	sadd.s32 $0x88, s3;
	s6 =	simm.s32 @!p1 $0x1082;
	[sflag:s4] =	ssyncset.s32 $0xFFFFF086  }
0x25: {  	[simem:s6], [sflag:s4] =	dma.local [hbm:s3], $0xF7A  }
0x26: {  	[smem:$0x3F9C] =	sst s1;
	(tag) =	ssettag s2;
	_ =	strace s9  }
0x27: {  	s1 =	sld [smem:$0x3FAC]  }
0x28: {  	s2 =	sld [smem:$0x3FAD]  }
0x29: {  	s4 =	sld [smem:$0x3FAF]  }
0x2a: {  	p0 =	seq.s32 s5, $0x0;
	s5 =	sld [smem:$0x3FB0]  }
0x2b: {  	s6 =	sld [smem:$0x3FB1]  }
0x2c: {  	s7 =	sld [smem:$0x3FB2]  }
0x2d: {  	s3 =	simm.s32 $0x108;
	s8 =	sld [smem:$0x3FB3]  }
0x2e: {  	s3 =	simm.s32 @!p0 $0x1082;
	s9 =	sld [smem:$0x3FB4]  }
0x2f: {  	lr =	sadd.s32 s0, s3;
	s0 =	sld [smem:$0x3FAB]  }
0x30: {  	s3 =	sld [smem:$0x3FAE]  }
0x31: {  	[smem:$0x3FB7] =	sst s10  }
0x32: {  	s10 =	sld [smem:$0x3FB5];
	_ =	sdelay $0x3  }
0x33: {  	p0 =	seq.s32 s10, $0x1;
	s10 =	sld [smem:$0x3FB7];
	_ =	sdelay $0x3  }
0x34: {  	[smem:$0x3FB7] =	sst s10  }
0x35: {  	s10 =	sld [smem:$0x3FB6];
	_ =	sdelay $0x3  }
0x36: {  	p1 =	seq.s32 s10, $0x1;
	s10 =	sld [smem:$0x3FB7];
	_ =	sdelay $0x3  }
0x37: {  	[smem:$0x3FB7] =	sst s10  }
0x38: {  	s10 =	sld [smem:$0x3FB8]  }
0x39: {  	_ = 	snop;
	(pc) =	sbr.ind lr, $3  }
0x3a: {  	_ = 	snop  }
0x3b: {  	_ = 	snop  }
0x3c: {  	p2 =	seq.s32 s10, $0x1;
	s10 =	sld [smem:$0x3FB7]  }
0x3d: {  	_ =	shalt  }
0x3e: {  	_ =	shalt  }
0x3f: {  	_ =	shalt  }
0x40: {  	_ =	shalt  }
0x41: {  	_ =	shalt  }
0x42: {  	_ =	shalt  }
0x43: {  	_ =	shalt  }
0x44: {  	_ =	shalt  }
0x45: {  	_ =	shalt  }
0x46: {  	_ =	shalt  }
0x47: {  	_ =	shalt  }
0x48: {  	_ =	shalt  }
0x49: {  	_ =	shalt  }
0x4a: {  	_ =	shalt  }
0x4b: {  	_ =	shalt  }
0x4c: {  	_ =	shalt  }
0x4d: {  	_ =	shalt  }
0x4e: {  	_ =	shalt  }
0x4f: {  	_ =	shalt  }
0x50: {  	_ =	shalt  }
0x51: {  	_ =	shalt  }
0x52: {  	_ =	shalt  }
0x53: {  	_ =	shalt  }
0x54: {  	_ =	shalt  }
0x55: {  	_ =	shalt  }
0x56: {  	_ =	shalt  }
0x57: {  	_ =	shalt  }
0x58: {  	_ =	shalt  }
0x59: {  	_ =	shalt  }
0x5a: {  	_ =	shalt  }
0x5b: {  	_ =	shalt  }
0x5c: {  	_ =	shalt  }
0x5d: {  	_ =	shalt  }
0x5e: {  	_ =	shalt  }
0x5f: {  	_ =	shalt  }
0x60: {  	_ =	shalt  }
0x61: {  	_ =	shalt  }
0x62: {  	_ =	shalt  }
0x63: {  	_ =	shalt  }
0x64: {  	_ =	shalt  }
0x65: {  	_ =	shalt  }
0x66: {  	_ =	shalt  }
0x67: {  	_ =	shalt  }
0x68: {  	_ =	shalt  }
0x69: {  	_ =	shalt  }
0x6a: {  	_ =	shalt  }
0x6b: {  	_ =	shalt  }
0x6c: {  	_ =	shalt  }
0x6d: {  	_ =	shalt  }
0x6e: {  	_ =	shalt  }
0x6f: {  	_ =	shalt  }
0x70: {  	_ =	shalt  }
0x71: {  	_ =	shalt  }
0x72: {  	_ =	shalt  }
0x73: {  	_ =	shalt  }
0x74: {  	_ =	shalt  }
0x75: {  	_ =	shalt  }
0x76: {  	_ =	shalt  }
0x77: {  	_ =	shalt  }
0x78: {  	_ =	shalt  }
0x79: {  	_ =	shalt  }
0x7a: {  	_ =	shalt  }
0x7b: {  	_ =	shalt  }
0x7c: {  	_ =	shalt  }
0x7d: {  	_ =	shalt  }
0x7e: {  	_ =	shalt  }
0x7f: {  	_ =	shalt  }
0x80: {  	_ =	shalt  }
0x81: {  	_ =	shalt  }
0x82: {  	_ =	shalt  }
0x83: {  	_ =	shalt  }
0x84: {  	_ =	shalt  }
0x85: {  	_ =	shalt  }
0x86: {  	_ =	shalt  }
0x87: {  	_ =	shalt  }
.Lfunc_end0:
.L_simem_size_0:
called_computation_lowered:
.L_overlay_start_0:
0x88: {  	s2 =	sld [smem:$0x3FD9]  }
0x89: {  	s3 =	sld [smem:$0x3FFE];
	_ =	sdelay $0x1  }
0x8a: {  	s1 =	srdreg.scid  }
0x8b: {  	s0 =	sand.u32 $0x1, s1  }
0x8c: {  	s17 =	sshll.u32 s0, $0xA;
	s2 =	sadd.s32 s3, s2  }
0x8d: {  	s2 =	sadd.s32 s2, s17  }
0x8e: {  	[smem:$0x3FC3] =	sst s2  }
0x8f: {  	_ = 	snop  }
0x90: {  	s2 =	sld [smem:$0x3FC8]  }
0x91: {  	s18 =	sld [smem:$0x3FD0];
	(tm) =	ssettm $0x1  }
0x92: {  	s4 =	sld [smem:$0x3FFB];
	_ =	sdelay $0x3  }
0x93: {  	_ =	strace s4  }
0x94: {  	s4 =	sld [smem:$0x3FFC];
	_ =	sdelay $0x3  }
0x95: {  	_ =	strace s4  }
0x96: {  	s4 =	sld [smem:$0x3FFD];
	_ =	sdelay $0x3  }
0x97: {  	_ =	strace s4  }
0x98: {  	_ =	strace $0x8FFFFFFF  }
0x99: {  	s19 =	sld [smem:$0x3FDB];
	_ =	sdelay $0x1  }
0x9a: {  	s5 =	simm.s32 $_scs_section_size  }
0x9b: {  	s6 =	simm.s32 $_size__tile_overlayer_lowered;
	s7 =	simm.s32 $_tile_overlayer_lowered  }
0x9c: {  	s22 =	simm.s32 $0x1BFF;
	s21 =	sshll.u32 s7, $0x1;
	s4 =	sadd.s32 s5, s19  }
0x9d: {  	s8 =	simm.s32 $0x0;
	s20 =	sshll.u32 s6, $0x1;
	s6 =	sadd.s32 s21, s4  }
0x9e: {  	[timem:s8], [sflag:s22] =	dma.local [hbm:s6], s20  }
0x9f: {  	_ =	swait.ge [sflag:s22], s20  }
0xa0: {  	s5 =	ssub.s32 $0x0, s20;
	[sflag:s22] =	ssyncset.done $0x0  }
0xa1: {  	[sflag:s22] =	ssyncadd.s32 s5;
	_ =	sdelay $0x1  }
0xa2: {  	s23 =	simm.s32 $0x1B8B  }
0xa3: {  	_ =	swait.ge [sflag:s23], $0x1  }
0xa4: {  	[sflag:s23] =	ssyncset.done $0x0  }
0xa5: {  	s25 =	simm.s32 $0x1B8E;
	s24 =	sld [smem:$0x3FFE];
	[sflag:s23] =	ssyncadd.s32 $0xFFFFFFFF  }
0xa6: {  	s26 =	simm.s32 $execute0_lowered;
	[smem:$0x3FD2] =	sst s25  }
0xa7: {  	s6 =	sshll.u32 s26, $0x1;
	_ =	strace $0x80000046;
	[dreg:$0x1] =	wrdreg $0xFFFFFFFF  }
0xa8: {  	s28 =	simm.s32 $_size_execute0_lowered;
	s4 =	sadd.s32 s4, s6;
	[dreg:$0x0] =	wrdreg $0x0  }
0xa9: {  	s6 =	sshll.u32 s28, $0x1;
	[dreg:$0x2] =	wrdreg s4  }
0xaa: {  	[dreg:$0x3] =	wrdreg s6  }
0xab: {  	[dreg:$0x4] =	wrdreg $0xC0  }
0xac: {  	_ =	task [dreg:s8], $0x5FFFF  }
0xad: {  	[dreg:$0x1] =	wrdreg $0xFFFFFFFF  }
0xae: {  	[dreg:$0x0] =	wrdreg $0x60  }
0xaf: {  	[dreg:$0x2] =	wrdreg s18  }
0xb0: {  	[dreg:$0x3] =	wrdreg s2  }
0xb1: {  	[dreg:$0x4] =	wrdreg s24  }
0xb2: {  	[dreg:$0x5] =	wrdreg $0xF4280  }
0xb3: {  	[dreg:$0x6] =	wrdreg $0x0  }
0xb4: {  	[dreg:$0x7] =	wrdreg $0x9  }
0xb5: {  	_ =	task.clear_ibuf [dreg:s8], $0x8FFFF;
	_ =	strace $0x90000046  }
0xb6: {  	s29 =	simm.s32 $0x9;
	_ =	strace $0x80000048  }
0xb7: {  	_ =	swait.ge [sflag:s29], $0x1  }
0xb8: {  	[sflag:s29] =	ssyncadd.s32 $0xFFFFFFFF  }
0xb9: {  	_ =	strace $0x90000048  }
0xba: {  	_ =	sfence  }
0xbb: {  	s30 =	sld [smem:$0x0];
	_ =	sdelay $0x2  }
0xbc: {  	s31 =	sshll.u32 s1, $0xD;
	s1 =	sshrl.u32 s1, $0x2  }
0xbd: {  	s3 =	sand.u32 $0x4000, s31;
	s1 =	sadd.s32 s1, s30  }
0xbe: {  	s0 =	sor.u32 s3, s0;
	s1 =	sshll.u32 s1, $0x11  }
0xbf: {  	s0 =	sor.u32 s1, s0  }
0xc0: {  	s0 =	sadd.s32 $0x8F2B, s0  }
0xc1: {  	[sflag:s0] =	ssyncadd.remote.s32 $0x1  }
0xc2: {  	_ =	sfence.sel $0xFFFF  }
0xc3: {  	[dreg:$0x0] =	wrdreg $0xFFFFFFFF;
	(pc) =	sbr.abs _section_cstart, $3  }
0xc4: {  	[dreg:$0x1] =	wrdreg $0xFFFFFFFF  }
0xc5: {  	_ =	task.clear_ibuf [dreg:s8], $0x2FFFF;
	_ =	strace $0x9FFFFFFF  }
0xc6: {  	(tm) =	ssettm $0x7FFFFFFF  }
0xc7: {  	_ =	shalt  }
tec
execute0_lowered:
.L_overlay_start_1:
0x0: {  	(tag) =	ssettag $0x1  }
0x1: {  	s0 =	rddreg [dreg:$0x0]  }
0x2: {  	s1 =	rddreg [dreg:$0x2]  }
0x3: {  	s2 =	rddreg [dreg:$0x3]  }
0x4: {  	s3 =	rddreg [dreg:$0x4];
	s4 =	simm.s32 $0x0  }
0x5: {  	s5 =	srdreg.scid;
	s7 =	stileid.u32;
	s13 =	simm.s32 $0x13428  }
0x6: {  	s14 =	simm.s32 $0x7;
	s16 =	simm.s32 $0x15E68;
	s18 =	simm.s32 $0x15438  }
0x7: {  	v0 =	vlaneseq.u32;
	v17 =	vimm.s32 $0x1;
	s19 =	simm.s32 $0x15C38;
	s20 =	simm.s32 $0x15E58;
	v18 =	vimm.s32 $0x2;
	s21 =	simm.s32 $0x15838  }
0x8: {  	v19 =	vimm.s32 $0x3;
	v20 =	vimm.s32 $0x4;
	v21 =	vimm.s32 $0x5;
	s28 =	simm.s32 $0x1DF68;
	s29 =	simm.s32 $0x15D48;
	s30 =	simm.s32 $0x5  }
0x9: {  	v22 =	vimm.s32 $0x6;
	v23 =	vimm.s32 $0x7;
	v24 =	vimm.s32 $0x8;
	s31 =	simm.s32 $0x6;
	[smem:$0x7FF] =	sst s4;
	s5 =	sand.u32 $0x1, s5  }
0xa: {  	v25 =	vimm.s32 $0x9;
	v26 =	vimm.s32 $0xA;
	v27 =	vimm.s32 $0xB;
	s8 =	sshll.u32 s7, $0xB;
	s9 =	sadd.s32 $0x8800, s1;
	s25 =	sshll.u32 s7, $0xE  }
0xb: {  	v28 =	vimm.s32 $0xC;
	v29 =	vimm.s32 $0xD;
	v1 =	vmul.u32 $0x11, v0;
	p0 =	sne.s32 s7, $0x0;
	_ =	strace $0x80000047;
	s6 =	sshll.u32 s5, $0xA  }
0xc: {  	v30 =	vimm.s32 $0xE;
	v31 =	vimm.s32 $0xF;
	v32 =	vimm.s32 $0x0;
	s5 =	ssub.s32 $0x2, s5;
	[dreg:$0x6] =	wrdreg s9;
	s11 =	sadd.s32 s25, s2  }
.Ltmp0:
0xd: {  	s23 =	sor.u32 s6, s8;
	s10 =	sshrl.u32 s5, $0x1;
	v2 =	vadd.s32 $0x1, v1;
	v3 =	vadd.s32 $0x2, v1;
	v4 =	vadd.s32 $0x3, v1;
	(pc) =	sbr.rel .LBB2_1-.Ltmp0, $4  }
0xe: {  	s6 =	sadd.s32 $0xF42C00, s1;
	v5 =	vadd.s32 $0x4, v1;
	v6 =	vadd.s32 $0x5, v1;
	v7 =	vadd.s32 $0x6, v1;
	s1 =	sadd.s32 s23, s1;
	s9 =	sadd.s32 s0, s23  }
0xf: {  	v8 =	vadd.s32 $0x7, v1;
	v9 =	vadd.s32 $0x8, v1;
	v10 =	vadd.s32 $0x9, v1;
	s5 =	ssub.s32 s5, s10;
	s24 =	sadd.s32 $0x800, s1;
	[dreg:$0x8] =	wrdreg s9  }
0x10: {  	s12 =	sadd.s32 s8, s0;
	v11 =	vadd.s32 $0xA, v1;
	v12 =	vadd.s32 $0xB, v1;
	v13 =	vadd.s32 $0xC, v1;
	s26 =	smax.u32 s5, $0x1;
	[dreg:$0x7] =	wrdreg s24  }
0x11: {  	v14 =	vadd.s32 $0xD, v1;
	v15 =	vadd.s32 $0xE, v1;
	v16 =	vadd.s32 $0xF, v1;
	s0 =	simm.s32 $0x0;
	s9 =	sadd.s32 $0x8A00, s1;
	[dreg:$0x9] =	wrdreg s26  }
.LBB2_15:
0x12: {  	_ =	swait.ge [sflag:s30], $0x80  }
0x13: {  	[sflag:s30] =	ssyncset.done $0x0  }
0x14: {  	[sflag:s30] =	ssyncadd.s32 $0xFFFFFF80  }
0x15: {  	_ =	swait.ge [sflag:s31], $0x80  }
0x16: {  	s0 =	sadd.s32 $0x1, s0;
	s1 =	rddreg [dreg:$0x9]  }
0x17: {  	p1 =	sne.s32 s0, s1  }
.Ltmp1:
0x18: {  	_ = 	snop;
	(pc) =	sbr.rel @!p1 .LBB2_16-.Ltmp1, $3  }
0x19: {  	_ =	sdelay $0x1  }
0x1a: {  	[sflag:s31] =	ssyncset.done $0x0  }
0x1b: {  	[sflag:s31] =	ssyncadd.s32 $0xFFFFFF80  }
.LBB2_1:
0x1c: {  	s1 =	rddreg [dreg:$0x1]  }
0x1d: {  	[tilespmem:s13], [sflag:$0x7] =	stream.linear.gather [hbm4b:s1+s4], $0x1000, $0x38;
	[tilespmem:$0x1E468] =	vst v63  }
0x1e: {  	_ =	swait.ge [sflag:s14], $0x1000  }
0x1f: {  	[sflag:s14] =	ssyncset.done $0x0  }
0x20: {  	s5 =	simm.s32 $0x15428;
	s23 =	rddreg [dreg:$0x6];
	[sflag:s14] =	ssyncadd.s32 $0xFFFFF000  }
0x21: {  	[tilespmem:s5], [sflag:$0x7] =	stream.linear.gather [hbm4b:s23+s4], $0x10, $0x38;
	[tilespmem:$0x1E468] =	vst v63  }
0x22: {  	_ =	swait.ge [sflag:s14], $0x10  }
0x23: {  	[sflag:s14] =	ssyncset.done $0x0  }
0x24: {  	s24 =	rddreg [dreg:$0x7];
	[sflag:s14] =	ssyncadd.s32 $0xFFFFFFF0  }
0x25: {  	[tilespmem:s16], [sflag:$0x7] =	stream.linear.gather [hbm4b:s24+s4], $0x2000, $0x38;
	[tilespmem:$0x1E468] =	vst v63  }
0x26: {  	_ =	swait.ge [sflag:s14], $0x2000  }
0x27: {  	[sflag:s14] =	ssyncset.done $0x0  }
0x28: {  	s26 =	simm.s32 $0x17E68;
	s25 =	rddreg [dreg:$0x8];
	[sflag:s14] =	ssyncadd.s32 $0xFFFFE000  }
0x29: {  	[tilespmem:s26], [sflag:$0x7] =	stream.linear.gather [hbm4b:s25+s4], $0x2000, $0x38;
	[tilespmem:$0x1E468] =	vst v63  }
0x2a: {  	_ =	swait.ge [sflag:s14], $0x2000  }
0x2b: {  	[sflag:s14] =	ssyncset.done $0x0  }
0x2c: {  	s1 =	smov.u32 s11;
	s5 =	simm.s32 $0x0;
	[sflag:s14] =	ssyncadd.s32 $0xFFFFE000  }
.LBB2_2:
0x2d: {  	s7 =	sadd.s32 s5, s12  }
0x2e: {  	[tilespmem:s18], [sflag:$0x7] =	stream.linear.gather [hbm4b:s7+s4], $0x400, $0x38;
	[tilespmem:$0x1E468] =	vst v63  }
0x2f: {  	_ =	swait.ge [sflag:s14], $0x400  }
0x30: {  	[sflag:s14] =	ssyncset.done $0x0  }
0x31: {  	[sflag:s14] =	ssyncadd.s32 $0xFFFFFC00  }
0x32: {  	v33 =	vld [tilespmem:$0x15438]  }
0x33: {  	v34 =	vld [tilespmem:$0x15448];
	_ =	sdelay $0x1  }
0x34: {  	v35 =	vld [tilespmem:$0x15458];
	_ =	sdelay $0x1  }
0x35: {  	v36 =	vld [tilespmem:$0x15468]  }
0x36: {  	v33 =	vmul.f32 v33, v33;
	v34 =	vmul.f32 v34, v34;
	_ =	sdelay $0x1  }
0x37: {  	v39 =	vmul.f32 v35, v35;
	v33 =	vadd.f32 v34, v33;
	_ =	sdelay $0x1  }
0x38: {  	v40 =	vmul.f32 v36, v36;
	v33 =	vadd.f32 v39, v33;
	_ =	sdelay $0x1  }
0x39: {  	v33 =	vadd.f32 v40, v33;
	_ =	sdelay $0x1  }
0x3a: {  	[tilespmem:v1+s19+$0x0] =	vst.idx.msk $0xffff, v33  }
0x3b: {  	v33 =	vld [tilespmem:$0x15478]  }
0x3c: {  	v41 =	vld [tilespmem:$0x15488];
	_ =	sdelay $0x1  }
0x3d: {  	v42 =	vld [tilespmem:$0x15498];
	_ =	sdelay $0x1  }
0x3e: {  	v43 =	vld [tilespmem:$0x154A8]  }
0x3f: {  	v33 =	vmul.f32 v33, v33;
	v34 =	vmul.f32 v41, v41;
	_ =	sdelay $0x1  }
0x40: {  	v44 =	vmul.f32 v42, v42;
	v33 =	vadd.f32 v34, v33;
	_ =	sdelay $0x1  }
0x41: {  	v45 =	vmul.f32 v43, v43;
	v33 =	vadd.f32 v44, v33;
	_ =	sdelay $0x1  }
0x42: {  	v33 =	vadd.f32 v45, v33;
	_ =	sdelay $0x1  }
0x43: {  	[tilespmem:v2+s19+$0x0] =	vst.idx.msk $0xffff, v33  }
0x44: {  	v33 =	vld [tilespmem:$0x154B8]  }
0x45: {  	v46 =	vld [tilespmem:$0x154C8];
	_ =	sdelay $0x1  }
0x46: {  	v47 =	vld [tilespmem:$0x154D8];
	_ =	sdelay $0x1  }
0x47: {  	v48 =	vld [tilespmem:$0x154E8]  }
0x48: {  	v33 =	vmul.f32 v33, v33;
	v34 =	vmul.f32 v46, v46;
	_ =	sdelay $0x1  }
0x49: {  	v49 =	vmul.f32 v47, v47;
	v33 =	vadd.f32 v34, v33;
	_ =	sdelay $0x1  }
0x4a: {  	v50 =	vmul.f32 v48, v48;
	v33 =	vadd.f32 v49, v33;
	_ =	sdelay $0x1  }
0x4b: {  	v33 =	vadd.f32 v50, v33;
	_ =	sdelay $0x1  }
0x4c: {  	[tilespmem:v3+s19+$0x0] =	vst.idx.msk $0xffff, v33  }
0x4d: {  	v33 =	vld [tilespmem:$0x154F8]  }
0x4e: {  	v51 =	vld [tilespmem:$0x15508];
	_ =	sdelay $0x1  }
0x4f: {  	v52 =	vld [tilespmem:$0x15518];
	_ =	sdelay $0x1  }
0x50: {  	v53 =	vld [tilespmem:$0x15528]  }
0x51: {  	v33 =	vmul.f32 v33, v33;
	v34 =	vmul.f32 v51, v51;
	_ =	sdelay $0x1  }
0x52: {  	v54 =	vmul.f32 v52, v52;
	v33 =	vadd.f32 v34, v33;
	_ =	sdelay $0x1  }
0x53: {  	v55 =	vmul.f32 v53, v53;
	v33 =	vadd.f32 v54, v33;
	_ =	sdelay $0x1  }
0x54: {  	v33 =	vadd.f32 v55, v33;
	_ =	sdelay $0x1  }
0x55: {  	[tilespmem:v4+s19+$0x0] =	vst.idx.msk $0xffff, v33  }
0x56: {  	v33 =	vld [tilespmem:$0x15538]  }
0x57: {  	v56 =	vld [tilespmem:$0x15548];
	_ =	sdelay $0x1  }
0x58: {  	v57 =	vld [tilespmem:$0x15558];
	_ =	sdelay $0x1  }
0x59: {  	v58 =	vld [tilespmem:$0x15568]  }
0x5a: {  	v33 =	vmul.f32 v33, v33;
	v34 =	vmul.f32 v56, v56;
	_ =	sdelay $0x1  }
0x5b: {  	v59 =	vmul.f32 v57, v57;
	v33 =	vadd.f32 v34, v33;
	_ =	sdelay $0x1  }
0x5c: {  	v60 =	vmul.f32 v58, v58;
	v33 =	vadd.f32 v59, v33;
	_ =	sdelay $0x1  }
0x5d: {  	v33 =	vadd.f32 v60, v33;
	_ =	sdelay $0x1  }
0x5e: {  	[tilespmem:v5+s19+$0x0] =	vst.idx.msk $0xffff, v33  }
0x5f: {  	v33 =	vld [tilespmem:$0x15578]  }
0x60: {  	v61 =	vld [tilespmem:$0x15588];
	_ =	sdelay $0x1  }
0x61: {  	v62 =	vld [tilespmem:$0x15598];
	_ =	sdelay $0x1  }
0x62: {  	v63 =	vld [tilespmem:$0x155A8]  }
0x63: {  	v33 =	vmul.f32 v33, v33;
	v34 =	vmul.f32 v61, v61;
	_ =	sdelay $0x1  }
0x64: {  	v39 =	vmul.f32 v62, v62;
	v33 =	vadd.f32 v34, v33;
	_ =	sdelay $0x1  }
0x65: {  	v40 =	vmul.f32 v63, v63;
	v33 =	vadd.f32 v39, v33;
	_ =	sdelay $0x1  }
0x66: {  	v33 =	vadd.f32 v40, v33;
	_ =	sdelay $0x1  }
0x67: {  	[tilespmem:v6+s19+$0x0] =	vst.idx.msk $0xffff, v33  }
0x68: {  	v33 =	vld [tilespmem:$0x155B8]  }
0x69: {  	v41 =	vld [tilespmem:$0x155C8];
	_ =	sdelay $0x1  }
0x6a: {  	v42 =	vld [tilespmem:$0x155D8];
	_ =	sdelay $0x1  }
0x6b: {  	v43 =	vld [tilespmem:$0x155E8]  }
0x6c: {  	v33 =	vmul.f32 v33, v33;
	v34 =	vmul.f32 v41, v41;
	_ =	sdelay $0x1  }
0x6d: {  	v44 =	vmul.f32 v42, v42;
	v33 =	vadd.f32 v34, v33;
	_ =	sdelay $0x1  }
0x6e: {  	v45 =	vmul.f32 v43, v43;
	v33 =	vadd.f32 v44, v33;
	_ =	sdelay $0x1  }
0x6f: {  	v33 =	vadd.f32 v45, v33;
	_ =	sdelay $0x1  }
0x70: {  	[tilespmem:v7+s19+$0x0] =	vst.idx.msk $0xffff, v33  }
0x71: {  	v33 =	vld [tilespmem:$0x155F8]  }
0x72: {  	v46 =	vld [tilespmem:$0x15608];
	_ =	sdelay $0x1  }
0x73: {  	v47 =	vld [tilespmem:$0x15618];
	_ =	sdelay $0x1  }
0x74: {  	v48 =	vld [tilespmem:$0x15628]  }
0x75: {  	v33 =	vmul.f32 v33, v33;
	v34 =	vmul.f32 v46, v46;
	_ =	sdelay $0x1  }
0x76: {  	v49 =	vmul.f32 v47, v47;
	v33 =	vadd.f32 v34, v33;
	_ =	sdelay $0x1  }
0x77: {  	v50 =	vmul.f32 v48, v48;
	v33 =	vadd.f32 v49, v33;
	_ =	sdelay $0x1  }
0x78: {  	v33 =	vadd.f32 v50, v33;
	_ =	sdelay $0x1  }
0x79: {  	[tilespmem:v8+s19+$0x0] =	vst.idx.msk $0xffff, v33  }
0x7a: {  	v33 =	vld [tilespmem:$0x15638]  }
0x7b: {  	v51 =	vld [tilespmem:$0x15648];
	_ =	sdelay $0x1  }
0x7c: {  	v52 =	vld [tilespmem:$0x15658];
	_ =	sdelay $0x1  }
0x7d: {  	v53 =	vld [tilespmem:$0x15668]  }
0x7e: {  	v33 =	vmul.f32 v33, v33;
	v34 =	vmul.f32 v51, v51;
	_ =	sdelay $0x1  }
0x7f: {  	v54 =	vmul.f32 v52, v52;
	v33 =	vadd.f32 v34, v33;
	_ =	sdelay $0x1  }
0x80: {  	v55 =	vmul.f32 v53, v53;
	v33 =	vadd.f32 v54, v33;
	_ =	sdelay $0x1  }
0x81: {  	v33 =	vadd.f32 v55, v33;
	_ =	sdelay $0x1  }
0x82: {  	[tilespmem:v9+s19+$0x0] =	vst.idx.msk $0xffff, v33  }
0x83: {  	v33 =	vld [tilespmem:$0x15678]  }
0x84: {  	v56 =	vld [tilespmem:$0x15688];
	_ =	sdelay $0x1  }
0x85: {  	v57 =	vld [tilespmem:$0x15698];
	_ =	sdelay $0x1  }
0x86: {  	v58 =	vld [tilespmem:$0x156A8]  }
0x87: {  	v33 =	vmul.f32 v33, v33;
	v34 =	vmul.f32 v56, v56;
	_ =	sdelay $0x1  }
0x88: {  	v59 =	vmul.f32 v57, v57;
	v33 =	vadd.f32 v34, v33;
	_ =	sdelay $0x1  }
0x89: {  	v60 =	vmul.f32 v58, v58;
	v33 =	vadd.f32 v59, v33;
	_ =	sdelay $0x1  }
0x8a: {  	v33 =	vadd.f32 v60, v33;
	_ =	sdelay $0x1  }
0x8b: {  	[tilespmem:v10+s19+$0x0] =	vst.idx.msk $0xffff, v33  }
0x8c: {  	v33 =	vld [tilespmem:$0x156B8]  }
0x8d: {  	v61 =	vld [tilespmem:$0x156C8];
	_ =	sdelay $0x1  }
0x8e: {  	v62 =	vld [tilespmem:$0x156D8];
	_ =	sdelay $0x1  }
0x8f: {  	v63 =	vld [tilespmem:$0x156E8]  }
0x90: {  	v33 =	vmul.f32 v33, v33;
	v34 =	vmul.f32 v61, v61;
	_ =	sdelay $0x1  }
0x91: {  	v39 =	vmul.f32 v62, v62;
	v33 =	vadd.f32 v34, v33;
	_ =	sdelay $0x1  }
0x92: {  	v40 =	vmul.f32 v63, v63;
	v33 =	vadd.f32 v39, v33;
	_ =	sdelay $0x1  }
0x93: {  	v33 =	vadd.f32 v40, v33;
	_ =	sdelay $0x1  }
0x94: {  	[tilespmem:v11+s19+$0x0] =	vst.idx.msk $0xffff, v33  }
0x95: {  	v33 =	vld [tilespmem:$0x156F8]  }
0x96: {  	v41 =	vld [tilespmem:$0x15708];
	_ =	sdelay $0x1  }
0x97: {  	v42 =	vld [tilespmem:$0x15718];
	_ =	sdelay $0x1  }
0x98: {  	v43 =	vld [tilespmem:$0x15728]  }
0x99: {  	v33 =	vmul.f32 v33, v33;
	v34 =	vmul.f32 v41, v41;
	_ =	sdelay $0x1  }
0x9a: {  	v44 =	vmul.f32 v42, v42;
	v33 =	vadd.f32 v34, v33;
	_ =	sdelay $0x1  }
0x9b: {  	v45 =	vmul.f32 v43, v43;
	v33 =	vadd.f32 v44, v33;
	_ =	sdelay $0x1  }
0x9c: {  	v33 =	vadd.f32 v45, v33;
	_ =	sdelay $0x1  }
0x9d: {  	[tilespmem:v12+s19+$0x0] =	vst.idx.msk $0xffff, v33  }
0x9e: {  	v33 =	vld [tilespmem:$0x15738]  }
0x9f: {  	v46 =	vld [tilespmem:$0x15748];
	_ =	sdelay $0x1  }
0xa0: {  	v47 =	vld [tilespmem:$0x15758];
	_ =	sdelay $0x1  }
0xa1: {  	v48 =	vld [tilespmem:$0x15768]  }
0xa2: {  	v33 =	vmul.f32 v33, v33;
	v34 =	vmul.f32 v46, v46;
	_ =	sdelay $0x1  }
0xa3: {  	v49 =	vmul.f32 v47, v47;
	v33 =	vadd.f32 v34, v33;
	_ =	sdelay $0x1  }
0xa4: {  	v50 =	vmul.f32 v48, v48;
	v33 =	vadd.f32 v49, v33;
	_ =	sdelay $0x1  }
0xa5: {  	v33 =	vadd.f32 v50, v33;
	_ =	sdelay $0x1  }
0xa6: {  	[tilespmem:v13+s19+$0x0] =	vst.idx.msk $0xffff, v33  }
0xa7: {  	v33 =	vld [tilespmem:$0x15778]  }
0xa8: {  	v51 =	vld [tilespmem:$0x15788];
	_ =	sdelay $0x1  }
0xa9: {  	v52 =	vld [tilespmem:$0x15798];
	_ =	sdelay $0x1  }
0xaa: {  	v53 =	vld [tilespmem:$0x157A8]  }
0xab: {  	v33 =	vmul.f32 v33, v33;
	v34 =	vmul.f32 v51, v51;
	_ =	sdelay $0x1  }
0xac: {  	v54 =	vmul.f32 v52, v52;
	v33 =	vadd.f32 v34, v33;
	_ =	sdelay $0x1  }
0xad: {  	v55 =	vmul.f32 v53, v53;
	v33 =	vadd.f32 v54, v33;
	_ =	sdelay $0x1  }
0xae: {  	v33 =	vadd.f32 v55, v33;
	_ =	sdelay $0x1  }
0xaf: {  	[tilespmem:v14+s19+$0x0] =	vst.idx.msk $0xffff, v33  }
0xb0: {  	v33 =	vld [tilespmem:$0x157B8]  }
0xb1: {  	v56 =	vld [tilespmem:$0x157C8];
	_ =	sdelay $0x1  }
0xb2: {  	v57 =	vld [tilespmem:$0x157D8];
	_ =	sdelay $0x1  }
0xb3: {  	v58 =	vld [tilespmem:$0x157E8]  }
0xb4: {  	v33 =	vmul.f32 v33, v33;
	v34 =	vmul.f32 v56, v56;
	_ =	sdelay $0x1  }
0xb5: {  	v59 =	vmul.f32 v57, v57;
	v33 =	vadd.f32 v34, v33;
	_ =	sdelay $0x1  }
0xb6: {  	v60 =	vmul.f32 v58, v58;
	v33 =	vadd.f32 v59, v33;
	_ =	sdelay $0x1  }
0xb7: {  	v33 =	vadd.f32 v60, v33;
	_ =	sdelay $0x1  }
0xb8: {  	[tilespmem:v15+s19+$0x0] =	vst.idx.msk $0xffff, v33  }
0xb9: {  	v33 =	vld [tilespmem:$0x157F8]  }
0xba: {  	v61 =	vld [tilespmem:$0x15808];
	_ =	sdelay $0x1  }
0xbb: {  	v62 =	vld [tilespmem:$0x15818];
	_ =	sdelay $0x1  }
0xbc: {  	v63 =	vld [tilespmem:$0x15828]  }
0xbd: {  	v33 =	vmul.f32 v33, v33;
	v34 =	vmul.f32 v61, v61;
	_ =	sdelay $0x1  }
0xbe: {  	v38 =	vmul.f32 v62, v62;
	v33 =	vadd.f32 v34, v33;
	_ =	sdelay $0x1  }
0xbf: {  	v39 =	vmul.f32 v63, v63;
	v33 =	vadd.f32 v38, v33;
	_ =	sdelay $0x1  }
0xc0: {  	v33 =	vadd.f32 v39, v33;
	_ =	sdelay $0x1  }
0xc1: {  	[tilespmem:v16+s19+$0x0] =	vst.idx.msk $0xffff, v33  }
0xc2: {  	v33 =	vld [tilespmem:$0x15C38]  }
0xc3: {  	v40 =	vld [tilespmem:$0x15C49];
	_ =	sdelay $0x1  }
0xc4: {  	v41 =	vld [tilespmem:$0x15C5A];
	_ =	sdelay $0x1  }
0xc5: {  	v42 =	vld [tilespmem:$0x15C6B]  }
0xc6: {  	v33 =	vadd.f32 v40, v33  }
0xc7: {  	v43 =	vld [tilespmem:$0x15C7C]  }
0xc8: {  	v33 =	vadd.f32 v41, v33  }
0xc9: {  	v44 =	vld [tilespmem:$0x15C8D]  }
0xca: {  	v33 =	vadd.f32 v42, v33  }
0xcb: {  	v45 =	vld [tilespmem:$0x15C9E]  }
0xcc: {  	v33 =	vadd.f32 v43, v33  }
0xcd: {  	v46 =	vld [tilespmem:$0x15CAF]  }
0xce: {  	v33 =	vadd.f32 v44, v33  }
0xcf: {  	v47 =	vld [tilespmem:$0x15CC0]  }
0xd0: {  	v33 =	vadd.f32 v45, v33  }
0xd1: {  	v48 =	vld [tilespmem:$0x15CD1]  }
0xd2: {  	v33 =	vadd.f32 v46, v33  }
0xd3: {  	v49 =	vld [tilespmem:$0x15CE2]  }
0xd4: {  	v33 =	vadd.f32 v47, v33  }
0xd5: {  	v50 =	vld [tilespmem:$0x15CF3]  }
0xd6: {  	v33 =	vadd.f32 v48, v33  }
0xd7: {  	v51 =	vld [tilespmem:$0x15D04]  }
0xd8: {  	v33 =	vadd.f32 v49, v33  }
0xd9: {  	v52 =	vld [tilespmem:$0x15D15]  }
0xda: {  	v33 =	vadd.f32 v50, v33  }
0xdb: {  	v53 =	vld [tilespmem:$0x15D26]  }
0xdc: {  	v33 =	vadd.f32 v51, v33  }
0xdd: {  	v54 =	vld [tilespmem:$0x15D37]  }
0xde: {  	v33 =	vadd.f32 v52, v33;
	_ =	sdelay $0x1  }
0xdf: {  	v33 =	vadd.f32 v53, v33;
	_ =	sdelay $0x1  }
0xe0: {  	v33 =	vadd.f32 v54, v33;
	_ =	sdelay $0x1  }
0xe1: {  	v55 =	vshra.s32 v33, $0x1;
	v33 =	vmul.f32 $5.000000000e-01, v33  }
0xe2: {  	v34 =	vsub.s32 $0x5F3759DF, v55  }
0xe3: {  	v56 =	vmul.f32 v34, v33;
	_ =	sdelay $0x1  }
0xe4: {  	v35 =	vmul.f32 v34, v56;
	_ =	sdelay $0x1  }
0xe5: {  	v35 =	vsub.f32 $1.500000000e+00, v35;
	_ =	sdelay $0x1  }
0xe6: {  	v34 =	vmul.f32 v34, v35;
	_ =	sdelay $0x1  }
0xe7: {  	v35 =	vmul.f32 v34, v33;
	_ =	sdelay $0x1  }
0xe8: {  	v35 =	vmul.f32 v35, v34;
	_ =	sdelay $0x1  }
0xe9: {  	v35 =	vsub.f32 $1.500000000e+00, v35;
	_ =	sdelay $0x1  }
0xea: {  	v34 =	vmul.f32 v35, v34;
	_ =	sdelay $0x1  }
0xeb: {  	v33 =	vmul.f32 v34, v33;
	_ =	sdelay $0x1  }
0xec: {  	v33 =	vmul.f32 v33, v34;
	_ =	sdelay $0x1  }
0xed: {  	v33 =	vsub.f32 $1.500000000e+00, v33;
	_ =	sdelay $0x1  }
0xee: {  	v33 =	vmul.f32 v33, v34;
	_ =	sdelay $0x1  }
0xef: {  	v57 =	vld [tilespmem:$0x15438];
	[tilespmem:$0x15E58] =	vst v33  }
0xf0: {  	v33 =	vld.msk [tilespmem:s20+$0x0], $0xffff  }
0xf1: {  	v58 =	vld [tilespmem:$0x15448]  }
0xf2: {  	v59 =	vld [tilespmem:$0x15458]  }
0xf3: {  	v37 =	vld [tilespmem:$0x15468];
	_ =	sdelay $0x1  }
0xf4: {  	v34 =	vmul.f32 v57, v33  }
0xf5: {  	v35 =	vmul.f32 v58, v33  }
0xf6: {  	v60 =	vmul.f32 v59, v33;
	[tilespmem:$0x15838] =	vst v34  }
0xf7: {  	v33 =	vmul.f32 v37, v33;
	[tilespmem:$0x15848] =	vst v35  }
0xf8: {  	[tilespmem:$0x15858] =	vst v60  }
0xf9: {  	v61 =	vld [tilespmem:$0x15478];
	[tilespmem:$0x15868] =	vst v33  }
0xfa: {  	v33 =	vld.idx.msk [tilespmem:v17+s20+$0x0], $0xffff  }
0xfb: {  	v62 =	vld [tilespmem:$0x15488]  }
0xfc: {  	v63 =	vld [tilespmem:$0x15498]  }
0xfd: {  	v40 =	vld [tilespmem:$0x154A8];
	_ =	sdelay $0x1  }
0xfe: {  	v34 =	vmul.f32 v61, v33  }
0xff: {  	v35 =	vmul.f32 v62, v33  }
0x100: {  	v41 =	vmul.f32 v63, v33;
	[tilespmem:$0x15878] =	vst v34  }
0x101: {  	v33 =	vmul.f32 v40, v33;
	[tilespmem:$0x15888] =	vst v35  }
0x102: {  	[tilespmem:$0x15898] =	vst v41  }
0x103: {  	v42 =	vld [tilespmem:$0x154B8];
	[tilespmem:$0x158A8] =	vst v33  }
0x104: {  	v33 =	vld.idx.msk [tilespmem:v18+s20+$0x0], $0xffff  }
0x105: {  	v43 =	vld [tilespmem:$0x154C8]  }
0x106: {  	v44 =	vld [tilespmem:$0x154D8]  }
0x107: {  	v45 =	vld [tilespmem:$0x154E8];
	_ =	sdelay $0x1  }
0x108: {  	v34 =	vmul.f32 v42, v33  }
0x109: {  	v35 =	vmul.f32 v43, v33  }
0x10a: {  	v46 =	vmul.f32 v44, v33;
	[tilespmem:$0x158B8] =	vst v34  }
0x10b: {  	v33 =	vmul.f32 v45, v33;
	[tilespmem:$0x158C8] =	vst v35  }
0x10c: {  	[tilespmem:$0x158D8] =	vst v46  }
0x10d: {  	v47 =	vld [tilespmem:$0x154F8];
	[tilespmem:$0x158E8] =	vst v33  }
0x10e: {  	v33 =	vld.idx.msk [tilespmem:v19+s20+$0x0], $0xffff  }
0x10f: {  	v48 =	vld [tilespmem:$0x15508]  }
0x110: {  	v49 =	vld [tilespmem:$0x15518]  }
0x111: {  	v50 =	vld [tilespmem:$0x15528];
	_ =	sdelay $0x1  }
0x112: {  	v34 =	vmul.f32 v47, v33  }
0x113: {  	v35 =	vmul.f32 v48, v33  }
0x114: {  	v51 =	vmul.f32 v49, v33;
	[tilespmem:$0x158F8] =	vst v34  }
0x115: {  	v33 =	vmul.f32 v50, v33;
	[tilespmem:$0x15908] =	vst v35  }
0x116: {  	[tilespmem:$0x15918] =	vst v51  }
0x117: {  	v52 =	vld [tilespmem:$0x15538];
	[tilespmem:$0x15928] =	vst v33  }
0x118: {  	v33 =	vld.idx.msk [tilespmem:v20+s20+$0x0], $0xffff  }
0x119: {  	v53 =	vld [tilespmem:$0x15548]  }
0x11a: {  	v54 =	vld [tilespmem:$0x15558]  }
0x11b: {  	v55 =	vld [tilespmem:$0x15568];
	_ =	sdelay $0x1  }
0x11c: {  	v34 =	vmul.f32 v52, v33  }
0x11d: {  	v35 =	vmul.f32 v53, v33  }
0x11e: {  	v56 =	vmul.f32 v54, v33;
	[tilespmem:$0x15938] =	vst v34  }
0x11f: {  	v33 =	vmul.f32 v55, v33;
	[tilespmem:$0x15948] =	vst v35  }
0x120: {  	[tilespmem:$0x15958] =	vst v56  }
0x121: {  	v57 =	vld [tilespmem:$0x15578];
	[tilespmem:$0x15968] =	vst v33  }
0x122: {  	v33 =	vld.idx.msk [tilespmem:v21+s20+$0x0], $0xffff  }
0x123: {  	v58 =	vld [tilespmem:$0x15588]  }
0x124: {  	v59 =	vld [tilespmem:$0x15598]  }
0x125: {  	v60 =	vld [tilespmem:$0x155A8];
	_ =	sdelay $0x1  }
0x126: {  	v34 =	vmul.f32 v57, v33  }
0x127: {  	v35 =	vmul.f32 v58, v33  }
0x128: {  	v61 =	vmul.f32 v59, v33;
	[tilespmem:$0x15978] =	vst v34  }
0x129: {  	v33 =	vmul.f32 v60, v33;
	[tilespmem:$0x15988] =	vst v35  }
0x12a: {  	[tilespmem:$0x15998] =	vst v61  }
0x12b: {  	v62 =	vld [tilespmem:$0x155B8];
	[tilespmem:$0x159A8] =	vst v33  }
0x12c: {  	v33 =	vld.idx.msk [tilespmem:v22+s20+$0x0], $0xffff  }
0x12d: {  	v63 =	vld [tilespmem:$0x155C8]  }
0x12e: {  	v40 =	vld [tilespmem:$0x155D8]  }
0x12f: {  	v41 =	vld [tilespmem:$0x155E8];
	_ =	sdelay $0x1  }
0x130: {  	v34 =	vmul.f32 v62, v33  }
0x131: {  	v35 =	vmul.f32 v63, v33  }
0x132: {  	v42 =	vmul.f32 v40, v33;
	[tilespmem:$0x159B8] =	vst v34  }
0x133: {  	v33 =	vmul.f32 v41, v33;
	[tilespmem:$0x159C8] =	vst v35  }
0x134: {  	[tilespmem:$0x159D8] =	vst v42  }
0x135: {  	v43 =	vld [tilespmem:$0x155F8];
	[tilespmem:$0x159E8] =	vst v33  }
0x136: {  	v33 =	vld.idx.msk [tilespmem:v23+s20+$0x0], $0xffff  }
0x137: {  	v44 =	vld [tilespmem:$0x15608]  }
0x138: {  	v45 =	vld [tilespmem:$0x15618]  }
0x139: {  	v46 =	vld [tilespmem:$0x15628];
	_ =	sdelay $0x1  }
0x13a: {  	v34 =	vmul.f32 v43, v33  }
0x13b: {  	v35 =	vmul.f32 v44, v33  }
0x13c: {  	v47 =	vmul.f32 v45, v33;
	[tilespmem:$0x159F8] =	vst v34  }
0x13d: {  	v33 =	vmul.f32 v46, v33;
	[tilespmem:$0x15A08] =	vst v35  }
0x13e: {  	[tilespmem:$0x15A18] =	vst v47  }
0x13f: {  	v48 =	vld [tilespmem:$0x15638];
	[tilespmem:$0x15A28] =	vst v33  }
0x140: {  	v33 =	vld.idx.msk [tilespmem:v24+s20+$0x0], $0xffff  }
0x141: {  	v49 =	vld [tilespmem:$0x15648]  }
0x142: {  	v50 =	vld [tilespmem:$0x15658]  }
0x143: {  	v51 =	vld [tilespmem:$0x15668];
	_ =	sdelay $0x1  }
0x144: {  	v34 =	vmul.f32 v48, v33  }
0x145: {  	v35 =	vmul.f32 v49, v33  }
0x146: {  	v52 =	vmul.f32 v50, v33;
	[tilespmem:$0x15A38] =	vst v34  }
0x147: {  	v33 =	vmul.f32 v51, v33;
	[tilespmem:$0x15A48] =	vst v35  }
0x148: {  	[tilespmem:$0x15A58] =	vst v52  }
0x149: {  	v53 =	vld [tilespmem:$0x15678];
	[tilespmem:$0x15A68] =	vst v33  }
0x14a: {  	v33 =	vld.idx.msk [tilespmem:v25+s20+$0x0], $0xffff  }
0x14b: {  	v54 =	vld [tilespmem:$0x15688]  }
0x14c: {  	v55 =	vld [tilespmem:$0x15698]  }
0x14d: {  	v56 =	vld [tilespmem:$0x156A8];
	_ =	sdelay $0x1  }
0x14e: {  	v34 =	vmul.f32 v53, v33  }
0x14f: {  	v35 =	vmul.f32 v54, v33  }
0x150: {  	v57 =	vmul.f32 v55, v33;
	[tilespmem:$0x15A78] =	vst v34  }
0x151: {  	v33 =	vmul.f32 v56, v33;
	[tilespmem:$0x15A88] =	vst v35  }
0x152: {  	[tilespmem:$0x15A98] =	vst v57  }
0x153: {  	v58 =	vld [tilespmem:$0x156B8];
	[tilespmem:$0x15AA8] =	vst v33  }
0x154: {  	v33 =	vld.idx.msk [tilespmem:v26+s20+$0x0], $0xffff  }
0x155: {  	v59 =	vld [tilespmem:$0x156C8]  }
0x156: {  	v60 =	vld [tilespmem:$0x156D8]  }
0x157: {  	v61 =	vld [tilespmem:$0x156E8];
	_ =	sdelay $0x1  }
0x158: {  	v34 =	vmul.f32 v58, v33  }
0x159: {  	v35 =	vmul.f32 v59, v33  }
0x15a: {  	v62 =	vmul.f32 v60, v33;
	[tilespmem:$0x15AB8] =	vst v34  }
0x15b: {  	v33 =	vmul.f32 v61, v33;
	[tilespmem:$0x15AC8] =	vst v35  }
0x15c: {  	[tilespmem:$0x15AD8] =	vst v62  }
0x15d: {  	v63 =	vld [tilespmem:$0x156F8];
	[tilespmem:$0x15AE8] =	vst v33  }
0x15e: {  	v33 =	vld.idx.msk [tilespmem:v27+s20+$0x0], $0xffff  }
0x15f: {  	v40 =	vld [tilespmem:$0x15708]  }
0x160: {  	v41 =	vld [tilespmem:$0x15718]  }
0x161: {  	v42 =	vld [tilespmem:$0x15728];
	_ =	sdelay $0x1  }
0x162: {  	v34 =	vmul.f32 v63, v33  }
0x163: {  	v35 =	vmul.f32 v40, v33  }
0x164: {  	v43 =	vmul.f32 v41, v33;
	[tilespmem:$0x15AF8] =	vst v34  }
0x165: {  	v33 =	vmul.f32 v42, v33;
	[tilespmem:$0x15B08] =	vst v35  }
0x166: {  	[tilespmem:$0x15B18] =	vst v43  }
0x167: {  	v44 =	vld [tilespmem:$0x15738];
	[tilespmem:$0x15B28] =	vst v33  }
0x168: {  	v33 =	vld.idx.msk [tilespmem:v28+s20+$0x0], $0xffff  }
0x169: {  	v45 =	vld [tilespmem:$0x15748]  }
0x16a: {  	v46 =	vld [tilespmem:$0x15758]  }
0x16b: {  	v47 =	vld [tilespmem:$0x15768];
	_ =	sdelay $0x1  }
0x16c: {  	v34 =	vmul.f32 v44, v33  }
0x16d: {  	v35 =	vmul.f32 v45, v33  }
0x16e: {  	v48 =	vmul.f32 v46, v33;
	[tilespmem:$0x15B38] =	vst v34  }
0x16f: {  	v33 =	vmul.f32 v47, v33;
	[tilespmem:$0x15B48] =	vst v35  }
0x170: {  	[tilespmem:$0x15B58] =	vst v48  }
0x171: {  	v49 =	vld [tilespmem:$0x15778];
	[tilespmem:$0x15B68] =	vst v33  }
0x172: {  	v33 =	vld.idx.msk [tilespmem:v29+s20+$0x0], $0xffff  }
0x173: {  	v50 =	vld [tilespmem:$0x15788]  }
0x174: {  	v51 =	vld [tilespmem:$0x15798]  }
0x175: {  	v52 =	vld [tilespmem:$0x157A8];
	_ =	sdelay $0x1  }
0x176: {  	v34 =	vmul.f32 v49, v33  }
0x177: {  	v35 =	vmul.f32 v50, v33  }
0x178: {  	v53 =	vmul.f32 v51, v33;
	[tilespmem:$0x15B78] =	vst v34  }
0x179: {  	v33 =	vmul.f32 v52, v33;
	[tilespmem:$0x15B88] =	vst v35  }
0x17a: {  	[tilespmem:$0x15B98] =	vst v53  }
0x17b: {  	v54 =	vld [tilespmem:$0x157B8];
	[tilespmem:$0x15BA8] =	vst v33  }
0x17c: {  	v33 =	vld.idx.msk [tilespmem:v30+s20+$0x0], $0xffff  }
0x17d: {  	v55 =	vld [tilespmem:$0x157C8]  }
0x17e: {  	v56 =	vld [tilespmem:$0x157D8]  }
0x17f: {  	v57 =	vld [tilespmem:$0x157E8];
	_ =	sdelay $0x1  }
0x180: {  	v34 =	vmul.f32 v54, v33  }
0x181: {  	v35 =	vmul.f32 v55, v33  }
0x182: {  	v58 =	vmul.f32 v56, v33;
	[tilespmem:$0x15BB8] =	vst v34  }
0x183: {  	v33 =	vmul.f32 v57, v33;
	[tilespmem:$0x15BC8] =	vst v35  }
0x184: {  	[tilespmem:$0x15BD8] =	vst v58  }
0x185: {  	v59 =	vld [tilespmem:$0x157F8];
	[tilespmem:$0x15BE8] =	vst v33  }
0x186: {  	v33 =	vld.idx.msk [tilespmem:v31+s20+$0x0], $0xffff  }
0x187: {  	v60 =	vld [tilespmem:$0x15808]  }
0x188: {  	v61 =	vld [tilespmem:$0x15818]  }
0x189: {  	v62 =	vld [tilespmem:$0x15828];
	_ =	sdelay $0x1  }
0x18a: {  	v34 =	vmul.f32 v59, v33  }
0x18b: {  	v35 =	vmul.f32 v60, v33  }
0x18c: {  	v63 =	vmul.f32 v61, v33;
	[tilespmem:$0x15BF8] =	vst v34  }
0x18d: {  	v33 =	vmul.f32 v62, v33;
	[tilespmem:$0x15C08] =	vst v35  }
0x18e: {  	p1 =	sne.s32 s5, $0x780;
	[tilespmem:$0x15C18] =	vst v63  }
.Ltmp2:
0x18f: {  	[tilespmem:$0x15C28] =	vst v33;
	(pc) =	sbr.rel @p1 .LBB2_2-.Ltmp2, $4  }
0x190: {  	[spmem:s1] =	stream.linear.scatter [tilespmem:s21], [sflag:$0x7], $0x400, $0x38;
	[tilespmem:$0x1E468] =	vst v63  }
0x191: {  	_ =	swait.ge [sflag:s14], $0x400  }
0x192: {  	[sflag:s14] =	ssyncset.done $0x0  }
0x193: {  	s5 =	sadd.s32 $0x80, s5;
	s1 =	sadd.s32 $0x400, s1;
	[sflag:s14] =	ssyncadd.s32 $0xFFFFFC00  }
.Ltmp3:
0x194: {  	(pc) =	sbr.rel @p0 .LBB2_7-.Ltmp3, $1  }
0x195: {  	_ =	sdelay $0x3  }
0x196: {  	s5 =	simm.s32 $0x0  }
0x197: {  	s1 =	simm.s32 $0x14428;
	v33 =	vor.u32 s5, v0  }
0x198: {  	s5 =	simm.s32 $0x10;
	[tilespmem:s1+$0x0] =	vst v33  }
.LBB2_5:
0x199: {  	p1 =	sne.s32 s5, $0xFF0  }
.Ltmp4:
0x19a: {  	_ = 	snop;
	(pc) =	sbr.rel @p1 .LBB2_5-.Ltmp4, $3  }
0x19b: {  	_ =	sdelay $0x1  }
0x19c: {  	v33 =	vor.u32 s5, v0;
	s5 =	sadd.s32 $0x10, s5;
	s1 =	sadd.s32 $0x10, s1  }
0x19d: {  	[tilespmem:s1+$0x0] =	vst v33  }
0x19e: {  	s1 =	simm.s32 $0x1000;
	s5 =	simm.s32 $0x14428  }
0x19f: {  	[spmem:s3] =	stream.indirect.scatter [tilespmem:s5], [sflag:$0x7], $0x1, s13, s1, $0xb8;
	[tilespmem:$0x1E468] =	vst v63  }
0x1a0: {  	_ =	swait.ge [sflag:s14], $0x1000  }
0x1a1: {  	[sflag:s14] =	ssyncset.done $0x0  }
0x1a2: {  	[sflag:s14] =	ssyncadd.s32 $0xFFFFF000  }
.LBB2_7:
0x1a3: {  	[bflag:$0x0] =	sbarrier.arrive $0xFFFF  }
0x1a4: {  	v33 =	vld [tilespmem:$0x15428]  }
.Ltmp5:
0x1a5: {  	_ = 	snop;
	(pc) =	sbr.rel .LBB2_8-.Ltmp5, $4  }
0x1a6: {  	s1 =	simm.s32 $0x80;
	s5 =	simm.s32 $0x19F68;
	s26 =	simm.s32 $0x19E68  }
0x1a7: {  	[tilespmem:s5], [sflag:$0x1] =	stream.indirect.gather [hbm4b:s6+s1], $0x40, s16, s1, $0xb8;
	[tilespmem:$0x1E468] =	vst v63  }
0x1a8: {  	s23 =	simm.s32 $0x0;
	s7 =	simm.s32 $0x15E78;
	p1 =	por $0x0, $0x0  }
0x1a9: {  	[tilespmem:s26], [sflag:$0x3] =	stream.indirect.gather [spmem:s3], $0x1, s16, s1, $0xb8;
	vm0 =	vne.s32 v33, $0x0;
	[tilespmem:$0x1E468] =	vst v63  }
.LBB2_14:
0x1aa: {  	p2 =	sne.s32 s23, $0x40  }
.Ltmp6:
0x1ab: {  	_ = 	snop;
	(pc) =	sbr.rel @!p2 .LBB2_15-.Ltmp6, $4  }
0x1ac: {  	_ = 	snop  }
0x1ad: {  	s5 =	sshll.u32 s1, $0x7;
	s26 =	sadd.s32 $0x5, s1;
	s8 =	sadd.s32 s25, s9  }
0x1ae: {  	s7 =	sadd.s32 $0x80, s7;
	p1 =	por !p1, !p1;
	s5 =	sor.u32 $0x1E368, s5  }
0x1af: {  	[hbm4b:s8+s4] =	stream.linear.scatter [tilespmem:s5], [sflag:s26], $0x80, $0x38;
	[tilespmem:$0x1E468] =	vst v63  }
.LBB2_8:
0x1b0: {  	s8 =	smov.u32 s23  }
0x1b1: {  	s23 =	sadd.s32 $0x1, s23;
	p2 =	seq.s32 s8, $0x3F  }
0x1b2: {  	s5 =	sand.u32 @!p2 $0x1, s23;
	s10 =	sshll.u32 @!p2 s23, $0x7  }
0x1b3: {  	s17 =	simm.s32 @!p2 $0x80;
	s1 =	sshll.u32 @!p2 s5, $0xD;
	s10 =	sand.u32 @!p2 $0x3FFFFF80, s10  }
0x1b4: {  	s15 =	sadd.s32 @!p2 $0x1, s5;
	s1 =	sor.u32 @!p2 $0x19F68, s1;
	s10 =	sadd.s32 @!p2 $0x15E68, s10  }
0x1b5: {  	[tilespmem:s1], [sflag:s15] =	stream.indirect.gather @!p2 [hbm4b:s6+s17], $0x40, s10, s17, $0xb8;
	[tilespmem:$0x1E468] =	vst v63  }
0x1b6: {  	s15 =	sshll.u32 @!p2 s5, $0x7;
	s1 =	sand.u32 $0x1, s8  }
0x1b7: {  	s5 =	sadd.s32 @!p2 $0x3, s5;
	s15 =	sor.u32 @!p2 $0x19E68, s15;
	s22 =	sadd.s32 $0x1, s1  }
0x1b8: {  	[tilespmem:s15], [sflag:s5] =	stream.indirect.gather @!p2 [spmem:s3], $0x1, s10, s17, $0xb8;
	[tilespmem:$0x1E468] =	vst v63  }
0x1b9: {  	s26 =	sshll.u32 s8, $0x7;
	_ =	swait.ge [sflag:s22], $0x2000  }
0x1ba: {  	s25 =	sadd.s32 $0x3, s1;
	s10 =	simm.s32 $0x1;
	[sflag:s22] =	ssyncset.done $0x0  }
0x1bb: {  	p2 =	slt.u32 s8, $0x2;
	s5 =	sand.u32 $0x3FFFFF80, s26;
	[sflag:s22] =	ssyncadd.s32 $0xFFFFE000  }
0x1bc: {  	s10 =	simm.s32 @!p1 $0x0;
	s5 =	sadd.s32 $0x17E68, s5;
	_ =	swait.ge [sflag:s25], $0x80  }
.Ltmp7:
0x1bd: {  	s24 =	sshll.u32 s10, $0x7;
	[sflag:s25] =	ssyncset.done $0x0;
	(pc) =	sbr.rel .LBB2_9-.Ltmp7, $4  }
0x1be: {  	s10 =	sshll.u32 s10, $0xD;
	s22 =	sadd.s32 @!p2 $0x5, s1;
	[sflag:s25] =	ssyncadd.s32 $0xFFFFFF80  }
0x1bf: {  	s15 =	sor.u32 $0x19E78, s24;
	s17 =	sor.u32 $0x1E378, s24;
	_ =	swait.ge @!p2 [sflag:s22], $0x80  }
0x1c0: {  	s26 =	sadd.s32 $0x1A368, s10;
	s25 =	sshll.u32 s8, $0x4;
	[sflag:s22] =	ssyncset.done @!p2 $0x0  }
0x1c1: {  	v33 =	vmov s5;
	s8 =	simm.s32 $0x0;
	[sflag:s22] =	ssyncadd.s32 @!p2 $0xFFFFFF80;
	s22 =	smov.u32 s7  }
.LBB2_13:
0x1c2: {  	s8 =	sadd.s32 $0x20, s8  }
0x1c3: {  	p2 =	sne.s32 s8, $0x80  }
.Ltmp8:
0x1c4: {  	_ = 	snop;
	(pc) =	sbr.rel @!p2 .LBB2_14-.Ltmp8, $3  }
0x1c5: {  	_ =	sdelay $0x1  }
0x1c6: {  	s22 =	sadd.s32 $0x20, s22  }
0x1c7: {  	s15 =	sadd.s32 $0x20, s15;
	s17 =	sadd.s32 $0x20, s17;
	s26 =	sadd.s32 $0x800, s26  }
.LBB2_9:
0x1c8: {  	_ =	sdelay $0x1  }
0x1c9: {  	v38 =	vld [tilespmem:s26+$0xFFFFFC00]  }
0x1ca: {  	s10 =	sand.u32 $0x40, s8;
	v39 =	vld [tilespmem:s26+$0xFFFFFC10]  }
0x1cb: {  	v34 =	vld.idx.msk [tilespmem:v33+s10+$0x0 ss:$0x1], $0xffff  }
0x1cc: {  	v35 =	vld.idx.msk [tilespmem:v33+s10+$0x10 ss:$0x1], $0xffff  }
0x1cd: {  	v40 =	vld [tilespmem:s26+$0xFFFFFC20]  }
0x1ce: {  	v36 =	vld.idx.msk [tilespmem:v33+s10+$0x20 ss:$0x1], $0xffff  }
0x1cf: {  	v41 =	vld [tilespmem:s26+$0xFFFFFC30]  }
0x1d0: {  	v37 =	vld.idx.msk [tilespmem:v33+s10+$0x30 ss:$0x1], $0xffff  }
0x1d1: {  	v38 =	vmul.f32 v38, v34;
	v39 =	vmul.f32 v39, v35;
	_ =	sdelay $0x1  }
0x1d2: {  	v50 =	vmul.f32 v40, v36;
	v38 =	vadd.f32 v39, v38;
	_ =	sdelay $0x1  }
0x1d3: {  	v51 =	vmul.f32 v41, v37;
	v38 =	vadd.f32 v50, v38;
	_ =	sdelay $0x1  }
0x1d4: {  	v38 =	vadd.f32 v51, v38;
	_ =	sdelay $0x1  }
0x1d5: {  	[tilespmem:v1+s19+$0x0] =	vst.idx.msk $0xffff, v38  }
0x1d6: {  	v38 =	vld [tilespmem:s26+$0xFFFFFC40]  }
0x1d7: {  	v52 =	vld [tilespmem:s26+$0xFFFFFC50];
	_ =	sdelay $0x1  }
0x1d8: {  	v53 =	vld [tilespmem:s26+$0xFFFFFC60];
	_ =	sdelay $0x1  }
0x1d9: {  	v54 =	vld [tilespmem:s26+$0xFFFFFC70]  }
0x1da: {  	v38 =	vmul.f32 v38, v34;
	v39 =	vmul.f32 v52, v35;
	_ =	sdelay $0x1  }
0x1db: {  	v55 =	vmul.f32 v53, v36;
	v38 =	vadd.f32 v39, v38;
	_ =	sdelay $0x1  }
0x1dc: {  	v56 =	vmul.f32 v54, v37;
	v38 =	vadd.f32 v55, v38;
	_ =	sdelay $0x1  }
0x1dd: {  	v38 =	vadd.f32 v56, v38;
	_ =	sdelay $0x1  }
0x1de: {  	[tilespmem:v2+s19+$0x0] =	vst.idx.msk $0xffff, v38  }
0x1df: {  	v38 =	vld [tilespmem:s26+$0xFFFFFC80]  }
0x1e0: {  	v57 =	vld [tilespmem:s26+$0xFFFFFC90];
	_ =	sdelay $0x1  }
0x1e1: {  	v58 =	vld [tilespmem:s26+$0xFFFFFCA0];
	_ =	sdelay $0x1  }
0x1e2: {  	v59 =	vld [tilespmem:s26+$0xFFFFFCB0]  }
0x1e3: {  	v38 =	vmul.f32 v38, v34;
	v39 =	vmul.f32 v57, v35;
	_ =	sdelay $0x1  }
0x1e4: {  	v60 =	vmul.f32 v58, v36;
	v38 =	vadd.f32 v39, v38;
	_ =	sdelay $0x1  }
0x1e5: {  	v61 =	vmul.f32 v59, v37;
	v38 =	vadd.f32 v60, v38;
	_ =	sdelay $0x1  }
0x1e6: {  	v38 =	vadd.f32 v61, v38;
	_ =	sdelay $0x1  }
0x1e7: {  	[tilespmem:v3+s19+$0x0] =	vst.idx.msk $0xffff, v38  }
0x1e8: {  	v38 =	vld [tilespmem:s26+$0xFFFFFCC0]  }
0x1e9: {  	v62 =	vld [tilespmem:s26+$0xFFFFFCD0];
	_ =	sdelay $0x1  }
0x1ea: {  	v63 =	vld [tilespmem:s26+$0xFFFFFCE0];
	_ =	sdelay $0x1  }
0x1eb: {  	v44 =	vld [tilespmem:s26+$0xFFFFFCF0]  }
0x1ec: {  	v38 =	vmul.f32 v38, v34;
	v39 =	vmul.f32 v62, v35;
	_ =	sdelay $0x1  }
0x1ed: {  	v45 =	vmul.f32 v63, v36;
	v38 =	vadd.f32 v39, v38;
	_ =	sdelay $0x1  }
0x1ee: {  	v46 =	vmul.f32 v44, v37;
	v38 =	vadd.f32 v45, v38;
	_ =	sdelay $0x1  }
0x1ef: {  	v38 =	vadd.f32 v46, v38;
	_ =	sdelay $0x1  }
0x1f0: {  	[tilespmem:v4+s19+$0x0] =	vst.idx.msk $0xffff, v38  }
0x1f1: {  	v38 =	vld [tilespmem:s26+$0xFFFFFD00]  }
0x1f2: {  	v47 =	vld [tilespmem:s26+$0xFFFFFD10];
	_ =	sdelay $0x1  }
0x1f3: {  	v48 =	vld [tilespmem:s26+$0xFFFFFD20];
	_ =	sdelay $0x1  }
0x1f4: {  	v49 =	vld [tilespmem:s26+$0xFFFFFD30]  }
0x1f5: {  	v38 =	vmul.f32 v38, v34;
	v39 =	vmul.f32 v47, v35;
	_ =	sdelay $0x1  }
0x1f6: {  	v50 =	vmul.f32 v48, v36;
	v38 =	vadd.f32 v39, v38;
	_ =	sdelay $0x1  }
0x1f7: {  	v51 =	vmul.f32 v49, v37;
	v38 =	vadd.f32 v50, v38;
	_ =	sdelay $0x1  }
0x1f8: {  	v38 =	vadd.f32 v51, v38;
	_ =	sdelay $0x1  }
0x1f9: {  	[tilespmem:v5+s19+$0x0] =	vst.idx.msk $0xffff, v38  }
0x1fa: {  	v38 =	vld [tilespmem:s26+$0xFFFFFD40]  }
0x1fb: {  	v52 =	vld [tilespmem:s26+$0xFFFFFD50];
	_ =	sdelay $0x1  }
0x1fc: {  	v53 =	vld [tilespmem:s26+$0xFFFFFD60];
	_ =	sdelay $0x1  }
0x1fd: {  	v54 =	vld [tilespmem:s26+$0xFFFFFD70]  }
0x1fe: {  	v38 =	vmul.f32 v38, v34;
	v39 =	vmul.f32 v52, v35;
	_ =	sdelay $0x1  }
0x1ff: {  	v55 =	vmul.f32 v53, v36;
	v38 =	vadd.f32 v39, v38;
	_ =	sdelay $0x1  }
0x200: {  	v56 =	vmul.f32 v54, v37;
	v38 =	vadd.f32 v55, v38;
	_ =	sdelay $0x1  }
0x201: {  	v38 =	vadd.f32 v56, v38;
	_ =	sdelay $0x1  }
0x202: {  	[tilespmem:v6+s19+$0x0] =	vst.idx.msk $0xffff, v38  }
0x203: {  	v38 =	vld [tilespmem:s26+$0xFFFFFD80]  }
0x204: {  	v57 =	vld [tilespmem:s26+$0xFFFFFD90];
	_ =	sdelay $0x1  }
0x205: {  	v58 =	vld [tilespmem:s26+$0xFFFFFDA0];
	_ =	sdelay $0x1  }
0x206: {  	v59 =	vld [tilespmem:s26+$0xFFFFFDB0]  }
0x207: {  	v38 =	vmul.f32 v38, v34;
	v39 =	vmul.f32 v57, v35;
	_ =	sdelay $0x1  }
0x208: {  	v60 =	vmul.f32 v58, v36;
	v38 =	vadd.f32 v39, v38;
	_ =	sdelay $0x1  }
0x209: {  	v61 =	vmul.f32 v59, v37;
	v38 =	vadd.f32 v60, v38;
	_ =	sdelay $0x1  }
0x20a: {  	v38 =	vadd.f32 v61, v38;
	_ =	sdelay $0x1  }
0x20b: {  	[tilespmem:v7+s19+$0x0] =	vst.idx.msk $0xffff, v38  }
0x20c: {  	v38 =	vld [tilespmem:s26+$0xFFFFFDC0]  }
0x20d: {  	v62 =	vld [tilespmem:s26+$0xFFFFFDD0];
	_ =	sdelay $0x1  }
0x20e: {  	v63 =	vld [tilespmem:s26+$0xFFFFFDE0];
	_ =	sdelay $0x1  }
0x20f: {  	v44 =	vld [tilespmem:s26+$0xFFFFFDF0]  }
0x210: {  	v38 =	vmul.f32 v38, v34;
	v39 =	vmul.f32 v62, v35;
	_ =	sdelay $0x1  }
0x211: {  	v45 =	vmul.f32 v63, v36;
	v38 =	vadd.f32 v39, v38;
	_ =	sdelay $0x1  }
0x212: {  	v46 =	vmul.f32 v44, v37;
	v38 =	vadd.f32 v45, v38;
	_ =	sdelay $0x1  }
0x213: {  	v38 =	vadd.f32 v46, v38;
	_ =	sdelay $0x1  }
0x214: {  	[tilespmem:v8+s19+$0x0] =	vst.idx.msk $0xffff, v38  }
0x215: {  	v38 =	vld [tilespmem:s26+$0xFFFFFE00]  }
0x216: {  	v47 =	vld [tilespmem:s26+$0xFFFFFE10];
	_ =	sdelay $0x1  }
0x217: {  	v48 =	vld [tilespmem:s26+$0xFFFFFE20];
	_ =	sdelay $0x1  }
0x218: {  	v49 =	vld [tilespmem:s26+$0xFFFFFE30]  }
0x219: {  	v38 =	vmul.f32 v38, v34;
	v39 =	vmul.f32 v47, v35;
	_ =	sdelay $0x1  }
0x21a: {  	v50 =	vmul.f32 v48, v36;
	v38 =	vadd.f32 v39, v38;
	_ =	sdelay $0x1  }
0x21b: {  	v51 =	vmul.f32 v49, v37;
	v38 =	vadd.f32 v50, v38;
	_ =	sdelay $0x1  }
0x21c: {  	v38 =	vadd.f32 v51, v38;
	_ =	sdelay $0x1  }
0x21d: {  	[tilespmem:v9+s19+$0x0] =	vst.idx.msk $0xffff, v38  }
0x21e: {  	v38 =	vld [tilespmem:s26+$0xFFFFFE40]  }
0x21f: {  	v52 =	vld [tilespmem:s26+$0xFFFFFE50];
	_ =	sdelay $0x1  }
0x220: {  	v53 =	vld [tilespmem:s26+$0xFFFFFE60];
	_ =	sdelay $0x1  }
0x221: {  	v54 =	vld [tilespmem:s26+$0xFFFFFE70]  }
0x222: {  	v38 =	vmul.f32 v38, v34;
	v39 =	vmul.f32 v52, v35;
	_ =	sdelay $0x1  }
0x223: {  	v55 =	vmul.f32 v53, v36;
	v38 =	vadd.f32 v39, v38;
	_ =	sdelay $0x1  }
0x224: {  	v56 =	vmul.f32 v54, v37;
	v38 =	vadd.f32 v55, v38;
	_ =	sdelay $0x1  }
0x225: {  	v38 =	vadd.f32 v56, v38;
	_ =	sdelay $0x1  }
0x226: {  	[tilespmem:v10+s19+$0x0] =	vst.idx.msk $0xffff, v38  }
0x227: {  	v38 =	vld [tilespmem:s26+$0xFFFFFE80]  }
0x228: {  	v57 =	vld [tilespmem:s26+$0xFFFFFE90];
	_ =	sdelay $0x1  }
0x229: {  	v58 =	vld [tilespmem:s26+$0xFFFFFEA0];
	_ =	sdelay $0x1  }
0x22a: {  	v59 =	vld [tilespmem:s26+$0xFFFFFEB0]  }
0x22b: {  	v38 =	vmul.f32 v38, v34;
	v39 =	vmul.f32 v57, v35;
	_ =	sdelay $0x1  }
0x22c: {  	v60 =	vmul.f32 v58, v36;
	v38 =	vadd.f32 v39, v38;
	_ =	sdelay $0x1  }
0x22d: {  	v61 =	vmul.f32 v59, v37;
	v38 =	vadd.f32 v60, v38;
	_ =	sdelay $0x1  }
0x22e: {  	v38 =	vadd.f32 v61, v38;
	_ =	sdelay $0x1  }
0x22f: {  	[tilespmem:v11+s19+$0x0] =	vst.idx.msk $0xffff, v38  }
0x230: {  	v38 =	vld [tilespmem:s26+$0xFFFFFEC0]  }
0x231: {  	v62 =	vld [tilespmem:s26+$0xFFFFFED0];
	_ =	sdelay $0x1  }
0x232: {  	v63 =	vld [tilespmem:s26+$0xFFFFFEE0];
	_ =	sdelay $0x1  }
0x233: {  	v44 =	vld [tilespmem:s26+$0xFFFFFEF0]  }
0x234: {  	v38 =	vmul.f32 v38, v34;
	v39 =	vmul.f32 v62, v35;
	_ =	sdelay $0x1  }
0x235: {  	v45 =	vmul.f32 v63, v36;
	v38 =	vadd.f32 v39, v38;
	_ =	sdelay $0x1  }
0x236: {  	v46 =	vmul.f32 v44, v37;
	v38 =	vadd.f32 v45, v38;
	_ =	sdelay $0x1  }
0x237: {  	v38 =	vadd.f32 v46, v38;
	_ =	sdelay $0x1  }
0x238: {  	[tilespmem:v12+s19+$0x0] =	vst.idx.msk $0xffff, v38  }
0x239: {  	v38 =	vld [tilespmem:s26+$0xFFFFFF00]  }
0x23a: {  	v47 =	vld [tilespmem:s26+$0xFFFFFF10];
	_ =	sdelay $0x1  }
0x23b: {  	v48 =	vld [tilespmem:s26+$0xFFFFFF20];
	_ =	sdelay $0x1  }
0x23c: {  	v49 =	vld [tilespmem:s26+$0xFFFFFF30]  }
0x23d: {  	v38 =	vmul.f32 v38, v34;
	v39 =	vmul.f32 v47, v35;
	_ =	sdelay $0x1  }
0x23e: {  	v50 =	vmul.f32 v48, v36;
	v38 =	vadd.f32 v39, v38;
	_ =	sdelay $0x1  }
0x23f: {  	v51 =	vmul.f32 v49, v37;
	v38 =	vadd.f32 v50, v38;
	_ =	sdelay $0x1  }
0x240: {  	v38 =	vadd.f32 v51, v38;
	_ =	sdelay $0x1  }
0x241: {  	[tilespmem:v13+s19+$0x0] =	vst.idx.msk $0xffff, v38  }
0x242: {  	v38 =	vld [tilespmem:s26+$0xFFFFFF40]  }
0x243: {  	v52 =	vld [tilespmem:s26+$0xFFFFFF50];
	_ =	sdelay $0x1  }
0x244: {  	v53 =	vld [tilespmem:s26+$0xFFFFFF60];
	_ =	sdelay $0x1  }
0x245: {  	v54 =	vld [tilespmem:s26+$0xFFFFFF70]  }
0x246: {  	v38 =	vmul.f32 v38, v34;
	v39 =	vmul.f32 v52, v35;
	_ =	sdelay $0x1  }
0x247: {  	v55 =	vmul.f32 v53, v36;
	v38 =	vadd.f32 v39, v38;
	_ =	sdelay $0x1  }
0x248: {  	v56 =	vmul.f32 v54, v37;
	v38 =	vadd.f32 v55, v38;
	_ =	sdelay $0x1  }
0x249: {  	v38 =	vadd.f32 v56, v38;
	_ =	sdelay $0x1  }
0x24a: {  	[tilespmem:v14+s19+$0x0] =	vst.idx.msk $0xffff, v38  }
0x24b: {  	v38 =	vld [tilespmem:s26+$0xFFFFFF80]  }
0x24c: {  	v57 =	vld [tilespmem:s26+$0xFFFFFF90];
	_ =	sdelay $0x1  }
0x24d: {  	v58 =	vld [tilespmem:s26+$0xFFFFFFA0];
	_ =	sdelay $0x1  }
0x24e: {  	v59 =	vld [tilespmem:s26+$0xFFFFFFB0]  }
0x24f: {  	v38 =	vmul.f32 v38, v34;
	v39 =	vmul.f32 v57, v35;
	_ =	sdelay $0x1  }
0x250: {  	v60 =	vmul.f32 v58, v36;
	v38 =	vadd.f32 v39, v38;
	_ =	sdelay $0x1  }
0x251: {  	v61 =	vmul.f32 v59, v37;
	v38 =	vadd.f32 v60, v38;
	_ =	sdelay $0x1  }
0x252: {  	v38 =	vadd.f32 v61, v38;
	_ =	sdelay $0x1  }
0x253: {  	[tilespmem:v15+s19+$0x0] =	vst.idx.msk $0xffff, v38  }
0x254: {  	v38 =	vld [tilespmem:s26+$0xFFFFFFC0]  }
0x255: {  	v62 =	vld [tilespmem:s26+$0xFFFFFFD0];
	_ =	sdelay $0x1  }
0x256: {  	v63 =	vld [tilespmem:s26+$0xFFFFFFE0];
	_ =	sdelay $0x1  }
0x257: {  	v44 =	vld [tilespmem:s26+$0xFFFFFFF0]  }
0x258: {  	v38 =	vmul.f32 v38, v34;
	v39 =	vmul.f32 v62, v35;
	_ =	sdelay $0x1  }
0x259: {  	v45 =	vmul.f32 v63, v36;
	v38 =	vadd.f32 v39, v38;
	_ =	sdelay $0x1  }
0x25a: {  	v46 =	vmul.f32 v44, v37;
	v38 =	vadd.f32 v45, v38;
	_ =	sdelay $0x1  }
0x25b: {  	v38 =	vadd.f32 v46, v38;
	_ =	sdelay $0x1  }
0x25c: {  	[tilespmem:v16+s19+$0x0] =	vst.idx.msk $0xffff, v38  }
0x25d: {  	v38 =	vld [tilespmem:s15+$0xFFFFFFF0];
	_ =	sdelay $0x4  }
0x25e: {  	vm1 =	vgt.s32 v38, $0x0  }
0x25f: {  	v47 =	vnsel vm1, $0x0, v38  }
0x260: {  	v39 =	vmin.u32 v47, $0xFFF;
	_ =	sdelay $0x3  }
0x261: {  	v43 =	vld [tilespmem:s22+$0xFFFFFFF0]  }
0x262: {  	v44 =	vld.idx.msk [tilespmem:v39+s13+$0x0], $0xffff  }
0x263: {  	v48 =	vld [tilespmem:$0x15C38]  }
0x264: {  	v49 =	vld [tilespmem:$0x15C49];
	_ =	sdelay $0x1  }
0x265: {  	v42 =	vld [tilespmem:$0x15C5A]  }
0x266: {  	vm1 =	vlt.u32 v38, $0x1000;
	vm2 =	veq.s32 v44, v43  }
0x267: {  	v45 =	vld [tilespmem:$0x15C6B];
	vm1 =	vmand vm1, vm2  }
0x268: {  	v40 =	vadd.f32 v49, v48;
	vm2 =	vmand vm0, vm1  }
0x269: {  	v50 =	vld [tilespmem:$0x15C7C];
	v53 =	vsel vm2, $0x1, v32  }
0x26a: {  	v40 =	vadd.f32 v42, v40;
	(xrf0) =	vadd.scan.msk.s32 $0xffff, v53  }
0x26b: {  	v51 =	vld [tilespmem:$0x15C8D]  }
0x26c: {  	v40 =	vadd.f32 v45, v40  }
0x26d: {  	v52 =	vld [tilespmem:$0x15C9E]  }
0x26e: {  	v40 =	vadd.f32 v50, v40  }
0x26f: {  	v54 =	vld [tilespmem:$0x15CAF]  }
0x270: {  	v38 =	vadd.f32 v51, v40;
	v57, _, _ =	vpop (xrf0)  }
0x271: {  	v55 =	vld [tilespmem:$0x15CC0];
	(v2sf) =	vpush v57, $0xF  }
0x272: {  	v38 =	vadd.f32 v52, v38  }
0x273: {  	v56 =	vld [tilespmem:$0x15CD1]  }
0x274: {  	v38 =	vadd.f32 v54, v38  }
0x275: {  	v58 =	vld [tilespmem:$0x15CE2]  }
0x276: {  	v38 =	vadd.f32 v55, v38  }
0x277: {  	v59 =	vld [tilespmem:$0x15CF3]  }
0x278: {  	v38 =	vadd.f32 v56, v38  }
0x279: {  	v60 =	vld [tilespmem:$0x15D04]  }
0x27a: {  	v38 =	vadd.f32 v58, v38  }
0x27b: {  	v61 =	vld [tilespmem:$0x15D15]  }
0x27c: {  	v38 =	vadd.f32 v59, v38  }
0x27d: {  	v62 =	vld [tilespmem:$0x15D26]  }
0x27e: {  	v38 =	vadd.f32 v60, v38  }
0x27f: {  	v63 =	vld [tilespmem:$0x15D37]  }
0x280: {  	v38 =	vadd.f32 v61, v38;
	s24 =	spop (v2sf)  }
0x281: {  	p2 =	slt.s32 s24, $0x1  }
.Ltmp9:
0x282: {  	v38 =	vadd.f32 v62, v38;
	(pc) =	sbr.rel @p2 .LBB2_11-.Ltmp9, $3  }
0x283: {  	_ = 	snop  }
0x284: {  	v38 =	vadd.f32 v63, v38;
	_ =	sdelay $0x1  }
0x285: {  	s10 =	sadd.s32 s10, s5;
	vm1 =	vmmov $0xffff;
	[tilespmem:s17+$0xFFFFFFF0] =	vst v38  }
0x286: {  	_ =	sdelay $0x3  }
0x287: {  	[tilespmem:s28], [sflag:$0x7] =	stream.indirect_vreg.gather [spmem:s2], $0x40, v39, vm1, $0xb8;
	[tilespmem:$0x1E468] =	vst v63  }
0x288: {  	_ =	swait.ge [sflag:s14], $0x400  }
0x289: {  	[sflag:s14] =	ssyncset.done $0x0  }
0x28a: {  	[sflag:s14] =	ssyncadd.s32 $0xFFFFFC00  }
0x28b: {  	v48 =	vld [tilespmem:$0x1DF68]  }
0x28c: {  	v40 =	vld [tilespmem:$0x1DF78];
	_ =	sdelay $0x1  }
0x28d: {  	v41 =	vld [tilespmem:$0x1DF88];
	_ =	sdelay $0x1  }
0x28e: {  	v42 =	vld [tilespmem:$0x1DF98]  }
0x28f: {  	v39 =	vmul.f32 v48, v34;
	v40 =	vmul.f32 v40, v35;
	_ =	sdelay $0x1  }
0x290: {  	v49 =	vmul.f32 v41, v36;
	v39 =	vadd.f32 v40, v39;
	_ =	sdelay $0x1  }
0x291: {  	v50 =	vmul.f32 v42, v37;
	v39 =	vadd.f32 v49, v39;
	_ =	sdelay $0x1  }
0x292: {  	v39 =	vadd.f32 v50, v39;
	_ =	sdelay $0x1  }
0x293: {  	[tilespmem:v1+s19+$0x0] =	vst.idx.msk $0xffff, v39  }
0x294: {  	v39 =	vld [tilespmem:$0x1DFA8]  }
0x295: {  	v51 =	vld [tilespmem:$0x1DFB8];
	_ =	sdelay $0x1  }
0x296: {  	v52 =	vld [tilespmem:$0x1DFC8];
	_ =	sdelay $0x1  }
0x297: {  	v53 =	vld [tilespmem:$0x1DFD8]  }
0x298: {  	v39 =	vmul.f32 v39, v34;
	v40 =	vmul.f32 v51, v35;
	_ =	sdelay $0x1  }
0x299: {  	v54 =	vmul.f32 v52, v36;
	v39 =	vadd.f32 v40, v39;
	_ =	sdelay $0x1  }
0x29a: {  	v55 =	vmul.f32 v53, v37;
	v39 =	vadd.f32 v54, v39;
	_ =	sdelay $0x1  }
0x29b: {  	v39 =	vadd.f32 v55, v39;
	_ =	sdelay $0x1  }
0x29c: {  	[tilespmem:v2+s19+$0x0] =	vst.idx.msk $0xffff, v39  }
0x29d: {  	v39 =	vld [tilespmem:$0x1DFE8]  }
0x29e: {  	v56 =	vld [tilespmem:$0x1DFF8];
	_ =	sdelay $0x1  }
0x29f: {  	v57 =	vld [tilespmem:$0x1E008];
	_ =	sdelay $0x1  }
0x2a0: {  	v58 =	vld [tilespmem:$0x1E018]  }
0x2a1: {  	v39 =	vmul.f32 v39, v34;
	v40 =	vmul.f32 v56, v35;
	_ =	sdelay $0x1  }
0x2a2: {  	v59 =	vmul.f32 v57, v36;
	v39 =	vadd.f32 v40, v39;
	_ =	sdelay $0x1  }
0x2a3: {  	v60 =	vmul.f32 v58, v37;
	v39 =	vadd.f32 v59, v39;
	_ =	sdelay $0x1  }
0x2a4: {  	v39 =	vadd.f32 v60, v39;
	_ =	sdelay $0x1  }
0x2a5: {  	[tilespmem:v3+s19+$0x0] =	vst.idx.msk $0xffff, v39  }
0x2a6: {  	v39 =	vld [tilespmem:$0x1E028]  }
0x2a7: {  	v61 =	vld [tilespmem:$0x1E038];
	_ =	sdelay $0x1  }
0x2a8: {  	v62 =	vld [tilespmem:$0x1E048];
	_ =	sdelay $0x1  }
0x2a9: {  	v63 =	vld [tilespmem:$0x1E058]  }
0x2aa: {  	v39 =	vmul.f32 v39, v34;
	v40 =	vmul.f32 v61, v35;
	_ =	sdelay $0x1  }
0x2ab: {  	v44 =	vmul.f32 v62, v36;
	v39 =	vadd.f32 v40, v39;
	_ =	sdelay $0x1  }
0x2ac: {  	v45 =	vmul.f32 v63, v37;
	v39 =	vadd.f32 v44, v39;
	_ =	sdelay $0x1  }
0x2ad: {  	v39 =	vadd.f32 v45, v39;
	_ =	sdelay $0x1  }
0x2ae: {  	[tilespmem:v4+s19+$0x0] =	vst.idx.msk $0xffff, v39  }
0x2af: {  	v39 =	vld [tilespmem:$0x1E068]  }
0x2b0: {  	v46 =	vld [tilespmem:$0x1E078];
	_ =	sdelay $0x1  }
0x2b1: {  	v47 =	vld [tilespmem:$0x1E088];
	_ =	sdelay $0x1  }
0x2b2: {  	v48 =	vld [tilespmem:$0x1E098]  }
0x2b3: {  	v39 =	vmul.f32 v39, v34;
	v40 =	vmul.f32 v46, v35;
	_ =	sdelay $0x1  }
0x2b4: {  	v49 =	vmul.f32 v47, v36;
	v39 =	vadd.f32 v40, v39;
	_ =	sdelay $0x1  }
0x2b5: {  	v50 =	vmul.f32 v48, v37;
	v39 =	vadd.f32 v49, v39;
	_ =	sdelay $0x1  }
0x2b6: {  	v39 =	vadd.f32 v50, v39;
	_ =	sdelay $0x1  }
0x2b7: {  	[tilespmem:v5+s19+$0x0] =	vst.idx.msk $0xffff, v39  }
0x2b8: {  	v39 =	vld [tilespmem:$0x1E0A8]  }
0x2b9: {  	v51 =	vld [tilespmem:$0x1E0B8];
	_ =	sdelay $0x1  }
0x2ba: {  	v52 =	vld [tilespmem:$0x1E0C8];
	_ =	sdelay $0x1  }
0x2bb: {  	v53 =	vld [tilespmem:$0x1E0D8]  }
0x2bc: {  	v39 =	vmul.f32 v39, v34;
	v40 =	vmul.f32 v51, v35;
	_ =	sdelay $0x1  }
0x2bd: {  	v54 =	vmul.f32 v52, v36;
	v39 =	vadd.f32 v40, v39;
	_ =	sdelay $0x1  }
0x2be: {  	v55 =	vmul.f32 v53, v37;
	v39 =	vadd.f32 v54, v39;
	_ =	sdelay $0x1  }
0x2bf: {  	v39 =	vadd.f32 v55, v39;
	_ =	sdelay $0x1  }
0x2c0: {  	[tilespmem:v6+s19+$0x0] =	vst.idx.msk $0xffff, v39  }
0x2c1: {  	v39 =	vld [tilespmem:$0x1E0E8]  }
0x2c2: {  	v56 =	vld [tilespmem:$0x1E0F8];
	_ =	sdelay $0x1  }
0x2c3: {  	v57 =	vld [tilespmem:$0x1E108];
	_ =	sdelay $0x1  }
0x2c4: {  	v58 =	vld [tilespmem:$0x1E118]  }
0x2c5: {  	v39 =	vmul.f32 v39, v34;
	v40 =	vmul.f32 v56, v35;
	_ =	sdelay $0x1  }
0x2c6: {  	v59 =	vmul.f32 v57, v36;
	v39 =	vadd.f32 v40, v39;
	_ =	sdelay $0x1  }
0x2c7: {  	v60 =	vmul.f32 v58, v37;
	v39 =	vadd.f32 v59, v39;
	_ =	sdelay $0x1  }
0x2c8: {  	v39 =	vadd.f32 v60, v39;
	_ =	sdelay $0x1  }
0x2c9: {  	[tilespmem:v7+s19+$0x0] =	vst.idx.msk $0xffff, v39  }
0x2ca: {  	v39 =	vld [tilespmem:$0x1E128]  }
0x2cb: {  	v61 =	vld [tilespmem:$0x1E138];
	_ =	sdelay $0x1  }
0x2cc: {  	v62 =	vld [tilespmem:$0x1E148];
	_ =	sdelay $0x1  }
0x2cd: {  	v63 =	vld [tilespmem:$0x1E158]  }
0x2ce: {  	v39 =	vmul.f32 v39, v34;
	v40 =	vmul.f32 v61, v35;
	_ =	sdelay $0x1  }
0x2cf: {  	v44 =	vmul.f32 v62, v36;
	v39 =	vadd.f32 v40, v39;
	_ =	sdelay $0x1  }
0x2d0: {  	v45 =	vmul.f32 v63, v37;
	v39 =	vadd.f32 v44, v39;
	_ =	sdelay $0x1  }
0x2d1: {  	v39 =	vadd.f32 v45, v39;
	_ =	sdelay $0x1  }
0x2d2: {  	[tilespmem:v8+s19+$0x0] =	vst.idx.msk $0xffff, v39  }
0x2d3: {  	v39 =	vld [tilespmem:$0x1E168]  }
0x2d4: {  	v46 =	vld [tilespmem:$0x1E178];
	_ =	sdelay $0x1  }
0x2d5: {  	v47 =	vld [tilespmem:$0x1E188];
	_ =	sdelay $0x1  }
0x2d6: {  	v48 =	vld [tilespmem:$0x1E198]  }
0x2d7: {  	v39 =	vmul.f32 v39, v34;
	v40 =	vmul.f32 v46, v35;
	_ =	sdelay $0x1  }
0x2d8: {  	v49 =	vmul.f32 v47, v36;
	v39 =	vadd.f32 v40, v39;
	_ =	sdelay $0x1  }
0x2d9: {  	v50 =	vmul.f32 v48, v37;
	v39 =	vadd.f32 v49, v39;
	_ =	sdelay $0x1  }
0x2da: {  	v39 =	vadd.f32 v50, v39;
	_ =	sdelay $0x1  }
0x2db: {  	[tilespmem:v9+s19+$0x0] =	vst.idx.msk $0xffff, v39  }
0x2dc: {  	v39 =	vld [tilespmem:$0x1E1A8]  }
0x2dd: {  	v51 =	vld [tilespmem:$0x1E1B8];
	_ =	sdelay $0x1  }
0x2de: {  	v52 =	vld [tilespmem:$0x1E1C8];
	_ =	sdelay $0x1  }
0x2df: {  	v53 =	vld [tilespmem:$0x1E1D8]  }
0x2e0: {  	v39 =	vmul.f32 v39, v34;
	v40 =	vmul.f32 v51, v35;
	_ =	sdelay $0x1  }
0x2e1: {  	v54 =	vmul.f32 v52, v36;
	v39 =	vadd.f32 v40, v39;
	_ =	sdelay $0x1  }
0x2e2: {  	v55 =	vmul.f32 v53, v37;
	v39 =	vadd.f32 v54, v39;
	_ =	sdelay $0x1  }
0x2e3: {  	v39 =	vadd.f32 v55, v39;
	_ =	sdelay $0x1  }
0x2e4: {  	[tilespmem:v10+s19+$0x0] =	vst.idx.msk $0xffff, v39  }
0x2e5: {  	v39 =	vld [tilespmem:$0x1E1E8]  }
0x2e6: {  	v56 =	vld [tilespmem:$0x1E1F8];
	_ =	sdelay $0x1  }
0x2e7: {  	v57 =	vld [tilespmem:$0x1E208];
	_ =	sdelay $0x1  }
0x2e8: {  	v58 =	vld [tilespmem:$0x1E218]  }
0x2e9: {  	v39 =	vmul.f32 v39, v34;
	v40 =	vmul.f32 v56, v35;
	_ =	sdelay $0x1  }
0x2ea: {  	v59 =	vmul.f32 v57, v36;
	v39 =	vadd.f32 v40, v39;
	_ =	sdelay $0x1  }
0x2eb: {  	v60 =	vmul.f32 v58, v37;
	v39 =	vadd.f32 v59, v39;
	_ =	sdelay $0x1  }
0x2ec: {  	v39 =	vadd.f32 v60, v39;
	_ =	sdelay $0x1  }
0x2ed: {  	[tilespmem:v11+s19+$0x0] =	vst.idx.msk $0xffff, v39  }
0x2ee: {  	v39 =	vld [tilespmem:$0x1E228]  }
0x2ef: {  	v61 =	vld [tilespmem:$0x1E238];
	_ =	sdelay $0x1  }
0x2f0: {  	v62 =	vld [tilespmem:$0x1E248];
	_ =	sdelay $0x1  }
0x2f1: {  	v63 =	vld [tilespmem:$0x1E258]  }
0x2f2: {  	v39 =	vmul.f32 v39, v34;
	v40 =	vmul.f32 v61, v35;
	_ =	sdelay $0x1  }
0x2f3: {  	v44 =	vmul.f32 v62, v36;
	v39 =	vadd.f32 v40, v39;
	_ =	sdelay $0x1  }
0x2f4: {  	v45 =	vmul.f32 v63, v37;
	v39 =	vadd.f32 v44, v39;
	_ =	sdelay $0x1  }
0x2f5: {  	v39 =	vadd.f32 v45, v39;
	_ =	sdelay $0x1  }
0x2f6: {  	[tilespmem:v12+s19+$0x0] =	vst.idx.msk $0xffff, v39  }
0x2f7: {  	v39 =	vld [tilespmem:$0x1E268]  }
0x2f8: {  	v46 =	vld [tilespmem:$0x1E278];
	_ =	sdelay $0x1  }
0x2f9: {  	v47 =	vld [tilespmem:$0x1E288];
	_ =	sdelay $0x1  }
0x2fa: {  	v48 =	vld [tilespmem:$0x1E298]  }
0x2fb: {  	v39 =	vmul.f32 v39, v34;
	v40 =	vmul.f32 v46, v35;
	_ =	sdelay $0x1  }
0x2fc: {  	v49 =	vmul.f32 v47, v36;
	v39 =	vadd.f32 v40, v39;
	_ =	sdelay $0x1  }
0x2fd: {  	v50 =	vmul.f32 v48, v37;
	v39 =	vadd.f32 v49, v39;
	_ =	sdelay $0x1  }
0x2fe: {  	v39 =	vadd.f32 v50, v39;
	_ =	sdelay $0x1  }
0x2ff: {  	[tilespmem:v13+s19+$0x0] =	vst.idx.msk $0xffff, v39  }
0x300: {  	v39 =	vld [tilespmem:$0x1E2A8]  }
0x301: {  	v51 =	vld [tilespmem:$0x1E2B8];
	_ =	sdelay $0x1  }
0x302: {  	v52 =	vld [tilespmem:$0x1E2C8];
	_ =	sdelay $0x1  }
0x303: {  	v53 =	vld [tilespmem:$0x1E2D8]  }
0x304: {  	v39 =	vmul.f32 v39, v34;
	v40 =	vmul.f32 v51, v35;
	_ =	sdelay $0x1  }
0x305: {  	v54 =	vmul.f32 v52, v36;
	v39 =	vadd.f32 v40, v39;
	_ =	sdelay $0x1  }
0x306: {  	v55 =	vmul.f32 v53, v37;
	v39 =	vadd.f32 v54, v39;
	_ =	sdelay $0x1  }
0x307: {  	v39 =	vadd.f32 v55, v39;
	_ =	sdelay $0x1  }
0x308: {  	[tilespmem:v14+s19+$0x0] =	vst.idx.msk $0xffff, v39  }
0x309: {  	v39 =	vld [tilespmem:$0x1E2E8]  }
0x30a: {  	v56 =	vld [tilespmem:$0x1E2F8];
	_ =	sdelay $0x1  }
0x30b: {  	v57 =	vld [tilespmem:$0x1E308];
	_ =	sdelay $0x1  }
0x30c: {  	v58 =	vld [tilespmem:$0x1E318]  }
0x30d: {  	v39 =	vmul.f32 v39, v34;
	v40 =	vmul.f32 v56, v35;
	_ =	sdelay $0x1  }
0x30e: {  	v59 =	vmul.f32 v57, v36;
	v39 =	vadd.f32 v40, v39;
	_ =	sdelay $0x1  }
0x30f: {  	v60 =	vmul.f32 v58, v37;
	v39 =	vadd.f32 v59, v39;
	_ =	sdelay $0x1  }
0x310: {  	v39 =	vadd.f32 v60, v39;
	_ =	sdelay $0x1  }
0x311: {  	[tilespmem:v15+s19+$0x0] =	vst.idx.msk $0xffff, v39  }
0x312: {  	v39 =	vld [tilespmem:$0x1E328]  }
0x313: {  	v61 =	vld [tilespmem:$0x1E338];
	_ =	sdelay $0x1  }
0x314: {  	v62 =	vld [tilespmem:$0x1E348];
	_ =	sdelay $0x1  }
0x315: {  	v63 =	vld [tilespmem:$0x1E358]  }
0x316: {  	v45 =	vmul.f32 v39, v34;
	v46 =	vmul.f32 v61, v35;
	_ =	sdelay $0x1  }
0x317: {  	v47 =	vmul.f32 v62, v36;
	v34 =	vadd.f32 v46, v45;
	_ =	sdelay $0x1  }
0x318: {  	v48 =	vmul.f32 v63, v37;
	v34 =	vadd.f32 v47, v34;
	_ =	sdelay $0x1  }
0x319: {  	v34 =	vadd.f32 v48, v34;
	_ =	sdelay $0x1  }
0x31a: {  	[tilespmem:v16+s19+$0x0] =	vst.idx.msk $0xffff, v34  }
0x31b: {  	v34 =	vld [tilespmem:$0x15C38]  }
0x31c: {  	v49 =	vld [tilespmem:$0x15C49];
	_ =	sdelay $0x1  }
0x31d: {  	v50 =	vld [tilespmem:$0x15C5A];
	_ =	sdelay $0x1  }
0x31e: {  	v51 =	vld [tilespmem:$0x15C6B]  }
0x31f: {  	v34 =	vadd.f32 v49, v34  }
0x320: {  	v52 =	vld [tilespmem:$0x15C7C]  }
0x321: {  	v34 =	vadd.f32 v50, v34  }
0x322: {  	v53 =	vld [tilespmem:$0x15C8D]  }
0x323: {  	v34 =	vadd.f32 v51, v34  }
0x324: {  	v54 =	vld [tilespmem:$0x15C9E]  }
0x325: {  	v34 =	vadd.f32 v52, v34  }
0x326: {  	v55 =	vld [tilespmem:$0x15CAF]  }
0x327: {  	v34 =	vadd.f32 v53, v34  }
0x328: {  	v56 =	vld [tilespmem:$0x15CC0]  }
0x329: {  	v34 =	vadd.f32 v54, v34  }
0x32a: {  	v57 =	vld [tilespmem:$0x15CD1]  }
0x32b: {  	v34 =	vadd.f32 v55, v34  }
0x32c: {  	v58 =	vld [tilespmem:$0x15CE2]  }
0x32d: {  	v34 =	vadd.f32 v56, v34  }
0x32e: {  	v59 =	vld [tilespmem:$0x15CF3]  }
0x32f: {  	v34 =	vadd.f32 v57, v34  }
0x330: {  	v60 =	vld [tilespmem:$0x15D04]  }
0x331: {  	v34 =	vadd.f32 v58, v34  }
0x332: {  	v61 =	vld [tilespmem:$0x15D15]  }
0x333: {  	v34 =	vadd.f32 v59, v34  }
0x334: {  	v62 =	vld [tilespmem:$0x15D26]  }
0x335: {  	v34 =	vadd.f32 v60, v34  }
0x336: {  	v63 =	vld [tilespmem:$0x15D37]  }
0x337: {  	v34 =	vadd.f32 v61, v34;
	_ =	sdelay $0x1  }
0x338: {  	v34 =	vadd.f32 v62, v34;
	_ =	sdelay $0x1  }
0x339: {  	v34 =	vadd.f32 v63, v34;
	_ =	sdelay $0x1  }
0x33a: {  	v34 =	vsel vm2, v34, v38  }
0x33b: {  	[tilespmem:s17+$0xFFFFFFF0] =	vst v34  }
.LBB2_11:
0x33c: {  	v34 =	vld [tilespmem:s10+$0x0]  }
0x33d: {  	v35 =	vld [tilespmem:s10+$0x10]  }
0x33e: {  	v38 =	vld [tilespmem:s26+$0x0]  }
0x33f: {  	v39 =	vld [tilespmem:s26+$0x10]  }
0x340: {  	v36 =	vld [tilespmem:s10+$0x20]  }
0x341: {  	v40 =	vld [tilespmem:s26+$0x20]  }
0x342: {  	v37 =	vld [tilespmem:s10+$0x30]  }
0x343: {  	v41 =	vld [tilespmem:s26+$0x30]  }
0x344: {  	v38 =	vmul.f32 v38, v34;
	v39 =	vmul.f32 v39, v35;
	_ =	sdelay $0x1  }
0x345: {  	v50 =	vmul.f32 v40, v36;
	v38 =	vadd.f32 v39, v38;
	_ =	sdelay $0x1  }
0x346: {  	v51 =	vmul.f32 v41, v37;
	v38 =	vadd.f32 v50, v38;
	_ =	sdelay $0x1  }
0x347: {  	v38 =	vadd.f32 v51, v38;
	_ =	sdelay $0x1  }
0x348: {  	[tilespmem:v1+s29+$0x0] =	vst.idx.msk $0xffff, v38  }
0x349: {  	v38 =	vld [tilespmem:s26+$0x40]  }
0x34a: {  	v52 =	vld [tilespmem:s26+$0x50];
	_ =	sdelay $0x1  }
0x34b: {  	v53 =	vld [tilespmem:s26+$0x60];
	_ =	sdelay $0x1  }
0x34c: {  	v54 =	vld [tilespmem:s26+$0x70]  }
0x34d: {  	v38 =	vmul.f32 v38, v34;
	v39 =	vmul.f32 v52, v35;
	_ =	sdelay $0x1  }
0x34e: {  	v55 =	vmul.f32 v53, v36;
	v38 =	vadd.f32 v39, v38;
	_ =	sdelay $0x1  }
0x34f: {  	v56 =	vmul.f32 v54, v37;
	v38 =	vadd.f32 v55, v38;
	_ =	sdelay $0x1  }
0x350: {  	v38 =	vadd.f32 v56, v38;
	_ =	sdelay $0x1  }
0x351: {  	[tilespmem:v2+s29+$0x0] =	vst.idx.msk $0xffff, v38  }
0x352: {  	v38 =	vld [tilespmem:s26+$0x80]  }
0x353: {  	v57 =	vld [tilespmem:s26+$0x90];
	_ =	sdelay $0x1  }
0x354: {  	v58 =	vld [tilespmem:s26+$0xA0];
	_ =	sdelay $0x1  }
0x355: {  	v59 =	vld [tilespmem:s26+$0xB0]  }
0x356: {  	v38 =	vmul.f32 v38, v34;
	v39 =	vmul.f32 v57, v35;
	_ =	sdelay $0x1  }
0x357: {  	v60 =	vmul.f32 v58, v36;
	v38 =	vadd.f32 v39, v38;
	_ =	sdelay $0x1  }
0x358: {  	v61 =	vmul.f32 v59, v37;
	v38 =	vadd.f32 v60, v38;
	_ =	sdelay $0x1  }
0x359: {  	v38 =	vadd.f32 v61, v38;
	_ =	sdelay $0x1  }
0x35a: {  	[tilespmem:v3+s29+$0x0] =	vst.idx.msk $0xffff, v38  }
0x35b: {  	v38 =	vld [tilespmem:s26+$0xC0]  }
0x35c: {  	v62 =	vld [tilespmem:s26+$0xD0];
	_ =	sdelay $0x1  }
0x35d: {  	v63 =	vld [tilespmem:s26+$0xE0];
	_ =	sdelay $0x1  }
0x35e: {  	v44 =	vld [tilespmem:s26+$0xF0]  }
0x35f: {  	v38 =	vmul.f32 v38, v34;
	v39 =	vmul.f32 v62, v35;
	_ =	sdelay $0x1  }
0x360: {  	v45 =	vmul.f32 v63, v36;
	v38 =	vadd.f32 v39, v38;
	_ =	sdelay $0x1  }
0x361: {  	v46 =	vmul.f32 v44, v37;
	v38 =	vadd.f32 v45, v38;
	_ =	sdelay $0x1  }
0x362: {  	v38 =	vadd.f32 v46, v38;
	_ =	sdelay $0x1  }
0x363: {  	[tilespmem:v4+s29+$0x0] =	vst.idx.msk $0xffff, v38  }
0x364: {  	v38 =	vld [tilespmem:s26+$0x100]  }
0x365: {  	v47 =	vld [tilespmem:s26+$0x110];
	_ =	sdelay $0x1  }
0x366: {  	v48 =	vld [tilespmem:s26+$0x120];
	_ =	sdelay $0x1  }
0x367: {  	v49 =	vld [tilespmem:s26+$0x130]  }
0x368: {  	v38 =	vmul.f32 v38, v34;
	v39 =	vmul.f32 v47, v35;
	_ =	sdelay $0x1  }
0x369: {  	v50 =	vmul.f32 v48, v36;
	v38 =	vadd.f32 v39, v38;
	_ =	sdelay $0x1  }
0x36a: {  	v51 =	vmul.f32 v49, v37;
	v38 =	vadd.f32 v50, v38;
	_ =	sdelay $0x1  }
0x36b: {  	v38 =	vadd.f32 v51, v38;
	_ =	sdelay $0x1  }
0x36c: {  	[tilespmem:v5+s29+$0x0] =	vst.idx.msk $0xffff, v38  }
0x36d: {  	v38 =	vld [tilespmem:s26+$0x140]  }
0x36e: {  	v52 =	vld [tilespmem:s26+$0x150];
	_ =	sdelay $0x1  }
0x36f: {  	v53 =	vld [tilespmem:s26+$0x160];
	_ =	sdelay $0x1  }
0x370: {  	v54 =	vld [tilespmem:s26+$0x170]  }
0x371: {  	v38 =	vmul.f32 v38, v34;
	v39 =	vmul.f32 v52, v35;
	_ =	sdelay $0x1  }
0x372: {  	v55 =	vmul.f32 v53, v36;
	v38 =	vadd.f32 v39, v38;
	_ =	sdelay $0x1  }
0x373: {  	v56 =	vmul.f32 v54, v37;
	v38 =	vadd.f32 v55, v38;
	_ =	sdelay $0x1  }
0x374: {  	v38 =	vadd.f32 v56, v38;
	_ =	sdelay $0x1  }
0x375: {  	[tilespmem:v6+s29+$0x0] =	vst.idx.msk $0xffff, v38  }
0x376: {  	v38 =	vld [tilespmem:s26+$0x180]  }
0x377: {  	v57 =	vld [tilespmem:s26+$0x190];
	_ =	sdelay $0x1  }
0x378: {  	v58 =	vld [tilespmem:s26+$0x1A0];
	_ =	sdelay $0x1  }
0x379: {  	v59 =	vld [tilespmem:s26+$0x1B0]  }
0x37a: {  	v38 =	vmul.f32 v38, v34;
	v39 =	vmul.f32 v57, v35;
	_ =	sdelay $0x1  }
0x37b: {  	v60 =	vmul.f32 v58, v36;
	v38 =	vadd.f32 v39, v38;
	_ =	sdelay $0x1  }
0x37c: {  	v61 =	vmul.f32 v59, v37;
	v38 =	vadd.f32 v60, v38;
	_ =	sdelay $0x1  }
0x37d: {  	v38 =	vadd.f32 v61, v38;
	_ =	sdelay $0x1  }
0x37e: {  	[tilespmem:v7+s29+$0x0] =	vst.idx.msk $0xffff, v38  }
0x37f: {  	v38 =	vld [tilespmem:s26+$0x1C0]  }
0x380: {  	v62 =	vld [tilespmem:s26+$0x1D0];
	_ =	sdelay $0x1  }
0x381: {  	v63 =	vld [tilespmem:s26+$0x1E0];
	_ =	sdelay $0x1  }
0x382: {  	v44 =	vld [tilespmem:s26+$0x1F0]  }
0x383: {  	v38 =	vmul.f32 v38, v34;
	v39 =	vmul.f32 v62, v35;
	_ =	sdelay $0x1  }
0x384: {  	v45 =	vmul.f32 v63, v36;
	v38 =	vadd.f32 v39, v38;
	_ =	sdelay $0x1  }
0x385: {  	v46 =	vmul.f32 v44, v37;
	v38 =	vadd.f32 v45, v38;
	_ =	sdelay $0x1  }
0x386: {  	v38 =	vadd.f32 v46, v38;
	_ =	sdelay $0x1  }
0x387: {  	[tilespmem:v8+s29+$0x0] =	vst.idx.msk $0xffff, v38  }
0x388: {  	v38 =	vld [tilespmem:s26+$0x200]  }
0x389: {  	v47 =	vld [tilespmem:s26+$0x210];
	_ =	sdelay $0x1  }
0x38a: {  	v48 =	vld [tilespmem:s26+$0x220];
	_ =	sdelay $0x1  }
0x38b: {  	v49 =	vld [tilespmem:s26+$0x230]  }
0x38c: {  	v38 =	vmul.f32 v38, v34;
	v39 =	vmul.f32 v47, v35;
	_ =	sdelay $0x1  }
0x38d: {  	v50 =	vmul.f32 v48, v36;
	v38 =	vadd.f32 v39, v38;
	_ =	sdelay $0x1  }
0x38e: {  	v51 =	vmul.f32 v49, v37;
	v38 =	vadd.f32 v50, v38;
	_ =	sdelay $0x1  }
0x38f: {  	v38 =	vadd.f32 v51, v38;
	_ =	sdelay $0x1  }
0x390: {  	[tilespmem:v9+s29+$0x0] =	vst.idx.msk $0xffff, v38  }
0x391: {  	v38 =	vld [tilespmem:s26+$0x240]  }
0x392: {  	v52 =	vld [tilespmem:s26+$0x250];
	_ =	sdelay $0x1  }
0x393: {  	v53 =	vld [tilespmem:s26+$0x260];
	_ =	sdelay $0x1  }
0x394: {  	v54 =	vld [tilespmem:s26+$0x270]  }
0x395: {  	v38 =	vmul.f32 v38, v34;
	v39 =	vmul.f32 v52, v35;
	_ =	sdelay $0x1  }
0x396: {  	v55 =	vmul.f32 v53, v36;
	v38 =	vadd.f32 v39, v38;
	_ =	sdelay $0x1  }
0x397: {  	v56 =	vmul.f32 v54, v37;
	v38 =	vadd.f32 v55, v38;
	_ =	sdelay $0x1  }
0x398: {  	v38 =	vadd.f32 v56, v38;
	_ =	sdelay $0x1  }
0x399: {  	[tilespmem:v10+s29+$0x0] =	vst.idx.msk $0xffff, v38  }
0x39a: {  	v38 =	vld [tilespmem:s26+$0x280]  }
0x39b: {  	v57 =	vld [tilespmem:s26+$0x290];
	_ =	sdelay $0x1  }
0x39c: {  	v58 =	vld [tilespmem:s26+$0x2A0];
	_ =	sdelay $0x1  }
0x39d: {  	v59 =	vld [tilespmem:s26+$0x2B0]  }
0x39e: {  	v38 =	vmul.f32 v38, v34;
	v39 =	vmul.f32 v57, v35;
	_ =	sdelay $0x1  }
0x39f: {  	v60 =	vmul.f32 v58, v36;
	v38 =	vadd.f32 v39, v38;
	_ =	sdelay $0x1  }
0x3a0: {  	v61 =	vmul.f32 v59, v37;
	v38 =	vadd.f32 v60, v38;
	_ =	sdelay $0x1  }
0x3a1: {  	v38 =	vadd.f32 v61, v38;
	_ =	sdelay $0x1  }
0x3a2: {  	[tilespmem:v11+s29+$0x0] =	vst.idx.msk $0xffff, v38  }
0x3a3: {  	v38 =	vld [tilespmem:s26+$0x2C0]  }
0x3a4: {  	v62 =	vld [tilespmem:s26+$0x2D0];
	_ =	sdelay $0x1  }
0x3a5: {  	v63 =	vld [tilespmem:s26+$0x2E0];
	_ =	sdelay $0x1  }
0x3a6: {  	v44 =	vld [tilespmem:s26+$0x2F0]  }
0x3a7: {  	v38 =	vmul.f32 v38, v34;
	v39 =	vmul.f32 v62, v35;
	_ =	sdelay $0x1  }
0x3a8: {  	v45 =	vmul.f32 v63, v36;
	v38 =	vadd.f32 v39, v38;
	_ =	sdelay $0x1  }
0x3a9: {  	v46 =	vmul.f32 v44, v37;
	v38 =	vadd.f32 v45, v38;
	_ =	sdelay $0x1  }
0x3aa: {  	v38 =	vadd.f32 v46, v38;
	_ =	sdelay $0x1  }
0x3ab: {  	[tilespmem:v12+s29+$0x0] =	vst.idx.msk $0xffff, v38  }
0x3ac: {  	v38 =	vld [tilespmem:s26+$0x300]  }
0x3ad: {  	v47 =	vld [tilespmem:s26+$0x310];
	_ =	sdelay $0x1  }
0x3ae: {  	v48 =	vld [tilespmem:s26+$0x320];
	_ =	sdelay $0x1  }
0x3af: {  	v49 =	vld [tilespmem:s26+$0x330]  }
0x3b0: {  	v38 =	vmul.f32 v38, v34;
	v39 =	vmul.f32 v47, v35;
	_ =	sdelay $0x1  }
0x3b1: {  	v50 =	vmul.f32 v48, v36;
	v38 =	vadd.f32 v39, v38;
	_ =	sdelay $0x1  }
0x3b2: {  	v51 =	vmul.f32 v49, v37;
	v38 =	vadd.f32 v50, v38;
	_ =	sdelay $0x1  }
0x3b3: {  	v38 =	vadd.f32 v51, v38;
	_ =	sdelay $0x1  }
0x3b4: {  	[tilespmem:v13+s29+$0x0] =	vst.idx.msk $0xffff, v38  }
0x3b5: {  	v38 =	vld [tilespmem:s26+$0x340]  }
0x3b6: {  	v52 =	vld [tilespmem:s26+$0x350];
	_ =	sdelay $0x1  }
0x3b7: {  	v53 =	vld [tilespmem:s26+$0x360];
	_ =	sdelay $0x1  }
0x3b8: {  	v54 =	vld [tilespmem:s26+$0x370]  }
0x3b9: {  	v38 =	vmul.f32 v38, v34;
	v39 =	vmul.f32 v52, v35;
	_ =	sdelay $0x1  }
0x3ba: {  	v55 =	vmul.f32 v53, v36;
	v38 =	vadd.f32 v39, v38;
	_ =	sdelay $0x1  }
0x3bb: {  	v56 =	vmul.f32 v54, v37;
	v38 =	vadd.f32 v55, v38;
	_ =	sdelay $0x1  }
0x3bc: {  	v38 =	vadd.f32 v56, v38;
	_ =	sdelay $0x1  }
0x3bd: {  	[tilespmem:v14+s29+$0x0] =	vst.idx.msk $0xffff, v38  }
0x3be: {  	v38 =	vld [tilespmem:s26+$0x380]  }
0x3bf: {  	v57 =	vld [tilespmem:s26+$0x390];
	_ =	sdelay $0x1  }
0x3c0: {  	v58 =	vld [tilespmem:s26+$0x3A0];
	_ =	sdelay $0x1  }
0x3c1: {  	v59 =	vld [tilespmem:s26+$0x3B0]  }
0x3c2: {  	v38 =	vmul.f32 v38, v34;
	v39 =	vmul.f32 v57, v35;
	_ =	sdelay $0x1  }
0x3c3: {  	v60 =	vmul.f32 v58, v36;
	v38 =	vadd.f32 v39, v38;
	_ =	sdelay $0x1  }
0x3c4: {  	v61 =	vmul.f32 v59, v37;
	v38 =	vadd.f32 v60, v38;
	_ =	sdelay $0x1  }
0x3c5: {  	v38 =	vadd.f32 v61, v38;
	_ =	sdelay $0x1  }
0x3c6: {  	[tilespmem:v15+s29+$0x0] =	vst.idx.msk $0xffff, v38  }
0x3c7: {  	v38 =	vld [tilespmem:s26+$0x3C0]  }
0x3c8: {  	v62 =	vld [tilespmem:s26+$0x3D0];
	_ =	sdelay $0x1  }
0x3c9: {  	v63 =	vld [tilespmem:s26+$0x3E0];
	_ =	sdelay $0x1  }
0x3ca: {  	v44 =	vld [tilespmem:s26+$0x3F0]  }
0x3cb: {  	v38 =	vmul.f32 v38, v34;
	v39 =	vmul.f32 v62, v35;
	_ =	sdelay $0x1  }
0x3cc: {  	v45 =	vmul.f32 v63, v36;
	v38 =	vadd.f32 v39, v38;
	_ =	sdelay $0x1  }
0x3cd: {  	v46 =	vmul.f32 v44, v37;
	v38 =	vadd.f32 v45, v38;
	_ =	sdelay $0x1  }
0x3ce: {  	v38 =	vadd.f32 v46, v38;
	_ =	sdelay $0x1  }
0x3cf: {  	[tilespmem:v16+s29+$0x0] =	vst.idx.msk $0xffff, v38  }
0x3d0: {  	v38 =	vld [tilespmem:s15+$0x0];
	_ =	sdelay $0x4  }
0x3d1: {  	vm2 =	vgt.s32 v38, $0x0  }
0x3d2: {  	v47 =	vnsel vm2, $0x0, v38  }
0x3d3: {  	v39 =	vmin.u32 v47, $0xFFF;
	_ =	sdelay $0x3  }
0x3d4: {  	v43 =	vld [tilespmem:s22+$0x0]  }
0x3d5: {  	v44 =	vld.idx.msk [tilespmem:v39+s13+$0x0], $0xffff  }
0x3d6: {  	v48 =	vld [tilespmem:$0x15D48]  }
0x3d7: {  	v49 =	vld [tilespmem:$0x15D59];
	_ =	sdelay $0x1  }
0x3d8: {  	v42 =	vld [tilespmem:$0x15D6A]  }
0x3d9: {  	vm2 =	vlt.u32 v38, $0x1000;
	vm3 =	veq.s32 v44, v43  }
0x3da: {  	v45 =	vld [tilespmem:$0x15D7B];
	vm2 =	vmand vm2, vm3  }
0x3db: {  	v40 =	vadd.f32 v49, v48;
	vm2 =	vmand vm0, vm2  }
0x3dc: {  	v50 =	vld [tilespmem:$0x15D8C];
	v53 =	vsel vm2, $0x1, v32  }
0x3dd: {  	v40 =	vadd.f32 v42, v40;
	(xrf0) =	vadd.scan.msk.s32 $0xffff, v53  }
0x3de: {  	v51 =	vld [tilespmem:$0x15D9D]  }
0x3df: {  	v40 =	vadd.f32 v45, v40  }
0x3e0: {  	v52 =	vld [tilespmem:$0x15DAE]  }
0x3e1: {  	v40 =	vadd.f32 v50, v40  }
0x3e2: {  	v54 =	vld [tilespmem:$0x15DBF]  }
0x3e3: {  	v38 =	vadd.f32 v51, v40;
	v57, _, _ =	vpop (xrf0)  }
0x3e4: {  	v55 =	vld [tilespmem:$0x15DD0];
	(v2sf) =	vpush v57, $0xF  }
0x3e5: {  	v38 =	vadd.f32 v52, v38  }
0x3e6: {  	v56 =	vld [tilespmem:$0x15DE1]  }
0x3e7: {  	v38 =	vadd.f32 v54, v38  }
0x3e8: {  	v58 =	vld [tilespmem:$0x15DF2]  }
0x3e9: {  	v38 =	vadd.f32 v55, v38  }
0x3ea: {  	v59 =	vld [tilespmem:$0x15E03]  }
0x3eb: {  	v38 =	vadd.f32 v56, v38  }
0x3ec: {  	v60 =	vld [tilespmem:$0x15E14]  }
0x3ed: {  	v38 =	vadd.f32 v58, v38  }
0x3ee: {  	v61 =	vld [tilespmem:$0x15E25]  }
0x3ef: {  	v38 =	vadd.f32 v59, v38  }
0x3f0: {  	v62 =	vld [tilespmem:$0x15E36]  }
0x3f1: {  	v38 =	vadd.f32 v60, v38  }
0x3f2: {  	v63 =	vld [tilespmem:$0x15E47]  }
0x3f3: {  	v38 =	vadd.f32 v61, v38;
	s24 =	spop (v2sf)  }
0x3f4: {  	p2 =	slt.s32 s24, $0x1  }
.Ltmp10:
0x3f5: {  	v38 =	vadd.f32 v62, v38;
	(pc) =	sbr.rel @p2 .LBB2_13-.Ltmp10, $3  }
0x3f6: {  	_ = 	snop  }
0x3f7: {  	v38 =	vadd.f32 v63, v38;
	_ =	sdelay $0x1  }
0x3f8: {  	[tilespmem:s17+$0x0] =	vst v38  }
0x3f9: {  	_ =	sdelay $0x3  }
0x3fa: {  	[tilespmem:s28], [sflag:$0x7] =	stream.indirect_vreg.gather [spmem:s2], $0x40, v39, vm1, $0xb8;
	[tilespmem:$0x1E468] =	vst v63  }
0x3fb: {  	_ =	swait.ge [sflag:s14], $0x400  }
0x3fc: {  	[sflag:s14] =	ssyncset.done $0x0  }
0x3fd: {  	[sflag:s14] =	ssyncadd.s32 $0xFFFFFC00  }
0x3fe: {  	v48 =	vld [tilespmem:$0x1DF68]  }
0x3ff: {  	v40 =	vld [tilespmem:$0x1DF78];
	_ =	sdelay $0x1  }
0x400: {  	v41 =	vld [tilespmem:$0x1DF88];
	_ =	sdelay $0x1  }
0x401: {  	v42 =	vld [tilespmem:$0x1DF98]  }
0x402: {  	v39 =	vmul.f32 v48, v34;
	v40 =	vmul.f32 v40, v35;
	_ =	sdelay $0x1  }
0x403: {  	v49 =	vmul.f32 v41, v36;
	v39 =	vadd.f32 v40, v39;
	_ =	sdelay $0x1  }
0x404: {  	v50 =	vmul.f32 v42, v37;
	v39 =	vadd.f32 v49, v39;
	_ =	sdelay $0x1  }
0x405: {  	v39 =	vadd.f32 v50, v39;
	_ =	sdelay $0x1  }
0x406: {  	[tilespmem:v1+s29+$0x0] =	vst.idx.msk $0xffff, v39  }
0x407: {  	v39 =	vld [tilespmem:$0x1DFA8]  }
0x408: {  	v51 =	vld [tilespmem:$0x1DFB8];
	_ =	sdelay $0x1  }
0x409: {  	v52 =	vld [tilespmem:$0x1DFC8];
	_ =	sdelay $0x1  }
0x40a: {  	v53 =	vld [tilespmem:$0x1DFD8]  }
0x40b: {  	v39 =	vmul.f32 v39, v34;
	v40 =	vmul.f32 v51, v35;
	_ =	sdelay $0x1  }
0x40c: {  	v54 =	vmul.f32 v52, v36;
	v39 =	vadd.f32 v40, v39;
	_ =	sdelay $0x1  }
0x40d: {  	v55 =	vmul.f32 v53, v37;
	v39 =	vadd.f32 v54, v39;
	_ =	sdelay $0x1  }
0x40e: {  	v39 =	vadd.f32 v55, v39;
	_ =	sdelay $0x1  }
0x40f: {  	[tilespmem:v2+s29+$0x0] =	vst.idx.msk $0xffff, v39  }
0x410: {  	v39 =	vld [tilespmem:$0x1DFE8]  }
0x411: {  	v56 =	vld [tilespmem:$0x1DFF8];
	_ =	sdelay $0x1  }
0x412: {  	v57 =	vld [tilespmem:$0x1E008];
	_ =	sdelay $0x1  }
0x413: {  	v58 =	vld [tilespmem:$0x1E018]  }
0x414: {  	v39 =	vmul.f32 v39, v34;
	v40 =	vmul.f32 v56, v35;
	_ =	sdelay $0x1  }
0x415: {  	v59 =	vmul.f32 v57, v36;
	v39 =	vadd.f32 v40, v39;
	_ =	sdelay $0x1  }
0x416: {  	v60 =	vmul.f32 v58, v37;
	v39 =	vadd.f32 v59, v39;
	_ =	sdelay $0x1  }
0x417: {  	v39 =	vadd.f32 v60, v39;
	_ =	sdelay $0x1  }
0x418: {  	[tilespmem:v3+s29+$0x0] =	vst.idx.msk $0xffff, v39  }
0x419: {  	v39 =	vld [tilespmem:$0x1E028]  }
0x41a: {  	v61 =	vld [tilespmem:$0x1E038];
	_ =	sdelay $0x1  }
0x41b: {  	v62 =	vld [tilespmem:$0x1E048];
	_ =	sdelay $0x1  }
0x41c: {  	v63 =	vld [tilespmem:$0x1E058]  }
0x41d: {  	v39 =	vmul.f32 v39, v34;
	v40 =	vmul.f32 v61, v35;
	_ =	sdelay $0x1  }
0x41e: {  	v44 =	vmul.f32 v62, v36;
	v39 =	vadd.f32 v40, v39;
	_ =	sdelay $0x1  }
0x41f: {  	v45 =	vmul.f32 v63, v37;
	v39 =	vadd.f32 v44, v39;
	_ =	sdelay $0x1  }
0x420: {  	v39 =	vadd.f32 v45, v39;
	_ =	sdelay $0x1  }
0x421: {  	[tilespmem:v4+s29+$0x0] =	vst.idx.msk $0xffff, v39  }
0x422: {  	v39 =	vld [tilespmem:$0x1E068]  }
0x423: {  	v46 =	vld [tilespmem:$0x1E078];
	_ =	sdelay $0x1  }
0x424: {  	v47 =	vld [tilespmem:$0x1E088];
	_ =	sdelay $0x1  }
0x425: {  	v48 =	vld [tilespmem:$0x1E098]  }
0x426: {  	v39 =	vmul.f32 v39, v34;
	v40 =	vmul.f32 v46, v35;
	_ =	sdelay $0x1  }
0x427: {  	v49 =	vmul.f32 v47, v36;
	v39 =	vadd.f32 v40, v39;
	_ =	sdelay $0x1  }
0x428: {  	v50 =	vmul.f32 v48, v37;
	v39 =	vadd.f32 v49, v39;
	_ =	sdelay $0x1  }
0x429: {  	v39 =	vadd.f32 v50, v39;
	_ =	sdelay $0x1  }
0x42a: {  	[tilespmem:v5+s29+$0x0] =	vst.idx.msk $0xffff, v39  }
0x42b: {  	v39 =	vld [tilespmem:$0x1E0A8]  }
0x42c: {  	v51 =	vld [tilespmem:$0x1E0B8];
	_ =	sdelay $0x1  }
0x42d: {  	v52 =	vld [tilespmem:$0x1E0C8];
	_ =	sdelay $0x1  }
0x42e: {  	v53 =	vld [tilespmem:$0x1E0D8]  }
0x42f: {  	v39 =	vmul.f32 v39, v34;
	v40 =	vmul.f32 v51, v35;
	_ =	sdelay $0x1  }
0x430: {  	v54 =	vmul.f32 v52, v36;
	v39 =	vadd.f32 v40, v39;
	_ =	sdelay $0x1  }
0x431: {  	v55 =	vmul.f32 v53, v37;
	v39 =	vadd.f32 v54, v39;
	_ =	sdelay $0x1  }
0x432: {  	v39 =	vadd.f32 v55, v39;
	_ =	sdelay $0x1  }
0x433: {  	[tilespmem:v6+s29+$0x0] =	vst.idx.msk $0xffff, v39  }
0x434: {  	v39 =	vld [tilespmem:$0x1E0E8]  }
0x435: {  	v56 =	vld [tilespmem:$0x1E0F8];
	_ =	sdelay $0x1  }
0x436: {  	v57 =	vld [tilespmem:$0x1E108];
	_ =	sdelay $0x1  }
0x437: {  	v58 =	vld [tilespmem:$0x1E118]  }
0x438: {  	v39 =	vmul.f32 v39, v34;
	v40 =	vmul.f32 v56, v35;
	_ =	sdelay $0x1  }
0x439: {  	v59 =	vmul.f32 v57, v36;
	v39 =	vadd.f32 v40, v39;
	_ =	sdelay $0x1  }
0x43a: {  	v60 =	vmul.f32 v58, v37;
	v39 =	vadd.f32 v59, v39;
	_ =	sdelay $0x1  }
0x43b: {  	v39 =	vadd.f32 v60, v39;
	_ =	sdelay $0x1  }
0x43c: {  	[tilespmem:v7+s29+$0x0] =	vst.idx.msk $0xffff, v39  }
0x43d: {  	v39 =	vld [tilespmem:$0x1E128]  }
0x43e: {  	v61 =	vld [tilespmem:$0x1E138];
	_ =	sdelay $0x1  }
0x43f: {  	v62 =	vld [tilespmem:$0x1E148];
	_ =	sdelay $0x1  }
0x440: {  	v63 =	vld [tilespmem:$0x1E158]  }
0x441: {  	v39 =	vmul.f32 v39, v34;
	v40 =	vmul.f32 v61, v35;
	_ =	sdelay $0x1  }
0x442: {  	v44 =	vmul.f32 v62, v36;
	v39 =	vadd.f32 v40, v39;
	_ =	sdelay $0x1  }
0x443: {  	v45 =	vmul.f32 v63, v37;
	v39 =	vadd.f32 v44, v39;
	_ =	sdelay $0x1  }
0x444: {  	v39 =	vadd.f32 v45, v39;
	_ =	sdelay $0x1  }
0x445: {  	[tilespmem:v8+s29+$0x0] =	vst.idx.msk $0xffff, v39  }
0x446: {  	v39 =	vld [tilespmem:$0x1E168]  }
0x447: {  	v46 =	vld [tilespmem:$0x1E178];
	_ =	sdelay $0x1  }
0x448: {  	v47 =	vld [tilespmem:$0x1E188];
	_ =	sdelay $0x1  }
0x449: {  	v48 =	vld [tilespmem:$0x1E198]  }
0x44a: {  	v39 =	vmul.f32 v39, v34;
	v40 =	vmul.f32 v46, v35;
	_ =	sdelay $0x1  }
0x44b: {  	v49 =	vmul.f32 v47, v36;
	v39 =	vadd.f32 v40, v39;
	_ =	sdelay $0x1  }
0x44c: {  	v50 =	vmul.f32 v48, v37;
	v39 =	vadd.f32 v49, v39;
	_ =	sdelay $0x1  }
0x44d: {  	v39 =	vadd.f32 v50, v39;
	_ =	sdelay $0x1  }
0x44e: {  	[tilespmem:v9+s29+$0x0] =	vst.idx.msk $0xffff, v39  }
0x44f: {  	v39 =	vld [tilespmem:$0x1E1A8]  }
0x450: {  	v51 =	vld [tilespmem:$0x1E1B8];
	_ =	sdelay $0x1  }
0x451: {  	v52 =	vld [tilespmem:$0x1E1C8];
	_ =	sdelay $0x1  }
0x452: {  	v53 =	vld [tilespmem:$0x1E1D8]  }
0x453: {  	v39 =	vmul.f32 v39, v34;
	v40 =	vmul.f32 v51, v35;
	_ =	sdelay $0x1  }
0x454: {  	v54 =	vmul.f32 v52, v36;
	v39 =	vadd.f32 v40, v39;
	_ =	sdelay $0x1  }
0x455: {  	v55 =	vmul.f32 v53, v37;
	v39 =	vadd.f32 v54, v39;
	_ =	sdelay $0x1  }
0x456: {  	v39 =	vadd.f32 v55, v39;
	_ =	sdelay $0x1  }
0x457: {  	[tilespmem:v10+s29+$0x0] =	vst.idx.msk $0xffff, v39  }
0x458: {  	v39 =	vld [tilespmem:$0x1E1E8]  }
0x459: {  	v56 =	vld [tilespmem:$0x1E1F8];
	_ =	sdelay $0x1  }
0x45a: {  	v57 =	vld [tilespmem:$0x1E208];
	_ =	sdelay $0x1  }
0x45b: {  	v58 =	vld [tilespmem:$0x1E218]  }
0x45c: {  	v39 =	vmul.f32 v39, v34;
	v40 =	vmul.f32 v56, v35;
	_ =	sdelay $0x1  }
0x45d: {  	v59 =	vmul.f32 v57, v36;
	v39 =	vadd.f32 v40, v39;
	_ =	sdelay $0x1  }
0x45e: {  	v60 =	vmul.f32 v58, v37;
	v39 =	vadd.f32 v59, v39;
	_ =	sdelay $0x1  }
0x45f: {  	v39 =	vadd.f32 v60, v39;
	_ =	sdelay $0x1  }
0x460: {  	[tilespmem:v11+s29+$0x0] =	vst.idx.msk $0xffff, v39  }
0x461: {  	v39 =	vld [tilespmem:$0x1E228]  }
0x462: {  	v61 =	vld [tilespmem:$0x1E238];
	_ =	sdelay $0x1  }
0x463: {  	v62 =	vld [tilespmem:$0x1E248];
	_ =	sdelay $0x1  }
0x464: {  	v63 =	vld [tilespmem:$0x1E258]  }
0x465: {  	v39 =	vmul.f32 v39, v34;
	v40 =	vmul.f32 v61, v35;
	_ =	sdelay $0x1  }
0x466: {  	v44 =	vmul.f32 v62, v36;
	v39 =	vadd.f32 v40, v39;
	_ =	sdelay $0x1  }
0x467: {  	v45 =	vmul.f32 v63, v37;
	v39 =	vadd.f32 v44, v39;
	_ =	sdelay $0x1  }
0x468: {  	v39 =	vadd.f32 v45, v39;
	_ =	sdelay $0x1  }
0x469: {  	[tilespmem:v12+s29+$0x0] =	vst.idx.msk $0xffff, v39  }
0x46a: {  	v39 =	vld [tilespmem:$0x1E268]  }
0x46b: {  	v46 =	vld [tilespmem:$0x1E278];
	_ =	sdelay $0x1  }
0x46c: {  	v47 =	vld [tilespmem:$0x1E288];
	_ =	sdelay $0x1  }
0x46d: {  	v48 =	vld [tilespmem:$0x1E298]  }
0x46e: {  	v39 =	vmul.f32 v39, v34;
	v40 =	vmul.f32 v46, v35;
	_ =	sdelay $0x1  }
0x46f: {  	v49 =	vmul.f32 v47, v36;
	v39 =	vadd.f32 v40, v39;
	_ =	sdelay $0x1  }
0x470: {  	v50 =	vmul.f32 v48, v37;
	v39 =	vadd.f32 v49, v39;
	_ =	sdelay $0x1  }
0x471: {  	v39 =	vadd.f32 v50, v39;
	_ =	sdelay $0x1  }
0x472: {  	[tilespmem:v13+s29+$0x0] =	vst.idx.msk $0xffff, v39  }
0x473: {  	v39 =	vld [tilespmem:$0x1E2A8]  }
0x474: {  	v51 =	vld [tilespmem:$0x1E2B8];
	_ =	sdelay $0x1  }
0x475: {  	v52 =	vld [tilespmem:$0x1E2C8];
	_ =	sdelay $0x1  }
0x476: {  	v53 =	vld [tilespmem:$0x1E2D8]  }
0x477: {  	v39 =	vmul.f32 v39, v34;
	v40 =	vmul.f32 v51, v35;
	_ =	sdelay $0x1  }
0x478: {  	v54 =	vmul.f32 v52, v36;
	v39 =	vadd.f32 v40, v39;
	_ =	sdelay $0x1  }
0x479: {  	v55 =	vmul.f32 v53, v37;
	v39 =	vadd.f32 v54, v39;
	_ =	sdelay $0x1  }
0x47a: {  	v39 =	vadd.f32 v55, v39;
	_ =	sdelay $0x1  }
0x47b: {  	[tilespmem:v14+s29+$0x0] =	vst.idx.msk $0xffff, v39  }
0x47c: {  	v39 =	vld [tilespmem:$0x1E2E8]  }
0x47d: {  	v56 =	vld [tilespmem:$0x1E2F8];
	_ =	sdelay $0x1  }
0x47e: {  	v57 =	vld [tilespmem:$0x1E308];
	_ =	sdelay $0x1  }
0x47f: {  	v58 =	vld [tilespmem:$0x1E318]  }
0x480: {  	v39 =	vmul.f32 v39, v34;
	v40 =	vmul.f32 v56, v35;
	_ =	sdelay $0x1  }
0x481: {  	v59 =	vmul.f32 v57, v36;
	v39 =	vadd.f32 v40, v39;
	_ =	sdelay $0x1  }
0x482: {  	v60 =	vmul.f32 v58, v37;
	v39 =	vadd.f32 v59, v39;
	_ =	sdelay $0x1  }
0x483: {  	v39 =	vadd.f32 v60, v39;
	_ =	sdelay $0x1  }
0x484: {  	[tilespmem:v15+s29+$0x0] =	vst.idx.msk $0xffff, v39  }
0x485: {  	v39 =	vld [tilespmem:$0x1E328]  }
0x486: {  	v61 =	vld [tilespmem:$0x1E338];
	_ =	sdelay $0x1  }
0x487: {  	v62 =	vld [tilespmem:$0x1E348];
	_ =	sdelay $0x1  }
0x488: {  	v63 =	vld [tilespmem:$0x1E358]  }
0x489: {  	v45 =	vmul.f32 v39, v34;
	v46 =	vmul.f32 v61, v35;
	_ =	sdelay $0x1  }
0x48a: {  	v47 =	vmul.f32 v62, v36;
	v34 =	vadd.f32 v46, v45;
	_ =	sdelay $0x1  }
0x48b: {  	v48 =	vmul.f32 v63, v37;
	v34 =	vadd.f32 v47, v34;
	_ =	sdelay $0x1  }
0x48c: {  	v34 =	vadd.f32 v48, v34;
	_ =	sdelay $0x1  }
0x48d: {  	[tilespmem:v16+s29+$0x0] =	vst.idx.msk $0xffff, v34  }
0x48e: {  	v34 =	vld [tilespmem:$0x15D48]  }
0x48f: {  	v49 =	vld [tilespmem:$0x15D59];
	_ =	sdelay $0x1  }
0x490: {  	v50 =	vld [tilespmem:$0x15D6A];
	_ =	sdelay $0x1  }
0x491: {  	v51 =	vld [tilespmem:$0x15D7B]  }
0x492: {  	v34 =	vadd.f32 v49, v34  }
0x493: {  	v52 =	vld [tilespmem:$0x15D8C]  }
0x494: {  	v34 =	vadd.f32 v50, v34  }
0x495: {  	v53 =	vld [tilespmem:$0x15D9D]  }
0x496: {  	v34 =	vadd.f32 v51, v34  }
0x497: {  	v54 =	vld [tilespmem:$0x15DAE]  }
0x498: {  	v34 =	vadd.f32 v52, v34  }
0x499: {  	v55 =	vld [tilespmem:$0x15DBF]  }
0x49a: {  	v34 =	vadd.f32 v53, v34  }
0x49b: {  	v56 =	vld [tilespmem:$0x15DD0]  }
0x49c: {  	v34 =	vadd.f32 v54, v34  }
0x49d: {  	v57 =	vld [tilespmem:$0x15DE1]  }
0x49e: {  	v34 =	vadd.f32 v55, v34  }
0x49f: {  	v58 =	vld [tilespmem:$0x15DF2]  }
0x4a0: {  	v34 =	vadd.f32 v56, v34  }
0x4a1: {  	v59 =	vld [tilespmem:$0x15E03]  }
0x4a2: {  	v34 =	vadd.f32 v57, v34  }
0x4a3: {  	v60 =	vld [tilespmem:$0x15E14]  }
0x4a4: {  	v34 =	vadd.f32 v58, v34  }
0x4a5: {  	v61 =	vld [tilespmem:$0x15E25]  }
0x4a6: {  	v34 =	vadd.f32 v59, v34  }
0x4a7: {  	v62 =	vld [tilespmem:$0x15E36]  }
0x4a8: {  	v34 =	vadd.f32 v60, v34  }
0x4a9: {  	v63 =	vld [tilespmem:$0x15E47]  }
0x4aa: {  	v34 =	vadd.f32 v61, v34;
	_ =	sdelay $0x1  }
0x4ab: {  	v34 =	vadd.f32 v62, v34  }
.Ltmp11:
0x4ac: {  	_ = 	snop;
	(pc) =	sbr.rel .LBB2_13-.Ltmp11, $3  }
0x4ad: {  	v34 =	vadd.f32 v63, v34;
	_ =	sdelay $0x1  }
0x4ae: {  	v34 =	vsel vm2, v34, v38  }
0x4af: {  	[tilespmem:s17+$0x0] =	vst v34  }
.LBB2_16:
0x4b0: {  	_ =	sfence.sel $0x180000  }
0x4b1: {  	[bflag:$0x0] =	sbarrier.arrive $0xFFFF  }
0x4b2: {  	_ =	strace $0x90000047  }
0x4b3: {  	[bflag:$0x2] =	sbarrier.arrive $0xFFFF  }
0x4b4: {  	s0 =	rddreg [dreg:$0x5]  }
0x4b5: {  	s0 =	sadd.s32 @!p0 $0x100000, s0  }
0x4b6: {  	[sflag:s0] =	ssyncadd.tile.s32 @!p0 $0x1;
	_ =	shalt  }
.Lfunc_end2:
_tile_overlayer_lowered:
.L_overlay_start_2:
0x4b7: {  	(tag) =	ssettag $0x2  }
0x4b8: {  	s0 =	rddreg [dreg:$0x0];
	s2 =	stileid.u32  }
0x4b9: {  	s1 =	rddreg [dreg:$0x1];
	p0 =	sne.s32 s2, $0x0  }
0x4ba: {  	s3 =	rddreg [dreg:$0x2];
	[bflag:$0x3] =	sbarrier.arrive $0xFFFF;
	s2 =	simm.s32 @!p0 $0x1C07  }
0x4bb: {  	[timem:s3], [sflag:s2] =	dma.local @!p0 [hbm:s0], s1  }
0x4bc: {  	s0 =	simm.s32 @!p0 $0x7  }
0x4bd: {  	_ =	swait.ge @!p0 [sflag:s0], s1  }
0x4be: {  	s1 =	ssub.s32 @!p0 $0x0, s1;
	[sflag:s0] =	ssyncset.done @!p0 $0x0  }
0x4bf: {  	[sflag:s0] =	ssyncadd.s32 @!p0 s1  }
0x4c0: {  	[bflag:$0x3] =	sbarrier.arrive $0xFFFF  }
0x4c1: {  	_ =	shalt  }

</sc_bundles>
